<compile_context>
chip_gen: v7x
topology: tpu7x:2x2x1
jax: 0.10.2.dev20260603
libtpu: 0.0.44.dev20260713+nightly
codegen_flags: <defaults>
</compile_context>

<pallas_src>
import functools

import jax
import jax.numpy as jnp
from jax import lax
from jax.experimental import pallas as pl
from jax.experimental.pallas import tpu as pltpu
from jax.experimental.pallas import tpu_sc as plsc

N = 10000
NPAD = 10240
E = 320000
CH = 128
NCPT = 80
EPT = NCPT * CH
EPAD = 32 * EPT
NBUF = 8
D_IN = 128
D_OUT = 64
ROWS_PT = NPAD // 16

_mesh = plsc.VectorSubcoreMesh(core_axis_name="c", subcore_axis_name="s")



@functools.partial(
    pl.kernel,
    out_type=jax.ShapeDtypeStruct((2, NPAD), jnp.float32),
    mesh=_mesh,
    compiler_params=pltpu.CompilerParams(use_tc_tiling_on_sc=False),
    scratch_types=[
        pltpu.VMEM((NCPT, CH), jnp.int32),
        pltpu.VMEM((CH,), jnp.float32),
        pltpu.VMEM_SHARED((NPAD,), jnp.float32),
        pltpu.SemaphoreType.DMA,
    ],
)
def _deg_kernel(ei_hbm, zeros_hbm, out_hbm, idx_d, ones_v, acc, sem):
    cid = lax.axis_index("c")
    sid = lax.axis_index("s")
    wid = cid * 16 + sid
    for i in range(CH // 16):
        ones_v[pl.ds(i * 16, 16)] = jnp.full((16,), 1.0, jnp.float32)
    pltpu.sync_copy(ei_hbm.at[1, wid], idx_d)
    pltpu.sync_copy(zeros_hbm.at[pl.ds(sid * ROWS_PT, ROWS_PT)],
                    acc.at[pl.ds(sid * ROWS_PT, ROWS_PT)])
    plsc.subcore_barrier()

    def fire(c, carry):
        pltpu.async_copy(ones_v, acc.at[idx_d.at[c]], sem, add=True)
        return carry

    def drain(c, carry):
        pltpu.make_async_copy(zeros_hbm.at[pl.ds(0, CH)], ones_v, sem).wait()
        return carry

    def group(t, carry):
        lax.fori_loop(16 * t, 16 * t + 16, fire, 0)
        lax.fori_loop(0, 16, drain, 0)
        return carry

    lax.fori_loop(0, NCPT // 16, group, 0)
    plsc.subcore_barrier()
    pltpu.sync_copy(acc.at[pl.ds(sid * ROWS_PT, ROWS_PT)],
                    out_hbm.at[cid, pl.ds(sid * ROWS_PT, ROWS_PT)])



@functools.partial(
    pl.kernel,
    out_type=jax.ShapeDtypeStruct((2, NPAD, D_OUT), jnp.float32),
    mesh=_mesh,
    compiler_params=pltpu.CompilerParams(use_tc_tiling_on_sc=False),
    scratch_types=[
        pltpu.VMEM((NCPT, CH), jnp.int32),
        pltpu.VMEM((NCPT, CH), jnp.int32),
        pltpu.VMEM((NBUF, CH, D_OUT), jnp.float32),
        pltpu.VMEM_SHARED((NPAD, D_OUT), jnp.float32),
        [pltpu.SemaphoreType.DMA] * NBUF,
        [pltpu.SemaphoreType.DMA] * NBUF,
    ],
)
def _agg_kernel(hs_hbm, ei_hbm, out_hbm, idx_s, idx_d, rows, acc, gsem, ssem):
    cid = lax.axis_index("c")
    sid = lax.axis_index("s")
    wid = cid * 16 + sid
    pltpu.sync_copy(ei_hbm.at[0, wid], idx_s)
    pltpu.sync_copy(ei_hbm.at[1, wid], idx_d)
    pltpu.sync_copy(hs_hbm.at[pl.ds(sid * ROWS_PT, ROWS_PT)],
                    acc.at[pl.ds(sid * ROWS_PT, ROWS_PT)])
    plsc.subcore_barrier()

    def group(t, carry):
        for b in range(NBUF):
            c = NBUF * t + b

            @pl.when(t > 0)
            def _():
                pltpu.make_async_copy(hs_hbm.at[pl.ds(0, CH)], rows.at[b],
                                      ssem[b]).wait()

            pltpu.async_copy(hs_hbm.at[idx_s.at[c]], rows.at[b], gsem[b])
        for b in range(NBUF):
            c = NBUF * t + b
            pltpu.make_async_copy(hs_hbm.at[pl.ds(0, CH)], rows.at[b],
                                  gsem[b]).wait()
            pltpu.async_copy(rows.at[b], acc.at[idx_d.at[c]], ssem[b],
                             add=True)
        return carry

    lax.fori_loop(0, NCPT // NBUF, group, 0)
    for b in range(NBUF):
        pltpu.make_async_copy(hs_hbm.at[pl.ds(0, CH)], rows.at[b],
                              ssem[b]).wait()
    plsc.subcore_barrier()
    pltpu.sync_copy(acc.at[pl.ds(sid * ROWS_PT, ROWS_PT)],
                    out_hbm.at[cid, pl.ds(sid * ROWS_PT, ROWS_PT)])



_R = 640


def _dense1_body(x_ref, w_ref, dega_ref, degb_ref, hs_ref, dinv_ref):
    h = jnp.dot(x_ref[...], w_ref[...], preferred_element_type=jnp.float32)
    deg = dega_ref[...] + degb_ref[...] + 1.0
    dinv = lax.rsqrt(deg)
    hs_ref[...] = h * dinv
    dinv_ref[...] = dinv


def _dense1(x, W1, degf):
    return pl.pallas_call(
        _dense1_body,
        grid=(NPAD // _R,),
        in_specs=[
            pl.BlockSpec((_R, D_IN), lambda i: (i, 0)),
            pl.BlockSpec((D_IN, D_OUT), lambda i: (0, 0)),
            pl.BlockSpec((_R, 1), lambda i: (i, 0)),
            pl.BlockSpec((_R, 1), lambda i: (i + NPAD // _R, 0)),
        ],
        out_specs=[
            pl.BlockSpec((_R, D_OUT), lambda i: (i, 0)),
            pl.BlockSpec((_R, 1), lambda i: (i, 0)),
        ],
        out_shape=[
            jax.ShapeDtypeStruct((NPAD, D_OUT), jnp.float32),
            jax.ShapeDtypeStruct((NPAD, 1), jnp.float32),
        ],
    )(x, W1, degf, degf)


def _dense2_body(a_ref, b_ref, hs1_ref, dinv_ref, b1_ref, g_ref, be_ref,
                 w2_ref, w3_ref, b3_ref, hs2_ref, out2_ref):
    dinv = dinv_ref[...]
    y = (a_ref[0] + b_ref[0] - hs1_ref[...]) * dinv + b1_ref[...]
    mu = jnp.mean(y, axis=-1, keepdims=True)
    d = y - mu
    var = jnp.mean(d * d, axis=-1, keepdims=True)
    hr = d * lax.rsqrt(var + 1e-5) * g_ref[...] + be_ref[...]
    hr = jnp.maximum(hr, 0.0)
    hs2_ref[...] = jnp.dot(hr, w2_ref[...],
                           preferred_element_type=jnp.float32) * dinv
    z = jnp.dot(hr, w3_ref[...], preferred_element_type=jnp.float32)
    out2_ref[...] = jax.nn.sigmoid(z + b3_ref[...])


def _dense2(p, hs1, dinv, b1, gamma, beta, W2, W3, b3):
    return pl.pallas_call(
        _dense2_body,
        grid=(NPAD // _R,),
        in_specs=[
            pl.BlockSpec((1, _R, D_OUT), lambda i: (0, i, 0)),
            pl.BlockSpec((1, _R, D_OUT), lambda i: (1, i, 0)),
            pl.BlockSpec((_R, D_OUT), lambda i: (i, 0)),
            pl.BlockSpec((_R, 1), lambda i: (i, 0)),
            pl.BlockSpec((1, D_OUT), lambda i: (0, 0)),
            pl.BlockSpec((1, D_OUT), lambda i: (0, 0)),
            pl.BlockSpec((1, D_OUT), lambda i: (0, 0)),
            pl.BlockSpec((D_OUT, D_OUT), lambda i: (0, 0)),
            pl.BlockSpec((D_OUT, 6), lambda i: (0, 0)),
            pl.BlockSpec((1, 6), lambda i: (0, 0)),
        ],
        out_specs=[
            pl.BlockSpec((_R, D_OUT), lambda i: (i, 0)),
            pl.BlockSpec((_R, 6), lambda i: (i, 0)),
        ],
        out_shape=[
            jax.ShapeDtypeStruct((NPAD, D_OUT), jnp.float32),
            jax.ShapeDtypeStruct((NPAD, 6), jnp.float32),
        ],
    )(p, p, hs1, dinv, b1, gamma, beta, W2, W3, b3)


def _dense3_body(a_ref, b_ref, hs2_ref, dinv_ref, b2_ref, out_ref):
    out_ref[...] = ((a_ref[0] + b_ref[0] - hs2_ref[...]) * dinv_ref[...]
                    + b2_ref[...])


_R3 = 2000


def _dense3(p, hs2, dinv, b2):
    return pl.pallas_call(
        _dense3_body,
        grid=(N // _R3,),
        in_specs=[
            pl.BlockSpec((1, _R3, D_OUT), lambda i: (0, i, 0)),
            pl.BlockSpec((1, _R3, D_OUT), lambda i: (1, i, 0)),
            pl.BlockSpec((_R3, D_OUT), lambda i: (i, 0)),
            pl.BlockSpec((_R3, 1), lambda i: (i, 0)),
            pl.BlockSpec((1, D_OUT), lambda i: (0, 0)),
        ],
        out_specs=pl.BlockSpec((_R3, D_OUT), lambda i: (i, 0)),
        out_shape=jax.ShapeDtypeStruct((N, D_OUT), jnp.float32),
    )(p, p, hs2, dinv, b2)



def kernel(x, edge_index, W1, b1, gamma, beta, W2, b2, W3, b3):
    pad = (N + jnp.arange(EPAD - E, dtype=edge_index.dtype) % (NPAD - N))
    ei = jnp.concatenate(
        [edge_index, jnp.stack([pad, pad])], axis=1).reshape(2, 32, NCPT, CH)
    zpad = jnp.zeros((NPAD,), jnp.float32)
    degp = _deg_kernel(ei, zpad)
    degf = degp.reshape(2 * NPAD, 1)
    hs1, dinv = _dense1(x, W1, degf)
    p1 = _agg_kernel(hs1, ei)
    hs2, out2 = _dense2(p1, hs1, dinv,
                        b1.reshape(1, D_OUT), gamma.reshape(1, D_OUT),
                        beta.reshape(1, D_OUT), W2, W3, b3.reshape(1, 6))
    p2 = _agg_kernel(hs2, ei)
    out1 = _dense3(p2, hs2, dinv, b2.reshape(1, D_OUT))
    return (out1, out2[:N])

# --- scband reference (transcript-rebuilt; emitter-appended) ---
"""Pipeline reference for scband-gcnencoder-31147102831240 (READ-ONLY COPY).

The authoritative reference and input builder live on the scoring server;
editing this copy changes nothing except your own understanding.
"""

import jax, jax.numpy as jnp
import numpy as np

N_NODES = 10000
D_IN = 128
D_OUT = 64
N_EDGES = 320000


def gcn_conv(x, edge_index, W, b):
    n = x.shape[0]
    loop = jnp.arange(n, dtype=edge_index.dtype)
    src = jnp.concatenate([edge_index[0], loop])
    dst = jnp.concatenate([edge_index[1], loop])
    deg = jnp.zeros((n,), dtype=x.dtype).at[dst].add(1.0)
    dinv = jnp.where(deg > 0, jax.lax.rsqrt(deg), 0.0)
    norm = dinv[src] * dinv[dst]
    h = x @ W
    msg = h[src] * norm[:, None]
    out = jnp.zeros((n, W.shape[1]), dtype=x.dtype).at[dst].add(msg)
    return out + b


def layer_norm(x, gamma, beta, eps=1e-5):
    mu = jnp.mean(x, axis=-1, keepdims=True)
    var = jnp.var(x, axis=-1, keepdims=True)
    return (x - mu) / jnp.sqrt(var + eps) * gamma + beta


def setup_inputs(seed: int = 0):
    key = jax.random.key(seed)
    ks = jax.random.split(key, 12)
    x = jax.random.normal(ks[0], (N_NODES, D_IN), dtype=jnp.float32)
    edge_index = jax.random.randint(ks[1], (2, N_EDGES), 0, N_NODES, dtype=jnp.int32)
    W1 = jax.random.normal(ks[2], (D_IN, D_OUT), dtype=jnp.float32) * (1.0 / np.sqrt(D_IN))
    b1 = jnp.zeros((D_OUT,), dtype=jnp.float32)
    gamma = jnp.ones((D_OUT,), dtype=jnp.float32)
    beta = jnp.zeros((D_OUT,), dtype=jnp.float32)
    W2 = jax.random.normal(ks[3], (D_OUT, D_OUT), dtype=jnp.float32) * (1.0 / np.sqrt(D_OUT))
    b2 = jnp.zeros((D_OUT,), dtype=jnp.float32)
    W3 = jax.random.normal(ks[4], (D_OUT, 6), dtype=jnp.float32) * (1.0 / np.sqrt(D_OUT))
    b3 = jnp.zeros((6,), dtype=jnp.float32)
    return {"x": x, "edge_index": edge_index, "W1": W1, "b1": b1, "gamma": gamma, "beta": beta, "W2": W2, "b2": b2, "W3": W3, "b3": b3}


def reference(x, edge_index, W1, b1, gamma, beta, W2, b2, W3, b3):
    h = gcn_conv(x, edge_index, W1, b1)
    h = layer_norm(h, gamma, beta)
    h = jax.nn.relu(h)
    out1 = gcn_conv(h, edge_index, W2, b2)
    out2 = jax.nn.sigmoid(h @ W3 + b3)
    return (out1, out2)

if __name__ == "__main__":
    import jax
    _d = setup_inputs()
    print(jax.jit(kernel)(*tuple(_d.values())))

</pallas_src>

<mosaic_0001>
#map = affine_map<(d0, d1) -> (0, 0, 0, 0)>
#map1 = affine_map<(d0, d1) -> (0)>
#map2 = affine_map<(d0, d1) -> (0, 0)>
module attributes {stable_mosaic.version = 14 : i64} {
  func.func @_deg_kernel(%arg0: i32, %arg1: i32, %arg2: memref<2x32x80x128xi32, #tpu.memory_space<hbm>>, %arg3: memref<10240xf32, #tpu.memory_space<hbm>>, %arg4: memref<2x10240xf32, #tpu.memory_space<hbm>>, %arg5: memref<80x128xi32, #tpu.memory_space<vmem>>, %arg6: memref<128xf32, #tpu.memory_space<vmem>>, %arg7: memref<10240xf32, #tpu.memory_space<vmem_shared>>, %arg8: memref<!tpu.dma_semaphore, #tpu.memory_space<semaphore_mem>>) attributes {dimension_semantics = [#tpu.dimension_semantics<core_parallel>, #tpu.dimension_semantics<subcore_parallel>], iteration_bounds = array<i64: 2, 16>, scalar_prefetch = 0 : i64, scratch_operands = 4 : i64, tpu.core_type = #tpu.core_type<sc_vector_subcore>, window_params = [{transform_indices = #map}, {transform_indices = #map1}, {transform_indices = #map2}]} {
    %mul3A = arith.constant 16 : i32
    %mul3A_0 = arith.muli %arg0, %mul3A : i32
    %add3A = arith.addi %mul3A_0, %arg1 : i32
    %broadcast_in_dim3A = arith.constant 1.000000e+00 : f32
    %broadcast_in_dim3A_1 = vector.broadcast %broadcast_in_dim3A : f32 to vector<16xf32>
    %swap3A = arith.constant 0 : index
    %swap3A_2 = tpu.vector_load %arg6[%swap3A] {strides = array<i32>} : memref<128xf32, #tpu.memory_space<vmem>>, vector<16xf32>,
    %swap3A_3 = vector.shape_cast %swap3A_2 : vector<16xf32> to vector<16xf32>
    %swap3A_4 = vector.shape_cast %broadcast_in_dim3A_1 : vector<16xf32> to vector<16xf32>
    tpu.vector_store %arg6[%swap3A], %swap3A_4 {strides = array<i32>} : memref<128xf32, #tpu.memory_space<vmem>>, vector<16xf32>,
    %broadcast_in_dim3A_5 = arith.constant 1.000000e+00 : f32
    %broadcast_in_dim3A_6 = vector.broadcast %broadcast_in_dim3A_5 : f32 to vector<16xf32>
    %swap3A_7 = arith.constant 16 : index
    %swap3A_8 = tpu.vector_load %arg6[%swap3A_7] {strides = array<i32>} : memref<128xf32, #tpu.memory_space<vmem>>, vector<16xf32>,
    %swap3A_9 = vector.shape_cast %swap3A_8 : vector<16xf32> to vector<16xf32>
    %swap3A_10 = vector.shape_cast %broadcast_in_dim3A_6 : vector<16xf32> to vector<16xf32>
    tpu.vector_store %arg6[%swap3A_7], %swap3A_10 {strides = array<i32>} : memref<128xf32, #tpu.memory_space<vmem>>, vector<16xf32>,
    %broadcast_in_dim3A_11 = arith.constant 1.000000e+00 : f32
    %broadcast_in_dim3A_12 = vector.broadcast %broadcast_in_dim3A_11 : f32 to vector<16xf32>
    %swap3A_13 = arith.constant 32 : index
    %swap3A_14 = tpu.vector_load %arg6[%swap3A_13] {strides = array<i32>} : memref<128xf32, #tpu.memory_space<vmem>>, vector<16xf32>,
    %swap3A_15 = vector.shape_cast %swap3A_14 : vector<16xf32> to vector<16xf32>
    %swap3A_16 = vector.shape_cast %broadcast_in_dim3A_12 : vector<16xf32> to vector<16xf32>
    tpu.vector_store %arg6[%swap3A_13], %swap3A_16 {strides = array<i32>} : memref<128xf32, #tpu.memory_space<vmem>>, vector<16xf32>,
    %broadcast_in_dim3A_17 = arith.constant 1.000000e+00 : f32
    %broadcast_in_dim3A_18 = vector.broadcast %broadcast_in_dim3A_17 : f32 to vector<16xf32>
    %swap3A_19 = arith.constant 48 : index
    %swap3A_20 = tpu.vector_load %arg6[%swap3A_19] {strides = array<i32>} : memref<128xf32, #tpu.memory_space<vmem>>, vector<16xf32>,
    %swap3A_21 = vector.shape_cast %swap3A_20 : vector<16xf32> to vector<16xf32>
    %swap3A_22 = vector.shape_cast %broadcast_in_dim3A_18 : vector<16xf32> to vector<16xf32>
    tpu.vector_store %arg6[%swap3A_19], %swap3A_22 {strides = array<i32>} : memref<128xf32, #tpu.memory_space<vmem>>, vector<16xf32>,
    %broadcast_in_dim3A_23 = arith.constant 1.000000e+00 : f32
    %broadcast_in_dim3A_24 = vector.broadcast %broadcast_in_dim3A_23 : f32 to vector<16xf32>
    %swap3A_25 = arith.constant 64 : index
    %swap3A_26 = tpu.vector_load %arg6[%swap3A_25] {strides = array<i32>} : memref<128xf32, #tpu.memory_space<vmem>>, vector<16xf32>,
    %swap3A_27 = vector.shape_cast %swap3A_26 : vector<16xf32> to vector<16xf32>
    %swap3A_28 = vector.shape_cast %broadcast_in_dim3A_24 : vector<16xf32> to vector<16xf32>
    tpu.vector_store %arg6[%swap3A_25], %swap3A_28 {strides = array<i32>} : memref<128xf32, #tpu.memory_space<vmem>>, vector<16xf32>,
    %broadcast_in_dim3A_29 = arith.constant 1.000000e+00 : f32
    %broadcast_in_dim3A_30 = vector.broadcast %broadcast_in_dim3A_29 : f32 to vector<16xf32>
    %swap3A_31 = arith.constant 80 : index
    %swap3A_32 = tpu.vector_load %arg6[%swap3A_31] {strides = array<i32>} : memref<128xf32, #tpu.memory_space<vmem>>, vector<16xf32>,
    %swap3A_33 = vector.shape_cast %swap3A_32 : vector<16xf32> to vector<16xf32>
    %swap3A_34 = vector.shape_cast %broadcast_in_dim3A_30 : vector<16xf32> to vector<16xf32>
    tpu.vector_store %arg6[%swap3A_31], %swap3A_34 {strides = array<i32>} : memref<128xf32, #tpu.memory_space<vmem>>, vector<16xf32>,
    %broadcast_in_dim3A_35 = arith.constant 1.000000e+00 : f32
    %broadcast_in_dim3A_36 = vector.broadcast %broadcast_in_dim3A_35 : f32 to vector<16xf32>
    %swap3A_37 = arith.constant 96 : index
    %swap3A_38 = tpu.vector_load %arg6[%swap3A_37] {strides = array<i32>} : memref<128xf32, #tpu.memory_space<vmem>>, vector<16xf32>,
    %swap3A_39 = vector.shape_cast %swap3A_38 : vector<16xf32> to vector<16xf32>
    %swap3A_40 = vector.shape_cast %broadcast_in_dim3A_36 : vector<16xf32> to vector<16xf32>
    tpu.vector_store %arg6[%swap3A_37], %swap3A_40 {strides = array<i32>} : memref<128xf32, #tpu.memory_space<vmem>>, vector<16xf32>,
    %broadcast_in_dim3A_41 = arith.constant 1.000000e+00 : f32
    %broadcast_in_dim3A_42 = vector.broadcast %broadcast_in_dim3A_41 : f32 to vector<16xf32>
    %swap3A_43 = arith.constant 112 : index
    %swap3A_44 = tpu.vector_load %arg6[%swap3A_43] {strides = array<i32>} : memref<128xf32, #tpu.memory_space<vmem>>, vector<16xf32>,
    %swap3A_45 = vector.shape_cast %swap3A_44 : vector<16xf32> to vector<16xf32>
    %swap3A_46 = vector.shape_cast %broadcast_in_dim3A_42 : vector<16xf32> to vector<16xf32>
    tpu.vector_store %arg6[%swap3A_43], %swap3A_46 {strides = array<i32>} : memref<128xf32, #tpu.memory_space<vmem>>, vector<16xf32>,
    %run_scoped3A = arith.constant 1 : i32
    "tpu.region"() ({
      %run_scoped3A_61 = tpu.sem_alloc : memref<!tpu.dma_semaphore, #tpu.memory_space<semaphore_mem>>
      %dma_start3A = arith.constant 0 : i32
      %dma_start3A_62 = arith.constant 0 : i32
      %dma_start3A_63 = tpu.memref_slice %arg2[%run_scoped3A, %add3A, %dma_start3A, %dma_start3A_62] : memref<2x32x80x128xi32, #tpu.memory_space<hbm>> -> memref<1x1x80x128xi32, #tpu.memory_space<hbm>>
      %dma_start3A_64 = tpu.memref_squeeze %dma_start3A_63 : memref<1x1x80x128xi32, #tpu.memory_space<hbm>> -> memref<80x128xi32, #tpu.memory_space<hbm>>
      %dma_start3A_65 = arith.constant 0 : i32
      %dma_start3A_66 = arith.constant 0 : i32
      %dma_start3A_67 = tpu.memref_slice %arg2[%run_scoped3A, %add3A, %dma_start3A_65, %dma_start3A_66] : memref<2x32x80x128xi32, #tpu.memory_space<hbm>> -> memref<1x1x80x128xi32, #tpu.memory_space<hbm>>
      %dma_start3A_68 = tpu.memref_squeeze %dma_start3A_67 : memref<1x1x80x128xi32, #tpu.memory_space<hbm>> -> memref<80x128xi32, #tpu.memory_space<hbm>>
      tpu.enqueue_dma source(%dma_start3A_68 : memref<80x128xi32, #tpu.memory_space<hbm>>) target(%arg5 : memref<80x128xi32, #tpu.memory_space<vmem>>) target_semaphore(%run_scoped3A_61 : memref<!tpu.dma_semaphore, #tpu.memory_space<semaphore_mem>>)
      %dma_wait3A = arith.constant 0 : i32
      %dma_wait3A_69 = arith.constant 0 : i32
      %dma_wait3A_70 = tpu.memref_slice %arg2[%run_scoped3A, %add3A, %dma_wait3A, %dma_wait3A_69] : memref<2x32x80x128xi32, #tpu.memory_space<hbm>> -> memref<1x1x80x128xi32, #tpu.memory_space<hbm>>
      %dma_wait3A_71 = tpu.memref_squeeze %dma_wait3A_70 : memref<1x1x80x128xi32, #tpu.memory_space<hbm>> -> memref<80x128xi32, #tpu.memory_space<hbm>>
      %dma_wait3A_72 = arith.constant 0 : i32
      %dma_wait3A_73 = arith.constant 0 : i32
      %dma_wait3A_74 = tpu.memref_slice %arg2[%run_scoped3A, %add3A, %dma_wait3A_72, %dma_wait3A_73] : memref<2x32x80x128xi32, #tpu.memory_space<hbm>> -> memref<1x1x80x128xi32, #tpu.memory_space<hbm>>
      %dma_wait3A_75 = tpu.memref_squeeze %dma_wait3A_74 : memref<1x1x80x128xi32, #tpu.memory_space<hbm>> -> memref<80x128xi32, #tpu.memory_space<hbm>>
      tpu.wait_dma2 semaphore(%run_scoped3A_61 : memref<!tpu.dma_semaphore, #tpu.memory_space<semaphore_mem>>) src(%dma_wait3A_75 : memref<80x128xi32, #tpu.memory_space<hbm>>) dst(%arg5 : memref<80x128xi32, #tpu.memory_space<vmem>>)
      tpu.yield
    }) : () -> ()
    %mul3A_47 = arith.constant 640 : i32
    %mul3A_48 = arith.muli %arg1, %mul3A_47 : i32
    %mul3A_49 = arith.constant 640 : i32
    %mul3A_50 = arith.muli %arg1, %mul3A_49 : i32
    "tpu.region"() ({
      %run_scoped3A_61 = tpu.sem_alloc : memref<!tpu.dma_semaphore, #tpu.memory_space<semaphore_mem>>
      %dma_start3A = tpu.memref_slice %arg7[%mul3A_50] : memref<10240xf32, #tpu.memory_space<vmem_shared>> -> memref<640xf32, #tpu.memory_space<vmem_shared>>
      %dma_start3A_62 = tpu.memref_slice %arg3[%mul3A_48] : memref<10240xf32, #tpu.memory_space<hbm>> -> memref<640xf32, #tpu.memory_space<hbm>>
      tpu.enqueue_dma source(%dma_start3A_62 : memref<640xf32, #tpu.memory_space<hbm>>) target(%dma_start3A : memref<640xf32, #tpu.memory_space<vmem_shared>>) target_semaphore(%run_scoped3A_61 : memref<!tpu.dma_semaphore, #tpu.memory_space<semaphore_mem>>)
      %dma_wait3A = tpu.memref_slice %arg7[%mul3A_50] : memref<10240xf32, #tpu.memory_space<vmem_shared>> -> memref<640xf32, #tpu.memory_space<vmem_shared>>
      %dma_wait3A_63 = tpu.memref_slice %arg3[%mul3A_48] : memref<10240xf32, #tpu.memory_space<hbm>> -> memref<640xf32, #tpu.memory_space<hbm>>
      tpu.wait_dma2 semaphore(%run_scoped3A_61 : memref<!tpu.dma_semaphore, #tpu.memory_space<semaphore_mem>>) src(%dma_wait3A_63 : memref<640xf32, #tpu.memory_space<hbm>>) dst(%dma_wait3A : memref<640xf32, #tpu.memory_space<vmem_shared>>)
      tpu.yield
    }) : () -> ()
    %barrier3A = arith.constant 0 : index
    tpu.barrier barrier_id(%barrier3A)
    %scan3A = arith.constant 0 : i32
    %scan3A_51 = arith.constant 0 : i32
    %scan3A_52 = arith.constant 5 : i32
    %scan3A_53 = arith.addi %scan3A_51, %scan3A_52 : i32
    %scan3A_54 = arith.constant 1 : i32
    scf.for %scan3A_61 = %scan3A_51 to %scan3A_53 step %scan3A_54  : i32 {
      %mul3A_62 = arith.constant 16 : i32
      %mul3A_63 = arith.muli %mul3A_62, %scan3A_61 : i32
      %mul3A_64 = arith.constant 16 : i32
      %mul3A_65 = arith.muli %mul3A_64, %scan3A_61 : i32
      %add3A_66 = arith.constant 16 : i32
      %add3A_67 = arith.addi %mul3A_65, %add3A_66 : i32
      %while3A = arith.constant 0 : i32
      %while3A_68 = arith.subi %add3A_67, %mul3A_63 : i32
      %while3A_69 = arith.addi %mul3A_63, %while3A_68 : i32
      %while3A_70 = arith.constant 1 : i32
      %while3A_71 = arith.divsi %while3A_68, %while3A_70 : i32
      %while3A_72 = arith.muli %while3A_71, %while3A_70 : i32
      %while3A_73 = arith.addi %mul3A_63, %while3A_72 : i32
      %while3A_74 = arith.constant 1 : i32
      scf.for %while3A_82 = %mul3A_63 to %while3A_73 step %while3A_74  : i32 {
        %dma_start3A = arith.constant 0 : i32
        %dma_start3A_83 = tpu.memref_slice %arg5[%while3A_82, %dma_start3A] : memref<80x128xi32, #tpu.memory_space<vmem>> -> memref<1x128xi32, #tpu.memory_space<vmem>>
        %dma_start3A_84 = tpu.memref_squeeze %dma_start3A_83 : memref<1x128xi32, #tpu.memory_space<vmem>> -> memref<128xi32, #tpu.memory_space<vmem>>
        %dma_start3A_85 = arith.constant 0 : i32
        %dma_start3A_86 = tpu.memref_slice %arg7[%dma_start3A_85] : memref<10240xf32, #tpu.memory_space<vmem_shared>> -> memref<10240xf32, #tpu.memory_space<vmem_shared>>
        tpu.enqueue_indirect_dma source(%arg6 : memref<128xf32, #tpu.memory_space<vmem>>) target(%dma_start3A_86 : memref<10240xf32, #tpu.memory_space<vmem_shared>>) offsets(%dma_start3A_84 : memref<128xi32, #tpu.memory_space<vmem>>) semaphore(%arg8 : memref<!tpu.dma_semaphore, #tpu.memory_space<semaphore_mem>>) {add = true}
      }
      %while3A_75 = arith.constant 1 : i32
      scf.for %while3A_82 = %while3A_73 to %while3A_69 step %while3A_75  : i32 {
        %dma_start3A = arith.constant 0 : i32
        %dma_start3A_83 = tpu.memref_slice %arg5[%while3A_82, %dma_start3A] : memref<80x128xi32, #tpu.memory_space<vmem>> -> memref<1x128xi32, #tpu.memory_space<vmem>>
        %dma_start3A_84 = tpu.memref_squeeze %dma_start3A_83 : memref<1x128xi32, #tpu.memory_space<vmem>> -> memref<128xi32, #tpu.memory_space<vmem>>
        %dma_start3A_85 = arith.constant 0 : i32
        %dma_start3A_86 = tpu.memref_slice %arg7[%dma_start3A_85] : memref<10240xf32, #tpu.memory_space<vmem_shared>> -> memref<10240xf32, #tpu.memory_space<vmem_shared>>
        tpu.enqueue_indirect_dma source(%arg6 : memref<128xf32, #tpu.memory_space<vmem>>) target(%dma_start3A_86 : memref<10240xf32, #tpu.memory_space<vmem_shared>>) offsets(%dma_start3A_84 : memref<128xi32, #tpu.memory_space<vmem>>) semaphore(%arg8 : memref<!tpu.dma_semaphore, #tpu.memory_space<semaphore_mem>>) {add = true}
      }
      %scan3A_76 = arith.constant 0 : i32
      %scan3A_77 = arith.constant 0 : i32
      %scan3A_78 = arith.constant 16 : i32
      %scan3A_79 = arith.addi %scan3A_77, %scan3A_78 : i32
      %scan3A_80 = arith.constant 1 : i32
      scf.for %scan3A_82 = %scan3A_77 to %scan3A_79 step %scan3A_80  : i32 {
        %dma_wait3A = arith.constant 0 : i32
        %dma_wait3A_83 = tpu.memref_slice %arg3[%dma_wait3A] : memref<10240xf32, #tpu.memory_space<hbm>> -> memref<128xf32, #tpu.memory_space<hbm>>
        %dma_wait3A_84 = arith.constant 0 : i32
        %dma_wait3A_85 = tpu.memref_slice %arg3[%dma_wait3A_84] : memref<10240xf32, #tpu.memory_space<hbm>> -> memref<128xf32, #tpu.memory_space<hbm>>
        tpu.wait_dma2 semaphore(%arg8 : memref<!tpu.dma_semaphore, #tpu.memory_space<semaphore_mem>>) src(%dma_wait3A_85 : memref<128xf32, #tpu.memory_space<hbm>>) dst(%arg6 : memref<128xf32, #tpu.memory_space<vmem>>)
      }
      %scan3A_81 = arith.constant 16 : i32
    }
    %scan3A_55 = arith.constant 5 : i32
    %barrier3A_56 = arith.constant 0 : index
    tpu.barrier barrier_id(%barrier3A_56)
    %mul3A_57 = arith.constant 640 : i32
    %mul3A_58 = arith.muli %arg1, %mul3A_57 : i32
    %mul3A_59 = arith.constant 640 : i32
    %mul3A_60 = arith.muli %arg1, %mul3A_59 : i32
    "tpu.region"() ({
      %run_scoped3A_61 = tpu.sem_alloc : memref<!tpu.dma_semaphore, #tpu.memory_space<semaphore_mem>>
      %dma_start3A = tpu.memref_slice %arg4[%arg0, %mul3A_60] : memref<2x10240xf32, #tpu.memory_space<hbm>> -> memref<1x640xf32, #tpu.memory_space<hbm>>
      %dma_start3A_62 = tpu.memref_squeeze %dma_start3A : memref<1x640xf32, #tpu.memory_space<hbm>> -> memref<640xf32, #tpu.memory_space<hbm>>
      %dma_start3A_63 = tpu.memref_slice %arg7[%mul3A_58] : memref<10240xf32, #tpu.memory_space<vmem_shared>> -> memref<640xf32, #tpu.memory_space<vmem_shared>>
      tpu.enqueue_dma source(%dma_start3A_63 : memref<640xf32, #tpu.memory_space<vmem_shared>>) target(%dma_start3A_62 : memref<640xf32, #tpu.memory_space<hbm>>) target_semaphore(%run_scoped3A_61 : memref<!tpu.dma_semaphore, #tpu.memory_space<semaphore_mem>>)
      %dma_wait3A = tpu.memref_slice %arg4[%arg0, %mul3A_60] : memref<2x10240xf32, #tpu.memory_space<hbm>> -> memref<1x640xf32, #tpu.memory_space<hbm>>
      %dma_wait3A_64 = tpu.memref_squeeze %dma_wait3A : memref<1x640xf32, #tpu.memory_space<hbm>> -> memref<640xf32, #tpu.memory_space<hbm>>
      %dma_wait3A_65 = tpu.memref_slice %arg7[%mul3A_58] : memref<10240xf32, #tpu.memory_space<vmem_shared>> -> memref<640xf32, #tpu.memory_space<vmem_shared>>
      tpu.wait_dma2 semaphore(%run_scoped3A_61 : memref<!tpu.dma_semaphore, #tpu.memory_space<semaphore_mem>>) src(%dma_wait3A_65 : memref<640xf32, #tpu.memory_space<vmem_shared>>) dst(%dma_wait3A_64 : memref<640xf32, #tpu.memory_space<hbm>>)
      tpu.yield
    }) : () -> ()
    return
  }
}

#map = affine_map<(d0, d1) -> (0, 0)>
#map1 = affine_map<(d0, d1) -> (0, 0, 0, 0)>
#map2 = affine_map<(d0, d1) -> (0, 0, 0)>
module attributes {stable_mosaic.version = 14 : i64} {
  func.func @_agg_kernel(%arg0: i32, %arg1: i32, %arg2: memref<10240x64xf32, #tpu.memory_space<hbm>>, %arg3: memref<2x32x80x128xi32, #tpu.memory_space<hbm>>, %arg4: memref<2x10240x64xf32, #tpu.memory_space<hbm>>, %arg5: memref<80x128xi32, #tpu.memory_space<vmem>>, %arg6: memref<80x128xi32, #tpu.memory_space<vmem>>, %arg7: memref<8x128x64xf32, #tpu.memory_space<vmem>>, %arg8: memref<10240x64xf32, #tpu.memory_space<vmem_shared>>, %arg9: memref<!tpu.dma_semaphore, #tpu.memory_space<semaphore_mem>>, %arg10: memref<!tpu.dma_semaphore, #tpu.memory_space<semaphore_mem>>, %arg11: memref<!tpu.dma_semaphore, #tpu.memory_space<semaphore_mem>>, %arg12: memref<!tpu.dma_semaphore, #tpu.memory_space<semaphore_mem>>, %arg13: memref<!tpu.dma_semaphore, #tpu.memory_space<semaphore_mem>>, %arg14: memref<!tpu.dma_semaphore, #tpu.memory_space<semaphore_mem>>, %arg15: memref<!tpu.dma_semaphore, #tpu.memory_space<semaphore_mem>>, %arg16: memref<!tpu.dma_semaphore, #tpu.memory_space<semaphore_mem>>, %arg17: memref<!tpu.dma_semaphore, #tpu.memory_space<semaphore_mem>>, %arg18: memref<!tpu.dma_semaphore, #tpu.memory_space<semaphore_mem>>, %arg19: memref<!tpu.dma_semaphore, #tpu.memory_space<semaphore_mem>>, %arg20: memref<!tpu.dma_semaphore, #tpu.memory_space<semaphore_mem>>, %arg21: memref<!tpu.dma_semaphore, #tpu.memory_space<semaphore_mem>>, %arg22: memref<!tpu.dma_semaphore, #tpu.memory_space<semaphore_mem>>, %arg23: memref<!tpu.dma_semaphore, #tpu.memory_space<semaphore_mem>>, %arg24: memref<!tpu.dma_semaphore, #tpu.memory_space<semaphore_mem>>) attributes {dimension_semantics = [#tpu.dimension_semantics<core_parallel>, #tpu.dimension_semantics<subcore_parallel>], iteration_bounds = array<i64: 2, 16>, scalar_prefetch = 0 : i64, scratch_operands = 20 : i64, tpu.core_type = #tpu.core_type<sc_vector_subcore>, window_params = [{transform_indices = #map}, {transform_indices = #map1}, {transform_indices = #map2}]} {
    %mul3A = arith.constant 16 : i32
    %mul3A_0 = arith.muli %arg0, %mul3A : i32
    %add3A = arith.addi %mul3A_0, %arg1 : i32
    %run_scoped3A = arith.constant 0 : i32
    "tpu.region"() ({
      %run_scoped3A_135 = tpu.sem_alloc : memref<!tpu.dma_semaphore, #tpu.memory_space<semaphore_mem>>
      %dma_start3A = arith.constant 0 : i32
      %dma_start3A_136 = arith.constant 0 : i32
      %dma_start3A_137 = tpu.memref_slice %arg3[%run_scoped3A, %add3A, %dma_start3A, %dma_start3A_136] : memref<2x32x80x128xi32, #tpu.memory_space<hbm>> -> memref<1x1x80x128xi32, #tpu.memory_space<hbm>>
      %dma_start3A_138 = tpu.memref_squeeze %dma_start3A_137 : memref<1x1x80x128xi32, #tpu.memory_space<hbm>> -> memref<80x128xi32, #tpu.memory_space<hbm>>
      %dma_start3A_139 = arith.constant 0 : i32
      %dma_start3A_140 = arith.constant 0 : i32
      %dma_start3A_141 = tpu.memref_slice %arg3[%run_scoped3A, %add3A, %dma_start3A_139, %dma_start3A_140] : memref<2x32x80x128xi32, #tpu.memory_space<hbm>> -> memref<1x1x80x128xi32, #tpu.memory_space<hbm>>
      %dma_start3A_142 = tpu.memref_squeeze %dma_start3A_141 : memref<1x1x80x128xi32, #tpu.memory_space<hbm>> -> memref<80x128xi32, #tpu.memory_space<hbm>>
      tpu.enqueue_dma source(%dma_start3A_142 : memref<80x128xi32, #tpu.memory_space<hbm>>) target(%arg5 : memref<80x128xi32, #tpu.memory_space<vmem>>) target_semaphore(%run_scoped3A_135 : memref<!tpu.dma_semaphore, #tpu.memory_space<semaphore_mem>>)
      %dma_wait3A_143 = arith.constant 0 : i32
      %dma_wait3A_144 = arith.constant 0 : i32
      %dma_wait3A_145 = tpu.memref_slice %arg3[%run_scoped3A, %add3A, %dma_wait3A_143, %dma_wait3A_144] : memref<2x32x80x128xi32, #tpu.memory_space<hbm>> -> memref<1x1x80x128xi32, #tpu.memory_space<hbm>>
      %dma_wait3A_146 = tpu.memref_squeeze %dma_wait3A_145 : memref<1x1x80x128xi32, #tpu.memory_space<hbm>> -> memref<80x128xi32, #tpu.memory_space<hbm>>
      %dma_wait3A_147 = arith.constant 0 : i32
      %dma_wait3A_148 = arith.constant 0 : i32
      %dma_wait3A_149 = tpu.memref_slice %arg3[%run_scoped3A, %add3A, %dma_wait3A_147, %dma_wait3A_148] : memref<2x32x80x128xi32, #tpu.memory_space<hbm>> -> memref<1x1x80x128xi32, #tpu.memory_space<hbm>>
      %dma_wait3A_150 = tpu.memref_squeeze %dma_wait3A_149 : memref<1x1x80x128xi32, #tpu.memory_space<hbm>> -> memref<80x128xi32, #tpu.memory_space<hbm>>
      tpu.wait_dma2 semaphore(%run_scoped3A_135 : memref<!tpu.dma_semaphore, #tpu.memory_space<semaphore_mem>>) src(%dma_wait3A_150 : memref<80x128xi32, #tpu.memory_space<hbm>>) dst(%arg5 : memref<80x128xi32, #tpu.memory_space<vmem>>)
      tpu.yield
    }) : () -> ()
    %run_scoped3A_1 = arith.constant 1 : i32
    "tpu.region"() ({
      %run_scoped3A_135 = tpu.sem_alloc : memref<!tpu.dma_semaphore, #tpu.memory_space<semaphore_mem>>
      %dma_start3A = arith.constant 0 : i32
      %dma_start3A_136 = arith.constant 0 : i32
      %dma_start3A_137 = tpu.memref_slice %arg3[%run_scoped3A_1, %add3A, %dma_start3A, %dma_start3A_136] : memref<2x32x80x128xi32, #tpu.memory_space<hbm>> -> memref<1x1x80x128xi32, #tpu.memory_space<hbm>>
      %dma_start3A_138 = tpu.memref_squeeze %dma_start3A_137 : memref<1x1x80x128xi32, #tpu.memory_space<hbm>> -> memref<80x128xi32, #tpu.memory_space<hbm>>
      %dma_start3A_139 = arith.constant 0 : i32
      %dma_start3A_140 = arith.constant 0 : i32
      %dma_start3A_141 = tpu.memref_slice %arg3[%run_scoped3A_1, %add3A, %dma_start3A_139, %dma_start3A_140] : memref<2x32x80x128xi32, #tpu.memory_space<hbm>> -> memref<1x1x80x128xi32, #tpu.memory_space<hbm>>
      %dma_start3A_142 = tpu.memref_squeeze %dma_start3A_141 : memref<1x1x80x128xi32, #tpu.memory_space<hbm>> -> memref<80x128xi32, #tpu.memory_space<hbm>>
      tpu.enqueue_dma source(%dma_start3A_142 : memref<80x128xi32, #tpu.memory_space<hbm>>) target(%arg6 : memref<80x128xi32, #tpu.memory_space<vmem>>) target_semaphore(%run_scoped3A_135 : memref<!tpu.dma_semaphore, #tpu.memory_space<semaphore_mem>>)
      %dma_wait3A_143 = arith.constant 0 : i32
      %dma_wait3A_144 = arith.constant 0 : i32
      %dma_wait3A_145 = tpu.memref_slice %arg3[%run_scoped3A_1, %add3A, %dma_wait3A_143, %dma_wait3A_144] : memref<2x32x80x128xi32, #tpu.memory_space<hbm>> -> memref<1x1x80x128xi32, #tpu.memory_space<hbm>>
      %dma_wait3A_146 = tpu.memref_squeeze %dma_wait3A_145 : memref<1x1x80x128xi32, #tpu.memory_space<hbm>> -> memref<80x128xi32, #tpu.memory_space<hbm>>
      %dma_wait3A_147 = arith.constant 0 : i32
      %dma_wait3A_148 = arith.constant 0 : i32
      %dma_wait3A_149 = tpu.memref_slice %arg3[%run_scoped3A_1, %add3A, %dma_wait3A_147, %dma_wait3A_148] : memref<2x32x80x128xi32, #tpu.memory_space<hbm>> -> memref<1x1x80x128xi32, #tpu.memory_space<hbm>>
      %dma_wait3A_150 = tpu.memref_squeeze %dma_wait3A_149 : memref<1x1x80x128xi32, #tpu.memory_space<hbm>> -> memref<80x128xi32, #tpu.memory_space<hbm>>
      tpu.wait_dma2 semaphore(%run_scoped3A_135 : memref<!tpu.dma_semaphore, #tpu.memory_space<semaphore_mem>>) src(%dma_wait3A_150 : memref<80x128xi32, #tpu.memory_space<hbm>>) dst(%arg6 : memref<80x128xi32, #tpu.memory_space<vmem>>)
      tpu.yield
    }) : () -> ()
    %mul3A_2 = arith.constant 640 : i32
    %mul3A_3 = arith.muli %arg1, %mul3A_2 : i32
    %mul3A_4 = arith.constant 640 : i32
    %mul3A_5 = arith.muli %arg1, %mul3A_4 : i32
    "tpu.region"() ({
      %run_scoped3A_135 = tpu.sem_alloc : memref<!tpu.dma_semaphore, #tpu.memory_space<semaphore_mem>>
      %dma_start3A = arith.constant 0 : i32
      %dma_start3A_136 = tpu.memref_slice %arg8[%mul3A_5, %dma_start3A] : memref<10240x64xf32, #tpu.memory_space<vmem_shared>> -> memref<640x64xf32, #tpu.memory_space<vmem_shared>>
      %dma_start3A_137 = arith.constant 0 : i32
      %dma_start3A_138 = tpu.memref_slice %arg2[%mul3A_3, %dma_start3A_137] : memref<10240x64xf32, #tpu.memory_space<hbm>> -> memref<640x64xf32, #tpu.memory_space<hbm>>
      tpu.enqueue_dma source(%dma_start3A_138 : memref<640x64xf32, #tpu.memory_space<hbm>>) target(%dma_start3A_136 : memref<640x64xf32, #tpu.memory_space<vmem_shared>>) target_semaphore(%run_scoped3A_135 : memref<!tpu.dma_semaphore, #tpu.memory_space<semaphore_mem>>)
      %dma_wait3A_139 = arith.constant 0 : i32
      %dma_wait3A_140 = tpu.memref_slice %arg8[%mul3A_5, %dma_wait3A_139] : memref<10240x64xf32, #tpu.memory_space<vmem_shared>> -> memref<640x64xf32, #tpu.memory_space<vmem_shared>>
      %dma_wait3A_141 = arith.constant 0 : i32
      %dma_wait3A_142 = tpu.memref_slice %arg2[%mul3A_3, %dma_wait3A_141] : memref<10240x64xf32, #tpu.memory_space<hbm>> -> memref<640x64xf32, #tpu.memory_space<hbm>>
      tpu.wait_dma2 semaphore(%run_scoped3A_135 : memref<!tpu.dma_semaphore, #tpu.memory_space<semaphore_mem>>) src(%dma_wait3A_142 : memref<640x64xf32, #tpu.memory_space<hbm>>) dst(%dma_wait3A_140 : memref<640x64xf32, #tpu.memory_space<vmem_shared>>)
      tpu.yield
    }) : () -> ()
    %barrier3A = arith.constant 0 : index
    tpu.barrier barrier_id(%barrier3A)
    %scan3A = arith.constant 0 : i32
    %scan3A_6 = arith.constant 0 : i32
    %scan3A_7 = arith.constant 10 : i32
    %scan3A_8 = arith.addi %scan3A_6, %scan3A_7 : i32
    %scan3A_9 = arith.constant 1 : i32
    scf.for %scan3A_135 = %scan3A_6 to %scan3A_8 step %scan3A_9  : i32 {
      %mul3A_136 = arith.constant 8 : i32
      %mul3A_137 = arith.muli %mul3A_136, %scan3A_135 : i32
      %add3A_138 = arith.constant 0 : i32
      %add3A_139 = arith.addi %mul3A_137, %add3A_138 : i32
      %gt3A = arith.constant 0 : i32
      %gt3A_140 = arith.cmpi sgt, %scan3A_135, %gt3A : i32
      %convert_element_type3A = arith.extui %gt3A_140 : i1 to i32
      %cond3A = arith.constant 0 : i32
      %cond3A_141 = arith.cmpi ne, %convert_element_type3A, %cond3A : i32
      scf.if %cond3A_141 {
        %dma_wait3A_532 = arith.constant 0 : i32
        %dma_wait3A_533 = arith.constant 0 : i32
        %dma_wait3A_534 = arith.constant 0 : i32
        %dma_wait3A_535 = tpu.memref_slice %arg7[%dma_wait3A_532, %dma_wait3A_533, %dma_wait3A_534] : memref<8x128x64xf32, #tpu.memory_space<vmem>> -> memref<1x128x64xf32, #tpu.memory_space<vmem>>
        %dma_wait3A_536 = tpu.memref_squeeze %dma_wait3A_535 : memref<1x128x64xf32, #tpu.memory_space<vmem>> -> memref<128x64xf32, #tpu.memory_space<vmem>>
        %dma_wait3A_537 = arith.constant 0 : i32
        %dma_wait3A_538 = arith.constant 0 : i32
        %dma_wait3A_539 = tpu.memref_slice %arg2[%dma_wait3A_537, %dma_wait3A_538] : memref<10240x64xf32, #tpu.memory_space<hbm>> -> memref<128x64xf32, #tpu.memory_space<hbm>>
        %dma_wait3A_540 = arith.constant 0 : i32
        %dma_wait3A_541 = arith.constant 0 : i32
        %dma_wait3A_542 = tpu.memref_slice %arg7[%dma_wait3A_532, %dma_wait3A_540, %dma_wait3A_541] : memref<8x128x64xf32, #tpu.memory_space<vmem>> -> memref<1x128x64xf32, #tpu.memory_space<vmem>>
        %dma_wait3A_543 = tpu.memref_squeeze %dma_wait3A_542 : memref<1x128x64xf32, #tpu.memory_space<vmem>> -> memref<128x64xf32, #tpu.memory_space<vmem>>
        %dma_wait3A_544 = arith.constant 0 : i32
        %dma_wait3A_545 = arith.constant 0 : i32
        %dma_wait3A_546 = tpu.memref_slice %arg2[%dma_wait3A_544, %dma_wait3A_545] : memref<10240x64xf32, #tpu.memory_space<hbm>> -> memref<128x64xf32, #tpu.memory_space<hbm>>
        tpu.wait_dma2 semaphore(%arg17 : memref<!tpu.dma_semaphore, #tpu.memory_space<semaphore_mem>>) src(%dma_wait3A_546 : memref<128x64xf32, #tpu.memory_space<hbm>>) dst(%dma_wait3A_543 : memref<128x64xf32, #tpu.memory_space<vmem>>)
      } else {
      }
      %dma_start3A = arith.constant 0 : i32
      %dma_start3A_142 = arith.constant 0 : i32
      %dma_start3A_143 = arith.constant 0 : i32
      %dma_start3A_144 = tpu.memref_slice %arg7[%dma_start3A, %dma_start3A_142, %dma_start3A_143] : memref<8x128x64xf32, #tpu.memory_space<vmem>> -> memref<1x128x64xf32, #tpu.memory_space<vmem>>
      %dma_start3A_145 = tpu.memref_squeeze %dma_start3A_144 : memref<1x128x64xf32, #tpu.memory_space<vmem>> -> memref<128x64xf32, #tpu.memory_space<vmem>>
      %dma_start3A_146 = arith.constant 0 : i32
      %dma_start3A_147 = tpu.memref_slice %arg5[%add3A_139, %dma_start3A_146] : memref<80x128xi32, #tpu.memory_space<vmem>> -> memref<1x128xi32, #tpu.memory_space<vmem>>
      %dma_start3A_148 = tpu.memref_squeeze %dma_start3A_147 : memref<1x128xi32, #tpu.memory_space<vmem>> -> memref<128xi32, #tpu.memory_space<vmem>>
      %dma_start3A_149 = arith.constant 0 : i32
      %dma_start3A_150 = arith.constant 0 : i32
      %dma_start3A_151 = tpu.memref_slice %arg2[%dma_start3A_149, %dma_start3A_150] : memref<10240x64xf32, #tpu.memory_space<hbm>> -> memref<10240x64xf32, #tpu.memory_space<hbm>>
      tpu.enqueue_indirect_dma source(%dma_start3A_151 : memref<10240x64xf32, #tpu.memory_space<hbm>>) target(%dma_start3A_145 : memref<128x64xf32, #tpu.memory_space<vmem>>) offsets(%dma_start3A_148 : memref<128xi32, #tpu.memory_space<vmem>>) semaphore(%arg9 : memref<!tpu.dma_semaphore, #tpu.memory_space<semaphore_mem>>)
      %mul3A_152 = arith.constant 8 : i32
      %mul3A_153 = arith.muli %mul3A_152, %scan3A_135 : i32
      %add3A_154 = arith.constant 1 : i32
      %add3A_155 = arith.addi %mul3A_153, %add3A_154 : i32
      %gt3A_156 = arith.constant 0 : i32
      %gt3A_157 = arith.cmpi sgt, %scan3A_135, %gt3A_156 : i32
      %convert_element_type3A_158 = arith.extui %gt3A_157 : i1 to i32
      %cond3A_159 = arith.constant 0 : i32
      %cond3A_160 = arith.cmpi ne, %convert_element_type3A_158, %cond3A_159 : i32
      scf.if %cond3A_160 {
        %dma_wait3A_532 = arith.constant 1 : i32
        %dma_wait3A_533 = arith.constant 0 : i32
        %dma_wait3A_534 = arith.constant 0 : i32
        %dma_wait3A_535 = tpu.memref_slice %arg7[%dma_wait3A_532, %dma_wait3A_533, %dma_wait3A_534] : memref<8x128x64xf32, #tpu.memory_space<vmem>> -> memref<1x128x64xf32, #tpu.memory_space<vmem>>
        %dma_wait3A_536 = tpu.memref_squeeze %dma_wait3A_535 : memref<1x128x64xf32, #tpu.memory_space<vmem>> -> memref<128x64xf32, #tpu.memory_space<vmem>>
        %dma_wait3A_537 = arith.constant 0 : i32
        %dma_wait3A_538 = arith.constant 0 : i32
        %dma_wait3A_539 = tpu.memref_slice %arg2[%dma_wait3A_537, %dma_wait3A_538] : memref<10240x64xf32, #tpu.memory_space<hbm>> -> memref<128x64xf32, #tpu.memory_space<hbm>>
        %dma_wait3A_540 = arith.constant 0 : i32
        %dma_wait3A_541 = arith.constant 0 : i32
        %dma_wait3A_542 = tpu.memref_slice %arg7[%dma_wait3A_532, %dma_wait3A_540, %dma_wait3A_541] : memref<8x128x64xf32, #tpu.memory_space<vmem>> -> memref<1x128x64xf32, #tpu.memory_space<vmem>>
        %dma_wait3A_543 = tpu.memref_squeeze %dma_wait3A_542 : memref<1x128x64xf32, #tpu.memory_space<vmem>> -> memref<128x64xf32, #tpu.memory_space<vmem>>
        %dma_wait3A_544 = arith.constant 0 : i32
        %dma_wait3A_545 = arith.constant 0 : i32
        %dma_wait3A_546 = tpu.memref_slice %arg2[%dma_wait3A_544, %dma_wait3A_545] : memref<10240x64xf32, #tpu.memory_space<hbm>> -> memref<128x64xf32, #tpu.memory_space<hbm>>
        tpu.wait_dma2 semaphore(%arg18 : memref<!tpu.dma_semaphore, #tpu.memory_space<semaphore_mem>>) src(%dma_wait3A_546 : memref<128x64xf32, #tpu.memory_space<hbm>>) dst(%dma_wait3A_543 : memref<128x64xf32, #tpu.memory_space<vmem>>)
      } else {
      }
      %dma_start3A_161 = arith.constant 1 : i32
      %dma_start3A_162 = arith.constant 0 : i32
      %dma_start3A_163 = arith.constant 0 : i32
      %dma_start3A_164 = tpu.memref_slice %arg7[%dma_start3A_161, %dma_start3A_162, %dma_start3A_163] : memref<8x128x64xf32, #tpu.memory_space<vmem>> -> memref<1x128x64xf32, #tpu.memory_space<vmem>>
      %dma_start3A_165 = tpu.memref_squeeze %dma_start3A_164 : memref<1x128x64xf32, #tpu.memory_space<vmem>> -> memref<128x64xf32, #tpu.memory_space<vmem>>
      %dma_start3A_166 = arith.constant 0 : i32
      %dma_start3A_167 = tpu.memref_slice %arg5[%add3A_155, %dma_start3A_166] : memref<80x128xi32, #tpu.memory_space<vmem>> -> memref<1x128xi32, #tpu.memory_space<vmem>>
      %dma_start3A_168 = tpu.memref_squeeze %dma_start3A_167 : memref<1x128xi32, #tpu.memory_space<vmem>> -> memref<128xi32, #tpu.memory_space<vmem>>
      %dma_start3A_169 = arith.constant 0 : i32
      %dma_start3A_170 = arith.constant 0 : i32
      %dma_start3A_171 = tpu.memref_slice %arg2[%dma_start3A_169, %dma_start3A_170] : memref<10240x64xf32, #tpu.memory_space<hbm>> -> memref<10240x64xf32, #tpu.memory_space<hbm>>
      tpu.enqueue_indirect_dma source(%dma_start3A_171 : memref<10240x64xf32, #tpu.memory_space<hbm>>) target(%dma_start3A_165 : memref<128x64xf32, #tpu.memory_space<vmem>>) offsets(%dma_start3A_168 : memref<128xi32, #tpu.memory_space<vmem>>) semaphore(%arg10 : memref<!tpu.dma_semaphore, #tpu.memory_space<semaphore_mem>>)
      %mul3A_172 = arith.constant 8 : i32
      %mul3A_173 = arith.muli %mul3A_172, %scan3A_135 : i32
      %add3A_174 = arith.constant 2 : i32
      %add3A_175 = arith.addi %mul3A_173, %add3A_174 : i32
      %gt3A_176 = arith.constant 0 : i32
      %gt3A_177 = arith.cmpi sgt, %scan3A_135, %gt3A_176 : i32
      %convert_element_type3A_178 = arith.extui %gt3A_177 : i1 to i32
      %cond3A_179 = arith.constant 0 : i32
      %cond3A_180 = arith.cmpi ne, %convert_element_type3A_178, %cond3A_179 : i32
      scf.if %cond3A_180 {
        %dma_wait3A_532 = arith.constant 2 : i32
        %dma_wait3A_533 = arith.constant 0 : i32
        %dma_wait3A_534 = arith.constant 0 : i32
        %dma_wait3A_535 = tpu.memref_slice %arg7[%dma_wait3A_532, %dma_wait3A_533, %dma_wait3A_534] : memref<8x128x64xf32, #tpu.memory_space<vmem>> -> memref<1x128x64xf32, #tpu.memory_space<vmem>>
        %dma_wait3A_536 = tpu.memref_squeeze %dma_wait3A_535 : memref<1x128x64xf32, #tpu.memory_space<vmem>> -> memref<128x64xf32, #tpu.memory_space<vmem>>
        %dma_wait3A_537 = arith.constant 0 : i32
        %dma_wait3A_538 = arith.constant 0 : i32
        %dma_wait3A_539 = tpu.memref_slice %arg2[%dma_wait3A_537, %dma_wait3A_538] : memref<10240x64xf32, #tpu.memory_space<hbm>> -> memref<128x64xf32, #tpu.memory_space<hbm>>
        %dma_wait3A_540 = arith.constant 0 : i32
        %dma_wait3A_541 = arith.constant 0 : i32
        %dma_wait3A_542 = tpu.memref_slice %arg7[%dma_wait3A_532, %dma_wait3A_540, %dma_wait3A_541] : memref<8x128x64xf32, #tpu.memory_space<vmem>> -> memref<1x128x64xf32, #tpu.memory_space<vmem>>
        %dma_wait3A_543 = tpu.memref_squeeze %dma_wait3A_542 : memref<1x128x64xf32, #tpu.memory_space<vmem>> -> memref<128x64xf32, #tpu.memory_space<vmem>>
        %dma_wait3A_544 = arith.constant 0 : i32
        %dma_wait3A_545 = arith.constant 0 : i32
        %dma_wait3A_546 = tpu.memref_slice %arg2[%dma_wait3A_544, %dma_wait3A_545] : memref<10240x64xf32, #tpu.memory_space<hbm>> -> memref<128x64xf32, #tpu.memory_space<hbm>>
        tpu.wait_dma2 semaphore(%arg19 : memref<!tpu.dma_semaphore, #tpu.memory_space<semaphore_mem>>) src(%dma_wait3A_546 : memref<128x64xf32, #tpu.memory_space<hbm>>) dst(%dma_wait3A_543 : memref<128x64xf32, #tpu.memory_space<vmem>>)
      } else {
      }
      %dma_start3A_181 = arith.constant 2 : i32
      %dma_start3A_182 = arith.constant 0 : i32
      %dma_start3A_183 = arith.constant 0 : i32
      %dma_start3A_184 = tpu.memref_slice %arg7[%dma_start3A_181, %dma_start3A_182, %dma_start3A_183] : memref<8x128x64xf32, #tpu.memory_space<vmem>> -> memref<1x128x64xf32, #tpu.memory_space<vmem>>
      %dma_start3A_185 = tpu.memref_squeeze %dma_start3A_184 : memref<1x128x64xf32, #tpu.memory_space<vmem>> -> memref<128x64xf32, #tpu.memory_space<vmem>>
      %dma_start3A_186 = arith.constant 0 : i32
      %dma_start3A_187 = tpu.memref_slice %arg5[%add3A_175, %dma_start3A_186] : memref<80x128xi32, #tpu.memory_space<vmem>> -> memref<1x128xi32, #tpu.memory_space<vmem>>
      %dma_start3A_188 = tpu.memref_squeeze %dma_start3A_187 : memref<1x128xi32, #tpu.memory_space<vmem>> -> memref<128xi32, #tpu.memory_space<vmem>>
      %dma_start3A_189 = arith.constant 0 : i32
      %dma_start3A_190 = arith.constant 0 : i32
      %dma_start3A_191 = tpu.memref_slice %arg2[%dma_start3A_189, %dma_start3A_190] : memref<10240x64xf32, #tpu.memory_space<hbm>> -> memref<10240x64xf32, #tpu.memory_space<hbm>>
      tpu.enqueue_indirect_dma source(%dma_start3A_191 : memref<10240x64xf32, #tpu.memory_space<hbm>>) target(%dma_start3A_185 : memref<128x64xf32, #tpu.memory_space<vmem>>) offsets(%dma_start3A_188 : memref<128xi32, #tpu.memory_space<vmem>>) semaphore(%arg11 : memref<!tpu.dma_semaphore, #tpu.memory_space<semaphore_mem>>)
      %mul3A_192 = arith.constant 8 : i32
      %mul3A_193 = arith.muli %mul3A_192, %scan3A_135 : i32
      %add3A_194 = arith.constant 3 : i32
      %add3A_195 = arith.addi %mul3A_193, %add3A_194 : i32
      %gt3A_196 = arith.constant 0 : i32
      %gt3A_197 = arith.cmpi sgt, %scan3A_135, %gt3A_196 : i32
      %convert_element_type3A_198 = arith.extui %gt3A_197 : i1 to i32
      %cond3A_199 = arith.constant 0 : i32
      %cond3A_200 = arith.cmpi ne, %convert_element_type3A_198, %cond3A_199 : i32
      scf.if %cond3A_200 {
        %dma_wait3A_532 = arith.constant 3 : i32
        %dma_wait3A_533 = arith.constant 0 : i32
        %dma_wait3A_534 = arith.constant 0 : i32
        %dma_wait3A_535 = tpu.memref_slice %arg7[%dma_wait3A_532, %dma_wait3A_533, %dma_wait3A_534] : memref<8x128x64xf32, #tpu.memory_space<vmem>> -> memref<1x128x64xf32, #tpu.memory_space<vmem>>
        %dma_wait3A_536 = tpu.memref_squeeze %dma_wait3A_535 : memref<1x128x64xf32, #tpu.memory_space<vmem>> -> memref<128x64xf32, #tpu.memory_space<vmem>>
        %dma_wait3A_537 = arith.constant 0 : i32
        %dma_wait3A_538 = arith.constant 0 : i32
        %dma_wait3A_539 = tpu.memref_slice %arg2[%dma_wait3A_537, %dma_wait3A_538] : memref<10240x64xf32, #tpu.memory_space<hbm>> -> memref<128x64xf32, #tpu.memory_space<hbm>>
        %dma_wait3A_540 = arith.constant 0 : i32
        %dma_wait3A_541 = arith.constant 0 : i32
        %dma_wait3A_542 = tpu.memref_slice %arg7[%dma_wait3A_532, %dma_wait3A_540, %dma_wait3A_541] : memref<8x128x64xf32, #tpu.memory_space<vmem>> -> memref<1x128x64xf32, #tpu.memory_space<vmem>>
        %dma_wait3A_543 = tpu.memref_squeeze %dma_wait3A_542 : memref<1x128x64xf32, #tpu.memory_space<vmem>> -> memref<128x64xf32, #tpu.memory_space<vmem>>
        %dma_wait3A_544 = arith.constant 0 : i32
        %dma_wait3A_545 = arith.constant 0 : i32
        %dma_wait3A_546 = tpu.memref_slice %arg2[%dma_wait3A_544, %dma_wait3A_545] : memref<10240x64xf32, #tpu.memory_space<hbm>> -> memref<128x64xf32, #tpu.memory_space<hbm>>
        tpu.wait_dma2 semaphore(%arg20 : memref<!tpu.dma_semaphore, #tpu.memory_space<semaphore_mem>>) src(%dma_wait3A_546 : memref<128x64xf32, #tpu.memory_space<hbm>>) dst(%dma_wait3A_543 : memref<128x64xf32, #tpu.memory_space<vmem>>)
      } else {
      }
      %dma_start3A_201 = arith.constant 3 : i32
      %dma_start3A_202 = arith.constant 0 : i32
      %dma_start3A_203 = arith.constant 0 : i32
      %dma_start3A_204 = tpu.memref_slice %arg7[%dma_start3A_201, %dma_start3A_202, %dma_start3A_203] : memref<8x128x64xf32, #tpu.memory_space<vmem>> -> memref<1x128x64xf32, #tpu.memory_space<vmem>>
      %dma_start3A_205 = tpu.memref_squeeze %dma_start3A_204 : memref<1x128x64xf32, #tpu.memory_space<vmem>> -> memref<128x64xf32, #tpu.memory_space<vmem>>
      %dma_start3A_206 = arith.constant 0 : i32
      %dma_start3A_207 = tpu.memref_slice %arg5[%add3A_195, %dma_start3A_206] : memref<80x128xi32, #tpu.memory_space<vmem>> -> memref<1x128xi32, #tpu.memory_space<vmem>>
      %dma_start3A_208 = tpu.memref_squeeze %dma_start3A_207 : memref<1x128xi32, #tpu.memory_space<vmem>> -> memref<128xi32, #tpu.memory_space<vmem>>
      %dma_start3A_209 = arith.constant 0 : i32
      %dma_start3A_210 = arith.constant 0 : i32
      %dma_start3A_211 = tpu.memref_slice %arg2[%dma_start3A_209, %dma_start3A_210] : memref<10240x64xf32, #tpu.memory_space<hbm>> -> memref<10240x64xf32, #tpu.memory_space<hbm>>
      tpu.enqueue_indirect_dma source(%dma_start3A_211 : memref<10240x64xf32, #tpu.memory_space<hbm>>) target(%dma_start3A_205 : memref<128x64xf32, #tpu.memory_space<vmem>>) offsets(%dma_start3A_208 : memref<128xi32, #tpu.memory_space<vmem>>) semaphore(%arg12 : memref<!tpu.dma_semaphore, #tpu.memory_space<semaphore_mem>>)
      %mul3A_212 = arith.constant 8 : i32
      %mul3A_213 = arith.muli %mul3A_212, %scan3A_135 : i32
      %add3A_214 = arith.constant 4 : i32
      %add3A_215 = arith.addi %mul3A_213, %add3A_214 : i32
      %gt3A_216 = arith.constant 0 : i32
      %gt3A_217 = arith.cmpi sgt, %scan3A_135, %gt3A_216 : i32
      %convert_element_type3A_218 = arith.extui %gt3A_217 : i1 to i32
      %cond3A_219 = arith.constant 0 : i32
      %cond3A_220 = arith.cmpi ne, %convert_element_type3A_218, %cond3A_219 : i32
      scf.if %cond3A_220 {
        %dma_wait3A_532 = arith.constant 4 : i32
        %dma_wait3A_533 = arith.constant 0 : i32
        %dma_wait3A_534 = arith.constant 0 : i32
        %dma_wait3A_535 = tpu.memref_slice %arg7[%dma_wait3A_532, %dma_wait3A_533, %dma_wait3A_534] : memref<8x128x64xf32, #tpu.memory_space<vmem>> -> memref<1x128x64xf32, #tpu.memory_space<vmem>>
        %dma_wait3A_536 = tpu.memref_squeeze %dma_wait3A_535 : memref<1x128x64xf32, #tpu.memory_space<vmem>> -> memref<128x64xf32, #tpu.memory_space<vmem>>
        %dma_wait3A_537 = arith.constant 0 : i32
        %dma_wait3A_538 = arith.constant 0 : i32
        %dma_wait3A_539 = tpu.memref_slice %arg2[%dma_wait3A_537, %dma_wait3A_538] : memref<10240x64xf32, #tpu.memory_space<hbm>> -> memref<128x64xf32, #tpu.memory_space<hbm>>
        %dma_wait3A_540 = arith.constant 0 : i32
        %dma_wait3A_541 = arith.constant 0 : i32
        %dma_wait3A_542 = tpu.memref_slice %arg7[%dma_wait3A_532, %dma_wait3A_540, %dma_wait3A_541] : memref<8x128x64xf32, #tpu.memory_space<vmem>> -> memref<1x128x64xf32, #tpu.memory_space<vmem>>
        %dma_wait3A_543 = tpu.memref_squeeze %dma_wait3A_542 : memref<1x128x64xf32, #tpu.memory_space<vmem>> -> memref<128x64xf32, #tpu.memory_space<vmem>>
        %dma_wait3A_544 = arith.constant 0 : i32
        %dma_wait3A_545 = arith.constant 0 : i32
        %dma_wait3A_546 = tpu.memref_slice %arg2[%dma_wait3A_544, %dma_wait3A_545] : memref<10240x64xf32, #tpu.memory_space<hbm>> -> memref<128x64xf32, #tpu.memory_space<hbm>>
        tpu.wait_dma2 semaphore(%arg21 : memref<!tpu.dma_semaphore, #tpu.memory_space<semaphore_mem>>) src(%dma_wait3A_546 : memref<128x64xf32, #tpu.memory_space<hbm>>) dst(%dma_wait3A_543 : memref<128x64xf32, #tpu.memory_space<vmem>>)
      } else {
      }
      %dma_start3A_221 = arith.constant 4 : i32
      %dma_start3A_222 = arith.constant 0 : i32
      %dma_start3A_223 = arith.constant 0 : i32
      %dma_start3A_224 = tpu.memref_slice %arg7[%dma_start3A_221, %dma_start3A_222, %dma_start3A_223] : memref<8x128x64xf32, #tpu.memory_space<vmem>> -> memref<1x128x64xf32, #tpu.memory_space<vmem>>
      %dma_start3A_225 = tpu.memref_squeeze %dma_start3A_224 : memref<1x128x64xf32, #tpu.memory_space<vmem>> -> memref<128x64xf32, #tpu.memory_space<vmem>>
      %dma_start3A_226 = arith.constant 0 : i32
      %dma_start3A_227 = tpu.memref_slice %arg5[%add3A_215, %dma_start3A_226] : memref<80x128xi32, #tpu.memory_space<vmem>> -> memref<1x128xi32, #tpu.memory_space<vmem>>
      %dma_start3A_228 = tpu.memref_squeeze %dma_start3A_227 : memref<1x128xi32, #tpu.memory_space<vmem>> -> memref<128xi32, #tpu.memory_space<vmem>>
      %dma_start3A_229 = arith.constant 0 : i32
      %dma_start3A_230 = arith.constant 0 : i32
      %dma_start3A_231 = tpu.memref_slice %arg2[%dma_start3A_229, %dma_start3A_230] : memref<10240x64xf32, #tpu.memory_space<hbm>> -> memref<10240x64xf32, #tpu.memory_space<hbm>>
      tpu.enqueue_indirect_dma source(%dma_start3A_231 : memref<10240x64xf32, #tpu.memory_space<hbm>>) target(%dma_start3A_225 : memref<128x64xf32, #tpu.memory_space<vmem>>) offsets(%dma_start3A_228 : memref<128xi32, #tpu.memory_space<vmem>>) semaphore(%arg13 : memref<!tpu.dma_semaphore, #tpu.memory_space<semaphore_mem>>)
      %mul3A_232 = arith.constant 8 : i32
      %mul3A_233 = arith.muli %mul3A_232, %scan3A_135 : i32
      %add3A_234 = arith.constant 5 : i32
      %add3A_235 = arith.addi %mul3A_233, %add3A_234 : i32
      %gt3A_236 = arith.constant 0 : i32
      %gt3A_237 = arith.cmpi sgt, %scan3A_135, %gt3A_236 : i32
      %convert_element_type3A_238 = arith.extui %gt3A_237 : i1 to i32
      %cond3A_239 = arith.constant 0 : i32
      %cond3A_240 = arith.cmpi ne, %convert_element_type3A_238, %cond3A_239 : i32
      scf.if %cond3A_240 {
        %dma_wait3A_532 = arith.constant 5 : i32
        %dma_wait3A_533 = arith.constant 0 : i32
        %dma_wait3A_534 = arith.constant 0 : i32
        %dma_wait3A_535 = tpu.memref_slice %arg7[%dma_wait3A_532, %dma_wait3A_533, %dma_wait3A_534] : memref<8x128x64xf32, #tpu.memory_space<vmem>> -> memref<1x128x64xf32, #tpu.memory_space<vmem>>
        %dma_wait3A_536 = tpu.memref_squeeze %dma_wait3A_535 : memref<1x128x64xf32, #tpu.memory_space<vmem>> -> memref<128x64xf32, #tpu.memory_space<vmem>>
        %dma_wait3A_537 = arith.constant 0 : i32
        %dma_wait3A_538 = arith.constant 0 : i32
        %dma_wait3A_539 = tpu.memref_slice %arg2[%dma_wait3A_537, %dma_wait3A_538] : memref<10240x64xf32, #tpu.memory_space<hbm>> -> memref<128x64xf32, #tpu.memory_space<hbm>>
        %dma_wait3A_540 = arith.constant 0 : i32
        %dma_wait3A_541 = arith.constant 0 : i32
        %dma_wait3A_542 = tpu.memref_slice %arg7[%dma_wait3A_532, %dma_wait3A_540, %dma_wait3A_541] : memref<8x128x64xf32, #tpu.memory_space<vmem>> -> memref<1x128x64xf32, #tpu.memory_space<vmem>>
        %dma_wait3A_543 = tpu.memref_squeeze %dma_wait3A_542 : memref<1x128x64xf32, #tpu.memory_space<vmem>> -> memref<128x64xf32, #tpu.memory_space<vmem>>
        %dma_wait3A_544 = arith.constant 0 : i32
        %dma_wait3A_545 = arith.constant 0 : i32
        %dma_wait3A_546 = tpu.memref_slice %arg2[%dma_wait3A_544, %dma_wait3A_545] : memref<10240x64xf32, #tpu.memory_space<hbm>> -> memref<128x64xf32, #tpu.memory_space<hbm>>
        tpu.wait_dma2 semaphore(%arg22 : memref<!tpu.dma_semaphore, #tpu.memory_space<semaphore_mem>>) src(%dma_wait3A_546 : memref<128x64xf32, #tpu.memory_space<hbm>>) dst(%dma_wait3A_543 : memref<128x64xf32, #tpu.memory_space<vmem>>)
      } else {
      }
      %dma_start3A_241 = arith.constant 5 : i32
      %dma_start3A_242 = arith.constant 0 : i32
      %dma_start3A_243 = arith.constant 0 : i32
      %dma_start3A_244 = tpu.memref_slice %arg7[%dma_start3A_241, %dma_start3A_242, %dma_start3A_243] : memref<8x128x64xf32, #tpu.memory_space<vmem>> -> memref<1x128x64xf32, #tpu.memory_space<vmem>>
      %dma_start3A_245 = tpu.memref_squeeze %dma_start3A_244 : memref<1x128x64xf32, #tpu.memory_space<vmem>> -> memref<128x64xf32, #tpu.memory_space<vmem>>
      %dma_start3A_246 = arith.constant 0 : i32
      %dma_start3A_247 = tpu.memref_slice %arg5[%add3A_235, %dma_start3A_246] : memref<80x128xi32, #tpu.memory_space<vmem>> -> memref<1x128xi32, #tpu.memory_space<vmem>>
      %dma_start3A_248 = tpu.memref_squeeze %dma_start3A_247 : memref<1x128xi32, #tpu.memory_space<vmem>> -> memref<128xi32, #tpu.memory_space<vmem>>
      %dma_start3A_249 = arith.constant 0 : i32
      %dma_start3A_250 = arith.constant 0 : i32
      %dma_start3A_251 = tpu.memref_slice %arg2[%dma_start3A_249, %dma_start3A_250] : memref<10240x64xf32, #tpu.memory_space<hbm>> -> memref<10240x64xf32, #tpu.memory_space<hbm>>
      tpu.enqueue_indirect_dma source(%dma_start3A_251 : memref<10240x64xf32, #tpu.memory_space<hbm>>) target(%dma_start3A_245 : memref<128x64xf32, #tpu.memory_space<vmem>>) offsets(%dma_start3A_248 : memref<128xi32, #tpu.memory_space<vmem>>) semaphore(%arg14 : memref<!tpu.dma_semaphore, #tpu.memory_space<semaphore_mem>>)
      %mul3A_252 = arith.constant 8 : i32
      %mul3A_253 = arith.muli %mul3A_252, %scan3A_135 : i32
      %add3A_254 = arith.constant 6 : i32
      %add3A_255 = arith.addi %mul3A_253, %add3A_254 : i32
      %gt3A_256 = arith.constant 0 : i32
      %gt3A_257 = arith.cmpi sgt, %scan3A_135, %gt3A_256 : i32
      %convert_element_type3A_258 = arith.extui %gt3A_257 : i1 to i32
      %cond3A_259 = arith.constant 0 : i32
      %cond3A_260 = arith.cmpi ne, %convert_element_type3A_258, %cond3A_259 : i32
      scf.if %cond3A_260 {
        %dma_wait3A_532 = arith.constant 6 : i32
        %dma_wait3A_533 = arith.constant 0 : i32
        %dma_wait3A_534 = arith.constant 0 : i32
        %dma_wait3A_535 = tpu.memref_slice %arg7[%dma_wait3A_532, %dma_wait3A_533, %dma_wait3A_534] : memref<8x128x64xf32, #tpu.memory_space<vmem>> -> memref<1x128x64xf32, #tpu.memory_space<vmem>>
        %dma_wait3A_536 = tpu.memref_squeeze %dma_wait3A_535 : memref<1x128x64xf32, #tpu.memory_space<vmem>> -> memref<128x64xf32, #tpu.memory_space<vmem>>
        %dma_wait3A_537 = arith.constant 0 : i32
        %dma_wait3A_538 = arith.constant 0 : i32
        %dma_wait3A_539 = tpu.memref_slice %arg2[%dma_wait3A_537, %dma_wait3A_538] : memref<10240x64xf32, #tpu.memory_space<hbm>> -> memref<128x64xf32, #tpu.memory_space<hbm>>
        %dma_wait3A_540 = arith.constant 0 : i32
        %dma_wait3A_541 = arith.constant 0 : i32
        %dma_wait3A_542 = tpu.memref_slice %arg7[%dma_wait3A_532, %dma_wait3A_540, %dma_wait3A_541] : memref<8x128x64xf32, #tpu.memory_space<vmem>> -> memref<1x128x64xf32, #tpu.memory_space<vmem>>
        %dma_wait3A_543 = tpu.memref_squeeze %dma_wait3A_542 : memref<1x128x64xf32, #tpu.memory_space<vmem>> -> memref<128x64xf32, #tpu.memory_space<vmem>>
        %dma_wait3A_544 = arith.constant 0 : i32
        %dma_wait3A_545 = arith.constant 0 : i32
        %dma_wait3A_546 = tpu.memref_slice %arg2[%dma_wait3A_544, %dma_wait3A_545] : memref<10240x64xf32, #tpu.memory_space<hbm>> -> memref<128x64xf32, #tpu.memory_space<hbm>>
        tpu.wait_dma2 semaphore(%arg23 : memref<!tpu.dma_semaphore, #tpu.memory_space<semaphore_mem>>) src(%dma_wait3A_546 : memref<128x64xf32, #tpu.memory_space<hbm>>) dst(%dma_wait3A_543 : memref<128x64xf32, #tpu.memory_space<vmem>>)
      } else {
      }
      %dma_start3A_261 = arith.constant 6 : i32
      %dma_start3A_262 = arith.constant 0 : i32
      %dma_start3A_263 = arith.constant 0 : i32
      %dma_start3A_264 = tpu.memref_slice %arg7[%dma_start3A_261, %dma_start3A_262, %dma_start3A_263] : memref<8x128x64xf32, #tpu.memory_space<vmem>> -> memref<1x128x64xf32, #tpu.memory_space<vmem>>
      %dma_start3A_265 = tpu.memref_squeeze %dma_start3A_264 : memref<1x128x64xf32, #tpu.memory_space<vmem>> -> memref<128x64xf32, #tpu.memory_space<vmem>>
      %dma_start3A_266 = arith.constant 0 : i32
      %dma_start3A_267 = tpu.memref_slice %arg5[%add3A_255, %dma_start3A_266] : memref<80x128xi32, #tpu.memory_space<vmem>> -> memref<1x128xi32, #tpu.memory_space<vmem>>
      %dma_start3A_268 = tpu.memref_squeeze %dma_start3A_267 : memref<1x128xi32, #tpu.memory_space<vmem>> -> memref<128xi32, #tpu.memory_space<vmem>>
      %dma_start3A_269 = arith.constant 0 : i32
      %dma_start3A_270 = arith.constant 0 : i32
      %dma_start3A_271 = tpu.memref_slice %arg2[%dma_start3A_269, %dma_start3A_270] : memref<10240x64xf32, #tpu.memory_space<hbm>> -> memref<10240x64xf32, #tpu.memory_space<hbm>>
      tpu.enqueue_indirect_dma source(%dma_start3A_271 : memref<10240x64xf32, #tpu.memory_space<hbm>>) target(%dma_start3A_265 : memref<128x64xf32, #tpu.memory_space<vmem>>) offsets(%dma_start3A_268 : memref<128xi32, #tpu.memory_space<vmem>>) semaphore(%arg15 : memref<!tpu.dma_semaphore, #tpu.memory_space<semaphore_mem>>)
      %mul3A_272 = arith.constant 8 : i32
      %mul3A_273 = arith.muli %mul3A_272, %scan3A_135 : i32
      %add3A_274 = arith.constant 7 : i32
      %add3A_275 = arith.addi %mul3A_273, %add3A_274 : i32
      %gt3A_276 = arith.constant 0 : i32
      %gt3A_277 = arith.cmpi sgt, %scan3A_135, %gt3A_276 : i32
      %convert_element_type3A_278 = arith.extui %gt3A_277 : i1 to i32
      %cond3A_279 = arith.constant 0 : i32
      %cond3A_280 = arith.cmpi ne, %convert_element_type3A_278, %cond3A_279 : i32
      scf.if %cond3A_280 {
        %dma_wait3A_532 = arith.constant 7 : i32
        %dma_wait3A_533 = arith.constant 0 : i32
        %dma_wait3A_534 = arith.constant 0 : i32
        %dma_wait3A_535 = tpu.memref_slice %arg7[%dma_wait3A_532, %dma_wait3A_533, %dma_wait3A_534] : memref<8x128x64xf32, #tpu.memory_space<vmem>> -> memref<1x128x64xf32, #tpu.memory_space<vmem>>
        %dma_wait3A_536 = tpu.memref_squeeze %dma_wait3A_535 : memref<1x128x64xf32, #tpu.memory_space<vmem>> -> memref<128x64xf32, #tpu.memory_space<vmem>>
        %dma_wait3A_537 = arith.constant 0 : i32
        %dma_wait3A_538 = arith.constant 0 : i32
        %dma_wait3A_539 = tpu.memref_slice %arg2[%dma_wait3A_537, %dma_wait3A_538] : memref<10240x64xf32, #tpu.memory_space<hbm>> -> memref<128x64xf32, #tpu.memory_space<hbm>>
        %dma_wait3A_540 = arith.constant 0 : i32
        %dma_wait3A_541 = arith.constant 0 : i32
        %dma_wait3A_542 = tpu.memref_slice %arg7[%dma_wait3A_532, %dma_wait3A_540, %dma_wait3A_541] : memref<8x128x64xf32, #tpu.memory_space<vmem>> -> memref<1x128x64xf32, #tpu.memory_space<vmem>>
        %dma_wait3A_543 = tpu.memref_squeeze %dma_wait3A_542 : memref<1x128x64xf32, #tpu.memory_space<vmem>> -> memref<128x64xf32, #tpu.memory_space<vmem>>
        %dma_wait3A_544 = arith.constant 0 : i32
        %dma_wait3A_545 = arith.constant 0 : i32
        %dma_wait3A_546 = tpu.memref_slice %arg2[%dma_wait3A_544, %dma_wait3A_545] : memref<10240x64xf32, #tpu.memory_space<hbm>> -> memref<128x64xf32, #tpu.memory_space<hbm>>
        tpu.wait_dma2 semaphore(%arg24 : memref<!tpu.dma_semaphore, #tpu.memory_space<semaphore_mem>>) src(%dma_wait3A_546 : memref<128x64xf32, #tpu.memory_space<hbm>>) dst(%dma_wait3A_543 : memref<128x64xf32, #tpu.memory_space<vmem>>)
      } else {
      }
      %dma_start3A_281 = arith.constant 7 : i32
      %dma_start3A_282 = arith.constant 0 : i32
      %dma_start3A_283 = arith.constant 0 : i32
      %dma_start3A_284 = tpu.memref_slice %arg7[%dma_start3A_281, %dma_start3A_282, %dma_start3A_283] : memref<8x128x64xf32, #tpu.memory_space<vmem>> -> memref<1x128x64xf32, #tpu.memory_space<vmem>>
      %dma_start3A_285 = tpu.memref_squeeze %dma_start3A_284 : memref<1x128x64xf32, #tpu.memory_space<vmem>> -> memref<128x64xf32, #tpu.memory_space<vmem>>
      %dma_start3A_286 = arith.constant 0 : i32
      %dma_start3A_287 = tpu.memref_slice %arg5[%add3A_275, %dma_start3A_286] : memref<80x128xi32, #tpu.memory_space<vmem>> -> memref<1x128xi32, #tpu.memory_space<vmem>>
      %dma_start3A_288 = tpu.memref_squeeze %dma_start3A_287 : memref<1x128xi32, #tpu.memory_space<vmem>> -> memref<128xi32, #tpu.memory_space<vmem>>
      %dma_start3A_289 = arith.constant 0 : i32
      %dma_start3A_290 = arith.constant 0 : i32
      %dma_start3A_291 = tpu.memref_slice %arg2[%dma_start3A_289, %dma_start3A_290] : memref<10240x64xf32, #tpu.memory_space<hbm>> -> memref<10240x64xf32, #tpu.memory_space<hbm>>
      tpu.enqueue_indirect_dma source(%dma_start3A_291 : memref<10240x64xf32, #tpu.memory_space<hbm>>) target(%dma_start3A_285 : memref<128x64xf32, #tpu.memory_space<vmem>>) offsets(%dma_start3A_288 : memref<128xi32, #tpu.memory_space<vmem>>) semaphore(%arg16 : memref<!tpu.dma_semaphore, #tpu.memory_space<semaphore_mem>>)
      %mul3A_292 = arith.constant 8 : i32
      %mul3A_293 = arith.muli %mul3A_292, %scan3A_135 : i32
      %add3A_294 = arith.constant 0 : i32
      %add3A_295 = arith.addi %mul3A_293, %add3A_294 : i32
      %dma_wait3A_296 = arith.constant 0 : i32
      %dma_wait3A_297 = arith.constant 0 : i32
      %dma_wait3A_298 = arith.constant 0 : i32
      %dma_wait3A_299 = tpu.memref_slice %arg7[%dma_wait3A_296, %dma_wait3A_297, %dma_wait3A_298] : memref<8x128x64xf32, #tpu.memory_space<vmem>> -> memref<1x128x64xf32, #tpu.memory_space<vmem>>
      %dma_wait3A_300 = tpu.memref_squeeze %dma_wait3A_299 : memref<1x128x64xf32, #tpu.memory_space<vmem>> -> memref<128x64xf32, #tpu.memory_space<vmem>>
      %dma_wait3A_301 = arith.constant 0 : i32
      %dma_wait3A_302 = arith.constant 0 : i32
      %dma_wait3A_303 = tpu.memref_slice %arg2[%dma_wait3A_301, %dma_wait3A_302] : memref<10240x64xf32, #tpu.memory_space<hbm>> -> memref<128x64xf32, #tpu.memory_space<hbm>>
      %dma_wait3A_304 = arith.constant 0 : i32
      %dma_wait3A_305 = arith.constant 0 : i32
      %dma_wait3A_306 = tpu.memref_slice %arg7[%dma_wait3A_296, %dma_wait3A_304, %dma_wait3A_305] : memref<8x128x64xf32, #tpu.memory_space<vmem>> -> memref<1x128x64xf32, #tpu.memory_space<vmem>>
      %dma_wait3A_307 = tpu.memref_squeeze %dma_wait3A_306 : memref<1x128x64xf32, #tpu.memory_space<vmem>> -> memref<128x64xf32, #tpu.memory_space<vmem>>
      %dma_wait3A_308 = arith.constant 0 : i32
      %dma_wait3A_309 = arith.constant 0 : i32
      %dma_wait3A_310 = tpu.memref_slice %arg2[%dma_wait3A_308, %dma_wait3A_309] : memref<10240x64xf32, #tpu.memory_space<hbm>> -> memref<128x64xf32, #tpu.memory_space<hbm>>
      tpu.wait_dma2 semaphore(%arg9 : memref<!tpu.dma_semaphore, #tpu.memory_space<semaphore_mem>>) src(%dma_wait3A_310 : memref<128x64xf32, #tpu.memory_space<hbm>>) dst(%dma_wait3A_307 : memref<128x64xf32, #tpu.memory_space<vmem>>)
      %dma_start3A_311 = arith.constant 0 : i32
      %dma_start3A_312 = arith.constant 0 : i32
      %dma_start3A_313 = arith.constant 0 : i32
      %dma_start3A_314 = tpu.memref_slice %arg7[%dma_start3A_311, %dma_start3A_312, %dma_start3A_313] : memref<8x128x64xf32, #tpu.memory_space<vmem>> -> memref<1x128x64xf32, #tpu.memory_space<vmem>>
      %dma_start3A_315 = tpu.memref_squeeze %dma_start3A_314 : memref<1x128x64xf32, #tpu.memory_space<vmem>> -> memref<128x64xf32, #tpu.memory_space<vmem>>
      %dma_start3A_316 = arith.constant 0 : i32
      %dma_start3A_317 = tpu.memref_slice %arg6[%add3A_295, %dma_start3A_316] : memref<80x128xi32, #tpu.memory_space<vmem>> -> memref<1x128xi32, #tpu.memory_space<vmem>>
      %dma_start3A_318 = tpu.memref_squeeze %dma_start3A_317 : memref<1x128xi32, #tpu.memory_space<vmem>> -> memref<128xi32, #tpu.memory_space<vmem>>
      %dma_start3A_319 = arith.constant 0 : i32
      %dma_start3A_320 = arith.constant 0 : i32
      %dma_start3A_321 = tpu.memref_slice %arg8[%dma_start3A_319, %dma_start3A_320] : memref<10240x64xf32, #tpu.memory_space<vmem_shared>> -> memref<10240x64xf32, #tpu.memory_space<vmem_shared>>
      tpu.enqueue_indirect_dma source(%dma_start3A_315 : memref<128x64xf32, #tpu.memory_space<vmem>>) target(%dma_start3A_321 : memref<10240x64xf32, #tpu.memory_space<vmem_shared>>) offsets(%dma_start3A_318 : memref<128xi32, #tpu.memory_space<vmem>>) semaphore(%arg17 : memref<!tpu.dma_semaphore, #tpu.memory_space<semaphore_mem>>) {add = true}
      %mul3A_322 = arith.constant 8 : i32
      %mul3A_323 = arith.muli %mul3A_322, %scan3A_135 : i32
      %add3A_324 = arith.constant 1 : i32
      %add3A_325 = arith.addi %mul3A_323, %add3A_324 : i32
      %dma_wait3A_326 = arith.constant 1 : i32
      %dma_wait3A_327 = arith.constant 0 : i32
      %dma_wait3A_328 = arith.constant 0 : i32
      %dma_wait3A_329 = tpu.memref_slice %arg7[%dma_wait3A_326, %dma_wait3A_327, %dma_wait3A_328] : memref<8x128x64xf32, #tpu.memory_space<vmem>> -> memref<1x128x64xf32, #tpu.memory_space<vmem>>
      %dma_wait3A_330 = tpu.memref_squeeze %dma_wait3A_329 : memref<1x128x64xf32, #tpu.memory_space<vmem>> -> memref<128x64xf32, #tpu.memory_space<vmem>>
      %dma_wait3A_331 = arith.constant 0 : i32
      %dma_wait3A_332 = arith.constant 0 : i32
      %dma_wait3A_333 = tpu.memref_slice %arg2[%dma_wait3A_331, %dma_wait3A_332] : memref<10240x64xf32, #tpu.memory_space<hbm>> -> memref<128x64xf32, #tpu.memory_space<hbm>>
      %dma_wait3A_334 = arith.constant 0 : i32
      %dma_wait3A_335 = arith.constant 0 : i32
      %dma_wait3A_336 = tpu.memref_slice %arg7[%dma_wait3A_326, %dma_wait3A_334, %dma_wait3A_335] : memref<8x128x64xf32, #tpu.memory_space<vmem>> -> memref<1x128x64xf32, #tpu.memory_space<vmem>>
      %dma_wait3A_337 = tpu.memref_squeeze %dma_wait3A_336 : memref<1x128x64xf32, #tpu.memory_space<vmem>> -> memref<128x64xf32, #tpu.memory_space<vmem>>
      %dma_wait3A_338 = arith.constant 0 : i32
      %dma_wait3A_339 = arith.constant 0 : i32
      %dma_wait3A_340 = tpu.memref_slice %arg2[%dma_wait3A_338, %dma_wait3A_339] : memref<10240x64xf32, #tpu.memory_space<hbm>> -> memref<128x64xf32, #tpu.memory_space<hbm>>
      tpu.wait_dma2 semaphore(%arg10 : memref<!tpu.dma_semaphore, #tpu.memory_space<semaphore_mem>>) src(%dma_wait3A_340 : memref<128x64xf32, #tpu.memory_space<hbm>>) dst(%dma_wait3A_337 : memref<128x64xf32, #tpu.memory_space<vmem>>)
      %dma_start3A_341 = arith.constant 1 : i32
      %dma_start3A_342 = arith.constant 0 : i32
      %dma_start3A_343 = arith.constant 0 : i32
      %dma_start3A_344 = tpu.memref_slice %arg7[%dma_start3A_341, %dma_start3A_342, %dma_start3A_343] : memref<8x128x64xf32, #tpu.memory_space<vmem>> -> memref<1x128x64xf32, #tpu.memory_space<vmem>>
      %dma_start3A_345 = tpu.memref_squeeze %dma_start3A_344 : memref<1x128x64xf32, #tpu.memory_space<vmem>> -> memref<128x64xf32, #tpu.memory_space<vmem>>
      %dma_start3A_346 = arith.constant 0 : i32
      %dma_start3A_347 = tpu.memref_slice %arg6[%add3A_325, %dma_start3A_346] : memref<80x128xi32, #tpu.memory_space<vmem>> -> memref<1x128xi32, #tpu.memory_space<vmem>>
      %dma_start3A_348 = tpu.memref_squeeze %dma_start3A_347 : memref<1x128xi32, #tpu.memory_space<vmem>> -> memref<128xi32, #tpu.memory_space<vmem>>
      %dma_start3A_349 = arith.constant 0 : i32
      %dma_start3A_350 = arith.constant 0 : i32
      %dma_start3A_351 = tpu.memref_slice %arg8[%dma_start3A_349, %dma_start3A_350] : memref<10240x64xf32, #tpu.memory_space<vmem_shared>> -> memref<10240x64xf32, #tpu.memory_space<vmem_shared>>
      tpu.enqueue_indirect_dma source(%dma_start3A_345 : memref<128x64xf32, #tpu.memory_space<vmem>>) target(%dma_start3A_351 : memref<10240x64xf32, #tpu.memory_space<vmem_shared>>) offsets(%dma_start3A_348 : memref<128xi32, #tpu.memory_space<vmem>>) semaphore(%arg18 : memref<!tpu.dma_semaphore, #tpu.memory_space<semaphore_mem>>) {add = true}
      %mul3A_352 = arith.constant 8 : i32
      %mul3A_353 = arith.muli %mul3A_352, %scan3A_135 : i32
      %add3A_354 = arith.constant 2 : i32
      %add3A_355 = arith.addi %mul3A_353, %add3A_354 : i32
      %dma_wait3A_356 = arith.constant 2 : i32
      %dma_wait3A_357 = arith.constant 0 : i32
      %dma_wait3A_358 = arith.constant 0 : i32
      %dma_wait3A_359 = tpu.memref_slice %arg7[%dma_wait3A_356, %dma_wait3A_357, %dma_wait3A_358] : memref<8x128x64xf32, #tpu.memory_space<vmem>> -> memref<1x128x64xf32, #tpu.memory_space<vmem>>
      %dma_wait3A_360 = tpu.memref_squeeze %dma_wait3A_359 : memref<1x128x64xf32, #tpu.memory_space<vmem>> -> memref<128x64xf32, #tpu.memory_space<vmem>>
      %dma_wait3A_361 = arith.constant 0 : i32
      %dma_wait3A_362 = arith.constant 0 : i32
      %dma_wait3A_363 = tpu.memref_slice %arg2[%dma_wait3A_361, %dma_wait3A_362] : memref<10240x64xf32, #tpu.memory_space<hbm>> -> memref<128x64xf32, #tpu.memory_space<hbm>>
      %dma_wait3A_364 = arith.constant 0 : i32
      %dma_wait3A_365 = arith.constant 0 : i32
      %dma_wait3A_366 = tpu.memref_slice %arg7[%dma_wait3A_356, %dma_wait3A_364, %dma_wait3A_365] : memref<8x128x64xf32, #tpu.memory_space<vmem>> -> memref<1x128x64xf32, #tpu.memory_space<vmem>>
      %dma_wait3A_367 = tpu.memref_squeeze %dma_wait3A_366 : memref<1x128x64xf32, #tpu.memory_space<vmem>> -> memref<128x64xf32, #tpu.memory_space<vmem>>
      %dma_wait3A_368 = arith.constant 0 : i32
      %dma_wait3A_369 = arith.constant 0 : i32
      %dma_wait3A_370 = tpu.memref_slice %arg2[%dma_wait3A_368, %dma_wait3A_369] : memref<10240x64xf32, #tpu.memory_space<hbm>> -> memref<128x64xf32, #tpu.memory_space<hbm>>
      tpu.wait_dma2 semaphore(%arg11 : memref<!tpu.dma_semaphore, #tpu.memory_space<semaphore_mem>>) src(%dma_wait3A_370 : memref<128x64xf32, #tpu.memory_space<hbm>>) dst(%dma_wait3A_367 : memref<128x64xf32, #tpu.memory_space<vmem>>)
      %dma_start3A_371 = arith.constant 2 : i32
      %dma_start3A_372 = arith.constant 0 : i32
      %dma_start3A_373 = arith.constant 0 : i32
      %dma_start3A_374 = tpu.memref_slice %arg7[%dma_start3A_371, %dma_start3A_372, %dma_start3A_373] : memref<8x128x64xf32, #tpu.memory_space<vmem>> -> memref<1x128x64xf32, #tpu.memory_space<vmem>>
      %dma_start3A_375 = tpu.memref_squeeze %dma_start3A_374 : memref<1x128x64xf32, #tpu.memory_space<vmem>> -> memref<128x64xf32, #tpu.memory_space<vmem>>
      %dma_start3A_376 = arith.constant 0 : i32
      %dma_start3A_377 = tpu.memref_slice %arg6[%add3A_355, %dma_start3A_376] : memref<80x128xi32, #tpu.memory_space<vmem>> -> memref<1x128xi32, #tpu.memory_space<vmem>>
      %dma_start3A_378 = tpu.memref_squeeze %dma_start3A_377 : memref<1x128xi32, #tpu.memory_space<vmem>> -> memref<128xi32, #tpu.memory_space<vmem>>
      %dma_start3A_379 = arith.constant 0 : i32
      %dma_start3A_380 = arith.constant 0 : i32
      %dma_start3A_381 = tpu.memref_slice %arg8[%dma_start3A_379, %dma_start3A_380] : memref<10240x64xf32, #tpu.memory_space<vmem_shared>> -> memref<10240x64xf32, #tpu.memory_space<vmem_shared>>
      tpu.enqueue_indirect_dma source(%dma_start3A_375 : memref<128x64xf32, #tpu.memory_space<vmem>>) target(%dma_start3A_381 : memref<10240x64xf32, #tpu.memory_space<vmem_shared>>) offsets(%dma_start3A_378 : memref<128xi32, #tpu.memory_space<vmem>>) semaphore(%arg19 : memref<!tpu.dma_semaphore, #tpu.memory_space<semaphore_mem>>) {add = true}
      %mul3A_382 = arith.constant 8 : i32
      %mul3A_383 = arith.muli %mul3A_382, %scan3A_135 : i32
      %add3A_384 = arith.constant 3 : i32
      %add3A_385 = arith.addi %mul3A_383, %add3A_384 : i32
      %dma_wait3A_386 = arith.constant 3 : i32
      %dma_wait3A_387 = arith.constant 0 : i32
      %dma_wait3A_388 = arith.constant 0 : i32
      %dma_wait3A_389 = tpu.memref_slice %arg7[%dma_wait3A_386, %dma_wait3A_387, %dma_wait3A_388] : memref<8x128x64xf32, #tpu.memory_space<vmem>> -> memref<1x128x64xf32, #tpu.memory_space<vmem>>
      %dma_wait3A_390 = tpu.memref_squeeze %dma_wait3A_389 : memref<1x128x64xf32, #tpu.memory_space<vmem>> -> memref<128x64xf32, #tpu.memory_space<vmem>>
      %dma_wait3A_391 = arith.constant 0 : i32
      %dma_wait3A_392 = arith.constant 0 : i32
      %dma_wait3A_393 = tpu.memref_slice %arg2[%dma_wait3A_391, %dma_wait3A_392] : memref<10240x64xf32, #tpu.memory_space<hbm>> -> memref<128x64xf32, #tpu.memory_space<hbm>>
      %dma_wait3A_394 = arith.constant 0 : i32
      %dma_wait3A_395 = arith.constant 0 : i32
      %dma_wait3A_396 = tpu.memref_slice %arg7[%dma_wait3A_386, %dma_wait3A_394, %dma_wait3A_395] : memref<8x128x64xf32, #tpu.memory_space<vmem>> -> memref<1x128x64xf32, #tpu.memory_space<vmem>>
      %dma_wait3A_397 = tpu.memref_squeeze %dma_wait3A_396 : memref<1x128x64xf32, #tpu.memory_space<vmem>> -> memref<128x64xf32, #tpu.memory_space<vmem>>
      %dma_wait3A_398 = arith.constant 0 : i32
      %dma_wait3A_399 = arith.constant 0 : i32
      %dma_wait3A_400 = tpu.memref_slice %arg2[%dma_wait3A_398, %dma_wait3A_399] : memref<10240x64xf32, #tpu.memory_space<hbm>> -> memref<128x64xf32, #tpu.memory_space<hbm>>
      tpu.wait_dma2 semaphore(%arg12 : memref<!tpu.dma_semaphore, #tpu.memory_space<semaphore_mem>>) src(%dma_wait3A_400 : memref<128x64xf32, #tpu.memory_space<hbm>>) dst(%dma_wait3A_397 : memref<128x64xf32, #tpu.memory_space<vmem>>)
      %dma_start3A_401 = arith.constant 3 : i32
      %dma_start3A_402 = arith.constant 0 : i32
      %dma_start3A_403 = arith.constant 0 : i32
      %dma_start3A_404 = tpu.memref_slice %arg7[%dma_start3A_401, %dma_start3A_402, %dma_start3A_403] : memref<8x128x64xf32, #tpu.memory_space<vmem>> -> memref<1x128x64xf32, #tpu.memory_space<vmem>>
      %dma_start3A_405 = tpu.memref_squeeze %dma_start3A_404 : memref<1x128x64xf32, #tpu.memory_space<vmem>> -> memref<128x64xf32, #tpu.memory_space<vmem>>
      %dma_start3A_406 = arith.constant 0 : i32
      %dma_start3A_407 = tpu.memref_slice %arg6[%add3A_385, %dma_start3A_406] : memref<80x128xi32, #tpu.memory_space<vmem>> -> memref<1x128xi32, #tpu.memory_space<vmem>>
      %dma_start3A_408 = tpu.memref_squeeze %dma_start3A_407 : memref<1x128xi32, #tpu.memory_space<vmem>> -> memref<128xi32, #tpu.memory_space<vmem>>
      %dma_start3A_409 = arith.constant 0 : i32
      %dma_start3A_410 = arith.constant 0 : i32
      %dma_start3A_411 = tpu.memref_slice %arg8[%dma_start3A_409, %dma_start3A_410] : memref<10240x64xf32, #tpu.memory_space<vmem_shared>> -> memref<10240x64xf32, #tpu.memory_space<vmem_shared>>
      tpu.enqueue_indirect_dma source(%dma_start3A_405 : memref<128x64xf32, #tpu.memory_space<vmem>>) target(%dma_start3A_411 : memref<10240x64xf32, #tpu.memory_space<vmem_shared>>) offsets(%dma_start3A_408 : memref<128xi32, #tpu.memory_space<vmem>>) semaphore(%arg20 : memref<!tpu.dma_semaphore, #tpu.memory_space<semaphore_mem>>) {add = true}
      %mul3A_412 = arith.constant 8 : i32
      %mul3A_413 = arith.muli %mul3A_412, %scan3A_135 : i32
      %add3A_414 = arith.constant 4 : i32
      %add3A_415 = arith.addi %mul3A_413, %add3A_414 : i32
      %dma_wait3A_416 = arith.constant 4 : i32
      %dma_wait3A_417 = arith.constant 0 : i32
      %dma_wait3A_418 = arith.constant 0 : i32
      %dma_wait3A_419 = tpu.memref_slice %arg7[%dma_wait3A_416, %dma_wait3A_417, %dma_wait3A_418] : memref<8x128x64xf32, #tpu.memory_space<vmem>> -> memref<1x128x64xf32, #tpu.memory_space<vmem>>
      %dma_wait3A_420 = tpu.memref_squeeze %dma_wait3A_419 : memref<1x128x64xf32, #tpu.memory_space<vmem>> -> memref<128x64xf32, #tpu.memory_space<vmem>>
      %dma_wait3A_421 = arith.constant 0 : i32
      %dma_wait3A_422 = arith.constant 0 : i32
      %dma_wait3A_423 = tpu.memref_slice %arg2[%dma_wait3A_421, %dma_wait3A_422] : memref<10240x64xf32, #tpu.memory_space<hbm>> -> memref<128x64xf32, #tpu.memory_space<hbm>>
      %dma_wait3A_424 = arith.constant 0 : i32
      %dma_wait3A_425 = arith.constant 0 : i32
      %dma_wait3A_426 = tpu.memref_slice %arg7[%dma_wait3A_416, %dma_wait3A_424, %dma_wait3A_425] : memref<8x128x64xf32, #tpu.memory_space<vmem>> -> memref<1x128x64xf32, #tpu.memory_space<vmem>>
      %dma_wait3A_427 = tpu.memref_squeeze %dma_wait3A_426 : memref<1x128x64xf32, #tpu.memory_space<vmem>> -> memref<128x64xf32, #tpu.memory_space<vmem>>
      %dma_wait3A_428 = arith.constant 0 : i32
      %dma_wait3A_429 = arith.constant 0 : i32
      %dma_wait3A_430 = tpu.memref_slice %arg2[%dma_wait3A_428, %dma_wait3A_429] : memref<10240x64xf32, #tpu.memory_space<hbm>> -> memref<128x64xf32, #tpu.memory_space<hbm>>
      tpu.wait_dma2 semaphore(%arg13 : memref<!tpu.dma_semaphore, #tpu.memory_space<semaphore_mem>>) src(%dma_wait3A_430 : memref<128x64xf32, #tpu.memory_space<hbm>>) dst(%dma_wait3A_427 : memref<128x64xf32, #tpu.memory_space<vmem>>)
      %dma_start3A_431 = arith.constant 4 : i32
      %dma_start3A_432 = arith.constant 0 : i32
      %dma_start3A_433 = arith.constant 0 : i32
      %dma_start3A_434 = tpu.memref_slice %arg7[%dma_start3A_431, %dma_start3A_432, %dma_start3A_433] : memref<8x128x64xf32, #tpu.memory_space<vmem>> -> memref<1x128x64xf32, #tpu.memory_space<vmem>>
      %dma_start3A_435 = tpu.memref_squeeze %dma_start3A_434 : memref<1x128x64xf32, #tpu.memory_space<vmem>> -> memref<128x64xf32, #tpu.memory_space<vmem>>
      %dma_start3A_436 = arith.constant 0 : i32
      %dma_start3A_437 = tpu.memref_slice %arg6[%add3A_415, %dma_start3A_436] : memref<80x128xi32, #tpu.memory_space<vmem>> -> memref<1x128xi32, #tpu.memory_space<vmem>>
      %dma_start3A_438 = tpu.memref_squeeze %dma_start3A_437 : memref<1x128xi32, #tpu.memory_space<vmem>> -> memref<128xi32, #tpu.memory_space<vmem>>
      %dma_start3A_439 = arith.constant 0 : i32
      %dma_start3A_440 = arith.constant 0 : i32
      %dma_start3A_441 = tpu.memref_slice %arg8[%dma_start3A_439, %dma_start3A_440] : memref<10240x64xf32, #tpu.memory_space<vmem_shared>> -> memref<10240x64xf32, #tpu.memory_space<vmem_shared>>
      tpu.enqueue_indirect_dma source(%dma_start3A_435 : memref<128x64xf32, #tpu.memory_space<vmem>>) target(%dma_start3A_441 : memref<10240x64xf32, #tpu.memory_space<vmem_shared>>) offsets(%dma_start3A_438 : memref<128xi32, #tpu.memory_space<vmem>>) semaphore(%arg21 : memref<!tpu.dma_semaphore, #tpu.memory_space<semaphore_mem>>) {add = true}
      %mul3A_442 = arith.constant 8 : i32
      %mul3A_443 = arith.muli %mul3A_442, %scan3A_135 : i32
      %add3A_444 = arith.constant 5 : i32
      %add3A_445 = arith.addi %mul3A_443, %add3A_444 : i32
      %dma_wait3A_446 = arith.constant 5 : i32
      %dma_wait3A_447 = arith.constant 0 : i32
      %dma_wait3A_448 = arith.constant 0 : i32
      %dma_wait3A_449 = tpu.memref_slice %arg7[%dma_wait3A_446, %dma_wait3A_447, %dma_wait3A_448] : memref<8x128x64xf32, #tpu.memory_space<vmem>> -> memref<1x128x64xf32, #tpu.memory_space<vmem>>
      %dma_wait3A_450 = tpu.memref_squeeze %dma_wait3A_449 : memref<1x128x64xf32, #tpu.memory_space<vmem>> -> memref<128x64xf32, #tpu.memory_space<vmem>>
      %dma_wait3A_451 = arith.constant 0 : i32
      %dma_wait3A_452 = arith.constant 0 : i32
      %dma_wait3A_453 = tpu.memref_slice %arg2[%dma_wait3A_451, %dma_wait3A_452] : memref<10240x64xf32, #tpu.memory_space<hbm>> -> memref<128x64xf32, #tpu.memory_space<hbm>>
      %dma_wait3A_454 = arith.constant 0 : i32
      %dma_wait3A_455 = arith.constant 0 : i32
      %dma_wait3A_456 = tpu.memref_slice %arg7[%dma_wait3A_446, %dma_wait3A_454, %dma_wait3A_455] : memref<8x128x64xf32, #tpu.memory_space<vmem>> -> memref<1x128x64xf32, #tpu.memory_space<vmem>>
      %dma_wait3A_457 = tpu.memref_squeeze %dma_wait3A_456 : memref<1x128x64xf32, #tpu.memory_space<vmem>> -> memref<128x64xf32, #tpu.memory_space<vmem>>
      %dma_wait3A_458 = arith.constant 0 : i32
      %dma_wait3A_459 = arith.constant 0 : i32
      %dma_wait3A_460 = tpu.memref_slice %arg2[%dma_wait3A_458, %dma_wait3A_459] : memref<10240x64xf32, #tpu.memory_space<hbm>> -> memref<128x64xf32, #tpu.memory_space<hbm>>
      tpu.wait_dma2 semaphore(%arg14 : memref<!tpu.dma_semaphore, #tpu.memory_space<semaphore_mem>>) src(%dma_wait3A_460 : memref<128x64xf32, #tpu.memory_space<hbm>>) dst(%dma_wait3A_457 : memref<128x64xf32, #tpu.memory_space<vmem>>)
      %dma_start3A_461 = arith.constant 5 : i32
      %dma_start3A_462 = arith.constant 0 : i32
      %dma_start3A_463 = arith.constant 0 : i32
      %dma_start3A_464 = tpu.memref_slice %arg7[%dma_start3A_461, %dma_start3A_462, %dma_start3A_463] : memref<8x128x64xf32, #tpu.memory_space<vmem>> -> memref<1x128x64xf32, #tpu.memory_space<vmem>>
      %dma_start3A_465 = tpu.memref_squeeze %dma_start3A_464 : memref<1x128x64xf32, #tpu.memory_space<vmem>> -> memref<128x64xf32, #tpu.memory_space<vmem>>
      %dma_start3A_466 = arith.constant 0 : i32
      %dma_start3A_467 = tpu.memref_slice %arg6[%add3A_445, %dma_start3A_466] : memref<80x128xi32, #tpu.memory_space<vmem>> -> memref<1x128xi32, #tpu.memory_space<vmem>>
      %dma_start3A_468 = tpu.memref_squeeze %dma_start3A_467 : memref<1x128xi32, #tpu.memory_space<vmem>> -> memref<128xi32, #tpu.memory_space<vmem>>
      %dma_start3A_469 = arith.constant 0 : i32
      %dma_start3A_470 = arith.constant 0 : i32
      %dma_start3A_471 = tpu.memref_slice %arg8[%dma_start3A_469, %dma_start3A_470] : memref<10240x64xf32, #tpu.memory_space<vmem_shared>> -> memref<10240x64xf32, #tpu.memory_space<vmem_shared>>
      tpu.enqueue_indirect_dma source(%dma_start3A_465 : memref<128x64xf32, #tpu.memory_space<vmem>>) target(%dma_start3A_471 : memref<10240x64xf32, #tpu.memory_space<vmem_shared>>) offsets(%dma_start3A_468 : memref<128xi32, #tpu.memory_space<vmem>>) semaphore(%arg22 : memref<!tpu.dma_semaphore, #tpu.memory_space<semaphore_mem>>) {add = true}
      %mul3A_472 = arith.constant 8 : i32
      %mul3A_473 = arith.muli %mul3A_472, %scan3A_135 : i32
      %add3A_474 = arith.constant 6 : i32
      %add3A_475 = arith.addi %mul3A_473, %add3A_474 : i32
      %dma_wait3A_476 = arith.constant 6 : i32
      %dma_wait3A_477 = arith.constant 0 : i32
      %dma_wait3A_478 = arith.constant 0 : i32
      %dma_wait3A_479 = tpu.memref_slice %arg7[%dma_wait3A_476, %dma_wait3A_477, %dma_wait3A_478] : memref<8x128x64xf32, #tpu.memory_space<vmem>> -> memref<1x128x64xf32, #tpu.memory_space<vmem>>
      %dma_wait3A_480 = tpu.memref_squeeze %dma_wait3A_479 : memref<1x128x64xf32, #tpu.memory_space<vmem>> -> memref<128x64xf32, #tpu.memory_space<vmem>>
      %dma_wait3A_481 = arith.constant 0 : i32
      %dma_wait3A_482 = arith.constant 0 : i32
      %dma_wait3A_483 = tpu.memref_slice %arg2[%dma_wait3A_481, %dma_wait3A_482] : memref<10240x64xf32, #tpu.memory_space<hbm>> -> memref<128x64xf32, #tpu.memory_space<hbm>>
      %dma_wait3A_484 = arith.constant 0 : i32
      %dma_wait3A_485 = arith.constant 0 : i32
      %dma_wait3A_486 = tpu.memref_slice %arg7[%dma_wait3A_476, %dma_wait3A_484, %dma_wait3A_485] : memref<8x128x64xf32, #tpu.memory_space<vmem>> -> memref<1x128x64xf32, #tpu.memory_space<vmem>>
      %dma_wait3A_487 = tpu.memref_squeeze %dma_wait3A_486 : memref<1x128x64xf32, #tpu.memory_space<vmem>> -> memref<128x64xf32, #tpu.memory_space<vmem>>
      %dma_wait3A_488 = arith.constant 0 : i32
      %dma_wait3A_489 = arith.constant 0 : i32
      %dma_wait3A_490 = tpu.memref_slice %arg2[%dma_wait3A_488, %dma_wait3A_489] : memref<10240x64xf32, #tpu.memory_space<hbm>> -> memref<128x64xf32, #tpu.memory_space<hbm>>
      tpu.wait_dma2 semaphore(%arg15 : memref<!tpu.dma_semaphore, #tpu.memory_space<semaphore_mem>>) src(%dma_wait3A_490 : memref<128x64xf32, #tpu.memory_space<hbm>>) dst(%dma_wait3A_487 : memref<128x64xf32, #tpu.memory_space<vmem>>)
      %dma_start3A_491 = arith.constant 6 : i32
      %dma_start3A_492 = arith.constant 0 : i32
      %dma_start3A_493 = arith.constant 0 : i32
      %dma_start3A_494 = tpu.memref_slice %arg7[%dma_start3A_491, %dma_start3A_492, %dma_start3A_493] : memref<8x128x64xf32, #tpu.memory_space<vmem>> -> memref<1x128x64xf32, #tpu.memory_space<vmem>>
      %dma_start3A_495 = tpu.memref_squeeze %dma_start3A_494 : memref<1x128x64xf32, #tpu.memory_space<vmem>> -> memref<128x64xf32, #tpu.memory_space<vmem>>
      %dma_start3A_496 = arith.constant 0 : i32
      %dma_start3A_497 = tpu.memref_slice %arg6[%add3A_475, %dma_start3A_496] : memref<80x128xi32, #tpu.memory_space<vmem>> -> memref<1x128xi32, #tpu.memory_space<vmem>>
      %dma_start3A_498 = tpu.memref_squeeze %dma_start3A_497 : memref<1x128xi32, #tpu.memory_space<vmem>> -> memref<128xi32, #tpu.memory_space<vmem>>
      %dma_start3A_499 = arith.constant 0 : i32
      %dma_start3A_500 = arith.constant 0 : i32
      %dma_start3A_501 = tpu.memref_slice %arg8[%dma_start3A_499, %dma_start3A_500] : memref<10240x64xf32, #tpu.memory_space<vmem_shared>> -> memref<10240x64xf32, #tpu.memory_space<vmem_shared>>
      tpu.enqueue_indirect_dma source(%dma_start3A_495 : memref<128x64xf32, #tpu.memory_space<vmem>>) target(%dma_start3A_501 : memref<10240x64xf32, #tpu.memory_space<vmem_shared>>) offsets(%dma_start3A_498 : memref<128xi32, #tpu.memory_space<vmem>>) semaphore(%arg23 : memref<!tpu.dma_semaphore, #tpu.memory_space<semaphore_mem>>) {add = true}
      %mul3A_502 = arith.constant 8 : i32
      %mul3A_503 = arith.muli %mul3A_502, %scan3A_135 : i32
      %add3A_504 = arith.constant 7 : i32
      %add3A_505 = arith.addi %mul3A_503, %add3A_504 : i32
      %dma_wait3A_506 = arith.constant 7 : i32
      %dma_wait3A_507 = arith.constant 0 : i32
      %dma_wait3A_508 = arith.constant 0 : i32
      %dma_wait3A_509 = tpu.memref_slice %arg7[%dma_wait3A_506, %dma_wait3A_507, %dma_wait3A_508] : memref<8x128x64xf32, #tpu.memory_space<vmem>> -> memref<1x128x64xf32, #tpu.memory_space<vmem>>
      %dma_wait3A_510 = tpu.memref_squeeze %dma_wait3A_509 : memref<1x128x64xf32, #tpu.memory_space<vmem>> -> memref<128x64xf32, #tpu.memory_space<vmem>>
      %dma_wait3A_511 = arith.constant 0 : i32
      %dma_wait3A_512 = arith.constant 0 : i32
      %dma_wait3A_513 = tpu.memref_slice %arg2[%dma_wait3A_511, %dma_wait3A_512] : memref<10240x64xf32, #tpu.memory_space<hbm>> -> memref<128x64xf32, #tpu.memory_space<hbm>>
      %dma_wait3A_514 = arith.constant 0 : i32
      %dma_wait3A_515 = arith.constant 0 : i32
      %dma_wait3A_516 = tpu.memref_slice %arg7[%dma_wait3A_506, %dma_wait3A_514, %dma_wait3A_515] : memref<8x128x64xf32, #tpu.memory_space<vmem>> -> memref<1x128x64xf32, #tpu.memory_space<vmem>>
      %dma_wait3A_517 = tpu.memref_squeeze %dma_wait3A_516 : memref<1x128x64xf32, #tpu.memory_space<vmem>> -> memref<128x64xf32, #tpu.memory_space<vmem>>
      %dma_wait3A_518 = arith.constant 0 : i32
      %dma_wait3A_519 = arith.constant 0 : i32
      %dma_wait3A_520 = tpu.memref_slice %arg2[%dma_wait3A_518, %dma_wait3A_519] : memref<10240x64xf32, #tpu.memory_space<hbm>> -> memref<128x64xf32, #tpu.memory_space<hbm>>
      tpu.wait_dma2 semaphore(%arg16 : memref<!tpu.dma_semaphore, #tpu.memory_space<semaphore_mem>>) src(%dma_wait3A_520 : memref<128x64xf32, #tpu.memory_space<hbm>>) dst(%dma_wait3A_517 : memref<128x64xf32, #tpu.memory_space<vmem>>)
      %dma_start3A_521 = arith.constant 7 : i32
      %dma_start3A_522 = arith.constant 0 : i32
      %dma_start3A_523 = arith.constant 0 : i32
      %dma_start3A_524 = tpu.memref_slice %arg7[%dma_start3A_521, %dma_start3A_522, %dma_start3A_523] : memref<8x128x64xf32, #tpu.memory_space<vmem>> -> memref<1x128x64xf32, #tpu.memory_space<vmem>>
      %dma_start3A_525 = tpu.memref_squeeze %dma_start3A_524 : memref<1x128x64xf32, #tpu.memory_space<vmem>> -> memref<128x64xf32, #tpu.memory_space<vmem>>
      %dma_start3A_526 = arith.constant 0 : i32
      %dma_start3A_527 = tpu.memref_slice %arg6[%add3A_505, %dma_start3A_526] : memref<80x128xi32, #tpu.memory_space<vmem>> -> memref<1x128xi32, #tpu.memory_space<vmem>>
      %dma_start3A_528 = tpu.memref_squeeze %dma_start3A_527 : memref<1x128xi32, #tpu.memory_space<vmem>> -> memref<128xi32, #tpu.memory_space<vmem>>
      %dma_start3A_529 = arith.constant 0 : i32
      %dma_start3A_530 = arith.constant 0 : i32
      %dma_start3A_531 = tpu.memref_slice %arg8[%dma_start3A_529, %dma_start3A_530] : memref<10240x64xf32, #tpu.memory_space<vmem_shared>> -> memref<10240x64xf32, #tpu.memory_space<vmem_shared>>
      tpu.enqueue_indirect_dma source(%dma_start3A_525 : memref<128x64xf32, #tpu.memory_space<vmem>>) target(%dma_start3A_531 : memref<10240x64xf32, #tpu.memory_space<vmem_shared>>) offsets(%dma_start3A_528 : memref<128xi32, #tpu.memory_space<vmem>>) semaphore(%arg24 : memref<!tpu.dma_semaphore, #tpu.memory_space<semaphore_mem>>) {add = true}
    }
    %scan3A_10 = arith.constant 10 : i32
    %dma_wait3A = arith.constant 0 : i32
    %dma_wait3A_11 = arith.constant 0 : i32
    %dma_wait3A_12 = arith.constant 0 : i32
    %dma_wait3A_13 = tpu.memref_slice %arg7[%dma_wait3A, %dma_wait3A_11, %dma_wait3A_12] : memref<8x128x64xf32, #tpu.memory_space<vmem>> -> memref<1x128x64xf32, #tpu.memory_space<vmem>>
    %dma_wait3A_14 = tpu.memref_squeeze %dma_wait3A_13 : memref<1x128x64xf32, #tpu.memory_space<vmem>> -> memref<128x64xf32, #tpu.memory_space<vmem>>
    %dma_wait3A_15 = arith.constant 0 : i32
    %dma_wait3A_16 = arith.constant 0 : i32
    %dma_wait3A_17 = tpu.memref_slice %arg2[%dma_wait3A_15, %dma_wait3A_16] : memref<10240x64xf32, #tpu.memory_space<hbm>> -> memref<128x64xf32, #tpu.memory_space<hbm>>
    %dma_wait3A_18 = arith.constant 0 : i32
    %dma_wait3A_19 = arith.constant 0 : i32
    %dma_wait3A_20 = tpu.memref_slice %arg7[%dma_wait3A, %dma_wait3A_18, %dma_wait3A_19] : memref<8x128x64xf32, #tpu.memory_space<vmem>> -> memref<1x128x64xf32, #tpu.memory_space<vmem>>
    %dma_wait3A_21 = tpu.memref_squeeze %dma_wait3A_20 : memref<1x128x64xf32, #tpu.memory_space<vmem>> -> memref<128x64xf32, #tpu.memory_space<vmem>>
    %dma_wait3A_22 = arith.constant 0 : i32
    %dma_wait3A_23 = arith.constant 0 : i32
    %dma_wait3A_24 = tpu.memref_slice %arg2[%dma_wait3A_22, %dma_wait3A_23] : memref<10240x64xf32, #tpu.memory_space<hbm>> -> memref<128x64xf32, #tpu.memory_space<hbm>>
    tpu.wait_dma2 semaphore(%arg17 : memref<!tpu.dma_semaphore, #tpu.memory_space<semaphore_mem>>) src(%dma_wait3A_24 : memref<128x64xf32, #tpu.memory_space<hbm>>) dst(%dma_wait3A_21 : memref<128x64xf32, #tpu.memory_space<vmem>>)
    %dma_wait3A_25 = arith.constant 1 : i32
    %dma_wait3A_26 = arith.constant 0 : i32
    %dma_wait3A_27 = arith.constant 0 : i32
    %dma_wait3A_28 = tpu.memref_slice %arg7[%dma_wait3A_25, %dma_wait3A_26, %dma_wait3A_27] : memref<8x128x64xf32, #tpu.memory_space<vmem>> -> memref<1x128x64xf32, #tpu.memory_space<vmem>>
    %dma_wait3A_29 = tpu.memref_squeeze %dma_wait3A_28 : memref<1x128x64xf32, #tpu.memory_space<vmem>> -> memref<128x64xf32, #tpu.memory_space<vmem>>
    %dma_wait3A_30 = arith.constant 0 : i32
    %dma_wait3A_31 = arith.constant 0 : i32
    %dma_wait3A_32 = tpu.memref_slice %arg2[%dma_wait3A_30, %dma_wait3A_31] : memref<10240x64xf32, #tpu.memory_space<hbm>> -> memref<128x64xf32, #tpu.memory_space<hbm>>
    %dma_wait3A_33 = arith.constant 0 : i32
    %dma_wait3A_34 = arith.constant 0 : i32
    %dma_wait3A_35 = tpu.memref_slice %arg7[%dma_wait3A_25, %dma_wait3A_33, %dma_wait3A_34] : memref<8x128x64xf32, #tpu.memory_space<vmem>> -> memref<1x128x64xf32, #tpu.memory_space<vmem>>
    %dma_wait3A_36 = tpu.memref_squeeze %dma_wait3A_35 : memref<1x128x64xf32, #tpu.memory_space<vmem>> -> memref<128x64xf32, #tpu.memory_space<vmem>>
    %dma_wait3A_37 = arith.constant 0 : i32
    %dma_wait3A_38 = arith.constant 0 : i32
    %dma_wait3A_39 = tpu.memref_slice %arg2[%dma_wait3A_37, %dma_wait3A_38] : memref<10240x64xf32, #tpu.memory_space<hbm>> -> memref<128x64xf32, #tpu.memory_space<hbm>>
    tpu.wait_dma2 semaphore(%arg18 : memref<!tpu.dma_semaphore, #tpu.memory_space<semaphore_mem>>) src(%dma_wait3A_39 : memref<128x64xf32, #tpu.memory_space<hbm>>) dst(%dma_wait3A_36 : memref<128x64xf32, #tpu.memory_space<vmem>>)
    %dma_wait3A_40 = arith.constant 2 : i32
    %dma_wait3A_41 = arith.constant 0 : i32
    %dma_wait3A_42 = arith.constant 0 : i32
    %dma_wait3A_43 = tpu.memref_slice %arg7[%dma_wait3A_40, %dma_wait3A_41, %dma_wait3A_42] : memref<8x128x64xf32, #tpu.memory_space<vmem>> -> memref<1x128x64xf32, #tpu.memory_space<vmem>>
    %dma_wait3A_44 = tpu.memref_squeeze %dma_wait3A_43 : memref<1x128x64xf32, #tpu.memory_space<vmem>> -> memref<128x64xf32, #tpu.memory_space<vmem>>
    %dma_wait3A_45 = arith.constant 0 : i32
    %dma_wait3A_46 = arith.constant 0 : i32
    %dma_wait3A_47 = tpu.memref_slice %arg2[%dma_wait3A_45, %dma_wait3A_46] : memref<10240x64xf32, #tpu.memory_space<hbm>> -> memref<128x64xf32, #tpu.memory_space<hbm>>
    %dma_wait3A_48 = arith.constant 0 : i32
    %dma_wait3A_49 = arith.constant 0 : i32
    %dma_wait3A_50 = tpu.memref_slice %arg7[%dma_wait3A_40, %dma_wait3A_48, %dma_wait3A_49] : memref<8x128x64xf32, #tpu.memory_space<vmem>> -> memref<1x128x64xf32, #tpu.memory_space<vmem>>
    %dma_wait3A_51 = tpu.memref_squeeze %dma_wait3A_50 : memref<1x128x64xf32, #tpu.memory_space<vmem>> -> memref<128x64xf32, #tpu.memory_space<vmem>>
    %dma_wait3A_52 = arith.constant 0 : i32
    %dma_wait3A_53 = arith.constant 0 : i32
    %dma_wait3A_54 = tpu.memref_slice %arg2[%dma_wait3A_52, %dma_wait3A_53] : memref<10240x64xf32, #tpu.memory_space<hbm>> -> memref<128x64xf32, #tpu.memory_space<hbm>>
    tpu.wait_dma2 semaphore(%arg19 : memref<!tpu.dma_semaphore, #tpu.memory_space<semaphore_mem>>) src(%dma_wait3A_54 : memref<128x64xf32, #tpu.memory_space<hbm>>) dst(%dma_wait3A_51 : memref<128x64xf32, #tpu.memory_space<vmem>>)
    %dma_wait3A_55 = arith.constant 3 : i32
    %dma_wait3A_56 = arith.constant 0 : i32
    %dma_wait3A_57 = arith.constant 0 : i32
    %dma_wait3A_58 = tpu.memref_slice %arg7[%dma_wait3A_55, %dma_wait3A_56, %dma_wait3A_57] : memref<8x128x64xf32, #tpu.memory_space<vmem>> -> memref<1x128x64xf32, #tpu.memory_space<vmem>>
    %dma_wait3A_59 = tpu.memref_squeeze %dma_wait3A_58 : memref<1x128x64xf32, #tpu.memory_space<vmem>> -> memref<128x64xf32, #tpu.memory_space<vmem>>
    %dma_wait3A_60 = arith.constant 0 : i32
    %dma_wait3A_61 = arith.constant 0 : i32
    %dma_wait3A_62 = tpu.memref_slice %arg2[%dma_wait3A_60, %dma_wait3A_61] : memref<10240x64xf32, #tpu.memory_space<hbm>> -> memref<128x64xf32, #tpu.memory_space<hbm>>
    %dma_wait3A_63 = arith.constant 0 : i32
    %dma_wait3A_64 = arith.constant 0 : i32
    %dma_wait3A_65 = tpu.memref_slice %arg7[%dma_wait3A_55, %dma_wait3A_63, %dma_wait3A_64] : memref<8x128x64xf32, #tpu.memory_space<vmem>> -> memref<1x128x64xf32, #tpu.memory_space<vmem>>
    %dma_wait3A_66 = tpu.memref_squeeze %dma_wait3A_65 : memref<1x128x64xf32, #tpu.memory_space<vmem>> -> memref<128x64xf32, #tpu.memory_space<vmem>>
    %dma_wait3A_67 = arith.constant 0 : i32
    %dma_wait3A_68 = arith.constant 0 : i32
    %dma_wait3A_69 = tpu.memref_slice %arg2[%dma_wait3A_67, %dma_wait3A_68] : memref<10240x64xf32, #tpu.memory_space<hbm>> -> memref<128x64xf32, #tpu.memory_space<hbm>>
    tpu.wait_dma2 semaphore(%arg20 : memref<!tpu.dma_semaphore, #tpu.memory_space<semaphore_mem>>) src(%dma_wait3A_69 : memref<128x64xf32, #tpu.memory_space<hbm>>) dst(%dma_wait3A_66 : memref<128x64xf32, #tpu.memory_space<vmem>>)
    %dma_wait3A_70 = arith.constant 4 : i32
    %dma_wait3A_71 = arith.constant 0 : i32
    %dma_wait3A_72 = arith.constant 0 : i32
    %dma_wait3A_73 = tpu.memref_slice %arg7[%dma_wait3A_70, %dma_wait3A_71, %dma_wait3A_72] : memref<8x128x64xf32, #tpu.memory_space<vmem>> -> memref<1x128x64xf32, #tpu.memory_space<vmem>>
    %dma_wait3A_74 = tpu.memref_squeeze %dma_wait3A_73 : memref<1x128x64xf32, #tpu.memory_space<vmem>> -> memref<128x64xf32, #tpu.memory_space<vmem>>
    %dma_wait3A_75 = arith.constant 0 : i32
    %dma_wait3A_76 = arith.constant 0 : i32
    %dma_wait3A_77 = tpu.memref_slice %arg2[%dma_wait3A_75, %dma_wait3A_76] : memref<10240x64xf32, #tpu.memory_space<hbm>> -> memref<128x64xf32, #tpu.memory_space<hbm>>
    %dma_wait3A_78 = arith.constant 0 : i32
    %dma_wait3A_79 = arith.constant 0 : i32
    %dma_wait3A_80 = tpu.memref_slice %arg7[%dma_wait3A_70, %dma_wait3A_78, %dma_wait3A_79] : memref<8x128x64xf32, #tpu.memory_space<vmem>> -> memref<1x128x64xf32, #tpu.memory_space<vmem>>
    %dma_wait3A_81 = tpu.memref_squeeze %dma_wait3A_80 : memref<1x128x64xf32, #tpu.memory_space<vmem>> -> memref<128x64xf32, #tpu.memory_space<vmem>>
    %dma_wait3A_82 = arith.constant 0 : i32
    %dma_wait3A_83 = arith.constant 0 : i32
    %dma_wait3A_84 = tpu.memref_slice %arg2[%dma_wait3A_82, %dma_wait3A_83] : memref<10240x64xf32, #tpu.memory_space<hbm>> -> memref<128x64xf32, #tpu.memory_space<hbm>>
    tpu.wait_dma2 semaphore(%arg21 : memref<!tpu.dma_semaphore, #tpu.memory_space<semaphore_mem>>) src(%dma_wait3A_84 : memref<128x64xf32, #tpu.memory_space<hbm>>) dst(%dma_wait3A_81 : memref<128x64xf32, #tpu.memory_space<vmem>>)
    %dma_wait3A_85 = arith.constant 5 : i32
    %dma_wait3A_86 = arith.constant 0 : i32
    %dma_wait3A_87 = arith.constant 0 : i32
    %dma_wait3A_88 = tpu.memref_slice %arg7[%dma_wait3A_85, %dma_wait3A_86, %dma_wait3A_87] : memref<8x128x64xf32, #tpu.memory_space<vmem>> -> memref<1x128x64xf32, #tpu.memory_space<vmem>>
    %dma_wait3A_89 = tpu.memref_squeeze %dma_wait3A_88 : memref<1x128x64xf32, #tpu.memory_space<vmem>> -> memref<128x64xf32, #tpu.memory_space<vmem>>
    %dma_wait3A_90 = arith.constant 0 : i32
    %dma_wait3A_91 = arith.constant 0 : i32
    %dma_wait3A_92 = tpu.memref_slice %arg2[%dma_wait3A_90, %dma_wait3A_91] : memref<10240x64xf32, #tpu.memory_space<hbm>> -> memref<128x64xf32, #tpu.memory_space<hbm>>
    %dma_wait3A_93 = arith.constant 0 : i32
    %dma_wait3A_94 = arith.constant 0 : i32
    %dma_wait3A_95 = tpu.memref_slice %arg7[%dma_wait3A_85, %dma_wait3A_93, %dma_wait3A_94] : memref<8x128x64xf32, #tpu.memory_space<vmem>> -> memref<1x128x64xf32, #tpu.memory_space<vmem>>
    %dma_wait3A_96 = tpu.memref_squeeze %dma_wait3A_95 : memref<1x128x64xf32, #tpu.memory_space<vmem>> -> memref<128x64xf32, #tpu.memory_space<vmem>>
    %dma_wait3A_97 = arith.constant 0 : i32
    %dma_wait3A_98 = arith.constant 0 : i32
    %dma_wait3A_99 = tpu.memref_slice %arg2[%dma_wait3A_97, %dma_wait3A_98] : memref<10240x64xf32, #tpu.memory_space<hbm>> -> memref<128x64xf32, #tpu.memory_space<hbm>>
    tpu.wait_dma2 semaphore(%arg22 : memref<!tpu.dma_semaphore, #tpu.memory_space<semaphore_mem>>) src(%dma_wait3A_99 : memref<128x64xf32, #tpu.memory_space<hbm>>) dst(%dma_wait3A_96 : memref<128x64xf32, #tpu.memory_space<vmem>>)
    %dma_wait3A_100 = arith.constant 6 : i32
    %dma_wait3A_101 = arith.constant 0 : i32
    %dma_wait3A_102 = arith.constant 0 : i32
    %dma_wait3A_103 = tpu.memref_slice %arg7[%dma_wait3A_100, %dma_wait3A_101, %dma_wait3A_102] : memref<8x128x64xf32, #tpu.memory_space<vmem>> -> memref<1x128x64xf32, #tpu.memory_space<vmem>>
    %dma_wait3A_104 = tpu.memref_squeeze %dma_wait3A_103 : memref<1x128x64xf32, #tpu.memory_space<vmem>> -> memref<128x64xf32, #tpu.memory_space<vmem>>
    %dma_wait3A_105 = arith.constant 0 : i32
    %dma_wait3A_106 = arith.constant 0 : i32
    %dma_wait3A_107 = tpu.memref_slice %arg2[%dma_wait3A_105, %dma_wait3A_106] : memref<10240x64xf32, #tpu.memory_space<hbm>> -> memref<128x64xf32, #tpu.memory_space<hbm>>
    %dma_wait3A_108 = arith.constant 0 : i32
    %dma_wait3A_109 = arith.constant 0 : i32
    %dma_wait3A_110 = tpu.memref_slice %arg7[%dma_wait3A_100, %dma_wait3A_108, %dma_wait3A_109] : memref<8x128x64xf32, #tpu.memory_space<vmem>> -> memref<1x128x64xf32, #tpu.memory_space<vmem>>
    %dma_wait3A_111 = tpu.memref_squeeze %dma_wait3A_110 : memref<1x128x64xf32, #tpu.memory_space<vmem>> -> memref<128x64xf32, #tpu.memory_space<vmem>>
    %dma_wait3A_112 = arith.constant 0 : i32
    %dma_wait3A_113 = arith.constant 0 : i32
    %dma_wait3A_114 = tpu.memref_slice %arg2[%dma_wait3A_112, %dma_wait3A_113] : memref<10240x64xf32, #tpu.memory_space<hbm>> -> memref<128x64xf32, #tpu.memory_space<hbm>>
    tpu.wait_dma2 semaphore(%arg23 : memref<!tpu.dma_semaphore, #tpu.memory_space<semaphore_mem>>) src(%dma_wait3A_114 : memref<128x64xf32, #tpu.memory_space<hbm>>) dst(%dma_wait3A_111 : memref<128x64xf32, #tpu.memory_space<vmem>>)
    %dma_wait3A_115 = arith.constant 7 : i32
    %dma_wait3A_116 = arith.constant 0 : i32
    %dma_wait3A_117 = arith.constant 0 : i32
    %dma_wait3A_118 = tpu.memref_slice %arg7[%dma_wait3A_115, %dma_wait3A_116, %dma_wait3A_117] : memref<8x128x64xf32, #tpu.memory_space<vmem>> -> memref<1x128x64xf32, #tpu.memory_space<vmem>>
    %dma_wait3A_119 = tpu.memref_squeeze %dma_wait3A_118 : memref<1x128x64xf32, #tpu.memory_space<vmem>> -> memref<128x64xf32, #tpu.memory_space<vmem>>
    %dma_wait3A_120 = arith.constant 0 : i32
    %dma_wait3A_121 = arith.constant 0 : i32
    %dma_wait3A_122 = tpu.memref_slice %arg2[%dma_wait3A_120, %dma_wait3A_121] : memref<10240x64xf32, #tpu.memory_space<hbm>> -> memref<128x64xf32, #tpu.memory_space<hbm>>
    %dma_wait3A_123 = arith.constant 0 : i32
    %dma_wait3A_124 = arith.constant 0 : i32
    %dma_wait3A_125 = tpu.memref_slice %arg7[%dma_wait3A_115, %dma_wait3A_123, %dma_wait3A_124] : memref<8x128x64xf32, #tpu.memory_space<vmem>> -> memref<1x128x64xf32, #tpu.memory_space<vmem>>
    %dma_wait3A_126 = tpu.memref_squeeze %dma_wait3A_125 : memref<1x128x64xf32, #tpu.memory_space<vmem>> -> memref<128x64xf32, #tpu.memory_space<vmem>>
    %dma_wait3A_127 = arith.constant 0 : i32
    %dma_wait3A_128 = arith.constant 0 : i32
    %dma_wait3A_129 = tpu.memref_slice %arg2[%dma_wait3A_127, %dma_wait3A_128] : memref<10240x64xf32, #tpu.memory_space<hbm>> -> memref<128x64xf32, #tpu.memory_space<hbm>>
    tpu.wait_dma2 semaphore(%arg24 : memref<!tpu.dma_semaphore, #tpu.memory_space<semaphore_mem>>) src(%dma_wait3A_129 : memref<128x64xf32, #tpu.memory_space<hbm>>) dst(%dma_wait3A_126 : memref<128x64xf32, #tpu.memory_space<vmem>>)
    %barrier3A_130 = arith.constant 0 : index
    tpu.barrier barrier_id(%barrier3A_130)
    %mul3A_131 = arith.constant 640 : i32
    %mul3A_132 = arith.muli %arg1, %mul3A_131 : i32
    %mul3A_133 = arith.constant 640 : i32
    %mul3A_134 = arith.muli %arg1, %mul3A_133 : i32
    "tpu.region"() ({
      %run_scoped3A_135 = tpu.sem_alloc : memref<!tpu.dma_semaphore, #tpu.memory_space<semaphore_mem>>
      %dma_start3A = arith.constant 0 : i32
      %dma_start3A_136 = tpu.memref_slice %arg4[%arg0, %mul3A_134, %dma_start3A] : memref<2x10240x64xf32, #tpu.memory_space<hbm>> -> memref<1x640x64xf32, #tpu.memory_space<hbm>>
      %dma_start3A_137 = tpu.memref_squeeze %dma_start3A_136 : memref<1x640x64xf32, #tpu.memory_space<hbm>> -> memref<640x64xf32, #tpu.memory_space<hbm>>
      %dma_start3A_138 = arith.constant 0 : i32
      %dma_start3A_139 = tpu.memref_slice %arg8[%mul3A_132, %dma_start3A_138] : memref<10240x64xf32, #tpu.memory_space<vmem_shared>> -> memref<640x64xf32, #tpu.memory_space<vmem_shared>>
      tpu.enqueue_dma source(%dma_start3A_139 : memref<640x64xf32, #tpu.memory_space<vmem_shared>>) target(%dma_start3A_137 : memref<640x64xf32, #tpu.memory_space<hbm>>) target_semaphore(%run_scoped3A_135 : memref<!tpu.dma_semaphore, #tpu.memory_space<semaphore_mem>>)
      %dma_wait3A_140 = arith.constant 0 : i32
      %dma_wait3A_141 = tpu.memref_slice %arg4[%arg0, %mul3A_134, %dma_wait3A_140] : memref<2x10240x64xf32, #tpu.memory_space<hbm>> -> memref<1x640x64xf32, #tpu.memory_space<hbm>>
      %dma_wait3A_142 = tpu.memref_squeeze %dma_wait3A_141 : memref<1x640x64xf32, #tpu.memory_space<hbm>> -> memref<640x64xf32, #tpu.memory_space<hbm>>
      %dma_wait3A_143 = arith.constant 0 : i32
      %dma_wait3A_144 = tpu.memref_slice %arg8[%mul3A_132, %dma_wait3A_143] : memref<10240x64xf32, #tpu.memory_space<vmem_shared>> -> memref<640x64xf32, #tpu.memory_space<vmem_shared>>
      tpu.wait_dma2 semaphore(%run_scoped3A_135 : memref<!tpu.dma_semaphore, #tpu.memory_space<semaphore_mem>>) src(%dma_wait3A_144 : memref<640x64xf32, #tpu.memory_space<vmem_shared>>) dst(%dma_wait3A_142 : memref<640x64xf32, #tpu.memory_space<hbm>>)
      tpu.yield
    }) : () -> ()
    return
  }
}

#map = affine_map<(d0, d1) -> (0, 0)>
#map1 = affine_map<(d0, d1) -> (0, 0, 0, 0)>
#map2 = affine_map<(d0, d1) -> (0, 0, 0)>
module attributes {stable_mosaic.version = 14 : i64} {
  func.func @_agg_kernel(%arg0: i32, %arg1: i32, %arg2: memref<10240x64xf32, #tpu.memory_space<hbm>>, %arg3: memref<2x32x80x128xi32, #tpu.memory_space<hbm>>, %arg4: memref<2x10240x64xf32, #tpu.memory_space<hbm>>, %arg5: memref<80x128xi32, #tpu.memory_space<vmem>>, %arg6: memref<80x128xi32, #tpu.memory_space<vmem>>, %arg7: memref<8x128x64xf32, #tpu.memory_space<vmem>>, %arg8: memref<10240x64xf32, #tpu.memory_space<vmem_shared>>, %arg9: memref<!tpu.dma_semaphore, #tpu.memory_space<semaphore_mem>>, %arg10: memref<!tpu.dma_semaphore, #tpu.memory_space<semaphore_mem>>, %arg11: memref<!tpu.dma_semaphore, #tpu.memory_space<semaphore_mem>>, %arg12: memref<!tpu.dma_semaphore, #tpu.memory_space<semaphore_mem>>, %arg13: memref<!tpu.dma_semaphore, #tpu.memory_space<semaphore_mem>>, %arg14: memref<!tpu.dma_semaphore, #tpu.memory_space<semaphore_mem>>, %arg15: memref<!tpu.dma_semaphore, #tpu.memory_space<semaphore_mem>>, %arg16: memref<!tpu.dma_semaphore, #tpu.memory_space<semaphore_mem>>, %arg17: memref<!tpu.dma_semaphore, #tpu.memory_space<semaphore_mem>>, %arg18: memref<!tpu.dma_semaphore, #tpu.memory_space<semaphore_mem>>, %arg19: memref<!tpu.dma_semaphore, #tpu.memory_space<semaphore_mem>>, %arg20: memref<!tpu.dma_semaphore, #tpu.memory_space<semaphore_mem>>, %arg21: memref<!tpu.dma_semaphore, #tpu.memory_space<semaphore_mem>>, %arg22: memref<!tpu.dma_semaphore, #tpu.memory_space<semaphore_mem>>, %arg23: memref<!tpu.dma_semaphore, #tpu.memory_space<semaphore_mem>>, %arg24: memref<!tpu.dma_semaphore, #tpu.memory_space<semaphore_mem>>) attributes {dimension_semantics = [#tpu.dimension_semantics<core_parallel>, #tpu.dimension_semantics<subcore_parallel>], iteration_bounds = array<i64: 2, 16>, scalar_prefetch = 0 : i64, scratch_operands = 20 : i64, tpu.core_type = #tpu.core_type<sc_vector_subcore>, window_params = [{transform_indices = #map}, {transform_indices = #map1}, {transform_indices = #map2}]} {
    %mul3A = arith.constant 16 : i32
    %mul3A_0 = arith.muli %arg0, %mul3A : i32
    %add3A = arith.addi %mul3A_0, %arg1 : i32
    %run_scoped3A = arith.constant 0 : i32
    "tpu.region"() ({
      %run_scoped3A_135 = tpu.sem_alloc : memref<!tpu.dma_semaphore, #tpu.memory_space<semaphore_mem>>
      %dma_start3A = arith.constant 0 : i32
      %dma_start3A_136 = arith.constant 0 : i32
      %dma_start3A_137 = tpu.memref_slice %arg3[%run_scoped3A, %add3A, %dma_start3A, %dma_start3A_136] : memref<2x32x80x128xi32, #tpu.memory_space<hbm>> -> memref<1x1x80x128xi32, #tpu.memory_space<hbm>>
      %dma_start3A_138 = tpu.memref_squeeze %dma_start3A_137 : memref<1x1x80x128xi32, #tpu.memory_space<hbm>> -> memref<80x128xi32, #tpu.memory_space<hbm>>
      %dma_start3A_139 = arith.constant 0 : i32
      %dma_start3A_140 = arith.constant 0 : i32
      %dma_start3A_141 = tpu.memref_slice %arg3[%run_scoped3A, %add3A, %dma_start3A_139, %dma_start3A_140] : memref<2x32x80x128xi32, #tpu.memory_space<hbm>> -> memref<1x1x80x128xi32, #tpu.memory_space<hbm>>
      %dma_start3A_142 = tpu.memref_squeeze %dma_start3A_141 : memref<1x1x80x128xi32, #tpu.memory_space<hbm>> -> memref<80x128xi32, #tpu.memory_space<hbm>>
      tpu.enqueue_dma source(%dma_start3A_142 : memref<80x128xi32, #tpu.memory_space<hbm>>) target(%arg5 : memref<80x128xi32, #tpu.memory_space<vmem>>) target_semaphore(%run_scoped3A_135 : memref<!tpu.dma_semaphore, #tpu.memory_space<semaphore_mem>>)
      %dma_wait3A_143 = arith.constant 0 : i32
      %dma_wait3A_144 = arith.constant 0 : i32
      %dma_wait3A_145 = tpu.memref_slice %arg3[%run_scoped3A, %add3A, %dma_wait3A_143, %dma_wait3A_144] : memref<2x32x80x128xi32, #tpu.memory_space<hbm>> -> memref<1x1x80x128xi32, #tpu.memory_space<hbm>>
      %dma_wait3A_146 = tpu.memref_squeeze %dma_wait3A_145 : memref<1x1x80x128xi32, #tpu.memory_space<hbm>> -> memref<80x128xi32, #tpu.memory_space<hbm>>
      %dma_wait3A_147 = arith.constant 0 : i32
      %dma_wait3A_148 = arith.constant 0 : i32
      %dma_wait3A_149 = tpu.memref_slice %arg3[%run_scoped3A, %add3A, %dma_wait3A_147, %dma_wait3A_148] : memref<2x32x80x128xi32, #tpu.memory_space<hbm>> -> memref<1x1x80x128xi32, #tpu.memory_space<hbm>>
      %dma_wait3A_150 = tpu.memref_squeeze %dma_wait3A_149 : memref<1x1x80x128xi32, #tpu.memory_space<hbm>> -> memref<80x128xi32, #tpu.memory_space<hbm>>
      tpu.wait_dma2 semaphore(%run_scoped3A_135 : memref<!tpu.dma_semaphore, #tpu.memory_space<semaphore_mem>>) src(%dma_wait3A_150 : memref<80x128xi32, #tpu.memory_space<hbm>>) dst(%arg5 : memref<80x128xi32, #tpu.memory_space<vmem>>)
      tpu.yield
    }) : () -> ()
    %run_scoped3A_1 = arith.constant 1 : i32
    "tpu.region"() ({
      %run_scoped3A_135 = tpu.sem_alloc : memref<!tpu.dma_semaphore, #tpu.memory_space<semaphore_mem>>
      %dma_start3A = arith.constant 0 : i32
      %dma_start3A_136 = arith.constant 0 : i32
      %dma_start3A_137 = tpu.memref_slice %arg3[%run_scoped3A_1, %add3A, %dma_start3A, %dma_start3A_136] : memref<2x32x80x128xi32, #tpu.memory_space<hbm>> -> memref<1x1x80x128xi32, #tpu.memory_space<hbm>>
      %dma_start3A_138 = tpu.memref_squeeze %dma_start3A_137 : memref<1x1x80x128xi32, #tpu.memory_space<hbm>> -> memref<80x128xi32, #tpu.memory_space<hbm>>
      %dma_start3A_139 = arith.constant 0 : i32
      %dma_start3A_140 = arith.constant 0 : i32
      %dma_start3A_141 = tpu.memref_slice %arg3[%run_scoped3A_1, %add3A, %dma_start3A_139, %dma_start3A_140] : memref<2x32x80x128xi32, #tpu.memory_space<hbm>> -> memref<1x1x80x128xi32, #tpu.memory_space<hbm>>
      %dma_start3A_142 = tpu.memref_squeeze %dma_start3A_141 : memref<1x1x80x128xi32, #tpu.memory_space<hbm>> -> memref<80x128xi32, #tpu.memory_space<hbm>>
      tpu.enqueue_dma source(%dma_start3A_142 : memref<80x128xi32, #tpu.memory_space<hbm>>) target(%arg6 : memref<80x128xi32, #tpu.memory_space<vmem>>) target_semaphore(%run_scoped3A_135 : memref<!tpu.dma_semaphore, #tpu.memory_space<semaphore_mem>>)
      %dma_wait3A_143 = arith.constant 0 : i32
      %dma_wait3A_144 = arith.constant 0 : i32
      %dma_wait3A_145 = tpu.memref_slice %arg3[%run_scoped3A_1, %add3A, %dma_wait3A_143, %dma_wait3A_144] : memref<2x32x80x128xi32, #tpu.memory_space<hbm>> -> memref<1x1x80x128xi32, #tpu.memory_space<hbm>>
      %dma_wait3A_146 = tpu.memref_squeeze %dma_wait3A_145 : memref<1x1x80x128xi32, #tpu.memory_space<hbm>> -> memref<80x128xi32, #tpu.memory_space<hbm>>
      %dma_wait3A_147 = arith.constant 0 : i32
      %dma_wait3A_148 = arith.constant 0 : i32
      %dma_wait3A_149 = tpu.memref_slice %arg3[%run_scoped3A_1, %add3A, %dma_wait3A_147, %dma_wait3A_148] : memref<2x32x80x128xi32, #tpu.memory_space<hbm>> -> memref<1x1x80x128xi32, #tpu.memory_space<hbm>>
      %dma_wait3A_150 = tpu.memref_squeeze %dma_wait3A_149 : memref<1x1x80x128xi32, #tpu.memory_space<hbm>> -> memref<80x128xi32, #tpu.memory_space<hbm>>
      tpu.wait_dma2 semaphore(%run_scoped3A_135 : memref<!tpu.dma_semaphore, #tpu.memory_space<semaphore_mem>>) src(%dma_wait3A_150 : memref<80x128xi32, #tpu.memory_space<hbm>>) dst(%arg6 : memref<80x128xi32, #tpu.memory_space<vmem>>)
      tpu.yield
    }) : () -> ()
    %mul3A_2 = arith.constant 640 : i32
    %mul3A_3 = arith.muli %arg1, %mul3A_2 : i32
    %mul3A_4 = arith.constant 640 : i32
    %mul3A_5 = arith.muli %arg1, %mul3A_4 : i32
    "tpu.region"() ({
      %run_scoped3A_135 = tpu.sem_alloc : memref<!tpu.dma_semaphore, #tpu.memory_space<semaphore_mem>>
      %dma_start3A = arith.constant 0 : i32
      %dma_start3A_136 = tpu.memref_slice %arg8[%mul3A_5, %dma_start3A] : memref<10240x64xf32, #tpu.memory_space<vmem_shared>> -> memref<640x64xf32, #tpu.memory_space<vmem_shared>>
      %dma_start3A_137 = arith.constant 0 : i32
      %dma_start3A_138 = tpu.memref_slice %arg2[%mul3A_3, %dma_start3A_137] : memref<10240x64xf32, #tpu.memory_space<hbm>> -> memref<640x64xf32, #tpu.memory_space<hbm>>
      tpu.enqueue_dma source(%dma_start3A_138 : memref<640x64xf32, #tpu.memory_space<hbm>>) target(%dma_start3A_136 : memref<640x64xf32, #tpu.memory_space<vmem_shared>>) target_semaphore(%run_scoped3A_135 : memref<!tpu.dma_semaphore, #tpu.memory_space<semaphore_mem>>)
      %dma_wait3A_139 = arith.constant 0 : i32
      %dma_wait3A_140 = tpu.memref_slice %arg8[%mul3A_5, %dma_wait3A_139] : memref<10240x64xf32, #tpu.memory_space<vmem_shared>> -> memref<640x64xf32, #tpu.memory_space<vmem_shared>>
      %dma_wait3A_141 = arith.constant 0 : i32
      %dma_wait3A_142 = tpu.memref_slice %arg2[%mul3A_3, %dma_wait3A_141] : memref<10240x64xf32, #tpu.memory_space<hbm>> -> memref<640x64xf32, #tpu.memory_space<hbm>>
      tpu.wait_dma2 semaphore(%run_scoped3A_135 : memref<!tpu.dma_semaphore, #tpu.memory_space<semaphore_mem>>) src(%dma_wait3A_142 : memref<640x64xf32, #tpu.memory_space<hbm>>) dst(%dma_wait3A_140 : memref<640x64xf32, #tpu.memory_space<vmem_shared>>)
      tpu.yield
    }) : () -> ()
    %barrier3A = arith.constant 0 : index
    tpu.barrier barrier_id(%barrier3A)
    %scan3A = arith.constant 0 : i32
    %scan3A_6 = arith.constant 0 : i32
    %scan3A_7 = arith.constant 10 : i32
    %scan3A_8 = arith.addi %scan3A_6, %scan3A_7 : i32
    %scan3A_9 = arith.constant 1 : i32
    scf.for %scan3A_135 = %scan3A_6 to %scan3A_8 step %scan3A_9  : i32 {
      %mul3A_136 = arith.constant 8 : i32
      %mul3A_137 = arith.muli %mul3A_136, %scan3A_135 : i32
      %add3A_138 = arith.constant 0 : i32
      %add3A_139 = arith.addi %mul3A_137, %add3A_138 : i32
      %gt3A = arith.constant 0 : i32
      %gt3A_140 = arith.cmpi sgt, %scan3A_135, %gt3A : i32
      %convert_element_type3A = arith.extui %gt3A_140 : i1 to i32
      %cond3A = arith.constant 0 : i32
      %cond3A_141 = arith.cmpi ne, %convert_element_type3A, %cond3A : i32
      scf.if %cond3A_141 {
        %dma_wait3A_532 = arith.constant 0 : i32
        %dma_wait3A_533 = arith.constant 0 : i32
        %dma_wait3A_534 = arith.constant 0 : i32
        %dma_wait3A_535 = tpu.memref_slice %arg7[%dma_wait3A_532, %dma_wait3A_533, %dma_wait3A_534] : memref<8x128x64xf32, #tpu.memory_space<vmem>> -> memref<1x128x64xf32, #tpu.memory_space<vmem>>
        %dma_wait3A_536 = tpu.memref_squeeze %dma_wait3A_535 : memref<1x128x64xf32, #tpu.memory_space<vmem>> -> memref<128x64xf32, #tpu.memory_space<vmem>>
        %dma_wait3A_537 = arith.constant 0 : i32
        %dma_wait3A_538 = arith.constant 0 : i32
        %dma_wait3A_539 = tpu.memref_slice %arg2[%dma_wait3A_537, %dma_wait3A_538] : memref<10240x64xf32, #tpu.memory_space<hbm>> -> memref<128x64xf32, #tpu.memory_space<hbm>>
        %dma_wait3A_540 = arith.constant 0 : i32
        %dma_wait3A_541 = arith.constant 0 : i32
        %dma_wait3A_542 = tpu.memref_slice %arg7[%dma_wait3A_532, %dma_wait3A_540, %dma_wait3A_541] : memref<8x128x64xf32, #tpu.memory_space<vmem>> -> memref<1x128x64xf32, #tpu.memory_space<vmem>>
        %dma_wait3A_543 = tpu.memref_squeeze %dma_wait3A_542 : memref<1x128x64xf32, #tpu.memory_space<vmem>> -> memref<128x64xf32, #tpu.memory_space<vmem>>
        %dma_wait3A_544 = arith.constant 0 : i32
        %dma_wait3A_545 = arith.constant 0 : i32
        %dma_wait3A_546 = tpu.memref_slice %arg2[%dma_wait3A_544, %dma_wait3A_545] : memref<10240x64xf32, #tpu.memory_space<hbm>> -> memref<128x64xf32, #tpu.memory_space<hbm>>
        tpu.wait_dma2 semaphore(%arg17 : memref<!tpu.dma_semaphore, #tpu.memory_space<semaphore_mem>>) src(%dma_wait3A_546 : memref<128x64xf32, #tpu.memory_space<hbm>>) dst(%dma_wait3A_543 : memref<128x64xf32, #tpu.memory_space<vmem>>)
      } else {
      }
      %dma_start3A = arith.constant 0 : i32
      %dma_start3A_142 = arith.constant 0 : i32
      %dma_start3A_143 = arith.constant 0 : i32
      %dma_start3A_144 = tpu.memref_slice %arg7[%dma_start3A, %dma_start3A_142, %dma_start3A_143] : memref<8x128x64xf32, #tpu.memory_space<vmem>> -> memref<1x128x64xf32, #tpu.memory_space<vmem>>
      %dma_start3A_145 = tpu.memref_squeeze %dma_start3A_144 : memref<1x128x64xf32, #tpu.memory_space<vmem>> -> memref<128x64xf32, #tpu.memory_space<vmem>>
      %dma_start3A_146 = arith.constant 0 : i32
      %dma_start3A_147 = tpu.memref_slice %arg5[%add3A_139, %dma_start3A_146] : memref<80x128xi32, #tpu.memory_space<vmem>> -> memref<1x128xi32, #tpu.memory_space<vmem>>
      %dma_start3A_148 = tpu.memref_squeeze %dma_start3A_147 : memref<1x128xi32, #tpu.memory_space<vmem>> -> memref<128xi32, #tpu.memory_space<vmem>>
      %dma_start3A_149 = arith.constant 0 : i32
      %dma_start3A_150 = arith.constant 0 : i32
      %dma_start3A_151 = tpu.memref_slice %arg2[%dma_start3A_149, %dma_start3A_150] : memref<10240x64xf32, #tpu.memory_space<hbm>> -> memref<10240x64xf32, #tpu.memory_space<hbm>>
      tpu.enqueue_indirect_dma source(%dma_start3A_151 : memref<10240x64xf32, #tpu.memory_space<hbm>>) target(%dma_start3A_145 : memref<128x64xf32, #tpu.memory_space<vmem>>) offsets(%dma_start3A_148 : memref<128xi32, #tpu.memory_space<vmem>>) semaphore(%arg9 : memref<!tpu.dma_semaphore, #tpu.memory_space<semaphore_mem>>)
      %mul3A_152 = arith.constant 8 : i32
      %mul3A_153 = arith.muli %mul3A_152, %scan3A_135 : i32
      %add3A_154 = arith.constant 1 : i32
      %add3A_155 = arith.addi %mul3A_153, %add3A_154 : i32
      %gt3A_156 = arith.constant 0 : i32
      %gt3A_157 = arith.cmpi sgt, %scan3A_135, %gt3A_156 : i32
      %convert_element_type3A_158 = arith.extui %gt3A_157 : i1 to i32
      %cond3A_159 = arith.constant 0 : i32
      %cond3A_160 = arith.cmpi ne, %convert_element_type3A_158, %cond3A_159 : i32
      scf.if %cond3A_160 {
        %dma_wait3A_532 = arith.constant 1 : i32
        %dma_wait3A_533 = arith.constant 0 : i32
        %dma_wait3A_534 = arith.constant 0 : i32
        %dma_wait3A_535 = tpu.memref_slice %arg7[%dma_wait3A_532, %dma_wait3A_533, %dma_wait3A_534] : memref<8x128x64xf32, #tpu.memory_space<vmem>> -> memref<1x128x64xf32, #tpu.memory_space<vmem>>
        %dma_wait3A_536 = tpu.memref_squeeze %dma_wait3A_535 : memref<1x128x64xf32, #tpu.memory_space<vmem>> -> memref<128x64xf32, #tpu.memory_space<vmem>>
        %dma_wait3A_537 = arith.constant 0 : i32
        %dma_wait3A_538 = arith.constant 0 : i32
        %dma_wait3A_539 = tpu.memref_slice %arg2[%dma_wait3A_537, %dma_wait3A_538] : memref<10240x64xf32, #tpu.memory_space<hbm>> -> memref<128x64xf32, #tpu.memory_space<hbm>>
        %dma_wait3A_540 = arith.constant 0 : i32
        %dma_wait3A_541 = arith.constant 0 : i32
        %dma_wait3A_542 = tpu.memref_slice %arg7[%dma_wait3A_532, %dma_wait3A_540, %dma_wait3A_541] : memref<8x128x64xf32, #tpu.memory_space<vmem>> -> memref<1x128x64xf32, #tpu.memory_space<vmem>>
        %dma_wait3A_543 = tpu.memref_squeeze %dma_wait3A_542 : memref<1x128x64xf32, #tpu.memory_space<vmem>> -> memref<128x64xf32, #tpu.memory_space<vmem>>
        %dma_wait3A_544 = arith.constant 0 : i32
        %dma_wait3A_545 = arith.constant 0 : i32
        %dma_wait3A_546 = tpu.memref_slice %arg2[%dma_wait3A_544, %dma_wait3A_545] : memref<10240x64xf32, #tpu.memory_space<hbm>> -> memref<128x64xf32, #tpu.memory_space<hbm>>
        tpu.wait_dma2 semaphore(%arg18 : memref<!tpu.dma_semaphore, #tpu.memory_space<semaphore_mem>>) src(%dma_wait3A_546 : memref<128x64xf32, #tpu.memory_space<hbm>>) dst(%dma_wait3A_543 : memref<128x64xf32, #tpu.memory_space<vmem>>)
      } else {
      }
      %dma_start3A_161 = arith.constant 1 : i32
      %dma_start3A_162 = arith.constant 0 : i32
      %dma_start3A_163 = arith.constant 0 : i32
      %dma_start3A_164 = tpu.memref_slice %arg7[%dma_start3A_161, %dma_start3A_162, %dma_start3A_163] : memref<8x128x64xf32, #tpu.memory_space<vmem>> -> memref<1x128x64xf32, #tpu.memory_space<vmem>>
      %dma_start3A_165 = tpu.memref_squeeze %dma_start3A_164 : memref<1x128x64xf32, #tpu.memory_space<vmem>> -> memref<128x64xf32, #tpu.memory_space<vmem>>
      %dma_start3A_166 = arith.constant 0 : i32
      %dma_start3A_167 = tpu.memref_slice %arg5[%add3A_155, %dma_start3A_166] : memref<80x128xi32, #tpu.memory_space<vmem>> -> memref<1x128xi32, #tpu.memory_space<vmem>>
      %dma_start3A_168 = tpu.memref_squeeze %dma_start3A_167 : memref<1x128xi32, #tpu.memory_space<vmem>> -> memref<128xi32, #tpu.memory_space<vmem>>
      %dma_start3A_169 = arith.constant 0 : i32
      %dma_start3A_170 = arith.constant 0 : i32
      %dma_start3A_171 = tpu.memref_slice %arg2[%dma_start3A_169, %dma_start3A_170] : memref<10240x64xf32, #tpu.memory_space<hbm>> -> memref<10240x64xf32, #tpu.memory_space<hbm>>
      tpu.enqueue_indirect_dma source(%dma_start3A_171 : memref<10240x64xf32, #tpu.memory_space<hbm>>) target(%dma_start3A_165 : memref<128x64xf32, #tpu.memory_space<vmem>>) offsets(%dma_start3A_168 : memref<128xi32, #tpu.memory_space<vmem>>) semaphore(%arg10 : memref<!tpu.dma_semaphore, #tpu.memory_space<semaphore_mem>>)
      %mul3A_172 = arith.constant 8 : i32
      %mul3A_173 = arith.muli %mul3A_172, %scan3A_135 : i32
      %add3A_174 = arith.constant 2 : i32
      %add3A_175 = arith.addi %mul3A_173, %add3A_174 : i32
      %gt3A_176 = arith.constant 0 : i32
      %gt3A_177 = arith.cmpi sgt, %scan3A_135, %gt3A_176 : i32
      %convert_element_type3A_178 = arith.extui %gt3A_177 : i1 to i32
      %cond3A_179 = arith.constant 0 : i32
      %cond3A_180 = arith.cmpi ne, %convert_element_type3A_178, %cond3A_179 : i32
      scf.if %cond3A_180 {
        %dma_wait3A_532 = arith.constant 2 : i32
        %dma_wait3A_533 = arith.constant 0 : i32
        %dma_wait3A_534 = arith.constant 0 : i32
        %dma_wait3A_535 = tpu.memref_slice %arg7[%dma_wait3A_532, %dma_wait3A_533, %dma_wait3A_534] : memref<8x128x64xf32, #tpu.memory_space<vmem>> -> memref<1x128x64xf32, #tpu.memory_space<vmem>>
        %dma_wait3A_536 = tpu.memref_squeeze %dma_wait3A_535 : memref<1x128x64xf32, #tpu.memory_space<vmem>> -> memref<128x64xf32, #tpu.memory_space<vmem>>
        %dma_wait3A_537 = arith.constant 0 : i32
        %dma_wait3A_538 = arith.constant 0 : i32
        %dma_wait3A_539 = tpu.memref_slice %arg2[%dma_wait3A_537, %dma_wait3A_538] : memref<10240x64xf32, #tpu.memory_space<hbm>> -> memref<128x64xf32, #tpu.memory_space<hbm>>
        %dma_wait3A_540 = arith.constant 0 : i32
        %dma_wait3A_541 = arith.constant 0 : i32
        %dma_wait3A_542 = tpu.memref_slice %arg7[%dma_wait3A_532, %dma_wait3A_540, %dma_wait3A_541] : memref<8x128x64xf32, #tpu.memory_space<vmem>> -> memref<1x128x64xf32, #tpu.memory_space<vmem>>
        %dma_wait3A_543 = tpu.memref_squeeze %dma_wait3A_542 : memref<1x128x64xf32, #tpu.memory_space<vmem>> -> memref<128x64xf32, #tpu.memory_space<vmem>>
        %dma_wait3A_544 = arith.constant 0 : i32
        %dma_wait3A_545 = arith.constant 0 : i32
        %dma_wait3A_546 = tpu.memref_slice %arg2[%dma_wait3A_544, %dma_wait3A_545] : memref<10240x64xf32, #tpu.memory_space<hbm>> -> memref<128x64xf32, #tpu.memory_space<hbm>>
        tpu.wait_dma2 semaphore(%arg19 : memref<!tpu.dma_semaphore, #tpu.memory_space<semaphore_mem>>) src(%dma_wait3A_546 : memref<128x64xf32, #tpu.memory_space<hbm>>) dst(%dma_wait3A_543 : memref<128x64xf32, #tpu.memory_space<vmem>>)
      } else {
      }
      %dma_start3A_181 = arith.constant 2 : i32
      %dma_start3A_182 = arith.constant 0 : i32
      %dma_start3A_183 = arith.constant 0 : i32
      %dma_start3A_184 = tpu.memref_slice %arg7[%dma_start3A_181, %dma_start3A_182, %dma_start3A_183] : memref<8x128x64xf32, #tpu.memory_space<vmem>> -> memref<1x128x64xf32, #tpu.memory_space<vmem>>
      %dma_start3A_185 = tpu.memref_squeeze %dma_start3A_184 : memref<1x128x64xf32, #tpu.memory_space<vmem>> -> memref<128x64xf32, #tpu.memory_space<vmem>>
      %dma_start3A_186 = arith.constant 0 : i32
      %dma_start3A_187 = tpu.memref_slice %arg5[%add3A_175, %dma_start3A_186] : memref<80x128xi32, #tpu.memory_space<vmem>> -> memref<1x128xi32, #tpu.memory_space<vmem>>
      %dma_start3A_188 = tpu.memref_squeeze %dma_start3A_187 : memref<1x128xi32, #tpu.memory_space<vmem>> -> memref<128xi32, #tpu.memory_space<vmem>>
      %dma_start3A_189 = arith.constant 0 : i32
      %dma_start3A_190 = arith.constant 0 : i32
      %dma_start3A_191 = tpu.memref_slice %arg2[%dma_start3A_189, %dma_start3A_190] : memref<10240x64xf32, #tpu.memory_space<hbm>> -> memref<10240x64xf32, #tpu.memory_space<hbm>>
      tpu.enqueue_indirect_dma source(%dma_start3A_191 : memref<10240x64xf32, #tpu.memory_space<hbm>>) target(%dma_start3A_185 : memref<128x64xf32, #tpu.memory_space<vmem>>) offsets(%dma_start3A_188 : memref<128xi32, #tpu.memory_space<vmem>>) semaphore(%arg11 : memref<!tpu.dma_semaphore, #tpu.memory_space<semaphore_mem>>)
      %mul3A_192 = arith.constant 8 : i32
      %mul3A_193 = arith.muli %mul3A_192, %scan3A_135 : i32
      %add3A_194 = arith.constant 3 : i32
      %add3A_195 = arith.addi %mul3A_193, %add3A_194 : i32
      %gt3A_196 = arith.constant 0 : i32
      %gt3A_197 = arith.cmpi sgt, %scan3A_135, %gt3A_196 : i32
      %convert_element_type3A_198 = arith.extui %gt3A_197 : i1 to i32
      %cond3A_199 = arith.constant 0 : i32
      %cond3A_200 = arith.cmpi ne, %convert_element_type3A_198, %cond3A_199 : i32
      scf.if %cond3A_200 {
        %dma_wait3A_532 = arith.constant 3 : i32
        %dma_wait3A_533 = arith.constant 0 : i32
        %dma_wait3A_534 = arith.constant 0 : i32
        %dma_wait3A_535 = tpu.memref_slice %arg7[%dma_wait3A_532, %dma_wait3A_533, %dma_wait3A_534] : memref<8x128x64xf32, #tpu.memory_space<vmem>> -> memref<1x128x64xf32, #tpu.memory_space<vmem>>
        %dma_wait3A_536 = tpu.memref_squeeze %dma_wait3A_535 : memref<1x128x64xf32, #tpu.memory_space<vmem>> -> memref<128x64xf32, #tpu.memory_space<vmem>>
        %dma_wait3A_537 = arith.constant 0 : i32
        %dma_wait3A_538 = arith.constant 0 : i32
        %dma_wait3A_539 = tpu.memref_slice %arg2[%dma_wait3A_537, %dma_wait3A_538] : memref<10240x64xf32, #tpu.memory_space<hbm>> -> memref<128x64xf32, #tpu.memory_space<hbm>>
        %dma_wait3A_540 = arith.constant 0 : i32
        %dma_wait3A_541 = arith.constant 0 : i32
        %dma_wait3A_542 = tpu.memref_slice %arg7[%dma_wait3A_532, %dma_wait3A_540, %dma_wait3A_541] : memref<8x128x64xf32, #tpu.memory_space<vmem>> -> memref<1x128x64xf32, #tpu.memory_space<vmem>>
        %dma_wait3A_543 = tpu.memref_squeeze %dma_wait3A_542 : memref<1x128x64xf32, #tpu.memory_space<vmem>> -> memref<128x64xf32, #tpu.memory_space<vmem>>
        %dma_wait3A_544 = arith.constant 0 : i32
        %dma_wait3A_545 = arith.constant 0 : i32
        %dma_wait3A_546 = tpu.memref_slice %arg2[%dma_wait3A_544, %dma_wait3A_545] : memref<10240x64xf32, #tpu.memory_space<hbm>> -> memref<128x64xf32, #tpu.memory_space<hbm>>
        tpu.wait_dma2 semaphore(%arg20 : memref<!tpu.dma_semaphore, #tpu.memory_space<semaphore_mem>>) src(%dma_wait3A_546 : memref<128x64xf32, #tpu.memory_space<hbm>>) dst(%dma_wait3A_543 : memref<128x64xf32, #tpu.memory_space<vmem>>)
      } else {
      }
      %dma_start3A_201 = arith.constant 3 : i32
      %dma_start3A_202 = arith.constant 0 : i32
      %dma_start3A_203 = arith.constant 0 : i32
      %dma_start3A_204 = tpu.memref_slice %arg7[%dma_start3A_201, %dma_start3A_202, %dma_start3A_203] : memref<8x128x64xf32, #tpu.memory_space<vmem>> -> memref<1x128x64xf32, #tpu.memory_space<vmem>>
      %dma_start3A_205 = tpu.memref_squeeze %dma_start3A_204 : memref<1x128x64xf32, #tpu.memory_space<vmem>> -> memref<128x64xf32, #tpu.memory_space<vmem>>
      %dma_start3A_206 = arith.constant 0 : i32
      %dma_start3A_207 = tpu.memref_slice %arg5[%add3A_195, %dma_start3A_206] : memref<80x128xi32, #tpu.memory_space<vmem>> -> memref<1x128xi32, #tpu.memory_space<vmem>>
      %dma_start3A_208 = tpu.memref_squeeze %dma_start3A_207 : memref<1x128xi32, #tpu.memory_space<vmem>> -> memref<128xi32, #tpu.memory_space<vmem>>
      %dma_start3A_209 = arith.constant 0 : i32
      %dma_start3A_210 = arith.constant 0 : i32
      %dma_start3A_211 = tpu.memref_slice %arg2[%dma_start3A_209, %dma_start3A_210] : memref<10240x64xf32, #tpu.memory_space<hbm>> -> memref<10240x64xf32, #tpu.memory_space<hbm>>
      tpu.enqueue_indirect_dma source(%dma_start3A_211 : memref<10240x64xf32, #tpu.memory_space<hbm>>) target(%dma_start3A_205 : memref<128x64xf32, #tpu.memory_space<vmem>>) offsets(%dma_start3A_208 : memref<128xi32, #tpu.memory_space<vmem>>) semaphore(%arg12 : memref<!tpu.dma_semaphore, #tpu.memory_space<semaphore_mem>>)
      %mul3A_212 = arith.constant 8 : i32
      %mul3A_213 = arith.muli %mul3A_212, %scan3A_135 : i32
      %add3A_214 = arith.constant 4 : i32
      %add3A_215 = arith.addi %mul3A_213, %add3A_214 : i32
      %gt3A_216 = arith.constant 0 : i32
      %gt3A_217 = arith.cmpi sgt, %scan3A_135, %gt3A_216 : i32
      %convert_element_type3A_218 = arith.extui %gt3A_217 : i1 to i32
      %cond3A_219 = arith.constant 0 : i32
      %cond3A_220 = arith.cmpi ne, %convert_element_type3A_218, %cond3A_219 : i32
      scf.if %cond3A_220 {
        %dma_wait3A_532 = arith.constant 4 : i32
        %dma_wait3A_533 = arith.constant 0 : i32
        %dma_wait3A_534 = arith.constant 0 : i32
        %dma_wait3A_535 = tpu.memref_slice %arg7[%dma_wait3A_532, %dma_wait3A_533, %dma_wait3A_534] : memref<8x128x64xf32, #tpu.memory_space<vmem>> -> memref<1x128x64xf32, #tpu.memory_space<vmem>>
        %dma_wait3A_536 = tpu.memref_squeeze %dma_wait3A_535 : memref<1x128x64xf32, #tpu.memory_space<vmem>> -> memref<128x64xf32, #tpu.memory_space<vmem>>
        %dma_wait3A_537 = arith.constant 0 : i32
        %dma_wait3A_538 = arith.constant 0 : i32
        %dma_wait3A_539 = tpu.memref_slice %arg2[%dma_wait3A_537, %dma_wait3A_538] : memref<10240x64xf32, #tpu.memory_space<hbm>> -> memref<128x64xf32, #tpu.memory_space<hbm>>
        %dma_wait3A_540 = arith.constant 0 : i32
        %dma_wait3A_541 = arith.constant 0 : i32
        %dma_wait3A_542 = tpu.memref_slice %arg7[%dma_wait3A_532, %dma_wait3A_540, %dma_wait3A_541] : memref<8x128x64xf32, #tpu.memory_space<vmem>> -> memref<1x128x64xf32, #tpu.memory_space<vmem>>
        %dma_wait3A_543 = tpu.memref_squeeze %dma_wait3A_542 : memref<1x128x64xf32, #tpu.memory_space<vmem>> -> memref<128x64xf32, #tpu.memory_space<vmem>>
        %dma_wait3A_544 = arith.constant 0 : i32
        %dma_wait3A_545 = arith.constant 0 : i32
        %dma_wait3A_546 = tpu.memref_slice %arg2[%dma_wait3A_544, %dma_wait3A_545] : memref<10240x64xf32, #tpu.memory_space<hbm>> -> memref<128x64xf32, #tpu.memory_space<hbm>>
        tpu.wait_dma2 semaphore(%arg21 : memref<!tpu.dma_semaphore, #tpu.memory_space<semaphore_mem>>) src(%dma_wait3A_546 : memref<128x64xf32, #tpu.memory_space<hbm>>) dst(%dma_wait3A_543 : memref<128x64xf32, #tpu.memory_space<vmem>>)
      } else {
      }
      %dma_start3A_221 = arith.constant 4 : i32
      %dma_start3A_222 = arith.constant 0 : i32
      %dma_start3A_223 = arith.constant 0 : i32
      %dma_start3A_224 = tpu.memref_slice %arg7[%dma_start3A_221, %dma_start3A_222, %dma_start3A_223] : memref<8x128x64xf32, #tpu.memory_space<vmem>> -> memref<1x128x64xf32, #tpu.memory_space<vmem>>
      %dma_start3A_225 = tpu.memref_squeeze %dma_start3A_224 : memref<1x128x64xf32, #tpu.memory_space<vmem>> -> memref<128x64xf32, #tpu.memory_space<vmem>>
      %dma_start3A_226 = arith.constant 0 : i32
      %dma_start3A_227 = tpu.memref_slice %arg5[%add3A_215, %dma_start3A_226] : memref<80x128xi32, #tpu.memory_space<vmem>> -> memref<1x128xi32, #tpu.memory_space<vmem>>
      %dma_start3A_228 = tpu.memref_squeeze %dma_start3A_227 : memref<1x128xi32, #tpu.memory_space<vmem>> -> memref<128xi32, #tpu.memory_space<vmem>>
      %dma_start3A_229 = arith.constant 0 : i32
      %dma_start3A_230 = arith.constant 0 : i32
      %dma_start3A_231 = tpu.memref_slice %arg2[%dma_start3A_229, %dma_start3A_230] : memref<10240x64xf32, #tpu.memory_space<hbm>> -> memref<10240x64xf32, #tpu.memory_space<hbm>>
      tpu.enqueue_indirect_dma source(%dma_start3A_231 : memref<10240x64xf32, #tpu.memory_space<hbm>>) target(%dma_start3A_225 : memref<128x64xf32, #tpu.memory_space<vmem>>) offsets(%dma_start3A_228 : memref<128xi32, #tpu.memory_space<vmem>>) semaphore(%arg13 : memref<!tpu.dma_semaphore, #tpu.memory_space<semaphore_mem>>)
      %mul3A_232 = arith.constant 8 : i32
      %mul3A_233 = arith.muli %mul3A_232, %scan3A_135 : i32
      %add3A_234 = arith.constant 5 : i32
      %add3A_235 = arith.addi %mul3A_233, %add3A_234 : i32
      %gt3A_236 = arith.constant 0 : i32
      %gt3A_237 = arith.cmpi sgt, %scan3A_135, %gt3A_236 : i32
      %convert_element_type3A_238 = arith.extui %gt3A_237 : i1 to i32
      %cond3A_239 = arith.constant 0 : i32
      %cond3A_240 = arith.cmpi ne, %convert_element_type3A_238, %cond3A_239 : i32
      scf.if %cond3A_240 {
        %dma_wait3A_532 = arith.constant 5 : i32
        %dma_wait3A_533 = arith.constant 0 : i32
        %dma_wait3A_534 = arith.constant 0 : i32
        %dma_wait3A_535 = tpu.memref_slice %arg7[%dma_wait3A_532, %dma_wait3A_533, %dma_wait3A_534] : memref<8x128x64xf32, #tpu.memory_space<vmem>> -> memref<1x128x64xf32, #tpu.memory_space<vmem>>
        %dma_wait3A_536 = tpu.memref_squeeze %dma_wait3A_535 : memref<1x128x64xf32, #tpu.memory_space<vmem>> -> memref<128x64xf32, #tpu.memory_space<vmem>>
        %dma_wait3A_537 = arith.constant 0 : i32
        %dma_wait3A_538 = arith.constant 0 : i32
        %dma_wait3A_539 = tpu.memref_slice %arg2[%dma_wait3A_537, %dma_wait3A_538] : memref<10240x64xf32, #tpu.memory_space<hbm>> -> memref<128x64xf32, #tpu.memory_space<hbm>>
        %dma_wait3A_540 = arith.constant 0 : i32
        %dma_wait3A_541 = arith.constant 0 : i32
        %dma_wait3A_542 = tpu.memref_slice %arg7[%dma_wait3A_532, %dma_wait3A_540, %dma_wait3A_541] : memref<8x128x64xf32, #tpu.memory_space<vmem>> -> memref<1x128x64xf32, #tpu.memory_space<vmem>>
        %dma_wait3A_543 = tpu.memref_squeeze %dma_wait3A_542 : memref<1x128x64xf32, #tpu.memory_space<vmem>> -> memref<128x64xf32, #tpu.memory_space<vmem>>
        %dma_wait3A_544 = arith.constant 0 : i32
        %dma_wait3A_545 = arith.constant 0 : i32
        %dma_wait3A_546 = tpu.memref_slice %arg2[%dma_wait3A_544, %dma_wait3A_545] : memref<10240x64xf32, #tpu.memory_space<hbm>> -> memref<128x64xf32, #tpu.memory_space<hbm>>
        tpu.wait_dma2 semaphore(%arg22 : memref<!tpu.dma_semaphore, #tpu.memory_space<semaphore_mem>>) src(%dma_wait3A_546 : memref<128x64xf32, #tpu.memory_space<hbm>>) dst(%dma_wait3A_543 : memref<128x64xf32, #tpu.memory_space<vmem>>)
      } else {
      }
      %dma_start3A_241 = arith.constant 5 : i32
      %dma_start3A_242 = arith.constant 0 : i32
      %dma_start3A_243 = arith.constant 0 : i32
      %dma_start3A_244 = tpu.memref_slice %arg7[%dma_start3A_241, %dma_start3A_242, %dma_start3A_243] : memref<8x128x64xf32, #tpu.memory_space<vmem>> -> memref<1x128x64xf32, #tpu.memory_space<vmem>>
      %dma_start3A_245 = tpu.memref_squeeze %dma_start3A_244 : memref<1x128x64xf32, #tpu.memory_space<vmem>> -> memref<128x64xf32, #tpu.memory_space<vmem>>
      %dma_start3A_246 = arith.constant 0 : i32
      %dma_start3A_247 = tpu.memref_slice %arg5[%add3A_235, %dma_start3A_246] : memref<80x128xi32, #tpu.memory_space<vmem>> -> memref<1x128xi32, #tpu.memory_space<vmem>>
      %dma_start3A_248 = tpu.memref_squeeze %dma_start3A_247 : memref<1x128xi32, #tpu.memory_space<vmem>> -> memref<128xi32, #tpu.memory_space<vmem>>
      %dma_start3A_249 = arith.constant 0 : i32
      %dma_start3A_250 = arith.constant 0 : i32
      %dma_start3A_251 = tpu.memref_slice %arg2[%dma_start3A_249, %dma_start3A_250] : memref<10240x64xf32, #tpu.memory_space<hbm>> -> memref<10240x64xf32, #tpu.memory_space<hbm>>
      tpu.enqueue_indirect_dma source(%dma_start3A_251 : memref<10240x64xf32, #tpu.memory_space<hbm>>) target(%dma_start3A_245 : memref<128x64xf32, #tpu.memory_space<vmem>>) offsets(%dma_start3A_248 : memref<128xi32, #tpu.memory_space<vmem>>) semaphore(%arg14 : memref<!tpu.dma_semaphore, #tpu.memory_space<semaphore_mem>>)
      %mul3A_252 = arith.constant 8 : i32
      %mul3A_253 = arith.muli %mul3A_252, %scan3A_135 : i32
      %add3A_254 = arith.constant 6 : i32
      %add3A_255 = arith.addi %mul3A_253, %add3A_254 : i32
      %gt3A_256 = arith.constant 0 : i32
      %gt3A_257 = arith.cmpi sgt, %scan3A_135, %gt3A_256 : i32
      %convert_element_type3A_258 = arith.extui %gt3A_257 : i1 to i32
      %cond3A_259 = arith.constant 0 : i32
      %cond3A_260 = arith.cmpi ne, %convert_element_type3A_258, %cond3A_259 : i32
      scf.if %cond3A_260 {
        %dma_wait3A_532 = arith.constant 6 : i32
        %dma_wait3A_533 = arith.constant 0 : i32
        %dma_wait3A_534 = arith.constant 0 : i32
        %dma_wait3A_535 = tpu.memref_slice %arg7[%dma_wait3A_532, %dma_wait3A_533, %dma_wait3A_534] : memref<8x128x64xf32, #tpu.memory_space<vmem>> -> memref<1x128x64xf32, #tpu.memory_space<vmem>>
        %dma_wait3A_536 = tpu.memref_squeeze %dma_wait3A_535 : memref<1x128x64xf32, #tpu.memory_space<vmem>> -> memref<128x64xf32, #tpu.memory_space<vmem>>
        %dma_wait3A_537 = arith.constant 0 : i32
        %dma_wait3A_538 = arith.constant 0 : i32
        %dma_wait3A_539 = tpu.memref_slice %arg2[%dma_wait3A_537, %dma_wait3A_538] : memref<10240x64xf32, #tpu.memory_space<hbm>> -> memref<128x64xf32, #tpu.memory_space<hbm>>
        %dma_wait3A_540 = arith.constant 0 : i32
        %dma_wait3A_541 = arith.constant 0 : i32
        %dma_wait3A_542 = tpu.memref_slice %arg7[%dma_wait3A_532, %dma_wait3A_540, %dma_wait3A_541] : memref<8x128x64xf32, #tpu.memory_space<vmem>> -> memref<1x128x64xf32, #tpu.memory_space<vmem>>
        %dma_wait3A_543 = tpu.memref_squeeze %dma_wait3A_542 : memref<1x128x64xf32, #tpu.memory_space<vmem>> -> memref<128x64xf32, #tpu.memory_space<vmem>>
        %dma_wait3A_544 = arith.constant 0 : i32
        %dma_wait3A_545 = arith.constant 0 : i32
        %dma_wait3A_546 = tpu.memref_slice %arg2[%dma_wait3A_544, %dma_wait3A_545] : memref<10240x64xf32, #tpu.memory_space<hbm>> -> memref<128x64xf32, #tpu.memory_space<hbm>>
        tpu.wait_dma2 semaphore(%arg23 : memref<!tpu.dma_semaphore, #tpu.memory_space<semaphore_mem>>) src(%dma_wait3A_546 : memref<128x64xf32, #tpu.memory_space<hbm>>) dst(%dma_wait3A_543 : memref<128x64xf32, #tpu.memory_space<vmem>>)
      } else {
      }
      %dma_start3A_261 = arith.constant 6 : i32
      %dma_start3A_262 = arith.constant 0 : i32
      %dma_start3A_263 = arith.constant 0 : i32
      %dma_start3A_264 = tpu.memref_slice %arg7[%dma_start3A_261, %dma_start3A_262, %dma_start3A_263] : memref<8x128x64xf32, #tpu.memory_space<vmem>> -> memref<1x128x64xf32, #tpu.memory_space<vmem>>
      %dma_start3A_265 = tpu.memref_squeeze %dma_start3A_264 : memref<1x128x64xf32, #tpu.memory_space<vmem>> -> memref<128x64xf32, #tpu.memory_space<vmem>>
      %dma_start3A_266 = arith.constant 0 : i32
      %dma_start3A_267 = tpu.memref_slice %arg5[%add3A_255, %dma_start3A_266] : memref<80x128xi32, #tpu.memory_space<vmem>> -> memref<1x128xi32, #tpu.memory_space<vmem>>
      %dma_start3A_268 = tpu.memref_squeeze %dma_start3A_267 : memref<1x128xi32, #tpu.memory_space<vmem>> -> memref<128xi32, #tpu.memory_space<vmem>>
      %dma_start3A_269 = arith.constant 0 : i32
      %dma_start3A_270 = arith.constant 0 : i32
      %dma_start3A_271 = tpu.memref_slice %arg2[%dma_start3A_269, %dma_start3A_270] : memref<10240x64xf32, #tpu.memory_space<hbm>> -> memref<10240x64xf32, #tpu.memory_space<hbm>>
      tpu.enqueue_indirect_dma source(%dma_start3A_271 : memref<10240x64xf32, #tpu.memory_space<hbm>>) target(%dma_start3A_265 : memref<128x64xf32, #tpu.memory_space<vmem>>) offsets(%dma_start3A_268 : memref<128xi32, #tpu.memory_space<vmem>>) semaphore(%arg15 : memref<!tpu.dma_semaphore, #tpu.memory_space<semaphore_mem>>)
      %mul3A_272 = arith.constant 8 : i32
      %mul3A_273 = arith.muli %mul3A_272, %scan3A_135 : i32
      %add3A_274 = arith.constant 7 : i32
      %add3A_275 = arith.addi %mul3A_273, %add3A_274 : i32
      %gt3A_276 = arith.constant 0 : i32
      %gt3A_277 = arith.cmpi sgt, %scan3A_135, %gt3A_276 : i32
      %convert_element_type3A_278 = arith.extui %gt3A_277 : i1 to i32
      %cond3A_279 = arith.constant 0 : i32
      %cond3A_280 = arith.cmpi ne, %convert_element_type3A_278, %cond3A_279 : i32
      scf.if %cond3A_280 {
        %dma_wait3A_532 = arith.constant 7 : i32
        %dma_wait3A_533 = arith.constant 0 : i32
        %dma_wait3A_534 = arith.constant 0 : i32
        %dma_wait3A_535 = tpu.memref_slice %arg7[%dma_wait3A_532, %dma_wait3A_533, %dma_wait3A_534] : memref<8x128x64xf32, #tpu.memory_space<vmem>> -> memref<1x128x64xf32, #tpu.memory_space<vmem>>
        %dma_wait3A_536 = tpu.memref_squeeze %dma_wait3A_535 : memref<1x128x64xf32, #tpu.memory_space<vmem>> -> memref<128x64xf32, #tpu.memory_space<vmem>>
        %dma_wait3A_537 = arith.constant 0 : i32
        %dma_wait3A_538 = arith.constant 0 : i32
        %dma_wait3A_539 = tpu.memref_slice %arg2[%dma_wait3A_537, %dma_wait3A_538] : memref<10240x64xf32, #tpu.memory_space<hbm>> -> memref<128x64xf32, #tpu.memory_space<hbm>>
        %dma_wait3A_540 = arith.constant 0 : i32
        %dma_wait3A_541 = arith.constant 0 : i32
        %dma_wait3A_542 = tpu.memref_slice %arg7[%dma_wait3A_532, %dma_wait3A_540, %dma_wait3A_541] : memref<8x128x64xf32, #tpu.memory_space<vmem>> -> memref<1x128x64xf32, #tpu.memory_space<vmem>>
        %dma_wait3A_543 = tpu.memref_squeeze %dma_wait3A_542 : memref<1x128x64xf32, #tpu.memory_space<vmem>> -> memref<128x64xf32, #tpu.memory_space<vmem>>
        %dma_wait3A_544 = arith.constant 0 : i32
        %dma_wait3A_545 = arith.constant 0 : i32
        %dma_wait3A_546 = tpu.memref_slice %arg2[%dma_wait3A_544, %dma_wait3A_545] : memref<10240x64xf32, #tpu.memory_space<hbm>> -> memref<128x64xf32, #tpu.memory_space<hbm>>
        tpu.wait_dma2 semaphore(%arg24 : memref<!tpu.dma_semaphore, #tpu.memory_space<semaphore_mem>>) src(%dma_wait3A_546 : memref<128x64xf32, #tpu.memory_space<hbm>>) dst(%dma_wait3A_543 : memref<128x64xf32, #tpu.memory_space<vmem>>)
      } else {
      }
      %dma_start3A_281 = arith.constant 7 : i32
      %dma_start3A_282 = arith.constant 0 : i32
      %dma_start3A_283 = arith.constant 0 : i32
      %dma_start3A_284 = tpu.memref_slice %arg7[%dma_start3A_281, %dma_start3A_282, %dma_start3A_283] : memref<8x128x64xf32, #tpu.memory_space<vmem>> -> memref<1x128x64xf32, #tpu.memory_space<vmem>>
      %dma_start3A_285 = tpu.memref_squeeze %dma_start3A_284 : memref<1x128x64xf32, #tpu.memory_space<vmem>> -> memref<128x64xf32, #tpu.memory_space<vmem>>
      %dma_start3A_286 = arith.constant 0 : i32
      %dma_start3A_287 = tpu.memref_slice %arg5[%add3A_275, %dma_start3A_286] : memref<80x128xi32, #tpu.memory_space<vmem>> -> memref<1x128xi32, #tpu.memory_space<vmem>>
      %dma_start3A_288 = tpu.memref_squeeze %dma_start3A_287 : memref<1x128xi32, #tpu.memory_space<vmem>> -> memref<128xi32, #tpu.memory_space<vmem>>
      %dma_start3A_289 = arith.constant 0 : i32
      %dma_start3A_290 = arith.constant 0 : i32
      %dma_start3A_291 = tpu.memref_slice %arg2[%dma_start3A_289, %dma_start3A_290] : memref<10240x64xf32, #tpu.memory_space<hbm>> -> memref<10240x64xf32, #tpu.memory_space<hbm>>
      tpu.enqueue_indirect_dma source(%dma_start3A_291 : memref<10240x64xf32, #tpu.memory_space<hbm>>) target(%dma_start3A_285 : memref<128x64xf32, #tpu.memory_space<vmem>>) offsets(%dma_start3A_288 : memref<128xi32, #tpu.memory_space<vmem>>) semaphore(%arg16 : memref<!tpu.dma_semaphore, #tpu.memory_space<semaphore_mem>>)
      %mul3A_292 = arith.constant 8 : i32
      %mul3A_293 = arith.muli %mul3A_292, %scan3A_135 : i32
      %add3A_294 = arith.constant 0 : i32
      %add3A_295 = arith.addi %mul3A_293, %add3A_294 : i32
      %dma_wait3A_296 = arith.constant 0 : i32
      %dma_wait3A_297 = arith.constant 0 : i32
      %dma_wait3A_298 = arith.constant 0 : i32
      %dma_wait3A_299 = tpu.memref_slice %arg7[%dma_wait3A_296, %dma_wait3A_297, %dma_wait3A_298] : memref<8x128x64xf32, #tpu.memory_space<vmem>> -> memref<1x128x64xf32, #tpu.memory_space<vmem>>
      %dma_wait3A_300 = tpu.memref_squeeze %dma_wait3A_299 : memref<1x128x64xf32, #tpu.memory_space<vmem>> -> memref<128x64xf32, #tpu.memory_space<vmem>>
      %dma_wait3A_301 = arith.constant 0 : i32
      %dma_wait3A_302 = arith.constant 0 : i32
      %dma_wait3A_303 = tpu.memref_slice %arg2[%dma_wait3A_301, %dma_wait3A_302] : memref<10240x64xf32, #tpu.memory_space<hbm>> -> memref<128x64xf32, #tpu.memory_space<hbm>>
      %dma_wait3A_304 = arith.constant 0 : i32
      %dma_wait3A_305 = arith.constant 0 : i32
      %dma_wait3A_306 = tpu.memref_slice %arg7[%dma_wait3A_296, %dma_wait3A_304, %dma_wait3A_305] : memref<8x128x64xf32, #tpu.memory_space<vmem>> -> memref<1x128x64xf32, #tpu.memory_space<vmem>>
      %dma_wait3A_307 = tpu.memref_squeeze %dma_wait3A_306 : memref<1x128x64xf32, #tpu.memory_space<vmem>> -> memref<128x64xf32, #tpu.memory_space<vmem>>
      %dma_wait3A_308 = arith.constant 0 : i32
      %dma_wait3A_309 = arith.constant 0 : i32
      %dma_wait3A_310 = tpu.memref_slice %arg2[%dma_wait3A_308, %dma_wait3A_309] : memref<10240x64xf32, #tpu.memory_space<hbm>> -> memref<128x64xf32, #tpu.memory_space<hbm>>
      tpu.wait_dma2 semaphore(%arg9 : memref<!tpu.dma_semaphore, #tpu.memory_space<semaphore_mem>>) src(%dma_wait3A_310 : memref<128x64xf32, #tpu.memory_space<hbm>>) dst(%dma_wait3A_307 : memref<128x64xf32, #tpu.memory_space<vmem>>)
      %dma_start3A_311 = arith.constant 0 : i32
      %dma_start3A_312 = arith.constant 0 : i32
      %dma_start3A_313 = arith.constant 0 : i32
      %dma_start3A_314 = tpu.memref_slice %arg7[%dma_start3A_311, %dma_start3A_312, %dma_start3A_313] : memref<8x128x64xf32, #tpu.memory_space<vmem>> -> memref<1x128x64xf32, #tpu.memory_space<vmem>>
      %dma_start3A_315 = tpu.memref_squeeze %dma_start3A_314 : memref<1x128x64xf32, #tpu.memory_space<vmem>> -> memref<128x64xf32, #tpu.memory_space<vmem>>
      %dma_start3A_316 = arith.constant 0 : i32
      %dma_start3A_317 = tpu.memref_slice %arg6[%add3A_295, %dma_start3A_316] : memref<80x128xi32, #tpu.memory_space<vmem>> -> memref<1x128xi32, #tpu.memory_space<vmem>>
      %dma_start3A_318 = tpu.memref_squeeze %dma_start3A_317 : memref<1x128xi32, #tpu.memory_space<vmem>> -> memref<128xi32, #tpu.memory_space<vmem>>
      %dma_start3A_319 = arith.constant 0 : i32
      %dma_start3A_320 = arith.constant 0 : i32
      %dma_start3A_321 = tpu.memref_slice %arg8[%dma_start3A_319, %dma_start3A_320] : memref<10240x64xf32, #tpu.memory_space<vmem_shared>> -> memref<10240x64xf32, #tpu.memory_space<vmem_shared>>
      tpu.enqueue_indirect_dma source(%dma_start3A_315 : memref<128x64xf32, #tpu.memory_space<vmem>>) target(%dma_start3A_321 : memref<10240x64xf32, #tpu.memory_space<vmem_shared>>) offsets(%dma_start3A_318 : memref<128xi32, #tpu.memory_space<vmem>>) semaphore(%arg17 : memref<!tpu.dma_semaphore, #tpu.memory_space<semaphore_mem>>) {add = true}
      %mul3A_322 = arith.constant 8 : i32
      %mul3A_323 = arith.muli %mul3A_322, %scan3A_135 : i32
      %add3A_324 = arith.constant 1 : i32
      %add3A_325 = arith.addi %mul3A_323, %add3A_324 : i32
      %dma_wait3A_326 = arith.constant 1 : i32
      %dma_wait3A_327 = arith.constant 0 : i32
      %dma_wait3A_328 = arith.constant 0 : i32
      %dma_wait3A_329 = tpu.memref_slice %arg7[%dma_wait3A_326, %dma_wait3A_327, %dma_wait3A_328] : memref<8x128x64xf32, #tpu.memory_space<vmem>> -> memref<1x128x64xf32, #tpu.memory_space<vmem>>
      %dma_wait3A_330 = tpu.memref_squeeze %dma_wait3A_329 : memref<1x128x64xf32, #tpu.memory_space<vmem>> -> memref<128x64xf32, #tpu.memory_space<vmem>>
      %dma_wait3A_331 = arith.constant 0 : i32
      %dma_wait3A_332 = arith.constant 0 : i32
      %dma_wait3A_333 = tpu.memref_slice %arg2[%dma_wait3A_331, %dma_wait3A_332] : memref<10240x64xf32, #tpu.memory_space<hbm>> -> memref<128x64xf32, #tpu.memory_space<hbm>>
      %dma_wait3A_334 = arith.constant 0 : i32
      %dma_wait3A_335 = arith.constant 0 : i32
      %dma_wait3A_336 = tpu.memref_slice %arg7[%dma_wait3A_326, %dma_wait3A_334, %dma_wait3A_335] : memref<8x128x64xf32, #tpu.memory_space<vmem>> -> memref<1x128x64xf32, #tpu.memory_space<vmem>>
      %dma_wait3A_337 = tpu.memref_squeeze %dma_wait3A_336 : memref<1x128x64xf32, #tpu.memory_space<vmem>> -> memref<128x64xf32, #tpu.memory_space<vmem>>
      %dma_wait3A_338 = arith.constant 0 : i32
      %dma_wait3A_339 = arith.constant 0 : i32
      %dma_wait3A_340 = tpu.memref_slice %arg2[%dma_wait3A_338, %dma_wait3A_339] : memref<10240x64xf32, #tpu.memory_space<hbm>> -> memref<128x64xf32, #tpu.memory_space<hbm>>
      tpu.wait_dma2 semaphore(%arg10 : memref<!tpu.dma_semaphore, #tpu.memory_space<semaphore_mem>>) src(%dma_wait3A_340 : memref<128x64xf32, #tpu.memory_space<hbm>>) dst(%dma_wait3A_337 : memref<128x64xf32, #tpu.memory_space<vmem>>)
      %dma_start3A_341 = arith.constant 1 : i32
      %dma_start3A_342 = arith.constant 0 : i32
      %dma_start3A_343 = arith.constant 0 : i32
      %dma_start3A_344 = tpu.memref_slice %arg7[%dma_start3A_341, %dma_start3A_342, %dma_start3A_343] : memref<8x128x64xf32, #tpu.memory_space<vmem>> -> memref<1x128x64xf32, #tpu.memory_space<vmem>>
      %dma_start3A_345 = tpu.memref_squeeze %dma_start3A_344 : memref<1x128x64xf32, #tpu.memory_space<vmem>> -> memref<128x64xf32, #tpu.memory_space<vmem>>
      %dma_start3A_346 = arith.constant 0 : i32
      %dma_start3A_347 = tpu.memref_slice %arg6[%add3A_325, %dma_start3A_346] : memref<80x128xi32, #tpu.memory_space<vmem>> -> memref<1x128xi32, #tpu.memory_space<vmem>>
      %dma_start3A_348 = tpu.memref_squeeze %dma_start3A_347 : memref<1x128xi32, #tpu.memory_space<vmem>> -> memref<128xi32, #tpu.memory_space<vmem>>
      %dma_start3A_349 = arith.constant 0 : i32
      %dma_start3A_350 = arith.constant 0 : i32
      %dma_start3A_351 = tpu.memref_slice %arg8[%dma_start3A_349, %dma_start3A_350] : memref<10240x64xf32, #tpu.memory_space<vmem_shared>> -> memref<10240x64xf32, #tpu.memory_space<vmem_shared>>
      tpu.enqueue_indirect_dma source(%dma_start3A_345 : memref<128x64xf32, #tpu.memory_space<vmem>>) target(%dma_start3A_351 : memref<10240x64xf32, #tpu.memory_space<vmem_shared>>) offsets(%dma_start3A_348 : memref<128xi32, #tpu.memory_space<vmem>>) semaphore(%arg18 : memref<!tpu.dma_semaphore, #tpu.memory_space<semaphore_mem>>) {add = true}
      %mul3A_352 = arith.constant 8 : i32
      %mul3A_353 = arith.muli %mul3A_352, %scan3A_135 : i32
      %add3A_354 = arith.constant 2 : i32
      %add3A_355 = arith.addi %mul3A_353, %add3A_354 : i32
      %dma_wait3A_356 = arith.constant 2 : i32
      %dma_wait3A_357 = arith.constant 0 : i32
      %dma_wait3A_358 = arith.constant 0 : i32
      %dma_wait3A_359 = tpu.memref_slice %arg7[%dma_wait3A_356, %dma_wait3A_357, %dma_wait3A_358] : memref<8x128x64xf32, #tpu.memory_space<vmem>> -> memref<1x128x64xf32, #tpu.memory_space<vmem>>
      %dma_wait3A_360 = tpu.memref_squeeze %dma_wait3A_359 : memref<1x128x64xf32, #tpu.memory_space<vmem>> -> memref<128x64xf32, #tpu.memory_space<vmem>>
      %dma_wait3A_361 = arith.constant 0 : i32
      %dma_wait3A_362 = arith.constant 0 : i32
      %dma_wait3A_363 = tpu.memref_slice %arg2[%dma_wait3A_361, %dma_wait3A_362] : memref<10240x64xf32, #tpu.memory_space<hbm>> -> memref<128x64xf32, #tpu.memory_space<hbm>>
      %dma_wait3A_364 = arith.constant 0 : i32
      %dma_wait3A_365 = arith.constant 0 : i32
      %dma_wait3A_366 = tpu.memref_slice %arg7[%dma_wait3A_356, %dma_wait3A_364, %dma_wait3A_365] : memref<8x128x64xf32, #tpu.memory_space<vmem>> -> memref<1x128x64xf32, #tpu.memory_space<vmem>>
      %dma_wait3A_367 = tpu.memref_squeeze %dma_wait3A_366 : memref<1x128x64xf32, #tpu.memory_space<vmem>> -> memref<128x64xf32, #tpu.memory_space<vmem>>
      %dma_wait3A_368 = arith.constant 0 : i32
      %dma_wait3A_369 = arith.constant 0 : i32
      %dma_wait3A_370 = tpu.memref_slice %arg2[%dma_wait3A_368, %dma_wait3A_369] : memref<10240x64xf32, #tpu.memory_space<hbm>> -> memref<128x64xf32, #tpu.memory_space<hbm>>
      tpu.wait_dma2 semaphore(%arg11 : memref<!tpu.dma_semaphore, #tpu.memory_space<semaphore_mem>>) src(%dma_wait3A_370 : memref<128x64xf32, #tpu.memory_space<hbm>>) dst(%dma_wait3A_367 : memref<128x64xf32, #tpu.memory_space<vmem>>)
      %dma_start3A_371 = arith.constant 2 : i32
      %dma_start3A_372 = arith.constant 0 : i32
      %dma_start3A_373 = arith.constant 0 : i32
      %dma_start3A_374 = tpu.memref_slice %arg7[%dma_start3A_371, %dma_start3A_372, %dma_start3A_373] : memref<8x128x64xf32, #tpu.memory_space<vmem>> -> memref<1x128x64xf32, #tpu.memory_space<vmem>>
      %dma_start3A_375 = tpu.memref_squeeze %dma_start3A_374 : memref<1x128x64xf32, #tpu.memory_space<vmem>> -> memref<128x64xf32, #tpu.memory_space<vmem>>
      %dma_start3A_376 = arith.constant 0 : i32
      %dma_start3A_377 = tpu.memref_slice %arg6[%add3A_355, %dma_start3A_376] : memref<80x128xi32, #tpu.memory_space<vmem>> -> memref<1x128xi32, #tpu.memory_space<vmem>>
      %dma_start3A_378 = tpu.memref_squeeze %dma_start3A_377 : memref<1x128xi32, #tpu.memory_space<vmem>> -> memref<128xi32, #tpu.memory_space<vmem>>
      %dma_start3A_379 = arith.constant 0 : i32
      %dma_start3A_380 = arith.constant 0 : i32
      %dma_start3A_381 = tpu.memref_slice %arg8[%dma_start3A_379, %dma_start3A_380] : memref<10240x64xf32, #tpu.memory_space<vmem_shared>> -> memref<10240x64xf32, #tpu.memory_space<vmem_shared>>
      tpu.enqueue_indirect_dma source(%dma_start3A_375 : memref<128x64xf32, #tpu.memory_space<vmem>>) target(%dma_start3A_381 : memref<10240x64xf32, #tpu.memory_space<vmem_shared>>) offsets(%dma_start3A_378 : memref<128xi32, #tpu.memory_space<vmem>>) semaphore(%arg19 : memref<!tpu.dma_semaphore, #tpu.memory_space<semaphore_mem>>) {add = true}
      %mul3A_382 = arith.constant 8 : i32
      %mul3A_383 = arith.muli %mul3A_382, %scan3A_135 : i32
      %add3A_384 = arith.constant 3 : i32
      %add3A_385 = arith.addi %mul3A_383, %add3A_384 : i32
      %dma_wait3A_386 = arith.constant 3 : i32
      %dma_wait3A_387 = arith.constant 0 : i32
      %dma_wait3A_388 = arith.constant 0 : i32
      %dma_wait3A_389 = tpu.memref_slice %arg7[%dma_wait3A_386, %dma_wait3A_387, %dma_wait3A_388] : memref<8x128x64xf32, #tpu.memory_space<vmem>> -> memref<1x128x64xf32, #tpu.memory_space<vmem>>
      %dma_wait3A_390 = tpu.memref_squeeze %dma_wait3A_389 : memref<1x128x64xf32, #tpu.memory_space<vmem>> -> memref<128x64xf32, #tpu.memory_space<vmem>>
      %dma_wait3A_391 = arith.constant 0 : i32
      %dma_wait3A_392 = arith.constant 0 : i32
      %dma_wait3A_393 = tpu.memref_slice %arg2[%dma_wait3A_391, %dma_wait3A_392] : memref<10240x64xf32, #tpu.memory_space<hbm>> -> memref<128x64xf32, #tpu.memory_space<hbm>>
      %dma_wait3A_394 = arith.constant 0 : i32
      %dma_wait3A_395 = arith.constant 0 : i32
      %dma_wait3A_396 = tpu.memref_slice %arg7[%dma_wait3A_386, %dma_wait3A_394, %dma_wait3A_395] : memref<8x128x64xf32, #tpu.memory_space<vmem>> -> memref<1x128x64xf32, #tpu.memory_space<vmem>>
      %dma_wait3A_397 = tpu.memref_squeeze %dma_wait3A_396 : memref<1x128x64xf32, #tpu.memory_space<vmem>> -> memref<128x64xf32, #tpu.memory_space<vmem>>
      %dma_wait3A_398 = arith.constant 0 : i32
      %dma_wait3A_399 = arith.constant 0 : i32
      %dma_wait3A_400 = tpu.memref_slice %arg2[%dma_wait3A_398, %dma_wait3A_399] : memref<10240x64xf32, #tpu.memory_space<hbm>> -> memref<128x64xf32, #tpu.memory_space<hbm>>
      tpu.wait_dma2 semaphore(%arg12 : memref<!tpu.dma_semaphore, #tpu.memory_space<semaphore_mem>>) src(%dma_wait3A_400 : memref<128x64xf32, #tpu.memory_space<hbm>>) dst(%dma_wait3A_397 : memref<128x64xf32, #tpu.memory_space<vmem>>)
      %dma_start3A_401 = arith.constant 3 : i32
      %dma_start3A_402 = arith.constant 0 : i32
      %dma_start3A_403 = arith.constant 0 : i32
      %dma_start3A_404 = tpu.memref_slice %arg7[%dma_start3A_401, %dma_start3A_402, %dma_start3A_403] : memref<8x128x64xf32, #tpu.memory_space<vmem>> -> memref<1x128x64xf32, #tpu.memory_space<vmem>>
      %dma_start3A_405 = tpu.memref_squeeze %dma_start3A_404 : memref<1x128x64xf32, #tpu.memory_space<vmem>> -> memref<128x64xf32, #tpu.memory_space<vmem>>
      %dma_start3A_406 = arith.constant 0 : i32
      %dma_start3A_407 = tpu.memref_slice %arg6[%add3A_385, %dma_start3A_406] : memref<80x128xi32, #tpu.memory_space<vmem>> -> memref<1x128xi32, #tpu.memory_space<vmem>>
      %dma_start3A_408 = tpu.memref_squeeze %dma_start3A_407 : memref<1x128xi32, #tpu.memory_space<vmem>> -> memref<128xi32, #tpu.memory_space<vmem>>
      %dma_start3A_409 = arith.constant 0 : i32
      %dma_start3A_410 = arith.constant 0 : i32
      %dma_start3A_411 = tpu.memref_slice %arg8[%dma_start3A_409, %dma_start3A_410] : memref<10240x64xf32, #tpu.memory_space<vmem_shared>> -> memref<10240x64xf32, #tpu.memory_space<vmem_shared>>
      tpu.enqueue_indirect_dma source(%dma_start3A_405 : memref<128x64xf32, #tpu.memory_space<vmem>>) target(%dma_start3A_411 : memref<10240x64xf32, #tpu.memory_space<vmem_shared>>) offsets(%dma_start3A_408 : memref<128xi32, #tpu.memory_space<vmem>>) semaphore(%arg20 : memref<!tpu.dma_semaphore, #tpu.memory_space<semaphore_mem>>) {add = true}
      %mul3A_412 = arith.constant 8 : i32
      %mul3A_413 = arith.muli %mul3A_412, %scan3A_135 : i32
      %add3A_414 = arith.constant 4 : i32
      %add3A_415 = arith.addi %mul3A_413, %add3A_414 : i32
      %dma_wait3A_416 = arith.constant 4 : i32
      %dma_wait3A_417 = arith.constant 0 : i32
      %dma_wait3A_418 = arith.constant 0 : i32
      %dma_wait3A_419 = tpu.memref_slice %arg7[%dma_wait3A_416, %dma_wait3A_417, %dma_wait3A_418] : memref<8x128x64xf32, #tpu.memory_space<vmem>> -> memref<1x128x64xf32, #tpu.memory_space<vmem>>
      %dma_wait3A_420 = tpu.memref_squeeze %dma_wait3A_419 : memref<1x128x64xf32, #tpu.memory_space<vmem>> -> memref<128x64xf32, #tpu.memory_space<vmem>>
      %dma_wait3A_421 = arith.constant 0 : i32
      %dma_wait3A_422 = arith.constant 0 : i32
      %dma_wait3A_423 = tpu.memref_slice %arg2[%dma_wait3A_421, %dma_wait3A_422] : memref<10240x64xf32, #tpu.memory_space<hbm>> -> memref<128x64xf32, #tpu.memory_space<hbm>>
      %dma_wait3A_424 = arith.constant 0 : i32
      %dma_wait3A_425 = arith.constant 0 : i32
      %dma_wait3A_426 = tpu.memref_slice %arg7[%dma_wait3A_416, %dma_wait3A_424, %dma_wait3A_425] : memref<8x128x64xf32, #tpu.memory_space<vmem>> -> memref<1x128x64xf32, #tpu.memory_space<vmem>>
      %dma_wait3A_427 = tpu.memref_squeeze %dma_wait3A_426 : memref<1x128x64xf32, #tpu.memory_space<vmem>> -> memref<128x64xf32, #tpu.memory_space<vmem>>
      %dma_wait3A_428 = arith.constant 0 : i32
      %dma_wait3A_429 = arith.constant 0 : i32
      %dma_wait3A_430 = tpu.memref_slice %arg2[%dma_wait3A_428, %dma_wait3A_429] : memref<10240x64xf32, #tpu.memory_space<hbm>> -> memref<128x64xf32, #tpu.memory_space<hbm>>
      tpu.wait_dma2 semaphore(%arg13 : memref<!tpu.dma_semaphore, #tpu.memory_space<semaphore_mem>>) src(%dma_wait3A_430 : memref<128x64xf32, #tpu.memory_space<hbm>>) dst(%dma_wait3A_427 : memref<128x64xf32, #tpu.memory_space<vmem>>)
      %dma_start3A_431 = arith.constant 4 : i32
      %dma_start3A_432 = arith.constant 0 : i32
      %dma_start3A_433 = arith.constant 0 : i32
      %dma_start3A_434 = tpu.memref_slice %arg7[%dma_start3A_431, %dma_start3A_432, %dma_start3A_433] : memref<8x128x64xf32, #tpu.memory_space<vmem>> -> memref<1x128x64xf32, #tpu.memory_space<vmem>>
      %dma_start3A_435 = tpu.memref_squeeze %dma_start3A_434 : memref<1x128x64xf32, #tpu.memory_space<vmem>> -> memref<128x64xf32, #tpu.memory_space<vmem>>
      %dma_start3A_436 = arith.constant 0 : i32
      %dma_start3A_437 = tpu.memref_slice %arg6[%add3A_415, %dma_start3A_436] : memref<80x128xi32, #tpu.memory_space<vmem>> -> memref<1x128xi32, #tpu.memory_space<vmem>>
      %dma_start3A_438 = tpu.memref_squeeze %dma_start3A_437 : memref<1x128xi32, #tpu.memory_space<vmem>> -> memref<128xi32, #tpu.memory_space<vmem>>
      %dma_start3A_439 = arith.constant 0 : i32
      %dma_start3A_440 = arith.constant 0 : i32
      %dma_start3A_441 = tpu.memref_slice %arg8[%dma_start3A_439, %dma_start3A_440] : memref<10240x64xf32, #tpu.memory_space<vmem_shared>> -> memref<10240x64xf32, #tpu.memory_space<vmem_shared>>
      tpu.enqueue_indirect_dma source(%dma_start3A_435 : memref<128x64xf32, #tpu.memory_space<vmem>>) target(%dma_start3A_441 : memref<10240x64xf32, #tpu.memory_space<vmem_shared>>) offsets(%dma_start3A_438 : memref<128xi32, #tpu.memory_space<vmem>>) semaphore(%arg21 : memref<!tpu.dma_semaphore, #tpu.memory_space<semaphore_mem>>) {add = true}
      %mul3A_442 = arith.constant 8 : i32
      %mul3A_443 = arith.muli %mul3A_442, %scan3A_135 : i32
      %add3A_444 = arith.constant 5 : i32
      %add3A_445 = arith.addi %mul3A_443, %add3A_444 : i32
      %dma_wait3A_446 = arith.constant 5 : i32
      %dma_wait3A_447 = arith.constant 0 : i32
      %dma_wait3A_448 = arith.constant 0 : i32
      %dma_wait3A_449 = tpu.memref_slice %arg7[%dma_wait3A_446, %dma_wait3A_447, %dma_wait3A_448] : memref<8x128x64xf32, #tpu.memory_space<vmem>> -> memref<1x128x64xf32, #tpu.memory_space<vmem>>
      %dma_wait3A_450 = tpu.memref_squeeze %dma_wait3A_449 : memref<1x128x64xf32, #tpu.memory_space<vmem>> -> memref<128x64xf32, #tpu.memory_space<vmem>>
      %dma_wait3A_451 = arith.constant 0 : i32
      %dma_wait3A_452 = arith.constant 0 : i32
      %dma_wait3A_453 = tpu.memref_slice %arg2[%dma_wait3A_451, %dma_wait3A_452] : memref<10240x64xf32, #tpu.memory_space<hbm>> -> memref<128x64xf32, #tpu.memory_space<hbm>>
      %dma_wait3A_454 = arith.constant 0 : i32
      %dma_wait3A_455 = arith.constant 0 : i32
      %dma_wait3A_456 = tpu.memref_slice %arg7[%dma_wait3A_446, %dma_wait3A_454, %dma_wait3A_455] : memref<8x128x64xf32, #tpu.memory_space<vmem>> -> memref<1x128x64xf32, #tpu.memory_space<vmem>>
      %dma_wait3A_457 = tpu.memref_squeeze %dma_wait3A_456 : memref<1x128x64xf32, #tpu.memory_space<vmem>> -> memref<128x64xf32, #tpu.memory_space<vmem>>
      %dma_wait3A_458 = arith.constant 0 : i32
      %dma_wait3A_459 = arith.constant 0 : i32
      %dma_wait3A_460 = tpu.memref_slice %arg2[%dma_wait3A_458, %dma_wait3A_459] : memref<10240x64xf32, #tpu.memory_space<hbm>> -> memref<128x64xf32, #tpu.memory_space<hbm>>
      tpu.wait_dma2 semaphore(%arg14 : memref<!tpu.dma_semaphore, #tpu.memory_space<semaphore_mem>>) src(%dma_wait3A_460 : memref<128x64xf32, #tpu.memory_space<hbm>>) dst(%dma_wait3A_457 : memref<128x64xf32, #tpu.memory_space<vmem>>)
      %dma_start3A_461 = arith.constant 5 : i32
      %dma_start3A_462 = arith.constant 0 : i32
      %dma_start3A_463 = arith.constant 0 : i32
      %dma_start3A_464 = tpu.memref_slice %arg7[%dma_start3A_461, %dma_start3A_462, %dma_start3A_463] : memref<8x128x64xf32, #tpu.memory_space<vmem>> -> memref<1x128x64xf32, #tpu.memory_space<vmem>>
      %dma_start3A_465 = tpu.memref_squeeze %dma_start3A_464 : memref<1x128x64xf32, #tpu.memory_space<vmem>> -> memref<128x64xf32, #tpu.memory_space<vmem>>
      %dma_start3A_466 = arith.constant 0 : i32
      %dma_start3A_467 = tpu.memref_slice %arg6[%add3A_445, %dma_start3A_466] : memref<80x128xi32, #tpu.memory_space<vmem>> -> memref<1x128xi32, #tpu.memory_space<vmem>>
      %dma_start3A_468 = tpu.memref_squeeze %dma_start3A_467 : memref<1x128xi32, #tpu.memory_space<vmem>> -> memref<128xi32, #tpu.memory_space<vmem>>
      %dma_start3A_469 = arith.constant 0 : i32
      %dma_start3A_470 = arith.constant 0 : i32
      %dma_start3A_471 = tpu.memref_slice %arg8[%dma_start3A_469, %dma_start3A_470] : memref<10240x64xf32, #tpu.memory_space<vmem_shared>> -> memref<10240x64xf32, #tpu.memory_space<vmem_shared>>
      tpu.enqueue_indirect_dma source(%dma_start3A_465 : memref<128x64xf32, #tpu.memory_space<vmem>>) target(%dma_start3A_471 : memref<10240x64xf32, #tpu.memory_space<vmem_shared>>) offsets(%dma_start3A_468 : memref<128xi32, #tpu.memory_space<vmem>>) semaphore(%arg22 : memref<!tpu.dma_semaphore, #tpu.memory_space<semaphore_mem>>) {add = true}
      %mul3A_472 = arith.constant 8 : i32
      %mul3A_473 = arith.muli %mul3A_472, %scan3A_135 : i32
      %add3A_474 = arith.constant 6 : i32
      %add3A_475 = arith.addi %mul3A_473, %add3A_474 : i32
      %dma_wait3A_476 = arith.constant 6 : i32
      %dma_wait3A_477 = arith.constant 0 : i32
      %dma_wait3A_478 = arith.constant 0 : i32
      %dma_wait3A_479 = tpu.memref_slice %arg7[%dma_wait3A_476, %dma_wait3A_477, %dma_wait3A_478] : memref<8x128x64xf32, #tpu.memory_space<vmem>> -> memref<1x128x64xf32, #tpu.memory_space<vmem>>
      %dma_wait3A_480 = tpu.memref_squeeze %dma_wait3A_479 : memref<1x128x64xf32, #tpu.memory_space<vmem>> -> memref<128x64xf32, #tpu.memory_space<vmem>>
      %dma_wait3A_481 = arith.constant 0 : i32
      %dma_wait3A_482 = arith.constant 0 : i32
      %dma_wait3A_483 = tpu.memref_slice %arg2[%dma_wait3A_481, %dma_wait3A_482] : memref<10240x64xf32, #tpu.memory_space<hbm>> -> memref<128x64xf32, #tpu.memory_space<hbm>>
      %dma_wait3A_484 = arith.constant 0 : i32
      %dma_wait3A_485 = arith.constant 0 : i32
      %dma_wait3A_486 = tpu.memref_slice %arg7[%dma_wait3A_476, %dma_wait3A_484, %dma_wait3A_485] : memref<8x128x64xf32, #tpu.memory_space<vmem>> -> memref<1x128x64xf32, #tpu.memory_space<vmem>>
      %dma_wait3A_487 = tpu.memref_squeeze %dma_wait3A_486 : memref<1x128x64xf32, #tpu.memory_space<vmem>> -> memref<128x64xf32, #tpu.memory_space<vmem>>
      %dma_wait3A_488 = arith.constant 0 : i32
      %dma_wait3A_489 = arith.constant 0 : i32
      %dma_wait3A_490 = tpu.memref_slice %arg2[%dma_wait3A_488, %dma_wait3A_489] : memref<10240x64xf32, #tpu.memory_space<hbm>> -> memref<128x64xf32, #tpu.memory_space<hbm>>
      tpu.wait_dma2 semaphore(%arg15 : memref<!tpu.dma_semaphore, #tpu.memory_space<semaphore_mem>>) src(%dma_wait3A_490 : memref<128x64xf32, #tpu.memory_space<hbm>>) dst(%dma_wait3A_487 : memref<128x64xf32, #tpu.memory_space<vmem>>)
      %dma_start3A_491 = arith.constant 6 : i32
      %dma_start3A_492 = arith.constant 0 : i32
      %dma_start3A_493 = arith.constant 0 : i32
      %dma_start3A_494 = tpu.memref_slice %arg7[%dma_start3A_491, %dma_start3A_492, %dma_start3A_493] : memref<8x128x64xf32, #tpu.memory_space<vmem>> -> memref<1x128x64xf32, #tpu.memory_space<vmem>>
      %dma_start3A_495 = tpu.memref_squeeze %dma_start3A_494 : memref<1x128x64xf32, #tpu.memory_space<vmem>> -> memref<128x64xf32, #tpu.memory_space<vmem>>
      %dma_start3A_496 = arith.constant 0 : i32
      %dma_start3A_497 = tpu.memref_slice %arg6[%add3A_475, %dma_start3A_496] : memref<80x128xi32, #tpu.memory_space<vmem>> -> memref<1x128xi32, #tpu.memory_space<vmem>>
      %dma_start3A_498 = tpu.memref_squeeze %dma_start3A_497 : memref<1x128xi32, #tpu.memory_space<vmem>> -> memref<128xi32, #tpu.memory_space<vmem>>
      %dma_start3A_499 = arith.constant 0 : i32
      %dma_start3A_500 = arith.constant 0 : i32
      %dma_start3A_501 = tpu.memref_slice %arg8[%dma_start3A_499, %dma_start3A_500] : memref<10240x64xf32, #tpu.memory_space<vmem_shared>> -> memref<10240x64xf32, #tpu.memory_space<vmem_shared>>
      tpu.enqueue_indirect_dma source(%dma_start3A_495 : memref<128x64xf32, #tpu.memory_space<vmem>>) target(%dma_start3A_501 : memref<10240x64xf32, #tpu.memory_space<vmem_shared>>) offsets(%dma_start3A_498 : memref<128xi32, #tpu.memory_space<vmem>>) semaphore(%arg23 : memref<!tpu.dma_semaphore, #tpu.memory_space<semaphore_mem>>) {add = true}
      %mul3A_502 = arith.constant 8 : i32
      %mul3A_503 = arith.muli %mul3A_502, %scan3A_135 : i32
      %add3A_504 = arith.constant 7 : i32
      %add3A_505 = arith.addi %mul3A_503, %add3A_504 : i32
      %dma_wait3A_506 = arith.constant 7 : i32
      %dma_wait3A_507 = arith.constant 0 : i32
      %dma_wait3A_508 = arith.constant 0 : i32
      %dma_wait3A_509 = tpu.memref_slice %arg7[%dma_wait3A_506, %dma_wait3A_507, %dma_wait3A_508] : memref<8x128x64xf32, #tpu.memory_space<vmem>> -> memref<1x128x64xf32, #tpu.memory_space<vmem>>
      %dma_wait3A_510 = tpu.memref_squeeze %dma_wait3A_509 : memref<1x128x64xf32, #tpu.memory_space<vmem>> -> memref<128x64xf32, #tpu.memory_space<vmem>>
      %dma_wait3A_511 = arith.constant 0 : i32
      %dma_wait3A_512 = arith.constant 0 : i32
      %dma_wait3A_513 = tpu.memref_slice %arg2[%dma_wait3A_511, %dma_wait3A_512] : memref<10240x64xf32, #tpu.memory_space<hbm>> -> memref<128x64xf32, #tpu.memory_space<hbm>>
      %dma_wait3A_514 = arith.constant 0 : i32
      %dma_wait3A_515 = arith.constant 0 : i32
      %dma_wait3A_516 = tpu.memref_slice %arg7[%dma_wait3A_506, %dma_wait3A_514, %dma_wait3A_515] : memref<8x128x64xf32, #tpu.memory_space<vmem>> -> memref<1x128x64xf32, #tpu.memory_space<vmem>>
      %dma_wait3A_517 = tpu.memref_squeeze %dma_wait3A_516 : memref<1x128x64xf32, #tpu.memory_space<vmem>> -> memref<128x64xf32, #tpu.memory_space<vmem>>
      %dma_wait3A_518 = arith.constant 0 : i32
      %dma_wait3A_519 = arith.constant 0 : i32
      %dma_wait3A_520 = tpu.memref_slice %arg2[%dma_wait3A_518, %dma_wait3A_519] : memref<10240x64xf32, #tpu.memory_space<hbm>> -> memref<128x64xf32, #tpu.memory_space<hbm>>
      tpu.wait_dma2 semaphore(%arg16 : memref<!tpu.dma_semaphore, #tpu.memory_space<semaphore_mem>>) src(%dma_wait3A_520 : memref<128x64xf32, #tpu.memory_space<hbm>>) dst(%dma_wait3A_517 : memref<128x64xf32, #tpu.memory_space<vmem>>)
      %dma_start3A_521 = arith.constant 7 : i32
      %dma_start3A_522 = arith.constant 0 : i32
      %dma_start3A_523 = arith.constant 0 : i32
      %dma_start3A_524 = tpu.memref_slice %arg7[%dma_start3A_521, %dma_start3A_522, %dma_start3A_523] : memref<8x128x64xf32, #tpu.memory_space<vmem>> -> memref<1x128x64xf32, #tpu.memory_space<vmem>>
      %dma_start3A_525 = tpu.memref_squeeze %dma_start3A_524 : memref<1x128x64xf32, #tpu.memory_space<vmem>> -> memref<128x64xf32, #tpu.memory_space<vmem>>
      %dma_start3A_526 = arith.constant 0 : i32
      %dma_start3A_527 = tpu.memref_slice %arg6[%add3A_505, %dma_start3A_526] : memref<80x128xi32, #tpu.memory_space<vmem>> -> memref<1x128xi32, #tpu.memory_space<vmem>>
      %dma_start3A_528 = tpu.memref_squeeze %dma_start3A_527 : memref<1x128xi32, #tpu.memory_space<vmem>> -> memref<128xi32, #tpu.memory_space<vmem>>
      %dma_start3A_529 = arith.constant 0 : i32
      %dma_start3A_530 = arith.constant 0 : i32
      %dma_start3A_531 = tpu.memref_slice %arg8[%dma_start3A_529, %dma_start3A_530] : memref<10240x64xf32, #tpu.memory_space<vmem_shared>> -> memref<10240x64xf32, #tpu.memory_space<vmem_shared>>
      tpu.enqueue_indirect_dma source(%dma_start3A_525 : memref<128x64xf32, #tpu.memory_space<vmem>>) target(%dma_start3A_531 : memref<10240x64xf32, #tpu.memory_space<vmem_shared>>) offsets(%dma_start3A_528 : memref<128xi32, #tpu.memory_space<vmem>>) semaphore(%arg24 : memref<!tpu.dma_semaphore, #tpu.memory_space<semaphore_mem>>) {add = true}
    }
    %scan3A_10 = arith.constant 10 : i32
    %dma_wait3A = arith.constant 0 : i32
    %dma_wait3A_11 = arith.constant 0 : i32
    %dma_wait3A_12 = arith.constant 0 : i32
    %dma_wait3A_13 = tpu.memref_slice %arg7[%dma_wait3A, %dma_wait3A_11, %dma_wait3A_12] : memref<8x128x64xf32, #tpu.memory_space<vmem>> -> memref<1x128x64xf32, #tpu.memory_space<vmem>>
    %dma_wait3A_14 = tpu.memref_squeeze %dma_wait3A_13 : memref<1x128x64xf32, #tpu.memory_space<vmem>> -> memref<128x64xf32, #tpu.memory_space<vmem>>
    %dma_wait3A_15 = arith.constant 0 : i32
    %dma_wait3A_16 = arith.constant 0 : i32
    %dma_wait3A_17 = tpu.memref_slice %arg2[%dma_wait3A_15, %dma_wait3A_16] : memref<10240x64xf32, #tpu.memory_space<hbm>> -> memref<128x64xf32, #tpu.memory_space<hbm>>
    %dma_wait3A_18 = arith.constant 0 : i32
    %dma_wait3A_19 = arith.constant 0 : i32
    %dma_wait3A_20 = tpu.memref_slice %arg7[%dma_wait3A, %dma_wait3A_18, %dma_wait3A_19] : memref<8x128x64xf32, #tpu.memory_space<vmem>> -> memref<1x128x64xf32, #tpu.memory_space<vmem>>
    %dma_wait3A_21 = tpu.memref_squeeze %dma_wait3A_20 : memref<1x128x64xf32, #tpu.memory_space<vmem>> -> memref<128x64xf32, #tpu.memory_space<vmem>>
    %dma_wait3A_22 = arith.constant 0 : i32
    %dma_wait3A_23 = arith.constant 0 : i32
    %dma_wait3A_24 = tpu.memref_slice %arg2[%dma_wait3A_22, %dma_wait3A_23] : memref<10240x64xf32, #tpu.memory_space<hbm>> -> memref<128x64xf32, #tpu.memory_space<hbm>>
    tpu.wait_dma2 semaphore(%arg17 : memref<!tpu.dma_semaphore, #tpu.memory_space<semaphore_mem>>) src(%dma_wait3A_24 : memref<128x64xf32, #tpu.memory_space<hbm>>) dst(%dma_wait3A_21 : memref<128x64xf32, #tpu.memory_space<vmem>>)
    %dma_wait3A_25 = arith.constant 1 : i32
    %dma_wait3A_26 = arith.constant 0 : i32
    %dma_wait3A_27 = arith.constant 0 : i32
    %dma_wait3A_28 = tpu.memref_slice %arg7[%dma_wait3A_25, %dma_wait3A_26, %dma_wait3A_27] : memref<8x128x64xf32, #tpu.memory_space<vmem>> -> memref<1x128x64xf32, #tpu.memory_space<vmem>>
    %dma_wait3A_29 = tpu.memref_squeeze %dma_wait3A_28 : memref<1x128x64xf32, #tpu.memory_space<vmem>> -> memref<128x64xf32, #tpu.memory_space<vmem>>
    %dma_wait3A_30 = arith.constant 0 : i32
    %dma_wait3A_31 = arith.constant 0 : i32
    %dma_wait3A_32 = tpu.memref_slice %arg2[%dma_wait3A_30, %dma_wait3A_31] : memref<10240x64xf32, #tpu.memory_space<hbm>> -> memref<128x64xf32, #tpu.memory_space<hbm>>
    %dma_wait3A_33 = arith.constant 0 : i32
    %dma_wait3A_34 = arith.constant 0 : i32
    %dma_wait3A_35 = tpu.memref_slice %arg7[%dma_wait3A_25, %dma_wait3A_33, %dma_wait3A_34] : memref<8x128x64xf32, #tpu.memory_space<vmem>> -> memref<1x128x64xf32, #tpu.memory_space<vmem>>
    %dma_wait3A_36 = tpu.memref_squeeze %dma_wait3A_35 : memref<1x128x64xf32, #tpu.memory_space<vmem>> -> memref<128x64xf32, #tpu.memory_space<vmem>>
    %dma_wait3A_37 = arith.constant 0 : i32
    %dma_wait3A_38 = arith.constant 0 : i32
    %dma_wait3A_39 = tpu.memref_slice %arg2[%dma_wait3A_37, %dma_wait3A_38] : memref<10240x64xf32, #tpu.memory_space<hbm>> -> memref<128x64xf32, #tpu.memory_space<hbm>>
    tpu.wait_dma2 semaphore(%arg18 : memref<!tpu.dma_semaphore, #tpu.memory_space<semaphore_mem>>) src(%dma_wait3A_39 : memref<128x64xf32, #tpu.memory_space<hbm>>) dst(%dma_wait3A_36 : memref<128x64xf32, #tpu.memory_space<vmem>>)
    %dma_wait3A_40 = arith.constant 2 : i32
    %dma_wait3A_41 = arith.constant 0 : i32
    %dma_wait3A_42 = arith.constant 0 : i32
    %dma_wait3A_43 = tpu.memref_slice %arg7[%dma_wait3A_40, %dma_wait3A_41, %dma_wait3A_42] : memref<8x128x64xf32, #tpu.memory_space<vmem>> -> memref<1x128x64xf32, #tpu.memory_space<vmem>>
    %dma_wait3A_44 = tpu.memref_squeeze %dma_wait3A_43 : memref<1x128x64xf32, #tpu.memory_space<vmem>> -> memref<128x64xf32, #tpu.memory_space<vmem>>
    %dma_wait3A_45 = arith.constant 0 : i32
    %dma_wait3A_46 = arith.constant 0 : i32
    %dma_wait3A_47 = tpu.memref_slice %arg2[%dma_wait3A_45, %dma_wait3A_46] : memref<10240x64xf32, #tpu.memory_space<hbm>> -> memref<128x64xf32, #tpu.memory_space<hbm>>
    %dma_wait3A_48 = arith.constant 0 : i32
    %dma_wait3A_49 = arith.constant 0 : i32
    %dma_wait3A_50 = tpu.memref_slice %arg7[%dma_wait3A_40, %dma_wait3A_48, %dma_wait3A_49] : memref<8x128x64xf32, #tpu.memory_space<vmem>> -> memref<1x128x64xf32, #tpu.memory_space<vmem>>
    %dma_wait3A_51 = tpu.memref_squeeze %dma_wait3A_50 : memref<1x128x64xf32, #tpu.memory_space<vmem>> -> memref<128x64xf32, #tpu.memory_space<vmem>>
    %dma_wait3A_52 = arith.constant 0 : i32
    %dma_wait3A_53 = arith.constant 0 : i32
    %dma_wait3A_54 = tpu.memref_slice %arg2[%dma_wait3A_52, %dma_wait3A_53] : memref<10240x64xf32, #tpu.memory_space<hbm>> -> memref<128x64xf32, #tpu.memory_space<hbm>>
    tpu.wait_dma2 semaphore(%arg19 : memref<!tpu.dma_semaphore, #tpu.memory_space<semaphore_mem>>) src(%dma_wait3A_54 : memref<128x64xf32, #tpu.memory_space<hbm>>) dst(%dma_wait3A_51 : memref<128x64xf32, #tpu.memory_space<vmem>>)
    %dma_wait3A_55 = arith.constant 3 : i32
    %dma_wait3A_56 = arith.constant 0 : i32
    %dma_wait3A_57 = arith.constant 0 : i32
    %dma_wait3A_58 = tpu.memref_slice %arg7[%dma_wait3A_55, %dma_wait3A_56, %dma_wait3A_57] : memref<8x128x64xf32, #tpu.memory_space<vmem>> -> memref<1x128x64xf32, #tpu.memory_space<vmem>>
    %dma_wait3A_59 = tpu.memref_squeeze %dma_wait3A_58 : memref<1x128x64xf32, #tpu.memory_space<vmem>> -> memref<128x64xf32, #tpu.memory_space<vmem>>
    %dma_wait3A_60 = arith.constant 0 : i32
    %dma_wait3A_61 = arith.constant 0 : i32
    %dma_wait3A_62 = tpu.memref_slice %arg2[%dma_wait3A_60, %dma_wait3A_61] : memref<10240x64xf32, #tpu.memory_space<hbm>> -> memref<128x64xf32, #tpu.memory_space<hbm>>
    %dma_wait3A_63 = arith.constant 0 : i32
    %dma_wait3A_64 = arith.constant 0 : i32
    %dma_wait3A_65 = tpu.memref_slice %arg7[%dma_wait3A_55, %dma_wait3A_63, %dma_wait3A_64] : memref<8x128x64xf32, #tpu.memory_space<vmem>> -> memref<1x128x64xf32, #tpu.memory_space<vmem>>
    %dma_wait3A_66 = tpu.memref_squeeze %dma_wait3A_65 : memref<1x128x64xf32, #tpu.memory_space<vmem>> -> memref<128x64xf32, #tpu.memory_space<vmem>>
    %dma_wait3A_67 = arith.constant 0 : i32
    %dma_wait3A_68 = arith.constant 0 : i32
    %dma_wait3A_69 = tpu.memref_slice %arg2[%dma_wait3A_67, %dma_wait3A_68] : memref<10240x64xf32, #tpu.memory_space<hbm>> -> memref<128x64xf32, #tpu.memory_space<hbm>>
    tpu.wait_dma2 semaphore(%arg20 : memref<!tpu.dma_semaphore, #tpu.memory_space<semaphore_mem>>) src(%dma_wait3A_69 : memref<128x64xf32, #tpu.memory_space<hbm>>) dst(%dma_wait3A_66 : memref<128x64xf32, #tpu.memory_space<vmem>>)
    %dma_wait3A_70 = arith.constant 4 : i32
    %dma_wait3A_71 = arith.constant 0 : i32
    %dma_wait3A_72 = arith.constant 0 : i32
    %dma_wait3A_73 = tpu.memref_slice %arg7[%dma_wait3A_70, %dma_wait3A_71, %dma_wait3A_72] : memref<8x128x64xf32, #tpu.memory_space<vmem>> -> memref<1x128x64xf32, #tpu.memory_space<vmem>>
    %dma_wait3A_74 = tpu.memref_squeeze %dma_wait3A_73 : memref<1x128x64xf32, #tpu.memory_space<vmem>> -> memref<128x64xf32, #tpu.memory_space<vmem>>
    %dma_wait3A_75 = arith.constant 0 : i32
    %dma_wait3A_76 = arith.constant 0 : i32
    %dma_wait3A_77 = tpu.memref_slice %arg2[%dma_wait3A_75, %dma_wait3A_76] : memref<10240x64xf32, #tpu.memory_space<hbm>> -> memref<128x64xf32, #tpu.memory_space<hbm>>
    %dma_wait3A_78 = arith.constant 0 : i32
    %dma_wait3A_79 = arith.constant 0 : i32
    %dma_wait3A_80 = tpu.memref_slice %arg7[%dma_wait3A_70, %dma_wait3A_78, %dma_wait3A_79] : memref<8x128x64xf32, #tpu.memory_space<vmem>> -> memref<1x128x64xf32, #tpu.memory_space<vmem>>
    %dma_wait3A_81 = tpu.memref_squeeze %dma_wait3A_80 : memref<1x128x64xf32, #tpu.memory_space<vmem>> -> memref<128x64xf32, #tpu.memory_space<vmem>>
    %dma_wait3A_82 = arith.constant 0 : i32
    %dma_wait3A_83 = arith.constant 0 : i32
    %dma_wait3A_84 = tpu.memref_slice %arg2[%dma_wait3A_82, %dma_wait3A_83] : memref<10240x64xf32, #tpu.memory_space<hbm>> -> memref<128x64xf32, #tpu.memory_space<hbm>>
    tpu.wait_dma2 semaphore(%arg21 : memref<!tpu.dma_semaphore, #tpu.memory_space<semaphore_mem>>) src(%dma_wait3A_84 : memref<128x64xf32, #tpu.memory_space<hbm>>) dst(%dma_wait3A_81 : memref<128x64xf32, #tpu.memory_space<vmem>>)
    %dma_wait3A_85 = arith.constant 5 : i32
    %dma_wait3A_86 = arith.constant 0 : i32
    %dma_wait3A_87 = arith.constant 0 : i32
    %dma_wait3A_88 = tpu.memref_slice %arg7[%dma_wait3A_85, %dma_wait3A_86, %dma_wait3A_87] : memref<8x128x64xf32, #tpu.memory_space<vmem>> -> memref<1x128x64xf32, #tpu.memory_space<vmem>>
    %dma_wait3A_89 = tpu.memref_squeeze %dma_wait3A_88 : memref<1x128x64xf32, #tpu.memory_space<vmem>> -> memref<128x64xf32, #tpu.memory_space<vmem>>
    %dma_wait3A_90 = arith.constant 0 : i32
    %dma_wait3A_91 = arith.constant 0 : i32
    %dma_wait3A_92 = tpu.memref_slice %arg2[%dma_wait3A_90, %dma_wait3A_91] : memref<10240x64xf32, #tpu.memory_space<hbm>> -> memref<128x64xf32, #tpu.memory_space<hbm>>
    %dma_wait3A_93 = arith.constant 0 : i32
    %dma_wait3A_94 = arith.constant 0 : i32
    %dma_wait3A_95 = tpu.memref_slice %arg7[%dma_wait3A_85, %dma_wait3A_93, %dma_wait3A_94] : memref<8x128x64xf32, #tpu.memory_space<vmem>> -> memref<1x128x64xf32, #tpu.memory_space<vmem>>
    %dma_wait3A_96 = tpu.memref_squeeze %dma_wait3A_95 : memref<1x128x64xf32, #tpu.memory_space<vmem>> -> memref<128x64xf32, #tpu.memory_space<vmem>>
    %dma_wait3A_97 = arith.constant 0 : i32
    %dma_wait3A_98 = arith.constant 0 : i32
    %dma_wait3A_99 = tpu.memref_slice %arg2[%dma_wait3A_97, %dma_wait3A_98] : memref<10240x64xf32, #tpu.memory_space<hbm>> -> memref<128x64xf32, #tpu.memory_space<hbm>>
    tpu.wait_dma2 semaphore(%arg22 : memref<!tpu.dma_semaphore, #tpu.memory_space<semaphore_mem>>) src(%dma_wait3A_99 : memref<128x64xf32, #tpu.memory_space<hbm>>) dst(%dma_wait3A_96 : memref<128x64xf32, #tpu.memory_space<vmem>>)
    %dma_wait3A_100 = arith.constant 6 : i32
    %dma_wait3A_101 = arith.constant 0 : i32
    %dma_wait3A_102 = arith.constant 0 : i32
    %dma_wait3A_103 = tpu.memref_slice %arg7[%dma_wait3A_100, %dma_wait3A_101, %dma_wait3A_102] : memref<8x128x64xf32, #tpu.memory_space<vmem>> -> memref<1x128x64xf32, #tpu.memory_space<vmem>>
    %dma_wait3A_104 = tpu.memref_squeeze %dma_wait3A_103 : memref<1x128x64xf32, #tpu.memory_space<vmem>> -> memref<128x64xf32, #tpu.memory_space<vmem>>
    %dma_wait3A_105 = arith.constant 0 : i32
    %dma_wait3A_106 = arith.constant 0 : i32
    %dma_wait3A_107 = tpu.memref_slice %arg2[%dma_wait3A_105, %dma_wait3A_106] : memref<10240x64xf32, #tpu.memory_space<hbm>> -> memref<128x64xf32, #tpu.memory_space<hbm>>
    %dma_wait3A_108 = arith.constant 0 : i32
    %dma_wait3A_109 = arith.constant 0 : i32
    %dma_wait3A_110 = tpu.memref_slice %arg7[%dma_wait3A_100, %dma_wait3A_108, %dma_wait3A_109] : memref<8x128x64xf32, #tpu.memory_space<vmem>> -> memref<1x128x64xf32, #tpu.memory_space<vmem>>
    %dma_wait3A_111 = tpu.memref_squeeze %dma_wait3A_110 : memref<1x128x64xf32, #tpu.memory_space<vmem>> -> memref<128x64xf32, #tpu.memory_space<vmem>>
    %dma_wait3A_112 = arith.constant 0 : i32
    %dma_wait3A_113 = arith.constant 0 : i32
    %dma_wait3A_114 = tpu.memref_slice %arg2[%dma_wait3A_112, %dma_wait3A_113] : memref<10240x64xf32, #tpu.memory_space<hbm>> -> memref<128x64xf32, #tpu.memory_space<hbm>>
    tpu.wait_dma2 semaphore(%arg23 : memref<!tpu.dma_semaphore, #tpu.memory_space<semaphore_mem>>) src(%dma_wait3A_114 : memref<128x64xf32, #tpu.memory_space<hbm>>) dst(%dma_wait3A_111 : memref<128x64xf32, #tpu.memory_space<vmem>>)
    %dma_wait3A_115 = arith.constant 7 : i32
    %dma_wait3A_116 = arith.constant 0 : i32
    %dma_wait3A_117 = arith.constant 0 : i32
    %dma_wait3A_118 = tpu.memref_slice %arg7[%dma_wait3A_115, %dma_wait3A_116, %dma_wait3A_117] : memref<8x128x64xf32, #tpu.memory_space<vmem>> -> memref<1x128x64xf32, #tpu.memory_space<vmem>>
    %dma_wait3A_119 = tpu.memref_squeeze %dma_wait3A_118 : memref<1x128x64xf32, #tpu.memory_space<vmem>> -> memref<128x64xf32, #tpu.memory_space<vmem>>
    %dma_wait3A_120 = arith.constant 0 : i32
    %dma_wait3A_121 = arith.constant 0 : i32
    %dma_wait3A_122 = tpu.memref_slice %arg2[%dma_wait3A_120, %dma_wait3A_121] : memref<10240x64xf32, #tpu.memory_space<hbm>> -> memref<128x64xf32, #tpu.memory_space<hbm>>
    %dma_wait3A_123 = arith.constant 0 : i32
    %dma_wait3A_124 = arith.constant 0 : i32
    %dma_wait3A_125 = tpu.memref_slice %arg7[%dma_wait3A_115, %dma_wait3A_123, %dma_wait3A_124] : memref<8x128x64xf32, #tpu.memory_space<vmem>> -> memref<1x128x64xf32, #tpu.memory_space<vmem>>
    %dma_wait3A_126 = tpu.memref_squeeze %dma_wait3A_125 : memref<1x128x64xf32, #tpu.memory_space<vmem>> -> memref<128x64xf32, #tpu.memory_space<vmem>>
    %dma_wait3A_127 = arith.constant 0 : i32
    %dma_wait3A_128 = arith.constant 0 : i32
    %dma_wait3A_129 = tpu.memref_slice %arg2[%dma_wait3A_127, %dma_wait3A_128] : memref<10240x64xf32, #tpu.memory_space<hbm>> -> memref<128x64xf32, #tpu.memory_space<hbm>>
    tpu.wait_dma2 semaphore(%arg24 : memref<!tpu.dma_semaphore, #tpu.memory_space<semaphore_mem>>) src(%dma_wait3A_129 : memref<128x64xf32, #tpu.memory_space<hbm>>) dst(%dma_wait3A_126 : memref<128x64xf32, #tpu.memory_space<vmem>>)
    %barrier3A_130 = arith.constant 0 : index
    tpu.barrier barrier_id(%barrier3A_130)
    %mul3A_131 = arith.constant 640 : i32
    %mul3A_132 = arith.muli %arg1, %mul3A_131 : i32
    %mul3A_133 = arith.constant 640 : i32
    %mul3A_134 = arith.muli %arg1, %mul3A_133 : i32
    "tpu.region"() ({
      %run_scoped3A_135 = tpu.sem_alloc : memref<!tpu.dma_semaphore, #tpu.memory_space<semaphore_mem>>
      %dma_start3A = arith.constant 0 : i32
      %dma_start3A_136 = tpu.memref_slice %arg4[%arg0, %mul3A_134, %dma_start3A] : memref<2x10240x64xf32, #tpu.memory_space<hbm>> -> memref<1x640x64xf32, #tpu.memory_space<hbm>>
      %dma_start3A_137 = tpu.memref_squeeze %dma_start3A_136 : memref<1x640x64xf32, #tpu.memory_space<hbm>> -> memref<640x64xf32, #tpu.memory_space<hbm>>
      %dma_start3A_138 = arith.constant 0 : i32
      %dma_start3A_139 = tpu.memref_slice %arg8[%mul3A_132, %dma_start3A_138] : memref<10240x64xf32, #tpu.memory_space<vmem_shared>> -> memref<640x64xf32, #tpu.memory_space<vmem_shared>>
      tpu.enqueue_dma source(%dma_start3A_139 : memref<640x64xf32, #tpu.memory_space<vmem_shared>>) target(%dma_start3A_137 : memref<640x64xf32, #tpu.memory_space<hbm>>) target_semaphore(%run_scoped3A_135 : memref<!tpu.dma_semaphore, #tpu.memory_space<semaphore_mem>>)
      %dma_wait3A_140 = arith.constant 0 : i32
      %dma_wait3A_141 = tpu.memref_slice %arg4[%arg0, %mul3A_134, %dma_wait3A_140] : memref<2x10240x64xf32, #tpu.memory_space<hbm>> -> memref<1x640x64xf32, #tpu.memory_space<hbm>>
      %dma_wait3A_142 = tpu.memref_squeeze %dma_wait3A_141 : memref<1x640x64xf32, #tpu.memory_space<hbm>> -> memref<640x64xf32, #tpu.memory_space<hbm>>
      %dma_wait3A_143 = arith.constant 0 : i32
      %dma_wait3A_144 = tpu.memref_slice %arg8[%mul3A_132, %dma_wait3A_143] : memref<10240x64xf32, #tpu.memory_space<vmem_shared>> -> memref<640x64xf32, #tpu.memory_space<vmem_shared>>
      tpu.wait_dma2 semaphore(%run_scoped3A_135 : memref<!tpu.dma_semaphore, #tpu.memory_space<semaphore_mem>>) src(%dma_wait3A_144 : memref<640x64xf32, #tpu.memory_space<vmem_shared>>) dst(%dma_wait3A_142 : memref<640x64xf32, #tpu.memory_space<hbm>>)
      tpu.yield
    }) : () -> ()
    return
  }
}

module attributes {stable_mosaic.version = 14 : i64} {
  func.func @_dense1_body(%arg0: i32, %arg1: memref<640x128xf32, #tpu.memory_space<vmem>>, %arg2: memref<128x64xf32, #tpu.memory_space<vmem>>, %arg3: memref<640x1xf32, #tpu.memory_space<vmem>>, %arg4: memref<640x1xf32, #tpu.memory_space<vmem>>, %arg5: memref<640x64xf32, #tpu.memory_space<vmem>>, %arg6: memref<640x1xf32, #tpu.memory_space<vmem>>) attributes {dimension_semantics = [#tpu.dimension_semantics<arbitrary>], iteration_bounds = array<i64: 16>, scalar_prefetch = 0 : i64, scratch_operands = 0 : i64, tpu.core_type = #tpu.core_type<tc>, window_params = [{transform_indices = @transform_0, window_bounds = array<i64: 640, 128>}, {pipeline_mode = #tpu.pipeline_mode<synchronous>, transform_indices = @transform_1, window_bounds = array<i64: 128, 64>}, {transform_indices = @transform_2, window_bounds = array<i64: 640, 1>}, {transform_indices = @transform_3, window_bounds = array<i64: 640, 1>}, {transform_indices = @transform_4, window_bounds = array<i64: 640, 64>}, {transform_indices = @transform_5, window_bounds = array<i64: 640, 1>}]} {
    %get3A = arith.constant 0 : index
    %get3A_0 = arith.constant 0 : index
    %get3A_1 = vector.load %arg1[%get3A, %get3A_0] : memref<640x128xf32, #tpu.memory_space<vmem>>, vector<640x128xf32>
    %get3A_2 = arith.constant 0 : index
    %get3A_3 = arith.constant 0 : index
    %get3A_4 = vector.load %arg2[%get3A_2, %get3A_3] : memref<128x64xf32, #tpu.memory_space<vmem>>, vector<128x64xf32>
    %dot_general3A = arith.constant dense<0.000000e+00> : vector<640x64xf32>
    %dot_general3A_5 = tpu.matmul %get3A_1, %get3A_4, %dot_general3A {dimension_numbers = #tpu.dot_dimension_numbers<[1], [0], [0], [1], [0, 0, 1, 1], [], []>, transpose_lhs_hint = false} : vector<640x128xf32>, vector<128x64xf32>, vector<640x64xf32> -> vector<640x64xf32>
    %get3A_6 = arith.constant 0 : index
    %get3A_7 = arith.constant 0 : index
    %get3A_8 = vector.load %arg3[%get3A_6, %get3A_7] : memref<640x1xf32, #tpu.memory_space<vmem>>, vector<640x1xf32>
    %get3A_9 = arith.constant 0 : index
    %get3A_10 = arith.constant 0 : index
    %get3A_11 = vector.load %arg4[%get3A_9, %get3A_10] : memref<640x1xf32, #tpu.memory_space<vmem>>, vector<640x1xf32>
    %add3A = arith.addf %get3A_8, %get3A_11 : vector<640x1xf32>
    %add3A_12 = arith.constant 1.000000e+00 : f32
    %add3A_13 = vector.broadcast %add3A_12 : f32 to vector<640x1xf32>
    %add3A_14 = arith.addf %add3A, %add3A_13 : vector<640x1xf32>
    %rsqrt3A = math.rsqrt %add3A_14 : vector<640x1xf32>
    %mul3A = vector.broadcast %rsqrt3A : vector<640x1xf32> to vector<640x64xf32>
    %mul3A_15 = arith.mulf %dot_general3A_5, %mul3A : vector<640x64xf32>
    %swap3A = arith.constant 0 : index
    %swap3A_16 = arith.constant 0 : index
    %swap3A_17 = vector.load %arg5[%swap3A, %swap3A_16] : memref<640x64xf32, #tpu.memory_space<vmem>>, vector<640x64xf32>
    tpu.vector_store %arg5[%swap3A, %swap3A_16], %mul3A_15 {strides = array<i32>} : memref<640x64xf32, #tpu.memory_space<vmem>>, vector<640x64xf32>,
    %swap3A_18 = arith.constant 0 : index
    %swap3A_19 = arith.constant 0 : index
    %swap3A_20 = vector.load %arg6[%swap3A_18, %swap3A_19] : memref<640x1xf32, #tpu.memory_space<vmem>>, vector<640x1xf32>
    tpu.vector_store %arg6[%swap3A_18, %swap3A_19], %rsqrt3A {strides = array<i32>} : memref<640x1xf32, #tpu.memory_space<vmem>>, vector<640x1xf32>,
    return
  }
  func.func @transform_0(%arg0: i32) -> (i32, i32) {
    %c0_i32 = arith.constant 0 : i32
    %c0_i32_0 = arith.constant 0 : i32
    return %arg0, %c0_i32 : i32, i32
  }
  func.func @transform_1(%arg0: i32) -> (i32, i32) {
    %c0_i32 = arith.constant 0 : i32
    %c0_i32_0 = arith.constant 0 : i32
    %c0_i32_1 = arith.constant 0 : i32
    return %c0_i32, %c0_i32_0 : i32, i32
  }
  func.func @transform_2(%arg0: i32) -> (i32, i32) {
    %c0_i32 = arith.constant 0 : i32
    %c0_i32_0 = arith.constant 0 : i32
    return %arg0, %c0_i32 : i32, i32
  }
  func.func @transform_3(%arg0: i32) -> (i32, i32) {
    %add3A = arith.constant 16 : i32
    %add3A_0 = arith.addi %arg0, %add3A : i32
    %c0_i32 = arith.constant 0 : i32
    %c0_i32_1 = arith.constant 0 : i32
    return %add3A_0, %c0_i32 : i32, i32
  }
  func.func @transform_4(%arg0: i32) -> (i32, i32) {
    %c0_i32 = arith.constant 0 : i32
    %c0_i32_0 = arith.constant 0 : i32
    return %arg0, %c0_i32 : i32, i32
  }
  func.func @transform_5(%arg0: i32) -> (i32, i32) {
    %c0_i32 = arith.constant 0 : i32
    %c0_i32_0 = arith.constant 0 : i32
    return %arg0, %c0_i32 : i32, i32
  }
}

module attributes {stable_mosaic.version = 14 : i64} {
  func.func @_dense2_body(%arg0: i32, %arg1: memref<1x640x64xf32, #tpu.memory_space<vmem>>, %arg2: memref<1x640x64xf32, #tpu.memory_space<vmem>>, %arg3: memref<640x64xf32, #tpu.memory_space<vmem>>, %arg4: memref<640x1xf32, #tpu.memory_space<vmem>>, %arg5: memref<1x64xf32, #tpu.memory_space<vmem>>, %arg6: memref<1x64xf32, #tpu.memory_space<vmem>>, %arg7: memref<1x64xf32, #tpu.memory_space<vmem>>, %arg8: memref<64x64xf32, #tpu.memory_space<vmem>>, %arg9: memref<64x6xf32, #tpu.memory_space<vmem>>, %arg10: memref<1x6xf32, #tpu.memory_space<vmem>>, %arg11: memref<640x64xf32, #tpu.memory_space<vmem>>, %arg12: memref<640x6xf32, #tpu.memory_space<vmem>>) attributes {dimension_semantics = [#tpu.dimension_semantics<arbitrary>], iteration_bounds = array<i64: 16>, scalar_prefetch = 0 : i64, scratch_operands = 0 : i64, tpu.core_type = #tpu.core_type<tc>, window_params = [{transform_indices = @transform_0, window_bounds = array<i64: 1, 640, 64>}, {transform_indices = @transform_1, window_bounds = array<i64: 1, 640, 64>}, {transform_indices = @transform_2, window_bounds = array<i64: 640, 64>}, {transform_indices = @transform_3, window_bounds = array<i64: 640, 1>}, {pipeline_mode = #tpu.pipeline_mode<synchronous>, transform_indices = @transform_4, window_bounds = array<i64: 1, 64>}, {pipeline_mode = #tpu.pipeline_mode<synchronous>, transform_indices = @transform_5, window_bounds = array<i64: 1, 64>}, {pipeline_mode = #tpu.pipeline_mode<synchronous>, transform_indices = @transform_6, window_bounds = array<i64: 1, 64>}, {pipeline_mode = #tpu.pipeline_mode<synchronous>, transform_indices = @transform_7, window_bounds = array<i64: 64, 64>}, {pipeline_mode = #tpu.pipeline_mode<synchronous>, transform_indices = @transform_8, window_bounds = array<i64: 64, 6>}, {pipeline_mode = #tpu.pipeline_mode<synchronous>, transform_indices = @transform_9, window_bounds = array<i64: 1, 6>}, {transform_indices = @transform_10, window_bounds = array<i64: 640, 64>}, {transform_indices = @transform_11, window_bounds = array<i64: 640, 6>}]} {
    %get3A = arith.constant 0 : index
    %get3A_0 = arith.constant 0 : index
    %get3A_1 = vector.load %arg4[%get3A, %get3A_0] : memref<640x1xf32, #tpu.memory_space<vmem>>, vector<640x1xf32>
    %get3A_2 = arith.constant 0 : index
    %get3A_3 = arith.constant 0 : index
    %get3A_4 = arith.constant 0 : index
    %get3A_5 = vector.load %arg1[%get3A_2, %get3A_3, %get3A_4] : memref<1x640x64xf32, #tpu.memory_space<vmem>>, vector<1x640x64xf32>
    %get3A_6 = vector.shape_cast %get3A_5 : vector<1x640x64xf32> to vector<640x64xf32>
    %get3A_7 = arith.constant 0 : index
    %get3A_8 = arith.constant 0 : index
    %get3A_9 = arith.constant 0 : index
    %get3A_10 = vector.load %arg2[%get3A_7, %get3A_8, %get3A_9] : memref<1x640x64xf32, #tpu.memory_space<vmem>>, vector<1x640x64xf32>
    %get3A_11 = vector.shape_cast %get3A_10 : vector<1x640x64xf32> to vector<640x64xf32>
    %add3A = arith.addf %get3A_6, %get3A_11 : vector<640x64xf32>
    %get3A_12 = arith.constant 0 : index
    %get3A_13 = arith.constant 0 : index
    %get3A_14 = vector.load %arg3[%get3A_12, %get3A_13] : memref<640x64xf32, #tpu.memory_space<vmem>>, vector<640x64xf32>
    %sub3A = arith.subf %add3A, %get3A_14 : vector<640x64xf32>
    %mul3A = vector.broadcast %get3A_1 : vector<640x1xf32> to vector<640x64xf32>
    %mul3A_15 = arith.mulf %sub3A, %mul3A : vector<640x64xf32>
    %get3A_16 = arith.constant 0 : index
    %get3A_17 = arith.constant 0 : index
    %get3A_18 = vector.load %arg5[%get3A_16, %get3A_17] : memref<1x64xf32, #tpu.memory_space<vmem>>, vector<1x64xf32>
    %add3A_19 = vector.broadcast %get3A_18 : vector<1x64xf32> to vector<640x64xf32>
    %add3A_20 = arith.addf %mul3A_15, %add3A_19 : vector<640x64xf32>
    %reduce_sum3A = arith.constant dense<0.000000e+00> : vector<640xf32>
    %reduce_sum3A_21 = vector.multi_reduction <add>, %add3A_20, %reduce_sum3A [1] : vector<640x64xf32> to vector<640xf32>
    %broadcast_in_dim3A = vector.shape_cast %reduce_sum3A_21 : vector<640xf32> to vector<640x1xf32>
    %div3A = arith.constant 6.400000e+01 : f32
    %div3A_22 = vector.broadcast %div3A : f32 to vector<640x1xf32>
    %div3A_23 = arith.divf %broadcast_in_dim3A, %div3A_22 : vector<640x1xf32>
    %sub3A_24 = vector.broadcast %div3A_23 : vector<640x1xf32> to vector<640x64xf32>
    %sub3A_25 = arith.subf %add3A_20, %sub3A_24 : vector<640x64xf32>
    %mul3A_26 = arith.mulf %sub3A_25, %sub3A_25 : vector<640x64xf32>
    %reduce_sum3A_27 = arith.constant dense<0.000000e+00> : vector<640xf32>
    %reduce_sum3A_28 = vector.multi_reduction <add>, %mul3A_26, %reduce_sum3A_27 [1] : vector<640x64xf32> to vector<640xf32>
    %broadcast_in_dim3A_29 = vector.shape_cast %reduce_sum3A_28 : vector<640xf32> to vector<640x1xf32>
    %div3A_30 = arith.constant 6.400000e+01 : f32
    %div3A_31 = vector.broadcast %div3A_30 : f32 to vector<640x1xf32>
    %div3A_32 = arith.divf %broadcast_in_dim3A_29, %div3A_31 : vector<640x1xf32>
    %add3A_33 = arith.constant 9.99999974E-6 : f32
    %add3A_34 = vector.broadcast %add3A_33 : f32 to vector<640x1xf32>
    %add3A_35 = arith.addf %div3A_32, %add3A_34 : vector<640x1xf32>
    %rsqrt3A = math.rsqrt %add3A_35 : vector<640x1xf32>
    %mul3A_36 = vector.broadcast %rsqrt3A : vector<640x1xf32> to vector<640x64xf32>
    %mul3A_37 = arith.mulf %sub3A_25, %mul3A_36 : vector<640x64xf32>
    %get3A_38 = arith.constant 0 : index
    %get3A_39 = arith.constant 0 : index
    %get3A_40 = vector.load %arg6[%get3A_38, %get3A_39] : memref<1x64xf32, #tpu.memory_space<vmem>>, vector<1x64xf32>
    %mul3A_41 = vector.broadcast %get3A_40 : vector<1x64xf32> to vector<640x64xf32>
    %mul3A_42 = arith.mulf %mul3A_37, %mul3A_41 : vector<640x64xf32>
    %get3A_43 = arith.constant 0 : index
    %get3A_44 = arith.constant 0 : index
    %get3A_45 = vector.load %arg7[%get3A_43, %get3A_44] : memref<1x64xf32, #tpu.memory_space<vmem>>, vector<1x64xf32>
    %add3A_46 = vector.broadcast %get3A_45 : vector<1x64xf32> to vector<640x64xf32>
    %add3A_47 = arith.addf %mul3A_42, %add3A_46 : vector<640x64xf32>
    %max3A = arith.constant 0.000000e+00 : f32
    %max3A_48 = vector.broadcast %max3A : f32 to vector<640x64xf32>
    %max3A_49 = arith.maximumf %add3A_47, %max3A_48 : vector<640x64xf32>
    %get3A_50 = arith.constant 0 : index
    %get3A_51 = arith.constant 0 : index
    %get3A_52 = vector.load %arg8[%get3A_50, %get3A_51] : memref<64x64xf32, #tpu.memory_space<vmem>>, vector<64x64xf32>
    %dot_general3A = arith.constant dense<0.000000e+00> : vector<640x64xf32>
    %dot_general3A_53 = tpu.matmul %max3A_49, %get3A_52, %dot_general3A {dimension_numbers = #tpu.dot_dimension_numbers<[1], [0], [0], [1], [0, 0, 1, 1], [], []>, transpose_lhs_hint = false} : vector<640x64xf32>, vector<64x64xf32>, vector<640x64xf32> -> vector<640x64xf32>
    %mul3A_54 = vector.broadcast %get3A_1 : vector<640x1xf32> to vector<640x64xf32>
    %mul3A_55 = arith.mulf %dot_general3A_53, %mul3A_54 : vector<640x64xf32>
    %swap3A = arith.constant 0 : index
    %swap3A_56 = arith.constant 0 : index
    %swap3A_57 = vector.load %arg11[%swap3A, %swap3A_56] : memref<640x64xf32, #tpu.memory_space<vmem>>, vector<640x64xf32>
    tpu.vector_store %arg11[%swap3A, %swap3A_56], %mul3A_55 {strides = array<i32>} : memref<640x64xf32, #tpu.memory_space<vmem>>, vector<640x64xf32>,
    %get3A_58 = arith.constant 0 : index
    %get3A_59 = arith.constant 0 : index
    %get3A_60 = vector.load %arg9[%get3A_58, %get3A_59] : memref<64x6xf32, #tpu.memory_space<vmem>>, vector<64x6xf32>
    %dot_general3A_61 = arith.constant dense<0.000000e+00> : vector<640x6xf32>
    %dot_general3A_62 = tpu.matmul %max3A_49, %get3A_60, %dot_general3A_61 {dimension_numbers = #tpu.dot_dimension_numbers<[1], [0], [0], [1], [0, 0, 1, 1], [], []>, transpose_lhs_hint = false} : vector<640x64xf32>, vector<64x6xf32>, vector<640x6xf32> -> vector<640x6xf32>
    %get3A_63 = arith.constant 0 : index
    %get3A_64 = arith.constant 0 : index
    %get3A_65 = vector.load %arg10[%get3A_63, %get3A_64] : memref<1x6xf32, #tpu.memory_space<vmem>>, vector<1x6xf32>
    %add3A_66 = vector.broadcast %get3A_65 : vector<1x6xf32> to vector<640x6xf32>
    %add3A_67 = arith.addf %dot_general3A_62, %add3A_66 : vector<640x6xf32>
    %logistic3A = arith.negf %add3A_67 : vector<640x6xf32>
    %logistic3A_68 = math.exp %logistic3A : vector<640x6xf32>
    %logistic3A_69 = arith.constant 1.000000e+00 : f32
    %logistic3A_70 = vector.broadcast %logistic3A_69 : f32 to vector<640x6xf32>
    %logistic3A_71 = arith.addf %logistic3A_70, %logistic3A_68 : vector<640x6xf32>
    %logistic3A_72 = arith.divf %logistic3A_70, %logistic3A_71 : vector<640x6xf32>
    %swap3A_73 = arith.constant 0 : index
    %swap3A_74 = arith.constant 0 : index
    %swap3A_75 = vector.load %arg12[%swap3A_73, %swap3A_74] : memref<640x6xf32, #tpu.memory_space<vmem>>, vector<640x6xf32>
    tpu.vector_store %arg12[%swap3A_73, %swap3A_74], %logistic3A_72 {strides = array<i32>} : memref<640x6xf32, #tpu.memory_space<vmem>>, vector<640x6xf32>,
    return
  }
  func.func @transform_0(%arg0: i32) -> (i32, i32, i32) {
    %c0_i32 = arith.constant 0 : i32
    %c0_i32_0 = arith.constant 0 : i32
    %c0_i32_1 = arith.constant 0 : i32
    return %c0_i32, %arg0, %c0_i32_0 : i32, i32, i32
  }
  func.func @transform_1(%arg0: i32) -> (i32, i32, i32) {
    %c1_i32 = arith.constant 1 : i32
    %c0_i32 = arith.constant 0 : i32
    %c0_i32_0 = arith.constant 0 : i32
    return %c1_i32, %arg0, %c0_i32 : i32, i32, i32
  }
  func.func @transform_2(%arg0: i32) -> (i32, i32) {
    %c0_i32 = arith.constant 0 : i32
    %c0_i32_0 = arith.constant 0 : i32
    return %arg0, %c0_i32 : i32, i32
  }
  func.func @transform_3(%arg0: i32) -> (i32, i32) {
    %c0_i32 = arith.constant 0 : i32
    %c0_i32_0 = arith.constant 0 : i32
    return %arg0, %c0_i32 : i32, i32
  }
  func.func @transform_4(%arg0: i32) -> (i32, i32) {
    %c0_i32 = arith.constant 0 : i32
    %c0_i32_0 = arith.constant 0 : i32
    %c0_i32_1 = arith.constant 0 : i32
    return %c0_i32, %c0_i32_0 : i32, i32
  }
  func.func @transform_5(%arg0: i32) -> (i32, i32) {
    %c0_i32 = arith.constant 0 : i32
    %c0_i32_0 = arith.constant 0 : i32
    %c0_i32_1 = arith.constant 0 : i32
    return %c0_i32, %c0_i32_0 : i32, i32
  }
  func.func @transform_6(%arg0: i32) -> (i32, i32) {
    %c0_i32 = arith.constant 0 : i32
    %c0_i32_0 = arith.constant 0 : i32
    %c0_i32_1 = arith.constant 0 : i32
    return %c0_i32, %c0_i32_0 : i32, i32
  }
  func.func @transform_7(%arg0: i32) -> (i32, i32) {
    %c0_i32 = arith.constant 0 : i32
    %c0_i32_0 = arith.constant 0 : i32
    %c0_i32_1 = arith.constant 0 : i32
    return %c0_i32, %c0_i32_0 : i32, i32
  }
  func.func @transform_8(%arg0: i32) -> (i32, i32) {
    %c0_i32 = arith.constant 0 : i32
    %c0_i32_0 = arith.constant 0 : i32
    %c0_i32_1 = arith.constant 0 : i32
    return %c0_i32, %c0_i32_0 : i32, i32
  }
  func.func @transform_9(%arg0: i32) -> (i32, i32) {
    %c0_i32 = arith.constant 0 : i32
    %c0_i32_0 = arith.constant 0 : i32
    %c0_i32_1 = arith.constant 0 : i32
    return %c0_i32, %c0_i32_0 : i32, i32
  }
  func.func @transform_10(%arg0: i32) -> (i32, i32) {
    %c0_i32 = arith.constant 0 : i32
    %c0_i32_0 = arith.constant 0 : i32
    return %arg0, %c0_i32 : i32, i32
  }
  func.func @transform_11(%arg0: i32) -> (i32, i32) {
    %c0_i32 = arith.constant 0 : i32
    %c0_i32_0 = arith.constant 0 : i32
    return %arg0, %c0_i32 : i32, i32
  }
}

module attributes {stable_mosaic.version = 14 : i64} {
  func.func @_dense3_body(%arg0: i32, %arg1: memref<1x2000x64xf32, #tpu.memory_space<vmem>>, %arg2: memref<1x2000x64xf32, #tpu.memory_space<vmem>>, %arg3: memref<2000x64xf32, #tpu.memory_space<vmem>>, %arg4: memref<2000x1xf32, #tpu.memory_space<vmem>>, %arg5: memref<1x64xf32, #tpu.memory_space<vmem>>, %arg6: memref<2000x64xf32, #tpu.memory_space<vmem>>) attributes {dimension_semantics = [#tpu.dimension_semantics<arbitrary>], iteration_bounds = array<i64: 5>, scalar_prefetch = 0 : i64, scratch_operands = 0 : i64, tpu.core_type = #tpu.core_type<tc>, window_params = [{transform_indices = @transform_0, window_bounds = array<i64: 1, 2000, 64>}, {transform_indices = @transform_1, window_bounds = array<i64: 1, 2000, 64>}, {transform_indices = @transform_2, window_bounds = array<i64: 2000, 64>}, {transform_indices = @transform_3, window_bounds = array<i64: 2000, 1>}, {pipeline_mode = #tpu.pipeline_mode<synchronous>, transform_indices = @transform_4, window_bounds = array<i64: 1, 64>}, {transform_indices = @transform_5, window_bounds = array<i64: 2000, 64>}]} {
    %get3A = arith.constant 0 : index
    %get3A_0 = arith.constant 0 : index
    %get3A_1 = arith.constant 0 : index
    %get3A_2 = vector.load %arg1[%get3A, %get3A_0, %get3A_1] : memref<1x2000x64xf32, #tpu.memory_space<vmem>>, vector<1x2000x64xf32>
    %get3A_3 = vector.shape_cast %get3A_2 : vector<1x2000x64xf32> to vector<2000x64xf32>
    %get3A_4 = arith.constant 0 : index
    %get3A_5 = arith.constant 0 : index
    %get3A_6 = arith.constant 0 : index
    %get3A_7 = vector.load %arg2[%get3A_4, %get3A_5, %get3A_6] : memref<1x2000x64xf32, #tpu.memory_space<vmem>>, vector<1x2000x64xf32>
    %get3A_8 = vector.shape_cast %get3A_7 : vector<1x2000x64xf32> to vector<2000x64xf32>
    %add3A = arith.addf %get3A_3, %get3A_8 : vector<2000x64xf32>
    %get3A_9 = arith.constant 0 : index
    %get3A_10 = arith.constant 0 : index
    %get3A_11 = vector.load %arg3[%get3A_9, %get3A_10] : memref<2000x64xf32, #tpu.memory_space<vmem>>, vector<2000x64xf32>
    %sub3A = arith.subf %add3A, %get3A_11 : vector<2000x64xf32>
    %get3A_12 = arith.constant 0 : index
    %get3A_13 = arith.constant 0 : index
    %get3A_14 = vector.load %arg4[%get3A_12, %get3A_13] : memref<2000x1xf32, #tpu.memory_space<vmem>>, vector<2000x1xf32>
    %mul3A = vector.broadcast %get3A_14 : vector<2000x1xf32> to vector<2000x64xf32>
    %mul3A_15 = arith.mulf %sub3A, %mul3A : vector<2000x64xf32>
    %get3A_16 = arith.constant 0 : index
    %get3A_17 = arith.constant 0 : index
    %get3A_18 = vector.load %arg5[%get3A_16, %get3A_17] : memref<1x64xf32, #tpu.memory_space<vmem>>, vector<1x64xf32>
    %add3A_19 = vector.broadcast %get3A_18 : vector<1x64xf32> to vector<2000x64xf32>
    %add3A_20 = arith.addf %mul3A_15, %add3A_19 : vector<2000x64xf32>
    %swap3A = arith.constant 0 : index
    %swap3A_21 = arith.constant 0 : index
    %swap3A_22 = vector.load %arg6[%swap3A, %swap3A_21] : memref<2000x64xf32, #tpu.memory_space<vmem>>, vector<2000x64xf32>
    tpu.vector_store %arg6[%swap3A, %swap3A_21], %add3A_20 {strides = array<i32>} : memref<2000x64xf32, #tpu.memory_space<vmem>>, vector<2000x64xf32>,
    return
  }
  func.func @transform_0(%arg0: i32) -> (i32, i32, i32) {
    %c0_i32 = arith.constant 0 : i32
    %c0_i32_0 = arith.constant 0 : i32
    %c0_i32_1 = arith.constant 0 : i32
    return %c0_i32, %arg0, %c0_i32_0 : i32, i32, i32
  }
  func.func @transform_1(%arg0: i32) -> (i32, i32, i32) {
    %c1_i32 = arith.constant 1 : i32
    %c0_i32 = arith.constant 0 : i32
    %c0_i32_0 = arith.constant 0 : i32
    return %c1_i32, %arg0, %c0_i32 : i32, i32, i32
  }
  func.func @transform_2(%arg0: i32) -> (i32, i32) {
    %c0_i32 = arith.constant 0 : i32
    %c0_i32_0 = arith.constant 0 : i32
    return %arg0, %c0_i32 : i32, i32
  }
  func.func @transform_3(%arg0: i32) -> (i32, i32) {
    %c0_i32 = arith.constant 0 : i32
    %c0_i32_0 = arith.constant 0 : i32
    return %arg0, %c0_i32 : i32, i32
  }
  func.func @transform_4(%arg0: i32) -> (i32, i32) {
    %c0_i32 = arith.constant 0 : i32
    %c0_i32_0 = arith.constant 0 : i32
    %c0_i32_1 = arith.constant 0 : i32
    return %c0_i32, %c0_i32_0 : i32, i32
  }
  func.func @transform_5(%arg0: i32) -> (i32, i32) {
    %c0_i32 = arith.constant 0 : i32
    %c0_i32_0 = arith.constant 0 : i32
    return %arg0, %c0_i32 : i32, i32
  }
}

</mosaic_0001>

<sc_bundles>
// kernel: kernel.11.cloned.1.call-start
scs
__scs_entry_jumppad:
0x0: {  	(pc) =	sbr.rel $0x88, $3  }
0x1: {  	(tag) =	ssettag $0x0;
	lr =	simm.s32 $0x1  }
0x2: {  	[smem:$0x3F97] =	sst lr;
	_ =	strace $0xD0000000  }
0x3: {  	_ = 	snop  }
0x4: {  	_ = 	snop  }
0x5: {  	_ = 	snop  }
0x6: {  	_ = 	snop  }
0x7: {  	_ = 	snop  }
__scs_overlays_trampoline_lowered:
0x8: {  	[smem:$0x3FA6] =	sst s0  }
0x9: {  	[smem:$0x3FA7] =	sst s1  }
0xa: {  	[smem:$0x3FA8] =	sst s2  }
0xb: {  	[smem:$0x3FA9] =	sst s3  }
0xc: {  	[smem:$0x3FAA] =	sst s4  }
0xd: {  	[smem:$0x3FAB] =	sst s5  }
0xe: {  	[smem:$0x3FAC] =	sst s6  }
0xf: {  	[smem:$0x3FAD] =	sst s7  }
0x10: {  	[smem:$0x3FAE] =	sst s8  }
0x11: {  	[smem:$0x3FAF] =	sst s9;
	s0 =	simm.s32 @!p0 $0x0  }
0x12: {  	s1 =	sld [smem:$0x3F95];
	s0 =	simm.s32 @p0 $0x1  }
0x13: {  	[smem:$0x3FB0] =	sst s0;
	s0 =	simm.s32 @!p1 $0x0  }
0x14: {  	s2 =	sld [smem:$0x3F94];
	s0 =	simm.s32 @p1 $0x1  }
0x15: {  	[smem:$0x3FB1] =	sst s0;
	s0 =	simm.s32 @!p2 $0x0  }
0x16: {  	s3 =	sld [smem:$0x3FDB];
	s0 =	simm.s32 @p2 $0x1  }
0x17: {  	s4 =	simm.s32 $0x1BF5;
	[smem:$0x3FB3] =	sst s0  }
0x18: {  	s0 =	sld [smem:$0x3F96];
	_ =	swait.ge [sflag:s4], $0x0  }
0x19: {  	s7 =	sld [smem:$0x3F97]  }
0x1a: {  	s8 =	sadd.s32 $0xFFFFE003, lr  }
0x1b: {  	s9 =	sadd.s32 $0xFFFFFEF7, lr;
	s5 =	simm.s32 $0xFFFFFFFF;
	p2 =	slt.u32 s8, $0xFFFFF086  }
0x1c: {  	p1 =	slt.u32 s9, $0xF7A;
	s5 =	simm.s32 @!p2 $0x0  }
0x1d: {  	s5 =	simm.s32 @p1 $0x1;
	p0 =	seq.s32 s7, s2  }
0x1e: {  	s7 =	smul.u32 @!p0 $0xF7A, s2;
	p2 =	seq.s32 @!p0 s5, $0x0  }
0x1f: {  	s9 =	smul.u32 $0xF7A, s1;
	s8 =	simm.s32 @!p0 $0x1BF5;
	p2 =	por !p2, p0  }
0x20: {  	[sflag:s8] =	ssyncset.s32 @!p0 $0xFFFFF086;
	s6 =	sadd.s32 @!p0 s3, s7;
	s7 =	simm.s32 @!p0 $0x108  }
0x21: {  	s3 =	sadd.s32 s3, s9;
	s6 =	sadd.s32 @!p0 $0x88, s6;
	s7 =	simm.s32 @p2 $0x1082  }
0x22: {  	[simem:s7], [sflag:s8] =	dma.local @!p0 [hbm:s6], $0xF7A  }
0x23: {  	s9 =	sor.u32 $0xD0000000, s2;
	s6 =	simm.s32 $0x108;
	_ =	swait.ge @!p0 [sflag:s8], $0x0  }
0x24: {  	s3 =	sadd.s32 $0x88, s3;
	s6 =	simm.s32 @!p1 $0x1082;
	[sflag:s4] =	ssyncset.s32 $0xFFFFF086  }
0x25: {  	[simem:s6], [sflag:s4] =	dma.local [hbm:s3], $0xF7A  }
0x26: {  	[smem:$0x3F97] =	sst s1;
	(tag) =	ssettag s2;
	_ =	strace s9  }
0x27: {  	s1 =	sld [smem:$0x3FA7]  }
0x28: {  	s2 =	sld [smem:$0x3FA8]  }
0x29: {  	s4 =	sld [smem:$0x3FAA]  }
0x2a: {  	p0 =	seq.s32 s5, $0x0;
	s5 =	sld [smem:$0x3FAB]  }
0x2b: {  	s6 =	sld [smem:$0x3FAC]  }
0x2c: {  	s7 =	sld [smem:$0x3FAD]  }
0x2d: {  	s3 =	simm.s32 $0x108;
	s8 =	sld [smem:$0x3FAE]  }
0x2e: {  	s3 =	simm.s32 @!p0 $0x1082;
	s9 =	sld [smem:$0x3FAF]  }
0x2f: {  	lr =	sadd.s32 s0, s3;
	s0 =	sld [smem:$0x3FA6]  }
0x30: {  	s3 =	sld [smem:$0x3FA9]  }
0x31: {  	[smem:$0x3FB2] =	sst s10  }
0x32: {  	s10 =	sld [smem:$0x3FB0];
	_ =	sdelay $0x3  }
0x33: {  	p0 =	seq.s32 s10, $0x1;
	s10 =	sld [smem:$0x3FB2];
	_ =	sdelay $0x3  }
0x34: {  	[smem:$0x3FB2] =	sst s10  }
0x35: {  	s10 =	sld [smem:$0x3FB1];
	_ =	sdelay $0x3  }
0x36: {  	p1 =	seq.s32 s10, $0x1;
	s10 =	sld [smem:$0x3FB2];
	_ =	sdelay $0x3  }
0x37: {  	[smem:$0x3FB2] =	sst s10  }
0x38: {  	s10 =	sld [smem:$0x3FB3]  }
0x39: {  	_ = 	snop;
	(pc) =	sbr.ind lr, $3  }
0x3a: {  	_ = 	snop  }
0x3b: {  	_ = 	snop  }
0x3c: {  	p2 =	seq.s32 s10, $0x1;
	s10 =	sld [smem:$0x3FB2]  }
0x3d: {  	_ =	shalt  }
0x3e: {  	_ =	shalt  }
0x3f: {  	_ =	shalt  }
0x40: {  	_ =	shalt  }
0x41: {  	_ =	shalt  }
0x42: {  	_ =	shalt  }
0x43: {  	_ =	shalt  }
0x44: {  	_ =	shalt  }
0x45: {  	_ =	shalt  }
0x46: {  	_ =	shalt  }
0x47: {  	_ =	shalt  }
0x48: {  	_ =	shalt  }
0x49: {  	_ =	shalt  }
0x4a: {  	_ =	shalt  }
0x4b: {  	_ =	shalt  }
0x4c: {  	_ =	shalt  }
0x4d: {  	_ =	shalt  }
0x4e: {  	_ =	shalt  }
0x4f: {  	_ =	shalt  }
0x50: {  	_ =	shalt  }
0x51: {  	_ =	shalt  }
0x52: {  	_ =	shalt  }
0x53: {  	_ =	shalt  }
0x54: {  	_ =	shalt  }
0x55: {  	_ =	shalt  }
0x56: {  	_ =	shalt  }
0x57: {  	_ =	shalt  }
0x58: {  	_ =	shalt  }
0x59: {  	_ =	shalt  }
0x5a: {  	_ =	shalt  }
0x5b: {  	_ =	shalt  }
0x5c: {  	_ =	shalt  }
0x5d: {  	_ =	shalt  }
0x5e: {  	_ =	shalt  }
0x5f: {  	_ =	shalt  }
0x60: {  	_ =	shalt  }
0x61: {  	_ =	shalt  }
0x62: {  	_ =	shalt  }
0x63: {  	_ =	shalt  }
0x64: {  	_ =	shalt  }
0x65: {  	_ =	shalt  }
0x66: {  	_ =	shalt  }
0x67: {  	_ =	shalt  }
0x68: {  	_ =	shalt  }
0x69: {  	_ =	shalt  }
0x6a: {  	_ =	shalt  }
0x6b: {  	_ =	shalt  }
0x6c: {  	_ =	shalt  }
0x6d: {  	_ =	shalt  }
0x6e: {  	_ =	shalt  }
0x6f: {  	_ =	shalt  }
0x70: {  	_ =	shalt  }
0x71: {  	_ =	shalt  }
0x72: {  	_ =	shalt  }
0x73: {  	_ =	shalt  }
0x74: {  	_ =	shalt  }
0x75: {  	_ =	shalt  }
0x76: {  	_ =	shalt  }
0x77: {  	_ =	shalt  }
0x78: {  	_ =	shalt  }
0x79: {  	_ =	shalt  }
0x7a: {  	_ =	shalt  }
0x7b: {  	_ =	shalt  }
0x7c: {  	_ =	shalt  }
0x7d: {  	_ =	shalt  }
0x7e: {  	_ =	shalt  }
0x7f: {  	_ =	shalt  }
0x80: {  	_ =	shalt  }
0x81: {  	_ =	shalt  }
0x82: {  	_ =	shalt  }
0x83: {  	_ =	shalt  }
0x84: {  	_ =	shalt  }
0x85: {  	_ =	shalt  }
0x86: {  	_ =	shalt  }
0x87: {  	_ =	shalt  }
.Lfunc_end0:
.L_simem_size_0:
called_computation.1_lowered:
.L_overlay_start_0:
0x88: {  	s2 =	sld [smem:$0x3FD9]  }
0x89: {  	s3 =	sld [smem:$0x3FFE];
	_ =	sdelay $0x1  }
0x8a: {  	s1 =	srdreg.scid  }
0x8b: {  	s0 =	sand.u32 $0x1, s1  }
0x8c: {  	s16 =	sshll.u32 s0, $0xA;
	s2 =	sadd.s32 s3, s2  }
0x8d: {  	s2 =	sadd.s32 s2, s16  }
0x8e: {  	[smem:$0x3FBE] =	sst s2  }
0x8f: {  	_ = 	snop  }
0x90: {  	(tm) =	ssettm $0x1  }
0x91: {  	s17 =	sld [smem:$0x3FFB];
	_ =	sdelay $0x3  }
0x92: {  	_ =	strace s17  }
0x93: {  	s2 =	sld [smem:$0x3FFC];
	_ =	sdelay $0x3  }
0x94: {  	_ =	strace s2  }
0x95: {  	s2 =	sld [smem:$0x3FFD];
	_ =	sdelay $0x3  }
0x96: {  	_ =	strace s2  }
0x97: {  	_ =	strace $0x8FFFFFFF  }
0x98: {  	s18 =	sld [smem:$0x3FDB];
	_ =	sdelay $0x1  }
0x99: {  	s19 =	simm.s32 $_scs_section_size  }
0x9a: {  	s4 =	simm.s32 $_size__tile_overlayer_lowered;
	s5 =	simm.s32 $_tile_overlayer_lowered  }
0x9b: {  	s22 =	simm.s32 $0x1BFF;
	s21 =	sshll.u32 s5, $0x1;
	s2 =	sadd.s32 s19, s18  }
0x9c: {  	s6 =	simm.s32 $0x0;
	s20 =	sshll.u32 s4, $0x1;
	s4 =	sadd.s32 s21, s2  }
0x9d: {  	[timem:s6], [sflag:s22] =	dma.local [hbm:s4], s20  }
0x9e: {  	_ =	swait.ge [sflag:s22], s20  }
0x9f: {  	s3 =	ssub.s32 $0x0, s20;
	[sflag:s22] =	ssyncset.done $0x0  }
0xa0: {  	[sflag:s22] =	ssyncadd.s32 s3;
	_ =	sdelay $0x1  }
0xa1: {  	s23 =	simm.s32 $0x1B8B  }
0xa2: {  	_ =	swait.ge [sflag:s23], $0x1  }
0xa3: {  	[sflag:s23] =	ssyncset.done $0x0  }
0xa4: {  	s25 =	simm.s32 $0x1B8E;
	s24 =	sld [smem:$0x3FFE];
	[sflag:s23] =	ssyncadd.s32 $0xFFFFFFFF  }
0xa5: {  	s26 =	simm.s32 $execute0_lowered;
	[smem:$0x3FD2] =	sst s25  }
0xa6: {  	s4 =	sshll.u32 s26, $0x1;
	_ =	strace $0x80000049;
	[dreg:$0x1] =	wrdreg $0xFFFFFFFF  }
0xa7: {  	s28 =	simm.s32 $_size_execute0_lowered;
	s2 =	sadd.s32 s2, s4;
	[dreg:$0x0] =	wrdreg $0x0  }
0xa8: {  	s4 =	sshll.u32 s28, $0x1;
	[dreg:$0x2] =	wrdreg s2  }
0xa9: {  	[dreg:$0x3] =	wrdreg s4  }
0xaa: {  	[dreg:$0x4] =	wrdreg $0xC0  }
0xab: {  	_ =	task [dreg:s6], $0x5FFFF  }
0xac: {  	[dreg:$0x1] =	wrdreg $0xFFFFFFFF  }
0xad: {  	[dreg:$0x0] =	wrdreg $0x60  }
0xae: {  	[dreg:$0x2] =	wrdreg s24  }
0xaf: {  	[dreg:$0x3] =	wrdreg $0x150000  }
0xb0: {  	[dreg:$0x4] =	wrdreg $0x9  }
0xb1: {  	_ =	task.clear_ibuf [dreg:s6], $0x5FFFF;
	_ =	strace $0x90000049  }
0xb2: {  	s29 =	simm.s32 $0x9;
	_ =	strace $0x8000004B  }
0xb3: {  	_ =	swait.ge [sflag:s29], $0x1  }
0xb4: {  	[sflag:s29] =	ssyncadd.s32 $0xFFFFFFFF  }
0xb5: {  	_ =	strace $0x9000004B  }
0xb6: {  	_ =	sfence  }
0xb7: {  	s30 =	sld [smem:$0x0];
	_ =	sdelay $0x2  }
0xb8: {  	s31 =	sshll.u32 s1, $0xD;
	s1 =	sshrl.u32 s1, $0x2  }
0xb9: {  	s3 =	sand.u32 $0x4000, s31;
	s1 =	sadd.s32 s1, s30  }
0xba: {  	s0 =	sor.u32 s3, s0;
	s1 =	sshll.u32 s1, $0x11  }
0xbb: {  	s0 =	sor.u32 s1, s0  }
0xbc: {  	s0 =	sadd.s32 $0x8F2B, s0  }
0xbd: {  	[sflag:s0] =	ssyncadd.remote.s32 $0x1  }
0xbe: {  	_ =	sfence.sel $0xFFFF  }
0xbf: {  	[dreg:$0x0] =	wrdreg $0xFFFFFFFF;
	(pc) =	sbr.abs _section_cstart, $3  }
0xc0: {  	[dreg:$0x1] =	wrdreg $0xFFFFFFFF  }
0xc1: {  	_ =	task.clear_ibuf [dreg:s6], $0x2FFFF;
	_ =	strace $0x9FFFFFFF  }
0xc2: {  	(tm) =	ssettm $0x7FFFFFFF  }
0xc3: {  	_ =	shalt  }
tec
execute0_lowered:
.L_overlay_start_1:
0x0: {  	(tag) =	ssettag $0x1  }
0x1: {  	s0 =	rddreg [dreg:$0x0]  }
0x2: {  	s2 =	rddreg [dreg:$0x1];
	s1 =	srdreg.scid  }
0x3: {  	s8 =	stileid.u32;
	s4 =	simm.s32 $0x0;
	s10 =	simm.s32 $0x11  }
0x4: {  	s14 =	simm.s32 $0x80;
	s15 =	simm.s32 $0x13000;
	s22 =	simm.s32 $0x5000  }
0x5: {  	s16 =	simm.s32 $0x1;
	s23 =	simm.s32 $0x7000;
	s17 =	simm.s32 $0x2  }
0x6: {  	s24 =	simm.s32 $0x9000;
	s25 =	simm.s32 $0xB000;
	s26 =	simm.s32 $0xD000  }
0x7: {  	s28 =	simm.s32 $0xF000;
	s29 =	simm.s32 $0x11000;
	[smem:$0x7FF] =	sst s4  }
0x8: {  	s30 =	simm.s32 $0xE;
	_ =	strace $0x8000004A;
	[dreg:$0x3] =	wrdreg s22  }
0x9: {  	s31 =	simm.s32 $0xF;
	s1 =	sand.u32 $0x1, s1;
	[dreg:$0x4] =	wrdreg s23  }
0xa: {  	s5 =	smul.u32 $0xA000, s8;
	s4 =	sadd.s32 $0x16800, s0;
	[dreg:$0x5] =	wrdreg s24  }
0xb: {  	s21 =	sshll.u32 s8, $0x6;
	s3 =	sshll.u32 s1, $0x4;
	[dreg:$0x6] =	wrdreg s25  }
0xc: {  	s6 =	smul.u32 $0xA0000, s1;
	s1 =	ssub.s32 $0x2, s1;
	[dreg:$0x7] =	wrdreg s26  }
0xd: {  	s12 =	sor.u32 $0x1C11, s21;
	s21 =	simm.s32 $0x6;
	[dreg:$0x8] =	wrdreg s28  }
0xe: {  	s22 =	simm.s32 $0x7;
	[dreg:$0x9] =	wrdreg s29;
	s3 =	sor.u32 s8, s3  }
0xf: {  	s23 =	simm.s32 $0x8;
	s7 =	sshrl.u32 s1, $0x1;
	s3 =	smul.u32 $0x2800, s3  }
0x10: {  	s19 =	sshrl.u32 s5, $0x3;
	s6 =	sadd.s32 s5, s6;
	s1 =	ssub.s32 s1, s7  }
0x11: {  	s5 =	sadd.s32 s5, s2;
	s6 =	sshrl.u32 s6, $0x3;
	s3 =	sshrl.u32 s3, $0x3  }
0x12: {  	s20 =	smax.u32 s1, $0x1;
	s13 =	sshrl.u32 s5, $0x3;
	s3 =	sadd.s32 s3, s0  }
0x13: {  	s1 =	simm.s32 $0x0;
	[dreg:$0xe] =	wrdreg s20;
	s18 =	sadd.s32 $0x2800, s3  }
0x14: {  	s0 =	sadd.s32 s6, s0;
	s3 =	sadd.s32 $0xC800, s3;
	[dreg:$0xa] =	wrdreg s18  }
0x15: {  	s20 =	simm.s32 $0x5;
	s0 =	sadd.s32 $0x2A800, s0;
	[dreg:$0xb] =	wrdreg s3  }
0x16: {  	s3 =	sadd.s32 s4, s19;
	[dreg:$0xd] =	wrdreg s0;
	s18 =	simm.s32 $0x3  }
0x17: {  	s19 =	simm.s32 $0x4;
	s0 =	simm.s32 $0x10;
	[dreg:$0xc] =	wrdreg s3  }
.LBB2_1:
0x18: {  	s3 =	simm.s32 $0x0;
	s5 =	rddreg [dreg:$0xa]  }
0x19: {  	[tilespmem:s3], [sflag:$0x11] =	stream.linear.gather [hbm4b:s5+s3], $0x2800, $0x38;
	[tilespmem:$0x1F000] =	vst v63  }
0x1a: {  	_ =	swait.ge [sflag:s10], $0x2800  }
0x1b: {  	[sflag:s10] =	ssyncset.done $0x0  }
0x1c: {  	s6 =	simm.s32 $0x2800;
	s29 =	rddreg [dreg:$0xb];
	[sflag:s10] =	ssyncadd.s32 $0xFFFFD800  }
0x1d: {  	[tilespmem:s6], [sflag:$0x11] =	stream.linear.gather [hbm4b:s29+s3], $0x2800, $0x38;
	[tilespmem:$0x1F000] =	vst v63  }
0x1e: {  	_ =	swait.ge [sflag:s10], $0x2800  }
0x1f: {  	[sflag:s10] =	ssyncset.done $0x0  }
0x20: {  	s7 =	rddreg [dreg:$0xc];
	[sflag:s10] =	ssyncadd.s32 $0xFFFFD800  }
0x21: {  	[spmem:s13], [sflag:s12] =	dma.local [hbm:s7], $0x1400  }
0x22: {  	_ =	swait.ge [sflag:s10], $0x1400  }
0x23: {  	[sflag:s10] =	ssyncset.done $0x0  }
0x24: {  	p0 =	por $0x0, $0x0;
	[sflag:s10] =	ssyncadd.s32 $0xFFFFEC00  }
0x25: {  	s3 =	simm.s32 @p0 $0x9;
	[bflag:$0x0] =	sbarrier.arrive $0xFFFF  }
0x26: {  	_ =	swait.ge @p0 [sflag:s3], $0x2000  }
0x27: {  	s5 =	simm.s32 @p0 $0x5000;
	s6 =	simm.s32 @p0 $0xA;
	[sflag:s3] =	ssyncset.done @p0 $0x0  }
0x28: {  	s7 =	simm.s32 @p0 $0x80;
	[sflag:s3] =	ssyncadd.s32 @p0 $0xFFFFE000;
	s3 =	simm.s32 @p0 $0x0  }
0x29: {  	[tilespmem:s5], [sflag:$0x1] =	stream.indirect.gather @p0 [hbm4b:s4+s7], $0x40, s3, s7, $0xb8;
	[tilespmem:$0x1F000] =	vst v63  }
0x2a: {  	_ =	swait.ge @p0 [sflag:s6], $0x2000  }
0x2b: {  	s3 =	simm.s32 @p0 $0x80;
	[sflag:s6] =	ssyncset.done @p0 $0x0  }
0x2c: {  	s5 =	simm.s32 @p0 $0x7000;
	[sflag:s6] =	ssyncadd.s32 @p0 $0xFFFFE000;
	s6 =	simm.s32 @p0 $0xB  }
0x2d: {  	[tilespmem:s5], [sflag:$0x2] =	stream.indirect.gather @p0 [hbm4b:s4+s7], $0x40, s3, s7, $0xb8;
	[tilespmem:$0x1F000] =	vst v63  }
0x2e: {  	_ =	swait.ge @p0 [sflag:s6], $0x2000  }
0x2f: {  	s3 =	simm.s32 @p0 $0x100;
	[sflag:s6] =	ssyncset.done @p0 $0x0  }
0x30: {  	s5 =	simm.s32 @p0 $0x9000;
	[sflag:s6] =	ssyncadd.s32 @p0 $0xFFFFE000;
	s6 =	simm.s32 @p0 $0xC  }
0x31: {  	[tilespmem:s5], [sflag:$0x3] =	stream.indirect.gather @p0 [hbm4b:s4+s7], $0x40, s3, s7, $0xb8;
	[tilespmem:$0x1F000] =	vst v63  }
0x32: {  	_ =	swait.ge @p0 [sflag:s6], $0x2000  }
0x33: {  	s3 =	simm.s32 @p0 $0x180;
	[sflag:s6] =	ssyncset.done @p0 $0x0  }
0x34: {  	s5 =	simm.s32 @p0 $0xB000;
	[sflag:s6] =	ssyncadd.s32 @p0 $0xFFFFE000;
	s6 =	simm.s32 @p0 $0xD  }
0x35: {  	[tilespmem:s5], [sflag:$0x4] =	stream.indirect.gather @p0 [hbm4b:s4+s7], $0x40, s3, s7, $0xb8;
	[tilespmem:$0x1F000] =	vst v63  }
0x36: {  	_ =	swait.ge @p0 [sflag:s6], $0x2000  }
0x37: {  	s3 =	simm.s32 @p0 $0x200;
	[sflag:s6] =	ssyncset.done @p0 $0x0  }
0x38: {  	s5 =	simm.s32 @p0 $0xD000;
	[sflag:s6] =	ssyncadd.s32 @p0 $0xFFFFE000;
	s6 =	simm.s32 @p0 $0xE  }
0x39: {  	[tilespmem:s5], [sflag:$0x5] =	stream.indirect.gather @p0 [hbm4b:s4+s7], $0x40, s3, s7, $0xb8;
	[tilespmem:$0x1F000] =	vst v63  }
0x3a: {  	_ =	swait.ge @p0 [sflag:s6], $0x2000  }
0x3b: {  	s3 =	simm.s32 @p0 $0x280;
	[sflag:s6] =	ssyncset.done @p0 $0x0  }
0x3c: {  	s5 =	simm.s32 @p0 $0xF000;
	[sflag:s6] =	ssyncadd.s32 @p0 $0xFFFFE000;
	s6 =	simm.s32 @p0 $0xF  }
0x3d: {  	[tilespmem:s5], [sflag:$0x6] =	stream.indirect.gather @p0 [hbm4b:s4+s7], $0x40, s3, s7, $0xb8;
	[tilespmem:$0x1F000] =	vst v63  }
0x3e: {  	_ =	swait.ge @p0 [sflag:s6], $0x2000  }
0x3f: {  	s3 =	simm.s32 @p0 $0x300;
	[sflag:s6] =	ssyncset.done @p0 $0x0  }
0x40: {  	s5 =	simm.s32 @p0 $0x11000;
	[sflag:s6] =	ssyncadd.s32 @p0 $0xFFFFE000;
	s6 =	simm.s32 @p0 $0x10  }
0x41: {  	[tilespmem:s5], [sflag:$0x7] =	stream.indirect.gather @p0 [hbm4b:s4+s7], $0x40, s3, s7, $0xb8;
	[tilespmem:$0x1F000] =	vst v63  }
0x42: {  	_ =	swait.ge @p0 [sflag:s6], $0x2000  }
0x43: {  	s3 =	simm.s32 @!p0 $0x5000;
	[sflag:s6] =	ssyncset.done @p0 $0x0  }
0x44: {  	s5 =	simm.s32 @!p0 $0x0;
	s7 =	simm.s32 @!p0 $0x80;
	[sflag:s6] =	ssyncadd.s32 @p0 $0xFFFFE000  }
0x45: {  	[tilespmem:s3], [sflag:$0x1] =	stream.indirect.gather @!p0 [hbm4b:s4+s7], $0x40, s5, s7, $0xb8;
	[tilespmem:$0x1F000] =	vst v63  }
0x46: {  	s3 =	simm.s32 @!p0 $0x7000  }
0x47: {  	[tilespmem:s3], [sflag:$0x2] =	stream.indirect.gather @!p0 [hbm4b:s4+s7], $0x40, s7, s7, $0xb8;
	[tilespmem:$0x1F000] =	vst v63  }
0x48: {  	s5 =	simm.s32 @!p0 $0x9000;
	s3 =	simm.s32 @!p0 $0x100  }
0x49: {  	[tilespmem:s5], [sflag:$0x3] =	stream.indirect.gather @!p0 [hbm4b:s4+s7], $0x40, s3, s7, $0xb8;
	[tilespmem:$0x1F000] =	vst v63  }
0x4a: {  	s3 =	simm.s32 @!p0 $0x180;
	s5 =	simm.s32 @!p0 $0xB000  }
0x4b: {  	[tilespmem:s5], [sflag:$0x4] =	stream.indirect.gather @!p0 [hbm4b:s4+s7], $0x40, s3, s7, $0xb8;
	[tilespmem:$0x1F000] =	vst v63  }
0x4c: {  	s3 =	simm.s32 @!p0 $0x200;
	s5 =	simm.s32 @!p0 $0xD000  }
0x4d: {  	[tilespmem:s5], [sflag:$0x5] =	stream.indirect.gather @!p0 [hbm4b:s4+s7], $0x40, s3, s7, $0xb8;
	[tilespmem:$0x1F000] =	vst v63  }
0x4e: {  	s3 =	simm.s32 @!p0 $0x280;
	s5 =	simm.s32 @!p0 $0xF000  }
0x4f: {  	[tilespmem:s5], [sflag:$0x6] =	stream.indirect.gather @!p0 [hbm4b:s4+s7], $0x40, s3, s7, $0xb8;
	[tilespmem:$0x1F000] =	vst v63  }
0x50: {  	s6 =	simm.s32 $0x380;
	s3 =	simm.s32 @!p0 $0x300;
	s5 =	simm.s32 @!p0 $0x11000  }
0x51: {  	[tilespmem:s5], [sflag:$0x7] =	stream.indirect.gather @!p0 [hbm4b:s4+s7], $0x40, s3, s7, $0xb8;
	[tilespmem:$0x1F000] =	vst v63  }
0x52: {  	s6 =	simm.s32 @!p0 $0x380  }
0x53: {  	[tilespmem:s15], [sflag:$0x8] =	stream.indirect.gather [hbm4b:s4+s14], $0x40, s6, s14, $0xb8;
	[tilespmem:$0x1F000] =	vst v63  }
0x54: {  	_ =	swait.ge [sflag:s16], $0x2000  }
0x55: {  	[sflag:s16] =	ssyncset.done $0x0  }
0x56: {  	s9 =	simm.s32 $0x2800;
	s8 =	rddreg [dreg:$0x3];
	[sflag:s16] =	ssyncadd.s32 $0xFFFFE000  }
0x57: {  	[spmem:s2] =	stream.indirect.scatter.add.f32 [tilespmem:s8], [sflag:$0x9], $0x40, s9, s14, $0xb8;
	[tilespmem:$0x1F000] =	vst v63  }
0x58: {  	s3 =	simm.s32 @p0 $0x80;
	_ =	swait.ge [sflag:s17], $0x2000  }
0x59: {  	s3 =	simm.s32 @!p0 $0x80;
	[sflag:s17] =	ssyncset.done $0x0  }
0x5a: {  	s3 =	sadd.s32 $0x2800, s3;
	s11 =	rddreg [dreg:$0x4];
	[sflag:s17] =	ssyncadd.s32 $0xFFFFE000  }
0x5b: {  	[spmem:s2] =	stream.indirect.scatter.add.f32 [tilespmem:s11], [sflag:$0xA], $0x40, s3, s14, $0xb8;
	[tilespmem:$0x1F000] =	vst v63  }
0x5c: {  	s3 =	simm.s32 @p0 $0x100;
	_ =	swait.ge [sflag:s18], $0x2000  }
0x5d: {  	s3 =	simm.s32 @!p0 $0x100;
	[sflag:s18] =	ssyncset.done $0x0  }
0x5e: {  	s24 =	rddreg [dreg:$0x5];
	s3 =	sadd.s32 $0x2800, s3;
	[sflag:s18] =	ssyncadd.s32 $0xFFFFE000  }
0x5f: {  	[spmem:s2] =	stream.indirect.scatter.add.f32 [tilespmem:s24], [sflag:$0xB], $0x40, s3, s14, $0xb8;
	[tilespmem:$0x1F000] =	vst v63  }
0x60: {  	s3 =	simm.s32 @p0 $0x180;
	_ =	swait.ge [sflag:s19], $0x2000  }
0x61: {  	s3 =	simm.s32 @!p0 $0x180;
	[sflag:s19] =	ssyncset.done $0x0  }
0x62: {  	s25 =	rddreg [dreg:$0x6];
	s3 =	sadd.s32 $0x2800, s3;
	[sflag:s19] =	ssyncadd.s32 $0xFFFFE000  }
0x63: {  	[spmem:s2] =	stream.indirect.scatter.add.f32 [tilespmem:s25], [sflag:$0xC], $0x40, s3, s14, $0xb8;
	[tilespmem:$0x1F000] =	vst v63  }
0x64: {  	s3 =	simm.s32 @p0 $0x200;
	_ =	swait.ge [sflag:s20], $0x2000  }
0x65: {  	s3 =	simm.s32 @!p0 $0x200;
	[sflag:s20] =	ssyncset.done $0x0  }
0x66: {  	s26 =	rddreg [dreg:$0x7];
	s3 =	sadd.s32 $0x2800, s3;
	[sflag:s20] =	ssyncadd.s32 $0xFFFFE000  }
0x67: {  	[spmem:s2] =	stream.indirect.scatter.add.f32 [tilespmem:s26], [sflag:$0xD], $0x40, s3, s14, $0xb8;
	[tilespmem:$0x1F000] =	vst v63  }
0x68: {  	s3 =	simm.s32 @p0 $0x280;
	_ =	swait.ge [sflag:s21], $0x2000  }
0x69: {  	s3 =	simm.s32 @!p0 $0x280;
	[sflag:s21] =	ssyncset.done $0x0  }
0x6a: {  	s28 =	rddreg [dreg:$0x8];
	s3 =	sadd.s32 $0x2800, s3;
	[sflag:s21] =	ssyncadd.s32 $0xFFFFE000  }
0x6b: {  	[spmem:s2] =	stream.indirect.scatter.add.f32 [tilespmem:s28], [sflag:$0xE], $0x40, s3, s14, $0xb8;
	[tilespmem:$0x1F000] =	vst v63  }
0x6c: {  	s5 =	simm.s32 @p0 $0x300;
	_ =	swait.ge [sflag:s22], $0x2000  }
0x6d: {  	s7 =	simm.s32 $0x780;
	s5 =	simm.s32 @!p0 $0x300;
	[sflag:s22] =	ssyncset.done $0x0  }
0x6e: {  	s5 =	sadd.s32 $0x2800, s5;
	s29 =	rddreg [dreg:$0x9];
	[sflag:s22] =	ssyncadd.s32 $0xFFFFE000  }
0x6f: {  	[spmem:s2] =	stream.indirect.scatter.add.f32 [tilespmem:s29], [sflag:$0xF], $0x40, s5, s14, $0xb8;
	[tilespmem:$0x1F000] =	vst v63  }
0x70: {  	s11 =	sadd.s32 $0x2800, s6;
	p0 =	por $0x1, $0x1;
	_ =	swait.ge [sflag:s23], $0x2000  }
0x71: {  	s3 =	simm.s32 $0x1000;
	s5 =	simm.s32 $0x2000;
	[sflag:s23] =	ssyncset.done $0x0  }
.LBB2_2:
0x72: {  	s8 =	simm.s32 @p0 $0x9;
	[sflag:s23] =	ssyncadd.s32 $0xFFFFE000  }
0x73: {  	[spmem:s2] =	stream.indirect.scatter.add.f32 [tilespmem:s15], [sflag:$0x10], $0x40, s11, s14, $0xb8;
	[tilespmem:$0x1F000] =	vst v63  }
0x74: {  	_ =	swait.ge @p0 [sflag:s8], $0x2000  }
0x75: {  	s9 =	simm.s32 @p0 $0x5000;
	s24 =	simm.s32 @p0 $0xA;
	[sflag:s8] =	ssyncset.done @p0 $0x0  }
0x76: {  	s11 =	simm.s32 @p0 $0x80;
	[sflag:s8] =	ssyncadd.s32 @p0 $0xFFFFE000;
	s8 =	sshra.s32 @p0 s3, $0x2  }
0x77: {  	[tilespmem:s9], [sflag:$0x1] =	stream.indirect.gather @p0 [hbm4b:s4+s11], $0x40, s8, s11, $0xb8;
	[tilespmem:$0x1F000] =	vst v63  }
0x78: {  	_ =	swait.ge @p0 [sflag:s24], $0x2000  }
0x79: {  	s29 =	simm.s32 @p0 $0xB;
	[sflag:s24] =	ssyncset.done @p0 $0x0  }
0x7a: {  	s9 =	sadd.s32 @p0 $0x80, s8;
	[sflag:s24] =	ssyncadd.s32 @p0 $0xFFFFE000;
	s24 =	simm.s32 @p0 $0x7000  }
0x7b: {  	[tilespmem:s24], [sflag:$0x2] =	stream.indirect.gather @p0 [hbm4b:s4+s11], $0x40, s9, s11, $0xb8;
	[tilespmem:$0x1F000] =	vst v63  }
0x7c: {  	_ =	swait.ge @p0 [sflag:s29], $0x2000  }
0x7d: {  	s25 =	sadd.s32 @p0 $0x100, s8;
	[sflag:s29] =	ssyncset.done @p0 $0x0  }
0x7e: {  	s24 =	simm.s32 @p0 $0x9000;
	[sflag:s29] =	ssyncadd.s32 @p0 $0xFFFFE000;
	s29 =	simm.s32 @p0 $0xC  }
0x7f: {  	[tilespmem:s24], [sflag:$0x3] =	stream.indirect.gather @p0 [hbm4b:s4+s11], $0x40, s25, s11, $0xb8;
	[tilespmem:$0x1F000] =	vst v63  }
0x80: {  	_ =	swait.ge @p0 [sflag:s29], $0x2000  }
0x81: {  	s26 =	sadd.s32 @p0 $0x180, s8;
	[sflag:s29] =	ssyncset.done @p0 $0x0  }
0x82: {  	s24 =	simm.s32 @p0 $0xB000;
	s25 =	simm.s32 @p0 $0xD;
	[sflag:s29] =	ssyncadd.s32 @p0 $0xFFFFE000  }
0x83: {  	[tilespmem:s24], [sflag:$0x4] =	stream.indirect.gather @p0 [hbm4b:s4+s11], $0x40, s26, s11, $0xb8;
	[tilespmem:$0x1F000] =	vst v63  }
0x84: {  	_ =	swait.ge @p0 [sflag:s25], $0x2000  }
0x85: {  	s28 =	sadd.s32 @p0 $0x200, s8;
	[sflag:s25] =	ssyncset.done @p0 $0x0  }
0x86: {  	s24 =	simm.s32 @p0 $0xD000;
	[sflag:s25] =	ssyncadd.s32 @p0 $0xFFFFE000;
	s25 =	simm.s32 @p0 $0xE  }
0x87: {  	[tilespmem:s24], [sflag:$0x5] =	stream.indirect.gather @p0 [hbm4b:s4+s11], $0x40, s28, s11, $0xb8;
	[tilespmem:$0x1F000] =	vst v63  }
0x88: {  	_ =	swait.ge @p0 [sflag:s25], $0x2000  }
0x89: {  	s9 =	sadd.s32 @p0 $0x280, s8;
	[sflag:s25] =	ssyncset.done @p0 $0x0  }
0x8a: {  	s24 =	simm.s32 @p0 $0xF000;
	[sflag:s25] =	ssyncadd.s32 @p0 $0xFFFFE000;
	s25 =	simm.s32 @p0 $0xF  }
0x8b: {  	[tilespmem:s24], [sflag:$0x6] =	stream.indirect.gather @p0 [hbm4b:s4+s11], $0x40, s9, s11, $0xb8;
	[tilespmem:$0x1F000] =	vst v63  }
0x8c: {  	_ =	swait.ge @p0 [sflag:s25], $0x2000  }
0x8d: {  	s8 =	sadd.s32 @p0 $0x300, s8;
	[sflag:s25] =	ssyncset.done @p0 $0x0  }
0x8e: {  	s9 =	simm.s32 @p0 $0x11000;
	s24 =	simm.s32 @p0 $0x10;
	[sflag:s25] =	ssyncadd.s32 @p0 $0xFFFFE000  }
0x8f: {  	[tilespmem:s9], [sflag:$0x7] =	stream.indirect.gather @p0 [hbm4b:s4+s11], $0x40, s8, s11, $0xb8;
	[tilespmem:$0x1F000] =	vst v63  }
0x90: {  	_ =	swait.ge @p0 [sflag:s24], $0x2000  }
0x91: {  	s8 =	simm.s32 @!p0 $0x5000;
	[sflag:s24] =	ssyncset.done @p0 $0x0  }
0x92: {  	s9 =	sshra.s32 @!p0 s3, $0x2;
	s11 =	simm.s32 @!p0 $0x80;
	[sflag:s24] =	ssyncadd.s32 @p0 $0xFFFFE000  }
0x93: {  	[tilespmem:s8], [sflag:$0x1] =	stream.indirect.gather @!p0 [hbm4b:s4+s11], $0x40, s9, s11, $0xb8;
	[tilespmem:$0x1F000] =	vst v63  }
0x94: {  	s8 =	simm.s32 @!p0 $0x7000  }
0x95: {  	[tilespmem:s8], [sflag:$0x2] =	stream.indirect.gather @!p0 [hbm4b:s4+s11], $0x40, s11, s11, $0xb8;
	[tilespmem:$0x1F000] =	vst v63  }
0x96: {  	s9 =	simm.s32 @!p0 $0x9000;
	s8 =	simm.s32 @!p0 $0x100  }
0x97: {  	[tilespmem:s9], [sflag:$0x3] =	stream.indirect.gather @!p0 [hbm4b:s4+s11], $0x40, s8, s11, $0xb8;
	[tilespmem:$0x1F000] =	vst v63  }
0x98: {  	s8 =	simm.s32 @!p0 $0x180;
	s9 =	simm.s32 @!p0 $0xB000  }
0x99: {  	[tilespmem:s9], [sflag:$0x4] =	stream.indirect.gather @!p0 [hbm4b:s4+s11], $0x40, s8, s11, $0xb8;
	[tilespmem:$0x1F000] =	vst v63  }
0x9a: {  	s8 =	simm.s32 @!p0 $0x200;
	s9 =	simm.s32 @!p0 $0xD000  }
0x9b: {  	[tilespmem:s9], [sflag:$0x5] =	stream.indirect.gather @!p0 [hbm4b:s4+s11], $0x40, s8, s11, $0xb8;
	[tilespmem:$0x1F000] =	vst v63  }
0x9c: {  	s8 =	simm.s32 @!p0 $0x280;
	s9 =	simm.s32 @!p0 $0xF000  }
0x9d: {  	[tilespmem:s9], [sflag:$0x6] =	stream.indirect.gather @!p0 [hbm4b:s4+s11], $0x40, s8, s11, $0xb8;
	[tilespmem:$0x1F000] =	vst v63  }
0x9e: {  	s8 =	simm.s32 @!p0 $0x300;
	s9 =	simm.s32 @!p0 $0x11000  }
0x9f: {  	[tilespmem:s9], [sflag:$0x7] =	stream.indirect.gather @!p0 [hbm4b:s4+s11], $0x40, s8, s11, $0xb8;
	[tilespmem:$0x1F000] =	vst v63  }
0xa0: {  	s11 =	smov.u32 s7  }
0xa1: {  	s11 =	simm.s32 @!p0 $0x380  }
0xa2: {  	[tilespmem:s15], [sflag:$0x8] =	stream.indirect.gather [hbm4b:s4+s14], $0x40, s11, s14, $0xb8;
	[tilespmem:$0x1F000] =	vst v63  }
0xa3: {  	_ =	swait.ge [sflag:s16], $0x2000  }
0xa4: {  	s6 =	smov.u32 s5;
	s28 =	sshra.s32 s3, $0x2;
	[sflag:s16] =	ssyncset.done $0x0  }
0xa5: {  	s29 =	sadd.s32 $0x2800, s28;
	s26 =	rddreg [dreg:$0x3];
	[sflag:s16] =	ssyncadd.s32 $0xFFFFE000  }
0xa6: {  	[spmem:s2] =	stream.indirect.scatter.add.f32 [tilespmem:s26], [sflag:$0x9], $0x40, s29, s14, $0xb8;
	[tilespmem:$0x1F000] =	vst v63  }
0xa7: {  	s3 =	smov.u32 s6;
	s6 =	sadd.s32 @p0 $0xFFFFFD00, s7;
	_ =	swait.ge [sflag:s17], $0x2000  }
0xa8: {  	s6 =	simm.s32 @!p0 $0x80;
	[sflag:s17] =	ssyncset.done $0x0  }
0xa9: {  	s6 =	sadd.s32 $0x2800, s6;
	s9 =	rddreg [dreg:$0x4];
	[sflag:s17] =	ssyncadd.s32 $0xFFFFE000  }
0xaa: {  	[spmem:s2] =	stream.indirect.scatter.add.f32 [tilespmem:s9], [sflag:$0xA], $0x40, s6, s14, $0xb8;
	[tilespmem:$0x1F000] =	vst v63  }
0xab: {  	s6 =	sadd.s32 @p0 $0xFFFFFD80, s7;
	_ =	swait.ge [sflag:s18], $0x2000  }
0xac: {  	s6 =	simm.s32 @!p0 $0x100;
	[sflag:s18] =	ssyncset.done $0x0  }
0xad: {  	s24 =	rddreg [dreg:$0x5];
	s6 =	sadd.s32 $0x2800, s6;
	[sflag:s18] =	ssyncadd.s32 $0xFFFFE000  }
0xae: {  	[spmem:s2] =	stream.indirect.scatter.add.f32 [tilespmem:s24], [sflag:$0xB], $0x40, s6, s14, $0xb8;
	[tilespmem:$0x1F000] =	vst v63  }
0xaf: {  	s6 =	sadd.s32 @p0 $0xFFFFFE00, s7;
	_ =	swait.ge [sflag:s19], $0x2000  }
0xb0: {  	s6 =	simm.s32 @!p0 $0x180;
	[sflag:s19] =	ssyncset.done $0x0  }
0xb1: {  	s25 =	rddreg [dreg:$0x6];
	s6 =	sadd.s32 $0x2800, s6;
	[sflag:s19] =	ssyncadd.s32 $0xFFFFE000  }
0xb2: {  	[spmem:s2] =	stream.indirect.scatter.add.f32 [tilespmem:s25], [sflag:$0xC], $0x40, s6, s14, $0xb8;
	[tilespmem:$0x1F000] =	vst v63  }
0xb3: {  	s6 =	sadd.s32 @p0 $0xFFFFFE80, s7;
	_ =	swait.ge [sflag:s20], $0x2000  }
0xb4: {  	s6 =	simm.s32 @!p0 $0x200;
	[sflag:s20] =	ssyncset.done $0x0  }
0xb5: {  	s26 =	rddreg [dreg:$0x7];
	s6 =	sadd.s32 $0x2800, s6;
	[sflag:s20] =	ssyncadd.s32 $0xFFFFE000  }
0xb6: {  	[spmem:s2] =	stream.indirect.scatter.add.f32 [tilespmem:s26], [sflag:$0xD], $0x40, s6, s14, $0xb8;
	[tilespmem:$0x1F000] =	vst v63  }
0xb7: {  	s6 =	sadd.s32 @p0 $0xFFFFFF00, s7;
	_ =	swait.ge [sflag:s21], $0x2000  }
0xb8: {  	s5 =	sadd.s32 $0x1000, s5;
	s6 =	simm.s32 @!p0 $0x280;
	[sflag:s21] =	ssyncset.done $0x0  }
0xb9: {  	s28 =	rddreg [dreg:$0x8];
	s6 =	sadd.s32 $0x2800, s6;
	[sflag:s21] =	ssyncadd.s32 $0xFFFFE000  }
0xba: {  	[spmem:s2] =	stream.indirect.scatter.add.f32 [tilespmem:s28], [sflag:$0xE], $0x40, s6, s14, $0xb8;
	[tilespmem:$0x1F000] =	vst v63  }
0xbb: {  	p1 =	sne.s32 s5, $0xA000;
	s6 =	sadd.s32 @p0 $0xFFFFFF80, s7;
	_ =	swait.ge [sflag:s22], $0x2000  }
.Ltmp0:
0xbc: {  	s6 =	simm.s32 @!p0 $0x300;
	[sflag:s22] =	ssyncset.done $0x0;
	(pc) =	sbr.rel @p1 .LBB2_2-.Ltmp0, $4  }
0xbd: {  	s29 =	rddreg [dreg:$0x9];
	s6 =	sadd.s32 $0x2800, s6;
	[sflag:s22] =	ssyncadd.s32 $0xFFFFE000  }
0xbe: {  	[spmem:s2] =	stream.indirect.scatter.add.f32 [tilespmem:s29], [sflag:$0xF], $0x40, s6, s14, $0xb8;
	[tilespmem:$0x1F000] =	vst v63  }
0xbf: {  	s11 =	sadd.s32 $0x2800, s11;
	_ =	swait.ge [sflag:s23], $0x2000  }
0xc0: {  	s7 =	sadd.s32 $0x400, s7;
	p0 =	sne.s32 s3, $0x0;
	[sflag:s23] =	ssyncset.done $0x0  }
0xc1: {  	s5 =	simm.s32 @p0 $0x9;
	[sflag:s23] =	ssyncadd.s32 $0xFFFFE000  }
0xc2: {  	[spmem:s2] =	stream.indirect.scatter.add.f32 [tilespmem:s15], [sflag:$0x10], $0x40, s11, s14, $0xb8;
	[tilespmem:$0x1F000] =	vst v63  }
0xc3: {  	_ =	swait.ge @p0 [sflag:s5], $0x2000  }
0xc4: {  	s6 =	simm.s32 @p0 $0x5000;
	s8 =	simm.s32 @p0 $0xA;
	[sflag:s5] =	ssyncset.done @p0 $0x0  }
0xc5: {  	s9 =	simm.s32 @p0 $0x80;
	[sflag:s5] =	ssyncadd.s32 @p0 $0xFFFFE000;
	s5 =	sshra.s32 @p0 s3, $0x2  }
0xc6: {  	[tilespmem:s6], [sflag:$0x1] =	stream.indirect.gather @p0 [hbm4b:s4+s9], $0x40, s5, s9, $0xb8;
	[tilespmem:$0x1F000] =	vst v63  }
0xc7: {  	_ =	swait.ge @p0 [sflag:s8], $0x2000  }
0xc8: {  	[sflag:s8] =	ssyncset.done @p0 $0x0  }
0xc9: {  	s6 =	sadd.s32 @p0 $0x80, s5;
	[sflag:s8] =	ssyncadd.s32 @p0 $0xFFFFE000;
	s8 =	simm.s32 @p0 $0x7000  }
0xca: {  	[tilespmem:s8], [sflag:$0x2] =	stream.indirect.gather @p0 [hbm4b:s4+s9], $0x40, s6, s9, $0xb8;
	[tilespmem:$0x1F000] =	vst v63  }
0xcb: {  	s6 =	simm.s32 @p0 $0xB  }
0xcc: {  	_ =	swait.ge @p0 [sflag:s6], $0x2000  }
0xcd: {  	[sflag:s6] =	ssyncset.done @p0 $0x0  }
0xce: {  	s8 =	sadd.s32 @p0 $0x100, s5;
	[sflag:s6] =	ssyncadd.s32 @p0 $0xFFFFE000;
	s6 =	simm.s32 @p0 $0x9000  }
0xcf: {  	[tilespmem:s6], [sflag:$0x3] =	stream.indirect.gather @p0 [hbm4b:s4+s9], $0x40, s8, s9, $0xb8;
	[tilespmem:$0x1F000] =	vst v63  }
0xd0: {  	s6 =	simm.s32 @p0 $0xC  }
0xd1: {  	_ =	swait.ge @p0 [sflag:s6], $0x2000  }
0xd2: {  	[sflag:s6] =	ssyncset.done @p0 $0x0  }
0xd3: {  	s8 =	sadd.s32 @p0 $0x180, s5;
	[sflag:s6] =	ssyncadd.s32 @p0 $0xFFFFE000;
	s6 =	simm.s32 @p0 $0xB000  }
0xd4: {  	[tilespmem:s6], [sflag:$0x4] =	stream.indirect.gather @p0 [hbm4b:s4+s9], $0x40, s8, s9, $0xb8;
	[tilespmem:$0x1F000] =	vst v63  }
0xd5: {  	s6 =	simm.s32 @p0 $0xD  }
0xd6: {  	_ =	swait.ge @p0 [sflag:s6], $0x2000  }
0xd7: {  	[sflag:s6] =	ssyncset.done @p0 $0x0  }
0xd8: {  	s8 =	sadd.s32 @p0 $0x200, s5;
	[sflag:s6] =	ssyncadd.s32 @p0 $0xFFFFE000;
	s6 =	simm.s32 @p0 $0xD000  }
0xd9: {  	[tilespmem:s6], [sflag:$0x5] =	stream.indirect.gather @p0 [hbm4b:s4+s9], $0x40, s8, s9, $0xb8;
	[tilespmem:$0x1F000] =	vst v63  }
0xda: {  	s6 =	simm.s32 @p0 $0xE  }
0xdb: {  	_ =	swait.ge @p0 [sflag:s6], $0x2000  }
0xdc: {  	[sflag:s6] =	ssyncset.done @p0 $0x0  }
0xdd: {  	s8 =	sadd.s32 @p0 $0x280, s5;
	[sflag:s6] =	ssyncadd.s32 @p0 $0xFFFFE000;
	s6 =	simm.s32 @p0 $0xF000  }
0xde: {  	[tilespmem:s6], [sflag:$0x6] =	stream.indirect.gather @p0 [hbm4b:s4+s9], $0x40, s8, s9, $0xb8;
	[tilespmem:$0x1F000] =	vst v63  }
0xdf: {  	s6 =	simm.s32 @p0 $0xF  }
0xe0: {  	_ =	swait.ge @p0 [sflag:s6], $0x2000  }
0xe1: {  	[sflag:s6] =	ssyncset.done @p0 $0x0  }
0xe2: {  	s5 =	sadd.s32 @p0 $0x300, s5;
	[sflag:s6] =	ssyncadd.s32 @p0 $0xFFFFE000;
	s6 =	simm.s32 @p0 $0x11000  }
0xe3: {  	[tilespmem:s6], [sflag:$0x7] =	stream.indirect.gather @p0 [hbm4b:s4+s9], $0x40, s5, s9, $0xb8;
	[tilespmem:$0x1F000] =	vst v63  }
0xe4: {  	s5 =	simm.s32 @p0 $0x10  }
0xe5: {  	_ =	swait.ge @p0 [sflag:s5], $0x2000  }
0xe6: {  	s8 =	simm.s32 @!p0 $0x80;
	[sflag:s5] =	ssyncset.done @p0 $0x0  }
0xe7: {  	s6 =	simm.s32 @!p0 $0x5000;
	[sflag:s5] =	ssyncadd.s32 @p0 $0xFFFFE000;
	s5 =	sshra.s32 @!p0 s3, $0x2  }
0xe8: {  	[tilespmem:s6], [sflag:$0x1] =	stream.indirect.gather @!p0 [hbm4b:s4+s8], $0x40, s5, s8, $0xb8;
	[tilespmem:$0x1F000] =	vst v63  }
0xe9: {  	s5 =	simm.s32 @!p0 $0x7000  }
0xea: {  	[tilespmem:s5], [sflag:$0x2] =	stream.indirect.gather @!p0 [hbm4b:s4+s8], $0x40, s8, s8, $0xb8;
	[tilespmem:$0x1F000] =	vst v63  }
0xeb: {  	s6 =	simm.s32 @!p0 $0x9000;
	s5 =	simm.s32 @!p0 $0x100  }
0xec: {  	[tilespmem:s6], [sflag:$0x3] =	stream.indirect.gather @!p0 [hbm4b:s4+s8], $0x40, s5, s8, $0xb8;
	[tilespmem:$0x1F000] =	vst v63  }
0xed: {  	s5 =	simm.s32 @!p0 $0x180;
	s6 =	simm.s32 @!p0 $0xB000  }
0xee: {  	[tilespmem:s6], [sflag:$0x4] =	stream.indirect.gather @!p0 [hbm4b:s4+s8], $0x40, s5, s8, $0xb8;
	[tilespmem:$0x1F000] =	vst v63  }
0xef: {  	s5 =	simm.s32 @!p0 $0x200;
	s6 =	simm.s32 @!p0 $0xD000  }
0xf0: {  	[tilespmem:s6], [sflag:$0x5] =	stream.indirect.gather @!p0 [hbm4b:s4+s8], $0x40, s5, s8, $0xb8;
	[tilespmem:$0x1F000] =	vst v63  }
0xf1: {  	s5 =	simm.s32 @!p0 $0x280;
	s6 =	simm.s32 @!p0 $0xF000  }
0xf2: {  	[tilespmem:s6], [sflag:$0x6] =	stream.indirect.gather @!p0 [hbm4b:s4+s8], $0x40, s5, s8, $0xb8;
	[tilespmem:$0x1F000] =	vst v63  }
0xf3: {  	s5 =	simm.s32 @!p0 $0x300;
	s6 =	simm.s32 @!p0 $0x11000  }
0xf4: {  	[tilespmem:s6], [sflag:$0x7] =	stream.indirect.gather @!p0 [hbm4b:s4+s8], $0x40, s5, s8, $0xb8;
	[tilespmem:$0x1F000] =	vst v63  }
0xf5: {  	s5 =	smov.u32 s7  }
0xf6: {  	s5 =	simm.s32 @!p0 $0x380  }
0xf7: {  	[tilespmem:s15], [sflag:$0x8] =	stream.indirect.gather [hbm4b:s4+s14], $0x40, s5, s14, $0xb8;
	[tilespmem:$0x1F000] =	vst v63  }
0xf8: {  	_ =	swait.ge [sflag:s16], $0x2000  }
0xf9: {  	s11 =	sshra.s32 s3, $0x2;
	[sflag:s16] =	ssyncset.done $0x0  }
0xfa: {  	s3 =	sadd.s32 $0x2800, s11;
	s9 =	rddreg [dreg:$0x3];
	[sflag:s16] =	ssyncadd.s32 $0xFFFFE000  }
0xfb: {  	[spmem:s2] =	stream.indirect.scatter.add.f32 [tilespmem:s9], [sflag:$0x9], $0x40, s3, s14, $0xb8;
	[tilespmem:$0x1F000] =	vst v63  }
0xfc: {  	s3 =	sadd.s32 @p0 $0xFFFFFD00, s7;
	_ =	swait.ge [sflag:s17], $0x2000  }
0xfd: {  	s3 =	simm.s32 @!p0 $0x80;
	[sflag:s17] =	ssyncset.done $0x0  }
0xfe: {  	s24 =	rddreg [dreg:$0x4];
	s3 =	sadd.s32 $0x2800, s3;
	[sflag:s17] =	ssyncadd.s32 $0xFFFFE000  }
0xff: {  	[spmem:s2] =	stream.indirect.scatter.add.f32 [tilespmem:s24], [sflag:$0xA], $0x40, s3, s14, $0xb8;
	[tilespmem:$0x1F000] =	vst v63  }
0x100: {  	s3 =	sadd.s32 @p0 $0xFFFFFD80, s7;
	_ =	swait.ge [sflag:s18], $0x2000  }
0x101: {  	s3 =	simm.s32 @!p0 $0x100;
	[sflag:s18] =	ssyncset.done $0x0  }
0x102: {  	s25 =	rddreg [dreg:$0x5];
	s3 =	sadd.s32 $0x2800, s3;
	[sflag:s18] =	ssyncadd.s32 $0xFFFFE000  }
0x103: {  	[spmem:s2] =	stream.indirect.scatter.add.f32 [tilespmem:s25], [sflag:$0xB], $0x40, s3, s14, $0xb8;
	[tilespmem:$0x1F000] =	vst v63  }
0x104: {  	s3 =	sadd.s32 @p0 $0xFFFFFE00, s7;
	_ =	swait.ge [sflag:s19], $0x2000  }
0x105: {  	s3 =	simm.s32 @!p0 $0x180;
	[sflag:s19] =	ssyncset.done $0x0  }
0x106: {  	s26 =	rddreg [dreg:$0x6];
	s3 =	sadd.s32 $0x2800, s3;
	[sflag:s19] =	ssyncadd.s32 $0xFFFFE000  }
0x107: {  	[spmem:s2] =	stream.indirect.scatter.add.f32 [tilespmem:s26], [sflag:$0xC], $0x40, s3, s14, $0xb8;
	[tilespmem:$0x1F000] =	vst v63  }
0x108: {  	s3 =	sadd.s32 @p0 $0xFFFFFE80, s7;
	_ =	swait.ge [sflag:s20], $0x2000  }
0x109: {  	s3 =	simm.s32 @!p0 $0x200;
	[sflag:s20] =	ssyncset.done $0x0  }
0x10a: {  	s28 =	rddreg [dreg:$0x7];
	s3 =	sadd.s32 $0x2800, s3;
	[sflag:s20] =	ssyncadd.s32 $0xFFFFE000  }
0x10b: {  	[spmem:s2] =	stream.indirect.scatter.add.f32 [tilespmem:s28], [sflag:$0xD], $0x40, s3, s14, $0xb8;
	[tilespmem:$0x1F000] =	vst v63  }
0x10c: {  	s3 =	sadd.s32 @p0 $0xFFFFFF00, s7;
	_ =	swait.ge [sflag:s21], $0x2000  }
0x10d: {  	s3 =	simm.s32 @!p0 $0x280;
	[sflag:s21] =	ssyncset.done $0x0  }
0x10e: {  	s29 =	rddreg [dreg:$0x8];
	s3 =	sadd.s32 $0x2800, s3;
	[sflag:s21] =	ssyncadd.s32 $0xFFFFE000  }
0x10f: {  	[spmem:s2] =	stream.indirect.scatter.add.f32 [tilespmem:s29], [sflag:$0xE], $0x40, s3, s14, $0xb8;
	[tilespmem:$0x1F000] =	vst v63  }
0x110: {  	s3 =	sadd.s32 @p0 $0xFFFFFF80, s7;
	_ =	swait.ge [sflag:s22], $0x2000  }
0x111: {  	s3 =	simm.s32 @!p0 $0x300;
	[sflag:s22] =	ssyncset.done $0x0  }
0x112: {  	s7 =	rddreg [dreg:$0x9];
	s3 =	sadd.s32 $0x2800, s3;
	[sflag:s22] =	ssyncadd.s32 $0xFFFFE000  }
0x113: {  	[spmem:s2] =	stream.indirect.scatter.add.f32 [tilespmem:s7], [sflag:$0xF], $0x40, s3, s14, $0xb8;
	[tilespmem:$0x1F000] =	vst v63  }
0x114: {  	_ =	swait.ge [sflag:s23], $0x2000  }
0x115: {  	[sflag:s23] =	ssyncset.done $0x0  }
0x116: {  	s8 =	sadd.s32 $0x2800, s5;
	s9 =	simm.s32 $0x9;
	[sflag:s23] =	ssyncadd.s32 $0xFFFFE000  }
0x117: {  	[spmem:s2] =	stream.indirect.scatter.add.f32 [tilespmem:s15], [sflag:$0x10], $0x40, s8, s14, $0xb8;
	[tilespmem:$0x1F000] =	vst v63  }
0x118: {  	_ =	swait.ge [sflag:s9], $0x2000  }
0x119: {  	[sflag:s9] =	ssyncset.done $0x0  }
0x11a: {  	s11 =	simm.s32 $0xA;
	[sflag:s9] =	ssyncadd.s32 $0xFFFFE000  }
0x11b: {  	_ =	swait.ge [sflag:s11], $0x2000  }
0x11c: {  	[sflag:s11] =	ssyncset.done $0x0  }
0x11d: {  	s24 =	simm.s32 $0xB;
	[sflag:s11] =	ssyncadd.s32 $0xFFFFE000  }
0x11e: {  	_ =	swait.ge [sflag:s24], $0x2000  }
0x11f: {  	[sflag:s24] =	ssyncset.done $0x0  }
0x120: {  	s25 =	simm.s32 $0xC;
	[sflag:s24] =	ssyncadd.s32 $0xFFFFE000  }
0x121: {  	_ =	swait.ge [sflag:s25], $0x2000  }
0x122: {  	[sflag:s25] =	ssyncset.done $0x0  }
0x123: {  	s26 =	simm.s32 $0xD;
	[sflag:s25] =	ssyncadd.s32 $0xFFFFE000  }
0x124: {  	_ =	swait.ge [sflag:s26], $0x2000  }
0x125: {  	[sflag:s26] =	ssyncset.done $0x0  }
0x126: {  	[sflag:s26] =	ssyncadd.s32 $0xFFFFE000  }
0x127: {  	_ =	swait.ge [sflag:s30], $0x2000  }
0x128: {  	[sflag:s30] =	ssyncset.done $0x0  }
0x129: {  	[sflag:s30] =	ssyncadd.s32 $0xFFFFE000  }
0x12a: {  	_ =	swait.ge [sflag:s31], $0x2000  }
0x12b: {  	[sflag:s31] =	ssyncset.done $0x0  }
0x12c: {  	[sflag:s31] =	ssyncadd.s32 $0xFFFFE000  }
0x12d: {  	_ =	swait.ge [sflag:s0], $0x2000  }
0x12e: {  	[sflag:s0] =	ssyncset.done $0x0  }
0x12f: {  	[sflag:s0] =	ssyncadd.s32 $0xFFFFE000  }
0x130: {  	[bflag:$0x0] =	sbarrier.arrive $0xFFFF  }
0x131: {  	s28 =	rddreg [dreg:$0xd]  }
0x132: {  	[hbm:s28], [sflag:s12] =	dma.local [spmem:s13], $0x1400  }
0x133: {  	_ =	swait.ge [sflag:s10], $0x1400  }
0x134: {  	s1 =	sadd.s32 $0x1, s1;
	s29 =	rddreg [dreg:$0xe]  }
0x135: {  	p0 =	sne.s32 s1, s29  }
.Ltmp1:
0x136: {  	_ = 	snop;
	(pc) =	sbr.rel @p0 .LBB2_1-.Ltmp1, $3  }
0x137: {  	_ =	sdelay $0x1  }
0x138: {  	[sflag:s10] =	ssyncset.done $0x0  }
0x139: {  	[sflag:s10] =	ssyncadd.s32 $0xFFFFEC00  }
0x13a: {  	_ =	sfence.sel $0x180000  }
0x13b: {  	[bflag:$0x0] =	sbarrier.arrive $0xFFFF  }
0x13c: {  	_ =	strace $0x9000004A  }
0x13d: {  	s0 =	stileid.u32;
	[bflag:$0x2] =	sbarrier.arrive $0xFFFF  }
0x13e: {  	p0 =	sne.s32 s0, $0x0;
	s0 =	rddreg [dreg:$0x2]  }
0x13f: {  	s0 =	sadd.s32 @!p0 $0x100000, s0  }
0x140: {  	[sflag:s0] =	ssyncadd.tile.s32 @!p0 $0x1;
	_ =	shalt  }
.Lfunc_end2:
_tile_overlayer_lowered:
.L_overlay_start_2:
0x141: {  	(tag) =	ssettag $0x2  }
0x142: {  	s0 =	rddreg [dreg:$0x0];
	s2 =	stileid.u32  }
0x143: {  	s1 =	rddreg [dreg:$0x1];
	p0 =	sne.s32 s2, $0x0  }
0x144: {  	s3 =	rddreg [dreg:$0x2];
	[bflag:$0x3] =	sbarrier.arrive $0xFFFF;
	s2 =	simm.s32 @!p0 $0x1C11  }
0x145: {  	[timem:s3], [sflag:s2] =	dma.local @!p0 [hbm:s0], s1  }
0x146: {  	s0 =	simm.s32 @!p0 $0x11  }
0x147: {  	_ =	swait.ge @!p0 [sflag:s0], s1  }
0x148: {  	s1 =	ssub.s32 @!p0 $0x0, s1;
	[sflag:s0] =	ssyncset.done @!p0 $0x0  }
0x149: {  	[sflag:s0] =	ssyncadd.s32 @!p0 s1  }
0x14a: {  	[bflag:$0x3] =	sbarrier.arrive $0xFFFF  }
0x14b: {  	_ =	shalt  }

// kernel: kernel.14.cloned.1.call-start
scs
__scs_entry_jumppad:
0x0: {  	(pc) =	sbr.rel $0x88, $3  }
0x1: {  	(tag) =	ssettag $0x0;
	lr =	simm.s32 $0x1  }
0x2: {  	[smem:$0x3F97] =	sst lr;
	_ =	strace $0xD0000000  }
0x3: {  	_ = 	snop  }
0x4: {  	_ = 	snop  }
0x5: {  	_ = 	snop  }
0x6: {  	_ = 	snop  }
0x7: {  	_ = 	snop  }
__scs_overlays_trampoline_lowered:
0x8: {  	[smem:$0x3FA6] =	sst s0  }
0x9: {  	[smem:$0x3FA7] =	sst s1  }
0xa: {  	[smem:$0x3FA8] =	sst s2  }
0xb: {  	[smem:$0x3FA9] =	sst s3  }
0xc: {  	[smem:$0x3FAA] =	sst s4  }
0xd: {  	[smem:$0x3FAB] =	sst s5  }
0xe: {  	[smem:$0x3FAC] =	sst s6  }
0xf: {  	[smem:$0x3FAD] =	sst s7  }
0x10: {  	[smem:$0x3FAE] =	sst s8  }
0x11: {  	[smem:$0x3FAF] =	sst s9;
	s0 =	simm.s32 @!p0 $0x0  }
0x12: {  	s1 =	sld [smem:$0x3F95];
	s0 =	simm.s32 @p0 $0x1  }
0x13: {  	[smem:$0x3FB0] =	sst s0;
	s0 =	simm.s32 @!p1 $0x0  }
0x14: {  	s2 =	sld [smem:$0x3F94];
	s0 =	simm.s32 @p1 $0x1  }
0x15: {  	[smem:$0x3FB1] =	sst s0;
	s0 =	simm.s32 @!p2 $0x0  }
0x16: {  	s3 =	sld [smem:$0x3FDB];
	s0 =	simm.s32 @p2 $0x1  }
0x17: {  	s4 =	simm.s32 $0x1BF5;
	[smem:$0x3FB3] =	sst s0  }
0x18: {  	s0 =	sld [smem:$0x3F96];
	_ =	swait.ge [sflag:s4], $0x0  }
0x19: {  	s7 =	sld [smem:$0x3F97]  }
0x1a: {  	s8 =	sadd.s32 $0xFFFFE003, lr  }
0x1b: {  	s9 =	sadd.s32 $0xFFFFFEF7, lr;
	s5 =	simm.s32 $0xFFFFFFFF;
	p2 =	slt.u32 s8, $0xFFFFF086  }
0x1c: {  	p1 =	slt.u32 s9, $0xF7A;
	s5 =	simm.s32 @!p2 $0x0  }
0x1d: {  	s5 =	simm.s32 @p1 $0x1;
	p0 =	seq.s32 s7, s2  }
0x1e: {  	s7 =	smul.u32 @!p0 $0xF7A, s2;
	p2 =	seq.s32 @!p0 s5, $0x0  }
0x1f: {  	s9 =	smul.u32 $0xF7A, s1;
	s8 =	simm.s32 @!p0 $0x1BF5;
	p2 =	por !p2, p0  }
0x20: {  	[sflag:s8] =	ssyncset.s32 @!p0 $0xFFFFF086;
	s6 =	sadd.s32 @!p0 s3, s7;
	s7 =	simm.s32 @!p0 $0x108  }
0x21: {  	s3 =	sadd.s32 s3, s9;
	s6 =	sadd.s32 @!p0 $0x88, s6;
	s7 =	simm.s32 @p2 $0x1082  }
0x22: {  	[simem:s7], [sflag:s8] =	dma.local @!p0 [hbm:s6], $0xF7A  }
0x23: {  	s9 =	sor.u32 $0xD0000000, s2;
	s6 =	simm.s32 $0x108;
	_ =	swait.ge @!p0 [sflag:s8], $0x0  }
0x24: {  	s3 =	sadd.s32 $0x88, s3;
	s6 =	simm.s32 @!p1 $0x1082;
	[sflag:s4] =	ssyncset.s32 $0xFFFFF086  }
0x25: {  	[simem:s6], [sflag:s4] =	dma.local [hbm:s3], $0xF7A  }
0x26: {  	[smem:$0x3F97] =	sst s1;
	(tag) =	ssettag s2;
	_ =	strace s9  }
0x27: {  	s1 =	sld [smem:$0x3FA7]  }
0x28: {  	s2 =	sld [smem:$0x3FA8]  }
0x29: {  	s4 =	sld [smem:$0x3FAA]  }
0x2a: {  	p0 =	seq.s32 s5, $0x0;
	s5 =	sld [smem:$0x3FAB]  }
0x2b: {  	s6 =	sld [smem:$0x3FAC]  }
0x2c: {  	s7 =	sld [smem:$0x3FAD]  }
0x2d: {  	s3 =	simm.s32 $0x108;
	s8 =	sld [smem:$0x3FAE]  }
0x2e: {  	s3 =	simm.s32 @!p0 $0x1082;
	s9 =	sld [smem:$0x3FAF]  }
0x2f: {  	lr =	sadd.s32 s0, s3;
	s0 =	sld [smem:$0x3FA6]  }
0x30: {  	s3 =	sld [smem:$0x3FA9]  }
0x31: {  	[smem:$0x3FB2] =	sst s10  }
0x32: {  	s10 =	sld [smem:$0x3FB0];
	_ =	sdelay $0x3  }
0x33: {  	p0 =	seq.s32 s10, $0x1;
	s10 =	sld [smem:$0x3FB2];
	_ =	sdelay $0x3  }
0x34: {  	[smem:$0x3FB2] =	sst s10  }
0x35: {  	s10 =	sld [smem:$0x3FB1];
	_ =	sdelay $0x3  }
0x36: {  	p1 =	seq.s32 s10, $0x1;
	s10 =	sld [smem:$0x3FB2];
	_ =	sdelay $0x3  }
0x37: {  	[smem:$0x3FB2] =	sst s10  }
0x38: {  	s10 =	sld [smem:$0x3FB3]  }
0x39: {  	_ = 	snop;
	(pc) =	sbr.ind lr, $3  }
0x3a: {  	_ = 	snop  }
0x3b: {  	_ = 	snop  }
0x3c: {  	p2 =	seq.s32 s10, $0x1;
	s10 =	sld [smem:$0x3FB2]  }
0x3d: {  	_ =	shalt  }
0x3e: {  	_ =	shalt  }
0x3f: {  	_ =	shalt  }
0x40: {  	_ =	shalt  }
0x41: {  	_ =	shalt  }
0x42: {  	_ =	shalt  }
0x43: {  	_ =	shalt  }
0x44: {  	_ =	shalt  }
0x45: {  	_ =	shalt  }
0x46: {  	_ =	shalt  }
0x47: {  	_ =	shalt  }
0x48: {  	_ =	shalt  }
0x49: {  	_ =	shalt  }
0x4a: {  	_ =	shalt  }
0x4b: {  	_ =	shalt  }
0x4c: {  	_ =	shalt  }
0x4d: {  	_ =	shalt  }
0x4e: {  	_ =	shalt  }
0x4f: {  	_ =	shalt  }
0x50: {  	_ =	shalt  }
0x51: {  	_ =	shalt  }
0x52: {  	_ =	shalt  }
0x53: {  	_ =	shalt  }
0x54: {  	_ =	shalt  }
0x55: {  	_ =	shalt  }
0x56: {  	_ =	shalt  }
0x57: {  	_ =	shalt  }
0x58: {  	_ =	shalt  }
0x59: {  	_ =	shalt  }
0x5a: {  	_ =	shalt  }
0x5b: {  	_ =	shalt  }
0x5c: {  	_ =	shalt  }
0x5d: {  	_ =	shalt  }
0x5e: {  	_ =	shalt  }
0x5f: {  	_ =	shalt  }
0x60: {  	_ =	shalt  }
0x61: {  	_ =	shalt  }
0x62: {  	_ =	shalt  }
0x63: {  	_ =	shalt  }
0x64: {  	_ =	shalt  }
0x65: {  	_ =	shalt  }
0x66: {  	_ =	shalt  }
0x67: {  	_ =	shalt  }
0x68: {  	_ =	shalt  }
0x69: {  	_ =	shalt  }
0x6a: {  	_ =	shalt  }
0x6b: {  	_ =	shalt  }
0x6c: {  	_ =	shalt  }
0x6d: {  	_ =	shalt  }
0x6e: {  	_ =	shalt  }
0x6f: {  	_ =	shalt  }
0x70: {  	_ =	shalt  }
0x71: {  	_ =	shalt  }
0x72: {  	_ =	shalt  }
0x73: {  	_ =	shalt  }
0x74: {  	_ =	shalt  }
0x75: {  	_ =	shalt  }
0x76: {  	_ =	shalt  }
0x77: {  	_ =	shalt  }
0x78: {  	_ =	shalt  }
0x79: {  	_ =	shalt  }
0x7a: {  	_ =	shalt  }
0x7b: {  	_ =	shalt  }
0x7c: {  	_ =	shalt  }
0x7d: {  	_ =	shalt  }
0x7e: {  	_ =	shalt  }
0x7f: {  	_ =	shalt  }
0x80: {  	_ =	shalt  }
0x81: {  	_ =	shalt  }
0x82: {  	_ =	shalt  }
0x83: {  	_ =	shalt  }
0x84: {  	_ =	shalt  }
0x85: {  	_ =	shalt  }
0x86: {  	_ =	shalt  }
0x87: {  	_ =	shalt  }
.Lfunc_end0:
.L_simem_size_0:
called_computation.2_lowered:
.L_overlay_start_0:
0x88: {  	s2 =	sld [smem:$0x3FD9]  }
0x89: {  	s3 =	sld [smem:$0x3FFE];
	_ =	sdelay $0x1  }
0x8a: {  	s1 =	srdreg.scid  }
0x8b: {  	s0 =	sand.u32 $0x1, s1  }
0x8c: {  	s16 =	sshll.u32 s0, $0xA;
	s2 =	sadd.s32 s3, s2  }
0x8d: {  	s2 =	sadd.s32 s2, s16  }
0x8e: {  	[smem:$0x3FBE] =	sst s2  }
0x8f: {  	_ = 	snop  }
0x90: {  	(tm) =	ssettm $0x1  }
0x91: {  	s17 =	sld [smem:$0x3FFB];
	_ =	sdelay $0x3  }
0x92: {  	_ =	strace s17  }
0x93: {  	s2 =	sld [smem:$0x3FFC];
	_ =	sdelay $0x3  }
0x94: {  	_ =	strace s2  }
0x95: {  	s2 =	sld [smem:$0x3FFD];
	_ =	sdelay $0x3  }
0x96: {  	_ =	strace s2  }
0x97: {  	_ =	strace $0x8FFFFFFF  }
0x98: {  	s18 =	sld [smem:$0x3FDB];
	_ =	sdelay $0x1  }
0x99: {  	s19 =	simm.s32 $_scs_section_size  }
0x9a: {  	s4 =	simm.s32 $_size__tile_overlayer_lowered;
	s5 =	simm.s32 $_tile_overlayer_lowered  }
0x9b: {  	s22 =	simm.s32 $0x1BFF;
	s21 =	sshll.u32 s5, $0x1;
	s2 =	sadd.s32 s19, s18  }
0x9c: {  	s6 =	simm.s32 $0x0;
	s20 =	sshll.u32 s4, $0x1;
	s4 =	sadd.s32 s21, s2  }
0x9d: {  	[timem:s6], [sflag:s22] =	dma.local [hbm:s4], s20  }
0x9e: {  	_ =	swait.ge [sflag:s22], s20  }
0x9f: {  	s3 =	ssub.s32 $0x0, s20;
	[sflag:s22] =	ssyncset.done $0x0  }
0xa0: {  	[sflag:s22] =	ssyncadd.s32 s3;
	_ =	sdelay $0x1  }
0xa1: {  	s23 =	simm.s32 $0x1B8B  }
0xa2: {  	_ =	swait.ge [sflag:s23], $0x1  }
0xa3: {  	[sflag:s23] =	ssyncset.done $0x0  }
0xa4: {  	s25 =	simm.s32 $0x1B8E;
	s24 =	sld [smem:$0x3FFE];
	[sflag:s23] =	ssyncadd.s32 $0xFFFFFFFF  }
0xa5: {  	s26 =	simm.s32 $execute0_lowered;
	[smem:$0x3FD2] =	sst s25  }
0xa6: {  	s4 =	sshll.u32 s26, $0x1;
	_ =	strace $0x8000004C;
	[dreg:$0x1] =	wrdreg $0xFFFFFFFF  }
0xa7: {  	s28 =	simm.s32 $_size_execute0_lowered;
	s2 =	sadd.s32 s2, s4;
	[dreg:$0x0] =	wrdreg $0x0  }
0xa8: {  	s4 =	sshll.u32 s28, $0x1;
	[dreg:$0x2] =	wrdreg s2  }
0xa9: {  	[dreg:$0x3] =	wrdreg s4  }
0xaa: {  	[dreg:$0x4] =	wrdreg $0xC0  }
0xab: {  	_ =	task [dreg:s6], $0x5FFFF  }
0xac: {  	[dreg:$0x1] =	wrdreg $0xFFFFFFFF  }
0xad: {  	[dreg:$0x0] =	wrdreg $0x60  }
0xae: {  	[dreg:$0x2] =	wrdreg s24  }
0xaf: {  	[dreg:$0x3] =	wrdreg $0x150000  }
0xb0: {  	[dreg:$0x4] =	wrdreg $0x9  }
0xb1: {  	_ =	task.clear_ibuf [dreg:s6], $0x5FFFF;
	_ =	strace $0x9000004C  }
0xb2: {  	s29 =	simm.s32 $0x9;
	_ =	strace $0x8000004E  }
0xb3: {  	_ =	swait.ge [sflag:s29], $0x1  }
0xb4: {  	[sflag:s29] =	ssyncadd.s32 $0xFFFFFFFF  }
0xb5: {  	_ =	strace $0x9000004E  }
0xb6: {  	_ =	sfence  }
0xb7: {  	s30 =	sld [smem:$0x0];
	_ =	sdelay $0x2  }
0xb8: {  	s31 =	sshll.u32 s1, $0xD;
	s1 =	sshrl.u32 s1, $0x2  }
0xb9: {  	s3 =	sand.u32 $0x4000, s31;
	s1 =	sadd.s32 s1, s30  }
0xba: {  	s0 =	sor.u32 s3, s0;
	s1 =	sshll.u32 s1, $0x11  }
0xbb: {  	s0 =	sor.u32 s1, s0  }
0xbc: {  	s0 =	sadd.s32 $0x8F2B, s0  }
0xbd: {  	[sflag:s0] =	ssyncadd.remote.s32 $0x1  }
0xbe: {  	_ =	sfence.sel $0xFFFF  }
0xbf: {  	[dreg:$0x0] =	wrdreg $0xFFFFFFFF;
	(pc) =	sbr.abs _section_cstart, $3  }
0xc0: {  	[dreg:$0x1] =	wrdreg $0xFFFFFFFF  }
0xc1: {  	_ =	task.clear_ibuf [dreg:s6], $0x2FFFF;
	_ =	strace $0x9FFFFFFF  }
0xc2: {  	(tm) =	ssettm $0x7FFFFFFF  }
0xc3: {  	_ =	shalt  }
tec
execute0_lowered:
.L_overlay_start_1:
0x0: {  	(tag) =	ssettag $0x1  }
0x1: {  	s0 =	rddreg [dreg:$0x0]  }
0x2: {  	s2 =	rddreg [dreg:$0x1];
	s1 =	srdreg.scid  }
0x3: {  	s8 =	stileid.u32;
	s4 =	simm.s32 $0x0;
	s10 =	simm.s32 $0x11  }
0x4: {  	s14 =	simm.s32 $0x80;
	s15 =	simm.s32 $0x13000;
	s22 =	simm.s32 $0x5000  }
0x5: {  	s16 =	simm.s32 $0x1;
	s23 =	simm.s32 $0x7000;
	s17 =	simm.s32 $0x2  }
0x6: {  	s24 =	simm.s32 $0x9000;
	s25 =	simm.s32 $0xB000;
	s26 =	simm.s32 $0xD000  }
0x7: {  	s28 =	simm.s32 $0xF000;
	s29 =	simm.s32 $0x11000;
	[smem:$0x7FF] =	sst s4  }
0x8: {  	s30 =	simm.s32 $0xE;
	_ =	strace $0x8000004D;
	[dreg:$0x3] =	wrdreg s22  }
0x9: {  	s31 =	simm.s32 $0xF;
	s1 =	sand.u32 $0x1, s1;
	[dreg:$0x4] =	wrdreg s23  }
0xa: {  	s5 =	smul.u32 $0xA000, s8;
	s4 =	sadd.s32 $0x16800, s0;
	[dreg:$0x5] =	wrdreg s24  }
0xb: {  	s21 =	sshll.u32 s8, $0x6;
	s3 =	sshll.u32 s1, $0x4;
	[dreg:$0x6] =	wrdreg s25  }
0xc: {  	s6 =	smul.u32 $0xA0000, s1;
	s1 =	ssub.s32 $0x2, s1;
	[dreg:$0x7] =	wrdreg s26  }
0xd: {  	s12 =	sor.u32 $0x1C11, s21;
	s21 =	simm.s32 $0x6;
	[dreg:$0x8] =	wrdreg s28  }
0xe: {  	s22 =	simm.s32 $0x7;
	[dreg:$0x9] =	wrdreg s29;
	s3 =	sor.u32 s8, s3  }
0xf: {  	s23 =	simm.s32 $0x8;
	s7 =	sshrl.u32 s1, $0x1;
	s3 =	smul.u32 $0x2800, s3  }
0x10: {  	s19 =	sshrl.u32 s5, $0x3;
	s6 =	sadd.s32 s5, s6;
	s1 =	ssub.s32 s1, s7  }
0x11: {  	s5 =	sadd.s32 s5, s2;
	s6 =	sshrl.u32 s6, $0x3;
	s3 =	sshrl.u32 s3, $0x3  }
0x12: {  	s20 =	smax.u32 s1, $0x1;
	s13 =	sshrl.u32 s5, $0x3;
	s3 =	sadd.s32 s3, s0  }
0x13: {  	s1 =	simm.s32 $0x0;
	[dreg:$0xe] =	wrdreg s20;
	s18 =	sadd.s32 $0x2800, s3  }
0x14: {  	s0 =	sadd.s32 s6, s0;
	s3 =	sadd.s32 $0xC800, s3;
	[dreg:$0xa] =	wrdreg s18  }
0x15: {  	s20 =	simm.s32 $0x5;
	s0 =	sadd.s32 $0x2A800, s0;
	[dreg:$0xb] =	wrdreg s3  }
0x16: {  	s3 =	sadd.s32 s4, s19;
	[dreg:$0xd] =	wrdreg s0;
	s18 =	simm.s32 $0x3  }
0x17: {  	s19 =	simm.s32 $0x4;
	s0 =	simm.s32 $0x10;
	[dreg:$0xc] =	wrdreg s3  }
.LBB2_1:
0x18: {  	s3 =	simm.s32 $0x0;
	s5 =	rddreg [dreg:$0xa]  }
0x19: {  	[tilespmem:s3], [sflag:$0x11] =	stream.linear.gather [hbm4b:s5+s3], $0x2800, $0x38;
	[tilespmem:$0x1F000] =	vst v63  }
0x1a: {  	_ =	swait.ge [sflag:s10], $0x2800  }
0x1b: {  	[sflag:s10] =	ssyncset.done $0x0  }
0x1c: {  	s6 =	simm.s32 $0x2800;
	s29 =	rddreg [dreg:$0xb];
	[sflag:s10] =	ssyncadd.s32 $0xFFFFD800  }
0x1d: {  	[tilespmem:s6], [sflag:$0x11] =	stream.linear.gather [hbm4b:s29+s3], $0x2800, $0x38;
	[tilespmem:$0x1F000] =	vst v63  }
0x1e: {  	_ =	swait.ge [sflag:s10], $0x2800  }
0x1f: {  	[sflag:s10] =	ssyncset.done $0x0  }
0x20: {  	s7 =	rddreg [dreg:$0xc];
	[sflag:s10] =	ssyncadd.s32 $0xFFFFD800  }
0x21: {  	[spmem:s13], [sflag:s12] =	dma.local [hbm:s7], $0x1400  }
0x22: {  	_ =	swait.ge [sflag:s10], $0x1400  }
0x23: {  	[sflag:s10] =	ssyncset.done $0x0  }
0x24: {  	p0 =	por $0x0, $0x0;
	[sflag:s10] =	ssyncadd.s32 $0xFFFFEC00  }
0x25: {  	s3 =	simm.s32 @p0 $0x9;
	[bflag:$0x0] =	sbarrier.arrive $0xFFFF  }
0x26: {  	_ =	swait.ge @p0 [sflag:s3], $0x2000  }
0x27: {  	s5 =	simm.s32 @p0 $0x5000;
	s6 =	simm.s32 @p0 $0xA;
	[sflag:s3] =	ssyncset.done @p0 $0x0  }
0x28: {  	s7 =	simm.s32 @p0 $0x80;
	[sflag:s3] =	ssyncadd.s32 @p0 $0xFFFFE000;
	s3 =	simm.s32 @p0 $0x0  }
0x29: {  	[tilespmem:s5], [sflag:$0x1] =	stream.indirect.gather @p0 [hbm4b:s4+s7], $0x40, s3, s7, $0xb8;
	[tilespmem:$0x1F000] =	vst v63  }
0x2a: {  	_ =	swait.ge @p0 [sflag:s6], $0x2000  }
0x2b: {  	s3 =	simm.s32 @p0 $0x80;
	[sflag:s6] =	ssyncset.done @p0 $0x0  }
0x2c: {  	s5 =	simm.s32 @p0 $0x7000;
	[sflag:s6] =	ssyncadd.s32 @p0 $0xFFFFE000;
	s6 =	simm.s32 @p0 $0xB  }
0x2d: {  	[tilespmem:s5], [sflag:$0x2] =	stream.indirect.gather @p0 [hbm4b:s4+s7], $0x40, s3, s7, $0xb8;
	[tilespmem:$0x1F000] =	vst v63  }
0x2e: {  	_ =	swait.ge @p0 [sflag:s6], $0x2000  }
0x2f: {  	s3 =	simm.s32 @p0 $0x100;
	[sflag:s6] =	ssyncset.done @p0 $0x0  }
0x30: {  	s5 =	simm.s32 @p0 $0x9000;
	[sflag:s6] =	ssyncadd.s32 @p0 $0xFFFFE000;
	s6 =	simm.s32 @p0 $0xC  }
0x31: {  	[tilespmem:s5], [sflag:$0x3] =	stream.indirect.gather @p0 [hbm4b:s4+s7], $0x40, s3, s7, $0xb8;
	[tilespmem:$0x1F000] =	vst v63  }
0x32: {  	_ =	swait.ge @p0 [sflag:s6], $0x2000  }
0x33: {  	s3 =	simm.s32 @p0 $0x180;
	[sflag:s6] =	ssyncset.done @p0 $0x0  }
0x34: {  	s5 =	simm.s32 @p0 $0xB000;
	[sflag:s6] =	ssyncadd.s32 @p0 $0xFFFFE000;
	s6 =	simm.s32 @p0 $0xD  }
0x35: {  	[tilespmem:s5], [sflag:$0x4] =	stream.indirect.gather @p0 [hbm4b:s4+s7], $0x40, s3, s7, $0xb8;
	[tilespmem:$0x1F000] =	vst v63  }
0x36: {  	_ =	swait.ge @p0 [sflag:s6], $0x2000  }
0x37: {  	s3 =	simm.s32 @p0 $0x200;
	[sflag:s6] =	ssyncset.done @p0 $0x0  }
0x38: {  	s5 =	simm.s32 @p0 $0xD000;
	[sflag:s6] =	ssyncadd.s32 @p0 $0xFFFFE000;
	s6 =	simm.s32 @p0 $0xE  }
0x39: {  	[tilespmem:s5], [sflag:$0x5] =	stream.indirect.gather @p0 [hbm4b:s4+s7], $0x40, s3, s7, $0xb8;
	[tilespmem:$0x1F000] =	vst v63  }
0x3a: {  	_ =	swait.ge @p0 [sflag:s6], $0x2000  }
0x3b: {  	s3 =	simm.s32 @p0 $0x280;
	[sflag:s6] =	ssyncset.done @p0 $0x0  }
0x3c: {  	s5 =	simm.s32 @p0 $0xF000;
	[sflag:s6] =	ssyncadd.s32 @p0 $0xFFFFE000;
	s6 =	simm.s32 @p0 $0xF  }
0x3d: {  	[tilespmem:s5], [sflag:$0x6] =	stream.indirect.gather @p0 [hbm4b:s4+s7], $0x40, s3, s7, $0xb8;
	[tilespmem:$0x1F000] =	vst v63  }
0x3e: {  	_ =	swait.ge @p0 [sflag:s6], $0x2000  }
0x3f: {  	s3 =	simm.s32 @p0 $0x300;
	[sflag:s6] =	ssyncset.done @p0 $0x0  }
0x40: {  	s5 =	simm.s32 @p0 $0x11000;
	[sflag:s6] =	ssyncadd.s32 @p0 $0xFFFFE000;
	s6 =	simm.s32 @p0 $0x10  }
0x41: {  	[tilespmem:s5], [sflag:$0x7] =	stream.indirect.gather @p0 [hbm4b:s4+s7], $0x40, s3, s7, $0xb8;
	[tilespmem:$0x1F000] =	vst v63  }
0x42: {  	_ =	swait.ge @p0 [sflag:s6], $0x2000  }
0x43: {  	s3 =	simm.s32 @!p0 $0x5000;
	[sflag:s6] =	ssyncset.done @p0 $0x0  }
0x44: {  	s5 =	simm.s32 @!p0 $0x0;
	s7 =	simm.s32 @!p0 $0x80;
	[sflag:s6] =	ssyncadd.s32 @p0 $0xFFFFE000  }
0x45: {  	[tilespmem:s3], [sflag:$0x1] =	stream.indirect.gather @!p0 [hbm4b:s4+s7], $0x40, s5, s7, $0xb8;
	[tilespmem:$0x1F000] =	vst v63  }
0x46: {  	s3 =	simm.s32 @!p0 $0x7000  }
0x47: {  	[tilespmem:s3], [sflag:$0x2] =	stream.indirect.gather @!p0 [hbm4b:s4+s7], $0x40, s7, s7, $0xb8;
	[tilespmem:$0x1F000] =	vst v63  }
0x48: {  	s5 =	simm.s32 @!p0 $0x9000;
	s3 =	simm.s32 @!p0 $0x100  }
0x49: {  	[tilespmem:s5], [sflag:$0x3] =	stream.indirect.gather @!p0 [hbm4b:s4+s7], $0x40, s3, s7, $0xb8;
	[tilespmem:$0x1F000] =	vst v63  }
0x4a: {  	s3 =	simm.s32 @!p0 $0x180;
	s5 =	simm.s32 @!p0 $0xB000  }
0x4b: {  	[tilespmem:s5], [sflag:$0x4] =	stream.indirect.gather @!p0 [hbm4b:s4+s7], $0x40, s3, s7, $0xb8;
	[tilespmem:$0x1F000] =	vst v63  }
0x4c: {  	s3 =	simm.s32 @!p0 $0x200;
	s5 =	simm.s32 @!p0 $0xD000  }
0x4d: {  	[tilespmem:s5], [sflag:$0x5] =	stream.indirect.gather @!p0 [hbm4b:s4+s7], $0x40, s3, s7, $0xb8;
	[tilespmem:$0x1F000] =	vst v63  }
0x4e: {  	s3 =	simm.s32 @!p0 $0x280;
	s5 =	simm.s32 @!p0 $0xF000  }
0x4f: {  	[tilespmem:s5], [sflag:$0x6] =	stream.indirect.gather @!p0 [hbm4b:s4+s7], $0x40, s3, s7, $0xb8;
	[tilespmem:$0x1F000] =	vst v63  }
0x50: {  	s6 =	simm.s32 $0x380;
	s3 =	simm.s32 @!p0 $0x300;
	s5 =	simm.s32 @!p0 $0x11000  }
0x51: {  	[tilespmem:s5], [sflag:$0x7] =	stream.indirect.gather @!p0 [hbm4b:s4+s7], $0x40, s3, s7, $0xb8;
	[tilespmem:$0x1F000] =	vst v63  }
0x52: {  	s6 =	simm.s32 @!p0 $0x380  }
0x53: {  	[tilespmem:s15], [sflag:$0x8] =	stream.indirect.gather [hbm4b:s4+s14], $0x40, s6, s14, $0xb8;
	[tilespmem:$0x1F000] =	vst v63  }
0x54: {  	_ =	swait.ge [sflag:s16], $0x2000  }
0x55: {  	[sflag:s16] =	ssyncset.done $0x0  }
0x56: {  	s9 =	simm.s32 $0x2800;
	s8 =	rddreg [dreg:$0x3];
	[sflag:s16] =	ssyncadd.s32 $0xFFFFE000  }
0x57: {  	[spmem:s2] =	stream.indirect.scatter.add.f32 [tilespmem:s8], [sflag:$0x9], $0x40, s9, s14, $0xb8;
	[tilespmem:$0x1F000] =	vst v63  }
0x58: {  	s3 =	simm.s32 @p0 $0x80;
	_ =	swait.ge [sflag:s17], $0x2000  }
0x59: {  	s3 =	simm.s32 @!p0 $0x80;
	[sflag:s17] =	ssyncset.done $0x0  }
0x5a: {  	s3 =	sadd.s32 $0x2800, s3;
	s11 =	rddreg [dreg:$0x4];
	[sflag:s17] =	ssyncadd.s32 $0xFFFFE000  }
0x5b: {  	[spmem:s2] =	stream.indirect.scatter.add.f32 [tilespmem:s11], [sflag:$0xA], $0x40, s3, s14, $0xb8;
	[tilespmem:$0x1F000] =	vst v63  }
0x5c: {  	s3 =	simm.s32 @p0 $0x100;
	_ =	swait.ge [sflag:s18], $0x2000  }
0x5d: {  	s3 =	simm.s32 @!p0 $0x100;
	[sflag:s18] =	ssyncset.done $0x0  }
0x5e: {  	s24 =	rddreg [dreg:$0x5];
	s3 =	sadd.s32 $0x2800, s3;
	[sflag:s18] =	ssyncadd.s32 $0xFFFFE000  }
0x5f: {  	[spmem:s2] =	stream.indirect.scatter.add.f32 [tilespmem:s24], [sflag:$0xB], $0x40, s3, s14, $0xb8;
	[tilespmem:$0x1F000] =	vst v63  }
0x60: {  	s3 =	simm.s32 @p0 $0x180;
	_ =	swait.ge [sflag:s19], $0x2000  }
0x61: {  	s3 =	simm.s32 @!p0 $0x180;
	[sflag:s19] =	ssyncset.done $0x0  }
0x62: {  	s25 =	rddreg [dreg:$0x6];
	s3 =	sadd.s32 $0x2800, s3;
	[sflag:s19] =	ssyncadd.s32 $0xFFFFE000  }
0x63: {  	[spmem:s2] =	stream.indirect.scatter.add.f32 [tilespmem:s25], [sflag:$0xC], $0x40, s3, s14, $0xb8;
	[tilespmem:$0x1F000] =	vst v63  }
0x64: {  	s3 =	simm.s32 @p0 $0x200;
	_ =	swait.ge [sflag:s20], $0x2000  }
0x65: {  	s3 =	simm.s32 @!p0 $0x200;
	[sflag:s20] =	ssyncset.done $0x0  }
0x66: {  	s26 =	rddreg [dreg:$0x7];
	s3 =	sadd.s32 $0x2800, s3;
	[sflag:s20] =	ssyncadd.s32 $0xFFFFE000  }
0x67: {  	[spmem:s2] =	stream.indirect.scatter.add.f32 [tilespmem:s26], [sflag:$0xD], $0x40, s3, s14, $0xb8;
	[tilespmem:$0x1F000] =	vst v63  }
0x68: {  	s3 =	simm.s32 @p0 $0x280;
	_ =	swait.ge [sflag:s21], $0x2000  }
0x69: {  	s3 =	simm.s32 @!p0 $0x280;
	[sflag:s21] =	ssyncset.done $0x0  }
0x6a: {  	s28 =	rddreg [dreg:$0x8];
	s3 =	sadd.s32 $0x2800, s3;
	[sflag:s21] =	ssyncadd.s32 $0xFFFFE000  }
0x6b: {  	[spmem:s2] =	stream.indirect.scatter.add.f32 [tilespmem:s28], [sflag:$0xE], $0x40, s3, s14, $0xb8;
	[tilespmem:$0x1F000] =	vst v63  }
0x6c: {  	s5 =	simm.s32 @p0 $0x300;
	_ =	swait.ge [sflag:s22], $0x2000  }
0x6d: {  	s7 =	simm.s32 $0x780;
	s5 =	simm.s32 @!p0 $0x300;
	[sflag:s22] =	ssyncset.done $0x0  }
0x6e: {  	s5 =	sadd.s32 $0x2800, s5;
	s29 =	rddreg [dreg:$0x9];
	[sflag:s22] =	ssyncadd.s32 $0xFFFFE000  }
0x6f: {  	[spmem:s2] =	stream.indirect.scatter.add.f32 [tilespmem:s29], [sflag:$0xF], $0x40, s5, s14, $0xb8;
	[tilespmem:$0x1F000] =	vst v63  }
0x70: {  	s11 =	sadd.s32 $0x2800, s6;
	p0 =	por $0x1, $0x1;
	_ =	swait.ge [sflag:s23], $0x2000  }
0x71: {  	s3 =	simm.s32 $0x1000;
	s5 =	simm.s32 $0x2000;
	[sflag:s23] =	ssyncset.done $0x0  }
.LBB2_2:
0x72: {  	s8 =	simm.s32 @p0 $0x9;
	[sflag:s23] =	ssyncadd.s32 $0xFFFFE000  }
0x73: {  	[spmem:s2] =	stream.indirect.scatter.add.f32 [tilespmem:s15], [sflag:$0x10], $0x40, s11, s14, $0xb8;
	[tilespmem:$0x1F000] =	vst v63  }
0x74: {  	_ =	swait.ge @p0 [sflag:s8], $0x2000  }
0x75: {  	s9 =	simm.s32 @p0 $0x5000;
	s24 =	simm.s32 @p0 $0xA;
	[sflag:s8] =	ssyncset.done @p0 $0x0  }
0x76: {  	s11 =	simm.s32 @p0 $0x80;
	[sflag:s8] =	ssyncadd.s32 @p0 $0xFFFFE000;
	s8 =	sshra.s32 @p0 s3, $0x2  }
0x77: {  	[tilespmem:s9], [sflag:$0x1] =	stream.indirect.gather @p0 [hbm4b:s4+s11], $0x40, s8, s11, $0xb8;
	[tilespmem:$0x1F000] =	vst v63  }
0x78: {  	_ =	swait.ge @p0 [sflag:s24], $0x2000  }
0x79: {  	s29 =	simm.s32 @p0 $0xB;
	[sflag:s24] =	ssyncset.done @p0 $0x0  }
0x7a: {  	s9 =	sadd.s32 @p0 $0x80, s8;
	[sflag:s24] =	ssyncadd.s32 @p0 $0xFFFFE000;
	s24 =	simm.s32 @p0 $0x7000  }
0x7b: {  	[tilespmem:s24], [sflag:$0x2] =	stream.indirect.gather @p0 [hbm4b:s4+s11], $0x40, s9, s11, $0xb8;
	[tilespmem:$0x1F000] =	vst v63  }
0x7c: {  	_ =	swait.ge @p0 [sflag:s29], $0x2000  }
0x7d: {  	s25 =	sadd.s32 @p0 $0x100, s8;
	[sflag:s29] =	ssyncset.done @p0 $0x0  }
0x7e: {  	s24 =	simm.s32 @p0 $0x9000;
	[sflag:s29] =	ssyncadd.s32 @p0 $0xFFFFE000;
	s29 =	simm.s32 @p0 $0xC  }
0x7f: {  	[tilespmem:s24], [sflag:$0x3] =	stream.indirect.gather @p0 [hbm4b:s4+s11], $0x40, s25, s11, $0xb8;
	[tilespmem:$0x1F000] =	vst v63  }
0x80: {  	_ =	swait.ge @p0 [sflag:s29], $0x2000  }
0x81: {  	s26 =	sadd.s32 @p0 $0x180, s8;
	[sflag:s29] =	ssyncset.done @p0 $0x0  }
0x82: {  	s24 =	simm.s32 @p0 $0xB000;
	s25 =	simm.s32 @p0 $0xD;
	[sflag:s29] =	ssyncadd.s32 @p0 $0xFFFFE000  }
0x83: {  	[tilespmem:s24], [sflag:$0x4] =	stream.indirect.gather @p0 [hbm4b:s4+s11], $0x40, s26, s11, $0xb8;
	[tilespmem:$0x1F000] =	vst v63  }
0x84: {  	_ =	swait.ge @p0 [sflag:s25], $0x2000  }
0x85: {  	s28 =	sadd.s32 @p0 $0x200, s8;
	[sflag:s25] =	ssyncset.done @p0 $0x0  }
0x86: {  	s24 =	simm.s32 @p0 $0xD000;
	[sflag:s25] =	ssyncadd.s32 @p0 $0xFFFFE000;
	s25 =	simm.s32 @p0 $0xE  }
0x87: {  	[tilespmem:s24], [sflag:$0x5] =	stream.indirect.gather @p0 [hbm4b:s4+s11], $0x40, s28, s11, $0xb8;
	[tilespmem:$0x1F000] =	vst v63  }
0x88: {  	_ =	swait.ge @p0 [sflag:s25], $0x2000  }
0x89: {  	s9 =	sadd.s32 @p0 $0x280, s8;
	[sflag:s25] =	ssyncset.done @p0 $0x0  }
0x8a: {  	s24 =	simm.s32 @p0 $0xF000;
	[sflag:s25] =	ssyncadd.s32 @p0 $0xFFFFE000;
	s25 =	simm.s32 @p0 $0xF  }
0x8b: {  	[tilespmem:s24], [sflag:$0x6] =	stream.indirect.gather @p0 [hbm4b:s4+s11], $0x40, s9, s11, $0xb8;
	[tilespmem:$0x1F000] =	vst v63  }
0x8c: {  	_ =	swait.ge @p0 [sflag:s25], $0x2000  }
0x8d: {  	s8 =	sadd.s32 @p0 $0x300, s8;
	[sflag:s25] =	ssyncset.done @p0 $0x0  }
0x8e: {  	s9 =	simm.s32 @p0 $0x11000;
	s24 =	simm.s32 @p0 $0x10;
	[sflag:s25] =	ssyncadd.s32 @p0 $0xFFFFE000  }
0x8f: {  	[tilespmem:s9], [sflag:$0x7] =	stream.indirect.gather @p0 [hbm4b:s4+s11], $0x40, s8, s11, $0xb8;
	[tilespmem:$0x1F000] =	vst v63  }
0x90: {  	_ =	swait.ge @p0 [sflag:s24], $0x2000  }
0x91: {  	s8 =	simm.s32 @!p0 $0x5000;
	[sflag:s24] =	ssyncset.done @p0 $0x0  }
0x92: {  	s9 =	sshra.s32 @!p0 s3, $0x2;
	s11 =	simm.s32 @!p0 $0x80;
	[sflag:s24] =	ssyncadd.s32 @p0 $0xFFFFE000  }
0x93: {  	[tilespmem:s8], [sflag:$0x1] =	stream.indirect.gather @!p0 [hbm4b:s4+s11], $0x40, s9, s11, $0xb8;
	[tilespmem:$0x1F000] =	vst v63  }
0x94: {  	s8 =	simm.s32 @!p0 $0x7000  }
0x95: {  	[tilespmem:s8], [sflag:$0x2] =	stream.indirect.gather @!p0 [hbm4b:s4+s11], $0x40, s11, s11, $0xb8;
	[tilespmem:$0x1F000] =	vst v63  }
0x96: {  	s9 =	simm.s32 @!p0 $0x9000;
	s8 =	simm.s32 @!p0 $0x100  }
0x97: {  	[tilespmem:s9], [sflag:$0x3] =	stream.indirect.gather @!p0 [hbm4b:s4+s11], $0x40, s8, s11, $0xb8;
	[tilespmem:$0x1F000] =	vst v63  }
0x98: {  	s8 =	simm.s32 @!p0 $0x180;
	s9 =	simm.s32 @!p0 $0xB000  }
0x99: {  	[tilespmem:s9], [sflag:$0x4] =	stream.indirect.gather @!p0 [hbm4b:s4+s11], $0x40, s8, s11, $0xb8;
	[tilespmem:$0x1F000] =	vst v63  }
0x9a: {  	s8 =	simm.s32 @!p0 $0x200;
	s9 =	simm.s32 @!p0 $0xD000  }
0x9b: {  	[tilespmem:s9], [sflag:$0x5] =	stream.indirect.gather @!p0 [hbm4b:s4+s11], $0x40, s8, s11, $0xb8;
	[tilespmem:$0x1F000] =	vst v63  }
0x9c: {  	s8 =	simm.s32 @!p0 $0x280;
	s9 =	simm.s32 @!p0 $0xF000  }
0x9d: {  	[tilespmem:s9], [sflag:$0x6] =	stream.indirect.gather @!p0 [hbm4b:s4+s11], $0x40, s8, s11, $0xb8;
	[tilespmem:$0x1F000] =	vst v63  }
0x9e: {  	s8 =	simm.s32 @!p0 $0x300;
	s9 =	simm.s32 @!p0 $0x11000  }
0x9f: {  	[tilespmem:s9], [sflag:$0x7] =	stream.indirect.gather @!p0 [hbm4b:s4+s11], $0x40, s8, s11, $0xb8;
	[tilespmem:$0x1F000] =	vst v63  }
0xa0: {  	s11 =	smov.u32 s7  }
0xa1: {  	s11 =	simm.s32 @!p0 $0x380  }
0xa2: {  	[tilespmem:s15], [sflag:$0x8] =	stream.indirect.gather [hbm4b:s4+s14], $0x40, s11, s14, $0xb8;
	[tilespmem:$0x1F000] =	vst v63  }
0xa3: {  	_ =	swait.ge [sflag:s16], $0x2000  }
0xa4: {  	s6 =	smov.u32 s5;
	s28 =	sshra.s32 s3, $0x2;
	[sflag:s16] =	ssyncset.done $0x0  }
0xa5: {  	s29 =	sadd.s32 $0x2800, s28;
	s26 =	rddreg [dreg:$0x3];
	[sflag:s16] =	ssyncadd.s32 $0xFFFFE000  }
0xa6: {  	[spmem:s2] =	stream.indirect.scatter.add.f32 [tilespmem:s26], [sflag:$0x9], $0x40, s29, s14, $0xb8;
	[tilespmem:$0x1F000] =	vst v63  }
0xa7: {  	s3 =	smov.u32 s6;
	s6 =	sadd.s32 @p0 $0xFFFFFD00, s7;
	_ =	swait.ge [sflag:s17], $0x2000  }
0xa8: {  	s6 =	simm.s32 @!p0 $0x80;
	[sflag:s17] =	ssyncset.done $0x0  }
0xa9: {  	s6 =	sadd.s32 $0x2800, s6;
	s9 =	rddreg [dreg:$0x4];
	[sflag:s17] =	ssyncadd.s32 $0xFFFFE000  }
0xaa: {  	[spmem:s2] =	stream.indirect.scatter.add.f32 [tilespmem:s9], [sflag:$0xA], $0x40, s6, s14, $0xb8;
	[tilespmem:$0x1F000] =	vst v63  }
0xab: {  	s6 =	sadd.s32 @p0 $0xFFFFFD80, s7;
	_ =	swait.ge [sflag:s18], $0x2000  }
0xac: {  	s6 =	simm.s32 @!p0 $0x100;
	[sflag:s18] =	ssyncset.done $0x0  }
0xad: {  	s24 =	rddreg [dreg:$0x5];
	s6 =	sadd.s32 $0x2800, s6;
	[sflag:s18] =	ssyncadd.s32 $0xFFFFE000  }
0xae: {  	[spmem:s2] =	stream.indirect.scatter.add.f32 [tilespmem:s24], [sflag:$0xB], $0x40, s6, s14, $0xb8;
	[tilespmem:$0x1F000] =	vst v63  }
0xaf: {  	s6 =	sadd.s32 @p0 $0xFFFFFE00, s7;
	_ =	swait.ge [sflag:s19], $0x2000  }
0xb0: {  	s6 =	simm.s32 @!p0 $0x180;
	[sflag:s19] =	ssyncset.done $0x0  }
0xb1: {  	s25 =	rddreg [dreg:$0x6];
	s6 =	sadd.s32 $0x2800, s6;
	[sflag:s19] =	ssyncadd.s32 $0xFFFFE000  }
0xb2: {  	[spmem:s2] =	stream.indirect.scatter.add.f32 [tilespmem:s25], [sflag:$0xC], $0x40, s6, s14, $0xb8;
	[tilespmem:$0x1F000] =	vst v63  }
0xb3: {  	s6 =	sadd.s32 @p0 $0xFFFFFE80, s7;
	_ =	swait.ge [sflag:s20], $0x2000  }
0xb4: {  	s6 =	simm.s32 @!p0 $0x200;
	[sflag:s20] =	ssyncset.done $0x0  }
0xb5: {  	s26 =	rddreg [dreg:$0x7];
	s6 =	sadd.s32 $0x2800, s6;
	[sflag:s20] =	ssyncadd.s32 $0xFFFFE000  }
0xb6: {  	[spmem:s2] =	stream.indirect.scatter.add.f32 [tilespmem:s26], [sflag:$0xD], $0x40, s6, s14, $0xb8;
	[tilespmem:$0x1F000] =	vst v63  }
0xb7: {  	s6 =	sadd.s32 @p0 $0xFFFFFF00, s7;
	_ =	swait.ge [sflag:s21], $0x2000  }
0xb8: {  	s5 =	sadd.s32 $0x1000, s5;
	s6 =	simm.s32 @!p0 $0x280;
	[sflag:s21] =	ssyncset.done $0x0  }
0xb9: {  	s28 =	rddreg [dreg:$0x8];
	s6 =	sadd.s32 $0x2800, s6;
	[sflag:s21] =	ssyncadd.s32 $0xFFFFE000  }
0xba: {  	[spmem:s2] =	stream.indirect.scatter.add.f32 [tilespmem:s28], [sflag:$0xE], $0x40, s6, s14, $0xb8;
	[tilespmem:$0x1F000] =	vst v63  }
0xbb: {  	p1 =	sne.s32 s5, $0xA000;
	s6 =	sadd.s32 @p0 $0xFFFFFF80, s7;
	_ =	swait.ge [sflag:s22], $0x2000  }
.Ltmp0:
0xbc: {  	s6 =	simm.s32 @!p0 $0x300;
	[sflag:s22] =	ssyncset.done $0x0;
	(pc) =	sbr.rel @p1 .LBB2_2-.Ltmp0, $4  }
0xbd: {  	s29 =	rddreg [dreg:$0x9];
	s6 =	sadd.s32 $0x2800, s6;
	[sflag:s22] =	ssyncadd.s32 $0xFFFFE000  }
0xbe: {  	[spmem:s2] =	stream.indirect.scatter.add.f32 [tilespmem:s29], [sflag:$0xF], $0x40, s6, s14, $0xb8;
	[tilespmem:$0x1F000] =	vst v63  }
0xbf: {  	s11 =	sadd.s32 $0x2800, s11;
	_ =	swait.ge [sflag:s23], $0x2000  }
0xc0: {  	s7 =	sadd.s32 $0x400, s7;
	p0 =	sne.s32 s3, $0x0;
	[sflag:s23] =	ssyncset.done $0x0  }
0xc1: {  	s5 =	simm.s32 @p0 $0x9;
	[sflag:s23] =	ssyncadd.s32 $0xFFFFE000  }
0xc2: {  	[spmem:s2] =	stream.indirect.scatter.add.f32 [tilespmem:s15], [sflag:$0x10], $0x40, s11, s14, $0xb8;
	[tilespmem:$0x1F000] =	vst v63  }
0xc3: {  	_ =	swait.ge @p0 [sflag:s5], $0x2000  }
0xc4: {  	s6 =	simm.s32 @p0 $0x5000;
	s8 =	simm.s32 @p0 $0xA;
	[sflag:s5] =	ssyncset.done @p0 $0x0  }
0xc5: {  	s9 =	simm.s32 @p0 $0x80;
	[sflag:s5] =	ssyncadd.s32 @p0 $0xFFFFE000;
	s5 =	sshra.s32 @p0 s3, $0x2  }
0xc6: {  	[tilespmem:s6], [sflag:$0x1] =	stream.indirect.gather @p0 [hbm4b:s4+s9], $0x40, s5, s9, $0xb8;
	[tilespmem:$0x1F000] =	vst v63  }
0xc7: {  	_ =	swait.ge @p0 [sflag:s8], $0x2000  }
0xc8: {  	[sflag:s8] =	ssyncset.done @p0 $0x0  }
0xc9: {  	s6 =	sadd.s32 @p0 $0x80, s5;
	[sflag:s8] =	ssyncadd.s32 @p0 $0xFFFFE000;
	s8 =	simm.s32 @p0 $0x7000  }
0xca: {  	[tilespmem:s8], [sflag:$0x2] =	stream.indirect.gather @p0 [hbm4b:s4+s9], $0x40, s6, s9, $0xb8;
	[tilespmem:$0x1F000] =	vst v63  }
0xcb: {  	s6 =	simm.s32 @p0 $0xB  }
0xcc: {  	_ =	swait.ge @p0 [sflag:s6], $0x2000  }
0xcd: {  	[sflag:s6] =	ssyncset.done @p0 $0x0  }
0xce: {  	s8 =	sadd.s32 @p0 $0x100, s5;
	[sflag:s6] =	ssyncadd.s32 @p0 $0xFFFFE000;
	s6 =	simm.s32 @p0 $0x9000  }
0xcf: {  	[tilespmem:s6], [sflag:$0x3] =	stream.indirect.gather @p0 [hbm4b:s4+s9], $0x40, s8, s9, $0xb8;
	[tilespmem:$0x1F000] =	vst v63  }
0xd0: {  	s6 =	simm.s32 @p0 $0xC  }
0xd1: {  	_ =	swait.ge @p0 [sflag:s6], $0x2000  }
0xd2: {  	[sflag:s6] =	ssyncset.done @p0 $0x0  }
0xd3: {  	s8 =	sadd.s32 @p0 $0x180, s5;
	[sflag:s6] =	ssyncadd.s32 @p0 $0xFFFFE000;
	s6 =	simm.s32 @p0 $0xB000  }
0xd4: {  	[tilespmem:s6], [sflag:$0x4] =	stream.indirect.gather @p0 [hbm4b:s4+s9], $0x40, s8, s9, $0xb8;
	[tilespmem:$0x1F000] =	vst v63  }
0xd5: {  	s6 =	simm.s32 @p0 $0xD  }
0xd6: {  	_ =	swait.ge @p0 [sflag:s6], $0x2000  }
0xd7: {  	[sflag:s6] =	ssyncset.done @p0 $0x0  }
0xd8: {  	s8 =	sadd.s32 @p0 $0x200, s5;
	[sflag:s6] =	ssyncadd.s32 @p0 $0xFFFFE000;
	s6 =	simm.s32 @p0 $0xD000  }
0xd9: {  	[tilespmem:s6], [sflag:$0x5] =	stream.indirect.gather @p0 [hbm4b:s4+s9], $0x40, s8, s9, $0xb8;
	[tilespmem:$0x1F000] =	vst v63  }
0xda: {  	s6 =	simm.s32 @p0 $0xE  }
0xdb: {  	_ =	swait.ge @p0 [sflag:s6], $0x2000  }
0xdc: {  	[sflag:s6] =	ssyncset.done @p0 $0x0  }
0xdd: {  	s8 =	sadd.s32 @p0 $0x280, s5;
	[sflag:s6] =	ssyncadd.s32 @p0 $0xFFFFE000;
	s6 =	simm.s32 @p0 $0xF000  }
0xde: {  	[tilespmem:s6], [sflag:$0x6] =	stream.indirect.gather @p0 [hbm4b:s4+s9], $0x40, s8, s9, $0xb8;
	[tilespmem:$0x1F000] =	vst v63  }
0xdf: {  	s6 =	simm.s32 @p0 $0xF  }
0xe0: {  	_ =	swait.ge @p0 [sflag:s6], $0x2000  }
0xe1: {  	[sflag:s6] =	ssyncset.done @p0 $0x0  }
0xe2: {  	s5 =	sadd.s32 @p0 $0x300, s5;
	[sflag:s6] =	ssyncadd.s32 @p0 $0xFFFFE000;
	s6 =	simm.s32 @p0 $0x11000  }
0xe3: {  	[tilespmem:s6], [sflag:$0x7] =	stream.indirect.gather @p0 [hbm4b:s4+s9], $0x40, s5, s9, $0xb8;
	[tilespmem:$0x1F000] =	vst v63  }
0xe4: {  	s5 =	simm.s32 @p0 $0x10  }
0xe5: {  	_ =	swait.ge @p0 [sflag:s5], $0x2000  }
0xe6: {  	s8 =	simm.s32 @!p0 $0x80;
	[sflag:s5] =	ssyncset.done @p0 $0x0  }
0xe7: {  	s6 =	simm.s32 @!p0 $0x5000;
	[sflag:s5] =	ssyncadd.s32 @p0 $0xFFFFE000;
	s5 =	sshra.s32 @!p0 s3, $0x2  }
0xe8: {  	[tilespmem:s6], [sflag:$0x1] =	stream.indirect.gather @!p0 [hbm4b:s4+s8], $0x40, s5, s8, $0xb8;
	[tilespmem:$0x1F000] =	vst v63  }
0xe9: {  	s5 =	simm.s32 @!p0 $0x7000  }
0xea: {  	[tilespmem:s5], [sflag:$0x2] =	stream.indirect.gather @!p0 [hbm4b:s4+s8], $0x40, s8, s8, $0xb8;
	[tilespmem:$0x1F000] =	vst v63  }
0xeb: {  	s6 =	simm.s32 @!p0 $0x9000;
	s5 =	simm.s32 @!p0 $0x100  }
0xec: {  	[tilespmem:s6], [sflag:$0x3] =	stream.indirect.gather @!p0 [hbm4b:s4+s8], $0x40, s5, s8, $0xb8;
	[tilespmem:$0x1F000] =	vst v63  }
0xed: {  	s5 =	simm.s32 @!p0 $0x180;
	s6 =	simm.s32 @!p0 $0xB000  }
0xee: {  	[tilespmem:s6], [sflag:$0x4] =	stream.indirect.gather @!p0 [hbm4b:s4+s8], $0x40, s5, s8, $0xb8;
	[tilespmem:$0x1F000] =	vst v63  }
0xef: {  	s5 =	simm.s32 @!p0 $0x200;
	s6 =	simm.s32 @!p0 $0xD000  }
0xf0: {  	[tilespmem:s6], [sflag:$0x5] =	stream.indirect.gather @!p0 [hbm4b:s4+s8], $0x40, s5, s8, $0xb8;
	[tilespmem:$0x1F000] =	vst v63  }
0xf1: {  	s5 =	simm.s32 @!p0 $0x280;
	s6 =	simm.s32 @!p0 $0xF000  }
0xf2: {  	[tilespmem:s6], [sflag:$0x6] =	stream.indirect.gather @!p0 [hbm4b:s4+s8], $0x40, s5, s8, $0xb8;
	[tilespmem:$0x1F000] =	vst v63  }
0xf3: {  	s5 =	simm.s32 @!p0 $0x300;
	s6 =	simm.s32 @!p0 $0x11000  }
0xf4: {  	[tilespmem:s6], [sflag:$0x7] =	stream.indirect.gather @!p0 [hbm4b:s4+s8], $0x40, s5, s8, $0xb8;
	[tilespmem:$0x1F000] =	vst v63  }
0xf5: {  	s5 =	smov.u32 s7  }
0xf6: {  	s5 =	simm.s32 @!p0 $0x380  }
0xf7: {  	[tilespmem:s15], [sflag:$0x8] =	stream.indirect.gather [hbm4b:s4+s14], $0x40, s5, s14, $0xb8;
	[tilespmem:$0x1F000] =	vst v63  }
0xf8: {  	_ =	swait.ge [sflag:s16], $0x2000  }
0xf9: {  	s11 =	sshra.s32 s3, $0x2;
	[sflag:s16] =	ssyncset.done $0x0  }
0xfa: {  	s3 =	sadd.s32 $0x2800, s11;
	s9 =	rddreg [dreg:$0x3];
	[sflag:s16] =	ssyncadd.s32 $0xFFFFE000  }
0xfb: {  	[spmem:s2] =	stream.indirect.scatter.add.f32 [tilespmem:s9], [sflag:$0x9], $0x40, s3, s14, $0xb8;
	[tilespmem:$0x1F000] =	vst v63  }
0xfc: {  	s3 =	sadd.s32 @p0 $0xFFFFFD00, s7;
	_ =	swait.ge [sflag:s17], $0x2000  }
0xfd: {  	s3 =	simm.s32 @!p0 $0x80;
	[sflag:s17] =	ssyncset.done $0x0  }
0xfe: {  	s24 =	rddreg [dreg:$0x4];
	s3 =	sadd.s32 $0x2800, s3;
	[sflag:s17] =	ssyncadd.s32 $0xFFFFE000  }
0xff: {  	[spmem:s2] =	stream.indirect.scatter.add.f32 [tilespmem:s24], [sflag:$0xA], $0x40, s3, s14, $0xb8;
	[tilespmem:$0x1F000] =	vst v63  }
0x100: {  	s3 =	sadd.s32 @p0 $0xFFFFFD80, s7;
	_ =	swait.ge [sflag:s18], $0x2000  }
0x101: {  	s3 =	simm.s32 @!p0 $0x100;
	[sflag:s18] =	ssyncset.done $0x0  }
0x102: {  	s25 =	rddreg [dreg:$0x5];
	s3 =	sadd.s32 $0x2800, s3;
	[sflag:s18] =	ssyncadd.s32 $0xFFFFE000  }
0x103: {  	[spmem:s2] =	stream.indirect.scatter.add.f32 [tilespmem:s25], [sflag:$0xB], $0x40, s3, s14, $0xb8;
	[tilespmem:$0x1F000] =	vst v63  }
0x104: {  	s3 =	sadd.s32 @p0 $0xFFFFFE00, s7;
	_ =	swait.ge [sflag:s19], $0x2000  }
0x105: {  	s3 =	simm.s32 @!p0 $0x180;
	[sflag:s19] =	ssyncset.done $0x0  }
0x106: {  	s26 =	rddreg [dreg:$0x6];
	s3 =	sadd.s32 $0x2800, s3;
	[sflag:s19] =	ssyncadd.s32 $0xFFFFE000  }
0x107: {  	[spmem:s2] =	stream.indirect.scatter.add.f32 [tilespmem:s26], [sflag:$0xC], $0x40, s3, s14, $0xb8;
	[tilespmem:$0x1F000] =	vst v63  }
0x108: {  	s3 =	sadd.s32 @p0 $0xFFFFFE80, s7;
	_ =	swait.ge [sflag:s20], $0x2000  }
0x109: {  	s3 =	simm.s32 @!p0 $0x200;
	[sflag:s20] =	ssyncset.done $0x0  }
0x10a: {  	s28 =	rddreg [dreg:$0x7];
	s3 =	sadd.s32 $0x2800, s3;
	[sflag:s20] =	ssyncadd.s32 $0xFFFFE000  }
0x10b: {  	[spmem:s2] =	stream.indirect.scatter.add.f32 [tilespmem:s28], [sflag:$0xD], $0x40, s3, s14, $0xb8;
	[tilespmem:$0x1F000] =	vst v63  }
0x10c: {  	s3 =	sadd.s32 @p0 $0xFFFFFF00, s7;
	_ =	swait.ge [sflag:s21], $0x2000  }
0x10d: {  	s3 =	simm.s32 @!p0 $0x280;
	[sflag:s21] =	ssyncset.done $0x0  }
0x10e: {  	s29 =	rddreg [dreg:$0x8];
	s3 =	sadd.s32 $0x2800, s3;
	[sflag:s21] =	ssyncadd.s32 $0xFFFFE000  }
0x10f: {  	[spmem:s2] =	stream.indirect.scatter.add.f32 [tilespmem:s29], [sflag:$0xE], $0x40, s3, s14, $0xb8;
	[tilespmem:$0x1F000] =	vst v63  }
0x110: {  	s3 =	sadd.s32 @p0 $0xFFFFFF80, s7;
	_ =	swait.ge [sflag:s22], $0x2000  }
0x111: {  	s3 =	simm.s32 @!p0 $0x300;
	[sflag:s22] =	ssyncset.done $0x0  }
0x112: {  	s7 =	rddreg [dreg:$0x9];
	s3 =	sadd.s32 $0x2800, s3;
	[sflag:s22] =	ssyncadd.s32 $0xFFFFE000  }
0x113: {  	[spmem:s2] =	stream.indirect.scatter.add.f32 [tilespmem:s7], [sflag:$0xF], $0x40, s3, s14, $0xb8;
	[tilespmem:$0x1F000] =	vst v63  }
0x114: {  	_ =	swait.ge [sflag:s23], $0x2000  }
0x115: {  	[sflag:s23] =	ssyncset.done $0x0  }
0x116: {  	s8 =	sadd.s32 $0x2800, s5;
	s9 =	simm.s32 $0x9;
	[sflag:s23] =	ssyncadd.s32 $0xFFFFE000  }
0x117: {  	[spmem:s2] =	stream.indirect.scatter.add.f32 [tilespmem:s15], [sflag:$0x10], $0x40, s8, s14, $0xb8;
	[tilespmem:$0x1F000] =	vst v63  }
0x118: {  	_ =	swait.ge [sflag:s9], $0x2000  }
0x119: {  	[sflag:s9] =	ssyncset.done $0x0  }
0x11a: {  	s11 =	simm.s32 $0xA;
	[sflag:s9] =	ssyncadd.s32 $0xFFFFE000  }
0x11b: {  	_ =	swait.ge [sflag:s11], $0x2000  }
0x11c: {  	[sflag:s11] =	ssyncset.done $0x0  }
0x11d: {  	s24 =	simm.s32 $0xB;
	[sflag:s11] =	ssyncadd.s32 $0xFFFFE000  }
0x11e: {  	_ =	swait.ge [sflag:s24], $0x2000  }
0x11f: {  	[sflag:s24] =	ssyncset.done $0x0  }
0x120: {  	s25 =	simm.s32 $0xC;
	[sflag:s24] =	ssyncadd.s32 $0xFFFFE000  }
0x121: {  	_ =	swait.ge [sflag:s25], $0x2000  }
0x122: {  	[sflag:s25] =	ssyncset.done $0x0  }
0x123: {  	s26 =	simm.s32 $0xD;
	[sflag:s25] =	ssyncadd.s32 $0xFFFFE000  }
0x124: {  	_ =	swait.ge [sflag:s26], $0x2000  }
0x125: {  	[sflag:s26] =	ssyncset.done $0x0  }
0x126: {  	[sflag:s26] =	ssyncadd.s32 $0xFFFFE000  }
0x127: {  	_ =	swait.ge [sflag:s30], $0x2000  }
0x128: {  	[sflag:s30] =	ssyncset.done $0x0  }
0x129: {  	[sflag:s30] =	ssyncadd.s32 $0xFFFFE000  }
0x12a: {  	_ =	swait.ge [sflag:s31], $0x2000  }
0x12b: {  	[sflag:s31] =	ssyncset.done $0x0  }
0x12c: {  	[sflag:s31] =	ssyncadd.s32 $0xFFFFE000  }
0x12d: {  	_ =	swait.ge [sflag:s0], $0x2000  }
0x12e: {  	[sflag:s0] =	ssyncset.done $0x0  }
0x12f: {  	[sflag:s0] =	ssyncadd.s32 $0xFFFFE000  }
0x130: {  	[bflag:$0x0] =	sbarrier.arrive $0xFFFF  }
0x131: {  	s28 =	rddreg [dreg:$0xd]  }
0x132: {  	[hbm:s28], [sflag:s12] =	dma.local [spmem:s13], $0x1400  }
0x133: {  	_ =	swait.ge [sflag:s10], $0x1400  }
0x134: {  	s1 =	sadd.s32 $0x1, s1;
	s29 =	rddreg [dreg:$0xe]  }
0x135: {  	p0 =	sne.s32 s1, s29  }
.Ltmp1:
0x136: {  	_ = 	snop;
	(pc) =	sbr.rel @p0 .LBB2_1-.Ltmp1, $3  }
0x137: {  	_ =	sdelay $0x1  }
0x138: {  	[sflag:s10] =	ssyncset.done $0x0  }
0x139: {  	[sflag:s10] =	ssyncadd.s32 $0xFFFFEC00  }
0x13a: {  	_ =	sfence.sel $0x180000  }
0x13b: {  	[bflag:$0x0] =	sbarrier.arrive $0xFFFF  }
0x13c: {  	_ =	strace $0x9000004D  }
0x13d: {  	s0 =	stileid.u32;
	[bflag:$0x2] =	sbarrier.arrive $0xFFFF  }
0x13e: {  	p0 =	sne.s32 s0, $0x0;
	s0 =	rddreg [dreg:$0x2]  }
0x13f: {  	s0 =	sadd.s32 @!p0 $0x100000, s0  }
0x140: {  	[sflag:s0] =	ssyncadd.tile.s32 @!p0 $0x1;
	_ =	shalt  }
.Lfunc_end2:
_tile_overlayer_lowered:
.L_overlay_start_2:
0x141: {  	(tag) =	ssettag $0x2  }
0x142: {  	s0 =	rddreg [dreg:$0x0];
	s2 =	stileid.u32  }
0x143: {  	s1 =	rddreg [dreg:$0x1];
	p0 =	sne.s32 s2, $0x0  }
0x144: {  	s3 =	rddreg [dreg:$0x2];
	[bflag:$0x3] =	sbarrier.arrive $0xFFFF;
	s2 =	simm.s32 @!p0 $0x1C11  }
0x145: {  	[timem:s3], [sflag:s2] =	dma.local @!p0 [hbm:s0], s1  }
0x146: {  	s0 =	simm.s32 @!p0 $0x11  }
0x147: {  	_ =	swait.ge @!p0 [sflag:s0], s1  }
0x148: {  	s1 =	ssub.s32 @!p0 $0x0, s1;
	[sflag:s0] =	ssyncset.done @!p0 $0x0  }
0x149: {  	[sflag:s0] =	ssyncadd.s32 @!p0 s1  }
0x14a: {  	[bflag:$0x3] =	sbarrier.arrive $0xFFFF  }
0x14b: {  	_ =	shalt  }

// kernel: kernel.8.cloned.1.call-start
scs
__scs_entry_jumppad:
0x0: {  	(pc) =	sbr.rel $0x88, $3  }
0x1: {  	(tag) =	ssettag $0x0;
	lr =	simm.s32 $0x1  }
0x2: {  	[smem:$0x3F97] =	sst lr;
	_ =	strace $0xD0000000  }
0x3: {  	_ = 	snop  }
0x4: {  	_ = 	snop  }
0x5: {  	_ = 	snop  }
0x6: {  	_ = 	snop  }
0x7: {  	_ = 	snop  }
__scs_overlays_trampoline_lowered:
0x8: {  	[smem:$0x3FA6] =	sst s0  }
0x9: {  	[smem:$0x3FA7] =	sst s1  }
0xa: {  	[smem:$0x3FA8] =	sst s2  }
0xb: {  	[smem:$0x3FA9] =	sst s3  }
0xc: {  	[smem:$0x3FAA] =	sst s4  }
0xd: {  	[smem:$0x3FAB] =	sst s5  }
0xe: {  	[smem:$0x3FAC] =	sst s6  }
0xf: {  	[smem:$0x3FAD] =	sst s7  }
0x10: {  	[smem:$0x3FAE] =	sst s8  }
0x11: {  	[smem:$0x3FAF] =	sst s9;
	s0 =	simm.s32 @!p0 $0x0  }
0x12: {  	s1 =	sld [smem:$0x3F95];
	s0 =	simm.s32 @p0 $0x1  }
0x13: {  	[smem:$0x3FB0] =	sst s0;
	s0 =	simm.s32 @!p1 $0x0  }
0x14: {  	s2 =	sld [smem:$0x3F94];
	s0 =	simm.s32 @p1 $0x1  }
0x15: {  	[smem:$0x3FB1] =	sst s0;
	s0 =	simm.s32 @!p2 $0x0  }
0x16: {  	s3 =	sld [smem:$0x3FDB];
	s0 =	simm.s32 @p2 $0x1  }
0x17: {  	s4 =	simm.s32 $0x1BF5;
	[smem:$0x3FB3] =	sst s0  }
0x18: {  	s0 =	sld [smem:$0x3F96];
	_ =	swait.ge [sflag:s4], $0x0  }
0x19: {  	s7 =	sld [smem:$0x3F97]  }
0x1a: {  	s8 =	sadd.s32 $0xFFFFE003, lr  }
0x1b: {  	s9 =	sadd.s32 $0xFFFFFEF7, lr;
	s5 =	simm.s32 $0xFFFFFFFF;
	p2 =	slt.u32 s8, $0xFFFFF086  }
0x1c: {  	p1 =	slt.u32 s9, $0xF7A;
	s5 =	simm.s32 @!p2 $0x0  }
0x1d: {  	s5 =	simm.s32 @p1 $0x1;
	p0 =	seq.s32 s7, s2  }
0x1e: {  	s7 =	smul.u32 @!p0 $0xF7A, s2;
	p2 =	seq.s32 @!p0 s5, $0x0  }
0x1f: {  	s9 =	smul.u32 $0xF7A, s1;
	s8 =	simm.s32 @!p0 $0x1BF5;
	p2 =	por !p2, p0  }
0x20: {  	[sflag:s8] =	ssyncset.s32 @!p0 $0xFFFFF086;
	s6 =	sadd.s32 @!p0 s3, s7;
	s7 =	simm.s32 @!p0 $0x108  }
0x21: {  	s3 =	sadd.s32 s3, s9;
	s6 =	sadd.s32 @!p0 $0x88, s6;
	s7 =	simm.s32 @p2 $0x1082  }
0x22: {  	[simem:s7], [sflag:s8] =	dma.local @!p0 [hbm:s6], $0xF7A  }
0x23: {  	s9 =	sor.u32 $0xD0000000, s2;
	s6 =	simm.s32 $0x108;
	_ =	swait.ge @!p0 [sflag:s8], $0x0  }
0x24: {  	s3 =	sadd.s32 $0x88, s3;
	s6 =	simm.s32 @!p1 $0x1082;
	[sflag:s4] =	ssyncset.s32 $0xFFFFF086  }
0x25: {  	[simem:s6], [sflag:s4] =	dma.local [hbm:s3], $0xF7A  }
0x26: {  	[smem:$0x3F97] =	sst s1;
	(tag) =	ssettag s2;
	_ =	strace s9  }
0x27: {  	s1 =	sld [smem:$0x3FA7]  }
0x28: {  	s2 =	sld [smem:$0x3FA8]  }
0x29: {  	s4 =	sld [smem:$0x3FAA]  }
0x2a: {  	p0 =	seq.s32 s5, $0x0;
	s5 =	sld [smem:$0x3FAB]  }
0x2b: {  	s6 =	sld [smem:$0x3FAC]  }
0x2c: {  	s7 =	sld [smem:$0x3FAD]  }
0x2d: {  	s3 =	simm.s32 $0x108;
	s8 =	sld [smem:$0x3FAE]  }
0x2e: {  	s3 =	simm.s32 @!p0 $0x1082;
	s9 =	sld [smem:$0x3FAF]  }
0x2f: {  	lr =	sadd.s32 s0, s3;
	s0 =	sld [smem:$0x3FA6]  }
0x30: {  	s3 =	sld [smem:$0x3FA9]  }
0x31: {  	[smem:$0x3FB2] =	sst s10  }
0x32: {  	s10 =	sld [smem:$0x3FB0];
	_ =	sdelay $0x3  }
0x33: {  	p0 =	seq.s32 s10, $0x1;
	s10 =	sld [smem:$0x3FB2];
	_ =	sdelay $0x3  }
0x34: {  	[smem:$0x3FB2] =	sst s10  }
0x35: {  	s10 =	sld [smem:$0x3FB1];
	_ =	sdelay $0x3  }
0x36: {  	p1 =	seq.s32 s10, $0x1;
	s10 =	sld [smem:$0x3FB2];
	_ =	sdelay $0x3  }
0x37: {  	[smem:$0x3FB2] =	sst s10  }
0x38: {  	s10 =	sld [smem:$0x3FB3]  }
0x39: {  	_ = 	snop;
	(pc) =	sbr.ind lr, $3  }
0x3a: {  	_ = 	snop  }
0x3b: {  	_ = 	snop  }
0x3c: {  	p2 =	seq.s32 s10, $0x1;
	s10 =	sld [smem:$0x3FB2]  }
0x3d: {  	_ =	shalt  }
0x3e: {  	_ =	shalt  }
0x3f: {  	_ =	shalt  }
0x40: {  	_ =	shalt  }
0x41: {  	_ =	shalt  }
0x42: {  	_ =	shalt  }
0x43: {  	_ =	shalt  }
0x44: {  	_ =	shalt  }
0x45: {  	_ =	shalt  }
0x46: {  	_ =	shalt  }
0x47: {  	_ =	shalt  }
0x48: {  	_ =	shalt  }
0x49: {  	_ =	shalt  }
0x4a: {  	_ =	shalt  }
0x4b: {  	_ =	shalt  }
0x4c: {  	_ =	shalt  }
0x4d: {  	_ =	shalt  }
0x4e: {  	_ =	shalt  }
0x4f: {  	_ =	shalt  }
0x50: {  	_ =	shalt  }
0x51: {  	_ =	shalt  }
0x52: {  	_ =	shalt  }
0x53: {  	_ =	shalt  }
0x54: {  	_ =	shalt  }
0x55: {  	_ =	shalt  }
0x56: {  	_ =	shalt  }
0x57: {  	_ =	shalt  }
0x58: {  	_ =	shalt  }
0x59: {  	_ =	shalt  }
0x5a: {  	_ =	shalt  }
0x5b: {  	_ =	shalt  }
0x5c: {  	_ =	shalt  }
0x5d: {  	_ =	shalt  }
0x5e: {  	_ =	shalt  }
0x5f: {  	_ =	shalt  }
0x60: {  	_ =	shalt  }
0x61: {  	_ =	shalt  }
0x62: {  	_ =	shalt  }
0x63: {  	_ =	shalt  }
0x64: {  	_ =	shalt  }
0x65: {  	_ =	shalt  }
0x66: {  	_ =	shalt  }
0x67: {  	_ =	shalt  }
0x68: {  	_ =	shalt  }
0x69: {  	_ =	shalt  }
0x6a: {  	_ =	shalt  }
0x6b: {  	_ =	shalt  }
0x6c: {  	_ =	shalt  }
0x6d: {  	_ =	shalt  }
0x6e: {  	_ =	shalt  }
0x6f: {  	_ =	shalt  }
0x70: {  	_ =	shalt  }
0x71: {  	_ =	shalt  }
0x72: {  	_ =	shalt  }
0x73: {  	_ =	shalt  }
0x74: {  	_ =	shalt  }
0x75: {  	_ =	shalt  }
0x76: {  	_ =	shalt  }
0x77: {  	_ =	shalt  }
0x78: {  	_ =	shalt  }
0x79: {  	_ =	shalt  }
0x7a: {  	_ =	shalt  }
0x7b: {  	_ =	shalt  }
0x7c: {  	_ =	shalt  }
0x7d: {  	_ =	shalt  }
0x7e: {  	_ =	shalt  }
0x7f: {  	_ =	shalt  }
0x80: {  	_ =	shalt  }
0x81: {  	_ =	shalt  }
0x82: {  	_ =	shalt  }
0x83: {  	_ =	shalt  }
0x84: {  	_ =	shalt  }
0x85: {  	_ =	shalt  }
0x86: {  	_ =	shalt  }
0x87: {  	_ =	shalt  }
.Lfunc_end0:
.L_simem_size_0:
called_computation_lowered:
.L_overlay_start_0:
0x88: {  	s2 =	sld [smem:$0x3FD9]  }
0x89: {  	s3 =	sld [smem:$0x3FFE];
	_ =	sdelay $0x1  }
0x8a: {  	s1 =	srdreg.scid  }
0x8b: {  	s0 =	sand.u32 $0x1, s1  }
0x8c: {  	s14 =	sshll.u32 s0, $0xA;
	s2 =	sadd.s32 s3, s2  }
0x8d: {  	s2 =	sadd.s32 s2, s14  }
0x8e: {  	[smem:$0x3FBE] =	sst s2  }
0x8f: {  	_ = 	snop  }
0x90: {  	s2 =	sld [smem:$0x3FD0];
	_ =	sdelay $0x2  }
0x91: {  	s15 =	simm.s32 $0xA;
	s4 =	simm.s32 $0x10  }
0x92: {  	[smem:s4], [sflag:s15] =	dma.local [hbm:s2], $0x1  }
0x93: {  	_ =	swait.eq [sflag:s15], $0x1  }
0x94: {  	[sflag:s15] =	ssyncset.done $0x0  }
0x95: {  	s16 =	sld [smem:$0x10];
	[sflag:s15] =	ssyncadd.s32 $0xFFFFFFFF  }
0x96: {  	s17 =	sld [smem:$0x11];
	(tm) =	ssettm $0x1  }
0x97: {  	s18 =	sld [smem:$0x3FFB];
	_ =	sdelay $0x3  }
0x98: {  	_ =	strace s18  }
0x99: {  	s4 =	sld [smem:$0x3FFC];
	_ =	sdelay $0x3  }
0x9a: {  	_ =	strace s4  }
0x9b: {  	s4 =	sld [smem:$0x3FFD];
	_ =	sdelay $0x3  }
0x9c: {  	_ =	strace s4  }
0x9d: {  	_ =	strace $0x8FFFFFFF  }
0x9e: {  	s19 =	sld [smem:$0x3FDB];
	_ =	sdelay $0x1  }
0x9f: {  	s5 =	simm.s32 $_scs_section_size  }
0xa0: {  	s6 =	simm.s32 $_size__tile_overlayer_lowered;
	s7 =	simm.s32 $_tile_overlayer_lowered  }
0xa1: {  	s22 =	simm.s32 $0x1BFF;
	s21 =	sshll.u32 s7, $0x1;
	s4 =	sadd.s32 s5, s19  }
0xa2: {  	s8 =	simm.s32 $0x0;
	s20 =	sshll.u32 s6, $0x1;
	s6 =	sadd.s32 s21, s4  }
0xa3: {  	[timem:s8], [sflag:s22] =	dma.local [hbm:s6], s20  }
0xa4: {  	_ =	swait.ge [sflag:s22], s20  }
0xa5: {  	s5 =	ssub.s32 $0x0, s20;
	[sflag:s22] =	ssyncset.done $0x0  }
0xa6: {  	[sflag:s22] =	ssyncadd.s32 s5;
	_ =	sdelay $0x1  }
0xa7: {  	s23 =	simm.s32 $0x1B8B  }
0xa8: {  	_ =	swait.ge [sflag:s23], $0x1  }
0xa9: {  	[sflag:s23] =	ssyncset.done $0x0  }
0xaa: {  	s25 =	simm.s32 $0x1B8E;
	s24 =	sld [smem:$0x3FFE];
	[sflag:s23] =	ssyncadd.s32 $0xFFFFFFFF  }
0xab: {  	s26 =	simm.s32 $execute0_lowered;
	[smem:$0x3FD2] =	sst s25  }
0xac: {  	s6 =	sshll.u32 s26, $0x1;
	_ =	strace $0x80000046;
	[dreg:$0x1] =	wrdreg $0xFFFFFFFF  }
0xad: {  	s28 =	simm.s32 $_size_execute0_lowered;
	s4 =	sadd.s32 s4, s6;
	[dreg:$0x0] =	wrdreg $0x0  }
0xae: {  	s6 =	sshll.u32 s28, $0x1;
	[dreg:$0x2] =	wrdreg s4  }
0xaf: {  	[dreg:$0x3] =	wrdreg s6  }
0xb0: {  	[dreg:$0x4] =	wrdreg $0xC0  }
0xb1: {  	_ =	task [dreg:s8], $0x5FFFF  }
0xb2: {  	[dreg:$0x1] =	wrdreg $0xFFFFFFFF  }
0xb3: {  	[dreg:$0x0] =	wrdreg $0x60  }
0xb4: {  	[dreg:$0x2] =	wrdreg s24  }
0xb5: {  	[dreg:$0x3] =	wrdreg s16  }
0xb6: {  	[dreg:$0x4] =	wrdreg s17  }
0xb7: {  	[dreg:$0x5] =	wrdreg $0x28800  }
0xb8: {  	[dreg:$0x6] =	wrdreg $0x9  }
0xb9: {  	_ =	task.clear_ibuf [dreg:s8], $0x7FFFF;
	_ =	strace $0x90000046  }
0xba: {  	s29 =	simm.s32 $0x9;
	_ =	strace $0x80000048  }
0xbb: {  	_ =	swait.ge [sflag:s29], $0x1  }
0xbc: {  	[sflag:s29] =	ssyncadd.s32 $0xFFFFFFFF  }
0xbd: {  	_ =	strace $0x90000048  }
0xbe: {  	_ =	sfence  }
0xbf: {  	s30 =	sld [smem:$0x0];
	_ =	sdelay $0x2  }
0xc0: {  	s31 =	sshll.u32 s1, $0xD;
	s1 =	sshrl.u32 s1, $0x2  }
0xc1: {  	s3 =	sand.u32 $0x4000, s31;
	s1 =	sadd.s32 s1, s30  }
0xc2: {  	s0 =	sor.u32 s3, s0;
	s1 =	sshll.u32 s1, $0x11  }
0xc3: {  	s0 =	sor.u32 s1, s0  }
0xc4: {  	s0 =	sadd.s32 $0x8F2B, s0  }
0xc5: {  	[sflag:s0] =	ssyncadd.remote.s32 $0x1  }
0xc6: {  	_ =	sfence.sel $0xFFFF  }
0xc7: {  	[dreg:$0x0] =	wrdreg $0xFFFFFFFF;
	(pc) =	sbr.abs _section_cstart, $3  }
0xc8: {  	[dreg:$0x1] =	wrdreg $0xFFFFFFFF  }
0xc9: {  	_ =	task.clear_ibuf [dreg:s8], $0x2FFFF;
	_ =	strace $0x9FFFFFFF  }
0xca: {  	(tm) =	ssettm $0x7FFFFFFF  }
0xcb: {  	_ =	shalt  }
tec
execute0_lowered:
.L_overlay_start_1:
0x0: {  	(tag) =	ssettag $0x1  }
0x1: {  	s4 =	rddreg [dreg:$0x0]  }
0x2: {  	s6 =	rddreg [dreg:$0x1]  }
0x3: {  	s0 =	srdreg.scid;
	s7 =	rddreg [dreg:$0x2]  }
0x4: {  	s2 =	rddreg [dreg:$0x3];
	s3 =	simm.s32 $0x0;
	s13 =	simm.s32 $0x1  }
0x5: {  	s14 =	simm.s32 $0x0;
	s5 =	sand.u32 $0x1, s0;
	s0 =	stileid.u32  }
0x6: {  	[smem:$0x7FF] =	sst s3;
	s1 =	sshll.u32 s5, $0x4;
	s9 =	smul.u32 $0x280, s0  }
0x7: {  	s10 =	ssub.s32 $0x2, s5;
	s5 =	smul.u32 $0x2800, s5;
	s1 =	sor.u32 s0, s1  }
0x8: {  	s31 =	sshll.u32 s0, $0x6;
	s11 =	sshrl.u32 s10, $0x1;
	s8 =	smul.u32 $0x2800, s1  }
0x9: {  	s1 =	rddreg [dreg:$0x4];
	_ =	strace $0x80000047;
	s10 =	ssub.s32 s10, s11  }
0xa: {  	s5 =	sadd.s32 s9, s5;
	s29 =	sshrl.u32 s9, $0x3;
	s12 =	sadd.s32 s9, s2  }
0xb: {  	s9 =	sor.u32 $0x1C02, s31;
	s11 =	simm.s32 $0x80;
	s30 =	sshrl.u32 s5, $0x3  }
0xc: {  	s5 =	sadd.s32 s6, s29;
	s8 =	sshrl.u32 s8, $0x3;
	s6 =	sadd.s32 s7, s30  }
0xd: {  	s7 =	smax.u32 s10, $0x1;
	s10 =	sshrl.u32 s12, $0x3;
	s4 =	sadd.s32 s4, s8  }
0xe: {  	v0 =	vimm.f32 $1.000000000e+00;
	s12 =	simm.s32 $0x2800;
	s8 =	simm.s32 $0x2;
	s4 =	sadd.s32 $0xC800, s4  }
.LBB2_1:
0xf: {  	[tilespmem:$0x2800] =	vst v0  }
0x10: {  	[tilespmem:$0x2810] =	vst v0  }
0x11: {  	[tilespmem:$0x2820] =	vst v0  }
0x12: {  	[tilespmem:$0x2830] =	vst v0  }
0x13: {  	[tilespmem:$0x2840] =	vst v0  }
0x14: {  	[tilespmem:$0x2850] =	vst v0  }
0x15: {  	[tilespmem:$0x2860] =	vst v0  }
0x16: {  	[tilespmem:$0x2870] =	vst v0  }
0x17: {  	[tilespmem:s3], [sflag:$0x2] =	stream.linear.gather [hbm4b:s4+s3], $0x2800, $0x38;
	[tilespmem:$0x2B00] =	vst v63  }
0x18: {  	_ =	swait.ge [sflag:s8], $0x2800  }
0x19: {  	[sflag:s8] =	ssyncset.done $0x0  }
0x1a: {  	[sflag:s8] =	ssyncadd.s32 $0xFFFFD800  }
0x1b: {  	[spmem:s10], [sflag:s9] =	dma.local [hbm:s5], $0x50  }
0x1c: {  	_ =	swait.ge [sflag:s8], $0x50  }
0x1d: {  	[sflag:s8] =	ssyncset.done $0x0  }
0x1e: {  	[sflag:s8] =	ssyncadd.s32 $0xFFFFFFB0  }
0x1f: {  	s15 =	simm.s32 $0x0;
	[bflag:$0x0] =	sbarrier.arrive $0xFFFF  }
0x20: {  	[spmem:s2] =	stream.indirect.scatter.add.f32 [tilespmem:s12], [sflag:$0x1], $0x1, s15, s11, $0xb8;
	[tilespmem:$0x2B00] =	vst v63  }
0x21: {  	s16 =	simm.s32 $0x80  }
0x22: {  	[spmem:s2] =	stream.indirect.scatter.add.f32 [tilespmem:s12], [sflag:$0x1], $0x1, s16, s11, $0xb8;
	[tilespmem:$0x2B00] =	vst v63  }
0x23: {  	s17 =	simm.s32 $0x100  }
0x24: {  	[spmem:s2] =	stream.indirect.scatter.add.f32 [tilespmem:s12], [sflag:$0x1], $0x1, s17, s11, $0xb8;
	[tilespmem:$0x2B00] =	vst v63  }
0x25: {  	s18 =	simm.s32 $0x180  }
0x26: {  	[spmem:s2] =	stream.indirect.scatter.add.f32 [tilespmem:s12], [sflag:$0x1], $0x1, s18, s11, $0xb8;
	[tilespmem:$0x2B00] =	vst v63  }
0x27: {  	s19 =	simm.s32 $0x200  }
0x28: {  	[spmem:s2] =	stream.indirect.scatter.add.f32 [tilespmem:s12], [sflag:$0x1], $0x1, s19, s11, $0xb8;
	[tilespmem:$0x2B00] =	vst v63  }
0x29: {  	s20 =	simm.s32 $0x280  }
0x2a: {  	[spmem:s2] =	stream.indirect.scatter.add.f32 [tilespmem:s12], [sflag:$0x1], $0x1, s20, s11, $0xb8;
	[tilespmem:$0x2B00] =	vst v63  }
0x2b: {  	s21 =	simm.s32 $0x300  }
0x2c: {  	[spmem:s2] =	stream.indirect.scatter.add.f32 [tilespmem:s12], [sflag:$0x1], $0x1, s21, s11, $0xb8;
	[tilespmem:$0x2B00] =	vst v63  }
0x2d: {  	s22 =	simm.s32 $0x380  }
0x2e: {  	[spmem:s2] =	stream.indirect.scatter.add.f32 [tilespmem:s12], [sflag:$0x1], $0x1, s22, s11, $0xb8;
	[tilespmem:$0x2B00] =	vst v63  }
0x2f: {  	s23 =	simm.s32 $0x400  }
0x30: {  	[spmem:s2] =	stream.indirect.scatter.add.f32 [tilespmem:s12], [sflag:$0x1], $0x1, s23, s11, $0xb8;
	[tilespmem:$0x2B00] =	vst v63  }
0x31: {  	s24 =	simm.s32 $0x480  }
0x32: {  	[spmem:s2] =	stream.indirect.scatter.add.f32 [tilespmem:s12], [sflag:$0x1], $0x1, s24, s11, $0xb8;
	[tilespmem:$0x2B00] =	vst v63  }
0x33: {  	s25 =	simm.s32 $0x500  }
0x34: {  	[spmem:s2] =	stream.indirect.scatter.add.f32 [tilespmem:s12], [sflag:$0x1], $0x1, s25, s11, $0xb8;
	[tilespmem:$0x2B00] =	vst v63  }
0x35: {  	s26 =	simm.s32 $0x580  }
0x36: {  	[spmem:s2] =	stream.indirect.scatter.add.f32 [tilespmem:s12], [sflag:$0x1], $0x1, s26, s11, $0xb8;
	[tilespmem:$0x2B00] =	vst v63  }
0x37: {  	s28 =	simm.s32 $0x600  }
0x38: {  	[spmem:s2] =	stream.indirect.scatter.add.f32 [tilespmem:s12], [sflag:$0x1], $0x1, s28, s11, $0xb8;
	[tilespmem:$0x2B00] =	vst v63  }
0x39: {  	s29 =	simm.s32 $0x680  }
0x3a: {  	[spmem:s2] =	stream.indirect.scatter.add.f32 [tilespmem:s12], [sflag:$0x1], $0x1, s29, s11, $0xb8;
	[tilespmem:$0x2B00] =	vst v63  }
0x3b: {  	s30 =	simm.s32 $0x700  }
0x3c: {  	[spmem:s2] =	stream.indirect.scatter.add.f32 [tilespmem:s12], [sflag:$0x1], $0x1, s30, s11, $0xb8;
	[tilespmem:$0x2B00] =	vst v63  }
0x3d: {  	s31 =	simm.s32 $0x780  }
0x3e: {  	[spmem:s2] =	stream.indirect.scatter.add.f32 [tilespmem:s12], [sflag:$0x1], $0x1, s31, s11, $0xb8;
	[tilespmem:$0x2B00] =	vst v63  }
0x3f: {  	_ =	swait.ge [sflag:s13], $0x80  }
0x40: {  	[sflag:s13] =	ssyncset.done $0x0  }
0x41: {  	[sflag:s13] =	ssyncadd.s32 $0xFFFFFF80  }
0x42: {  	_ =	swait.ge [sflag:s13], $0x80  }
0x43: {  	[sflag:s13] =	ssyncset.done $0x0  }
0x44: {  	[sflag:s13] =	ssyncadd.s32 $0xFFFFFF80  }
0x45: {  	_ =	swait.ge [sflag:s13], $0x80  }
0x46: {  	[sflag:s13] =	ssyncset.done $0x0  }
0x47: {  	[sflag:s13] =	ssyncadd.s32 $0xFFFFFF80  }
0x48: {  	_ =	swait.ge [sflag:s13], $0x80  }
0x49: {  	[sflag:s13] =	ssyncset.done $0x0  }
0x4a: {  	[sflag:s13] =	ssyncadd.s32 $0xFFFFFF80  }
0x4b: {  	_ =	swait.ge [sflag:s13], $0x80  }
0x4c: {  	[sflag:s13] =	ssyncset.done $0x0  }
0x4d: {  	[sflag:s13] =	ssyncadd.s32 $0xFFFFFF80  }
0x4e: {  	_ =	swait.ge [sflag:s13], $0x80  }
0x4f: {  	[sflag:s13] =	ssyncset.done $0x0  }
0x50: {  	[sflag:s13] =	ssyncadd.s32 $0xFFFFFF80  }
0x51: {  	_ =	swait.ge [sflag:s13], $0x80  }
0x52: {  	[sflag:s13] =	ssyncset.done $0x0  }
0x53: {  	[sflag:s13] =	ssyncadd.s32 $0xFFFFFF80  }
0x54: {  	_ =	swait.ge [sflag:s13], $0x80  }
0x55: {  	[sflag:s13] =	ssyncset.done $0x0  }
0x56: {  	[sflag:s13] =	ssyncadd.s32 $0xFFFFFF80  }
0x57: {  	_ =	swait.ge [sflag:s13], $0x80  }
0x58: {  	[sflag:s13] =	ssyncset.done $0x0  }
0x59: {  	[sflag:s13] =	ssyncadd.s32 $0xFFFFFF80  }
0x5a: {  	_ =	swait.ge [sflag:s13], $0x80  }
0x5b: {  	[sflag:s13] =	ssyncset.done $0x0  }
0x5c: {  	[sflag:s13] =	ssyncadd.s32 $0xFFFFFF80  }
0x5d: {  	_ =	swait.ge [sflag:s13], $0x80  }
0x5e: {  	[sflag:s13] =	ssyncset.done $0x0  }
0x5f: {  	[sflag:s13] =	ssyncadd.s32 $0xFFFFFF80  }
0x60: {  	_ =	swait.ge [sflag:s13], $0x80  }
0x61: {  	[sflag:s13] =	ssyncset.done $0x0  }
0x62: {  	[sflag:s13] =	ssyncadd.s32 $0xFFFFFF80  }
0x63: {  	_ =	swait.ge [sflag:s13], $0x80  }
0x64: {  	[sflag:s13] =	ssyncset.done $0x0  }
0x65: {  	[sflag:s13] =	ssyncadd.s32 $0xFFFFFF80  }
0x66: {  	_ =	swait.ge [sflag:s13], $0x80  }
0x67: {  	[sflag:s13] =	ssyncset.done $0x0  }
0x68: {  	[sflag:s13] =	ssyncadd.s32 $0xFFFFFF80  }
0x69: {  	_ =	swait.ge [sflag:s13], $0x80  }
0x6a: {  	[sflag:s13] =	ssyncset.done $0x0  }
0x6b: {  	[sflag:s13] =	ssyncadd.s32 $0xFFFFFF80  }
0x6c: {  	_ =	swait.ge [sflag:s13], $0x80  }
0x6d: {  	s15 =	simm.s32 $0x2000;
	s18 =	simm.s32 $0x4000;
	[sflag:s13] =	ssyncset.done $0x0  }
.LBB2_2:
0x6e: {  	s17 =	sshra.s32 s15, $0x2  }
0x6f: {  	[sflag:s13] =	ssyncadd.s32 $0xFFFFFF80;
	s15 =	smov.u32 s18;
	s16 =	sadd.s32 $0x2000, s18  }
0x70: {  	[spmem:s2] =	stream.indirect.scatter.add.f32 [tilespmem:s12], [sflag:$0x1], $0x1, s17, s11, $0xb8;
	[tilespmem:$0x2B00] =	vst v63  }
0x71: {  	p0 =	sne.s32 s18, $0x8000;
	s18 =	sadd.s32 $0x80, s17  }
0x72: {  	[spmem:s2] =	stream.indirect.scatter.add.f32 [tilespmem:s12], [sflag:$0x1], $0x1, s18, s11, $0xb8;
	[tilespmem:$0x2B00] =	vst v63  }
0x73: {  	s18 =	sadd.s32 $0x100, s17  }
0x74: {  	[spmem:s2] =	stream.indirect.scatter.add.f32 [tilespmem:s12], [sflag:$0x1], $0x1, s18, s11, $0xb8;
	[tilespmem:$0x2B00] =	vst v63  }
0x75: {  	s18 =	sadd.s32 $0x180, s17  }
0x76: {  	[spmem:s2] =	stream.indirect.scatter.add.f32 [tilespmem:s12], [sflag:$0x1], $0x1, s18, s11, $0xb8;
	[tilespmem:$0x2B00] =	vst v63  }
0x77: {  	s18 =	sadd.s32 $0x200, s17  }
0x78: {  	[spmem:s2] =	stream.indirect.scatter.add.f32 [tilespmem:s12], [sflag:$0x1], $0x1, s18, s11, $0xb8;
	[tilespmem:$0x2B00] =	vst v63  }
0x79: {  	s18 =	sadd.s32 $0x280, s17  }
0x7a: {  	[spmem:s2] =	stream.indirect.scatter.add.f32 [tilespmem:s12], [sflag:$0x1], $0x1, s18, s11, $0xb8;
	[tilespmem:$0x2B00] =	vst v63  }
0x7b: {  	s18 =	sadd.s32 $0x300, s17  }
0x7c: {  	[spmem:s2] =	stream.indirect.scatter.add.f32 [tilespmem:s12], [sflag:$0x1], $0x1, s18, s11, $0xb8;
	[tilespmem:$0x2B00] =	vst v63  }
0x7d: {  	s18 =	sadd.s32 $0x380, s17  }
0x7e: {  	[spmem:s2] =	stream.indirect.scatter.add.f32 [tilespmem:s12], [sflag:$0x1], $0x1, s18, s11, $0xb8;
	[tilespmem:$0x2B00] =	vst v63  }
0x7f: {  	s18 =	sadd.s32 $0x400, s17  }
0x80: {  	[spmem:s2] =	stream.indirect.scatter.add.f32 [tilespmem:s12], [sflag:$0x1], $0x1, s18, s11, $0xb8;
	[tilespmem:$0x2B00] =	vst v63  }
0x81: {  	s18 =	sadd.s32 $0x480, s17  }
0x82: {  	[spmem:s2] =	stream.indirect.scatter.add.f32 [tilespmem:s12], [sflag:$0x1], $0x1, s18, s11, $0xb8;
	[tilespmem:$0x2B00] =	vst v63  }
0x83: {  	s18 =	sadd.s32 $0x500, s17  }
0x84: {  	[spmem:s2] =	stream.indirect.scatter.add.f32 [tilespmem:s12], [sflag:$0x1], $0x1, s18, s11, $0xb8;
	[tilespmem:$0x2B00] =	vst v63  }
0x85: {  	s18 =	sadd.s32 $0x580, s17  }
0x86: {  	[spmem:s2] =	stream.indirect.scatter.add.f32 [tilespmem:s12], [sflag:$0x1], $0x1, s18, s11, $0xb8;
	[tilespmem:$0x2B00] =	vst v63  }
0x87: {  	s18 =	sadd.s32 $0x600, s17  }
0x88: {  	[spmem:s2] =	stream.indirect.scatter.add.f32 [tilespmem:s12], [sflag:$0x1], $0x1, s18, s11, $0xb8;
	[tilespmem:$0x2B00] =	vst v63  }
0x89: {  	s18 =	sadd.s32 $0x680, s17  }
0x8a: {  	[spmem:s2] =	stream.indirect.scatter.add.f32 [tilespmem:s12], [sflag:$0x1], $0x1, s18, s11, $0xb8;
	[tilespmem:$0x2B00] =	vst v63  }
0x8b: {  	s18 =	sadd.s32 $0x700, s17  }
0x8c: {  	[spmem:s2] =	stream.indirect.scatter.add.f32 [tilespmem:s12], [sflag:$0x1], $0x1, s18, s11, $0xb8;
	[tilespmem:$0x2B00] =	vst v63  }
0x8d: {  	s17 =	sadd.s32 $0x780, s17  }
0x8e: {  	[spmem:s2] =	stream.indirect.scatter.add.f32 [tilespmem:s12], [sflag:$0x1], $0x1, s17, s11, $0xb8;
	[tilespmem:$0x2B00] =	vst v63  }
0x8f: {  	_ =	swait.ge [sflag:s13], $0x80  }
0x90: {  	[sflag:s13] =	ssyncset.done $0x0  }
0x91: {  	[sflag:s13] =	ssyncadd.s32 $0xFFFFFF80  }
0x92: {  	_ =	swait.ge [sflag:s13], $0x80  }
0x93: {  	[sflag:s13] =	ssyncset.done $0x0  }
0x94: {  	[sflag:s13] =	ssyncadd.s32 $0xFFFFFF80  }
0x95: {  	_ =	swait.ge [sflag:s13], $0x80  }
0x96: {  	[sflag:s13] =	ssyncset.done $0x0  }
0x97: {  	[sflag:s13] =	ssyncadd.s32 $0xFFFFFF80  }
0x98: {  	_ =	swait.ge [sflag:s13], $0x80  }
0x99: {  	[sflag:s13] =	ssyncset.done $0x0  }
0x9a: {  	[sflag:s13] =	ssyncadd.s32 $0xFFFFFF80  }
0x9b: {  	_ =	swait.ge [sflag:s13], $0x80  }
0x9c: {  	[sflag:s13] =	ssyncset.done $0x0  }
0x9d: {  	[sflag:s13] =	ssyncadd.s32 $0xFFFFFF80  }
0x9e: {  	_ =	swait.ge [sflag:s13], $0x80  }
0x9f: {  	[sflag:s13] =	ssyncset.done $0x0  }
0xa0: {  	[sflag:s13] =	ssyncadd.s32 $0xFFFFFF80  }
0xa1: {  	_ =	swait.ge [sflag:s13], $0x80  }
0xa2: {  	[sflag:s13] =	ssyncset.done $0x0  }
0xa3: {  	[sflag:s13] =	ssyncadd.s32 $0xFFFFFF80  }
0xa4: {  	_ =	swait.ge [sflag:s13], $0x80  }
0xa5: {  	[sflag:s13] =	ssyncset.done $0x0  }
0xa6: {  	[sflag:s13] =	ssyncadd.s32 $0xFFFFFF80  }
0xa7: {  	_ =	swait.ge [sflag:s13], $0x80  }
0xa8: {  	[sflag:s13] =	ssyncset.done $0x0  }
0xa9: {  	[sflag:s13] =	ssyncadd.s32 $0xFFFFFF80  }
0xaa: {  	_ =	swait.ge [sflag:s13], $0x80  }
0xab: {  	[sflag:s13] =	ssyncset.done $0x0  }
0xac: {  	[sflag:s13] =	ssyncadd.s32 $0xFFFFFF80  }
0xad: {  	_ =	swait.ge [sflag:s13], $0x80  }
0xae: {  	[sflag:s13] =	ssyncset.done $0x0  }
0xaf: {  	[sflag:s13] =	ssyncadd.s32 $0xFFFFFF80  }
0xb0: {  	_ =	swait.ge [sflag:s13], $0x80  }
0xb1: {  	[sflag:s13] =	ssyncset.done $0x0  }
0xb2: {  	[sflag:s13] =	ssyncadd.s32 $0xFFFFFF80  }
0xb3: {  	_ =	swait.ge [sflag:s13], $0x80  }
0xb4: {  	[sflag:s13] =	ssyncset.done $0x0  }
0xb5: {  	[sflag:s13] =	ssyncadd.s32 $0xFFFFFF80  }
0xb6: {  	_ =	swait.ge [sflag:s13], $0x80  }
0xb7: {  	[sflag:s13] =	ssyncset.done $0x0  }
0xb8: {  	[sflag:s13] =	ssyncadd.s32 $0xFFFFFF80  }
.Ltmp0:
0xb9: {  	_ =	swait.ge [sflag:s13], $0x80;
	(pc) =	sbr.rel @p0 .LBB2_2-.Ltmp0, $4  }
0xba: {  	[sflag:s13] =	ssyncset.done $0x0  }
0xbb: {  	[sflag:s13] =	ssyncadd.s32 $0xFFFFFF80  }
0xbc: {  	_ =	swait.ge [sflag:s13], $0x80  }
0xbd: {  	s18 =	smov.u32 s16;
	[sflag:s13] =	ssyncset.done $0x0  }
0xbe: {  	s15 =	sshra.s32 s15, $0x2;
	[sflag:s13] =	ssyncadd.s32 $0xFFFFFF80  }
0xbf: {  	[spmem:s2] =	stream.indirect.scatter.add.f32 [tilespmem:s12], [sflag:$0x1], $0x1, s15, s11, $0xb8;
	[tilespmem:$0x2B00] =	vst v63  }
0xc0: {  	s16 =	sadd.s32 $0x80, s15  }
0xc1: {  	[spmem:s2] =	stream.indirect.scatter.add.f32 [tilespmem:s12], [sflag:$0x1], $0x1, s16, s11, $0xb8;
	[tilespmem:$0x2B00] =	vst v63  }
0xc2: {  	s18 =	sadd.s32 $0x100, s15  }
0xc3: {  	[spmem:s2] =	stream.indirect.scatter.add.f32 [tilespmem:s12], [sflag:$0x1], $0x1, s18, s11, $0xb8;
	[tilespmem:$0x2B00] =	vst v63  }
0xc4: {  	s19 =	sadd.s32 $0x180, s15  }
0xc5: {  	[spmem:s2] =	stream.indirect.scatter.add.f32 [tilespmem:s12], [sflag:$0x1], $0x1, s19, s11, $0xb8;
	[tilespmem:$0x2B00] =	vst v63  }
0xc6: {  	s20 =	sadd.s32 $0x200, s15  }
0xc7: {  	[spmem:s2] =	stream.indirect.scatter.add.f32 [tilespmem:s12], [sflag:$0x1], $0x1, s20, s11, $0xb8;
	[tilespmem:$0x2B00] =	vst v63  }
0xc8: {  	s21 =	sadd.s32 $0x280, s15  }
0xc9: {  	[spmem:s2] =	stream.indirect.scatter.add.f32 [tilespmem:s12], [sflag:$0x1], $0x1, s21, s11, $0xb8;
	[tilespmem:$0x2B00] =	vst v63  }
0xca: {  	s22 =	sadd.s32 $0x300, s15  }
0xcb: {  	[spmem:s2] =	stream.indirect.scatter.add.f32 [tilespmem:s12], [sflag:$0x1], $0x1, s22, s11, $0xb8;
	[tilespmem:$0x2B00] =	vst v63  }
0xcc: {  	s23 =	sadd.s32 $0x380, s15  }
0xcd: {  	[spmem:s2] =	stream.indirect.scatter.add.f32 [tilespmem:s12], [sflag:$0x1], $0x1, s23, s11, $0xb8;
	[tilespmem:$0x2B00] =	vst v63  }
0xce: {  	s24 =	sadd.s32 $0x400, s15  }
0xcf: {  	[spmem:s2] =	stream.indirect.scatter.add.f32 [tilespmem:s12], [sflag:$0x1], $0x1, s24, s11, $0xb8;
	[tilespmem:$0x2B00] =	vst v63  }
0xd0: {  	s25 =	sadd.s32 $0x480, s15  }
0xd1: {  	[spmem:s2] =	stream.indirect.scatter.add.f32 [tilespmem:s12], [sflag:$0x1], $0x1, s25, s11, $0xb8;
	[tilespmem:$0x2B00] =	vst v63  }
0xd2: {  	s26 =	sadd.s32 $0x500, s15  }
0xd3: {  	[spmem:s2] =	stream.indirect.scatter.add.f32 [tilespmem:s12], [sflag:$0x1], $0x1, s26, s11, $0xb8;
	[tilespmem:$0x2B00] =	vst v63  }
0xd4: {  	s28 =	sadd.s32 $0x580, s15  }
0xd5: {  	[spmem:s2] =	stream.indirect.scatter.add.f32 [tilespmem:s12], [sflag:$0x1], $0x1, s28, s11, $0xb8;
	[tilespmem:$0x2B00] =	vst v63  }
0xd6: {  	s29 =	sadd.s32 $0x600, s15  }
0xd7: {  	[spmem:s2] =	stream.indirect.scatter.add.f32 [tilespmem:s12], [sflag:$0x1], $0x1, s29, s11, $0xb8;
	[tilespmem:$0x2B00] =	vst v63  }
0xd8: {  	s30 =	sadd.s32 $0x680, s15  }
0xd9: {  	[spmem:s2] =	stream.indirect.scatter.add.f32 [tilespmem:s12], [sflag:$0x1], $0x1, s30, s11, $0xb8;
	[tilespmem:$0x2B00] =	vst v63  }
0xda: {  	s31 =	sadd.s32 $0x700, s15  }
0xdb: {  	[spmem:s2] =	stream.indirect.scatter.add.f32 [tilespmem:s12], [sflag:$0x1], $0x1, s31, s11, $0xb8;
	[tilespmem:$0x2B00] =	vst v63  }
0xdc: {  	s15 =	sadd.s32 $0x780, s15  }
0xdd: {  	[spmem:s2] =	stream.indirect.scatter.add.f32 [tilespmem:s12], [sflag:$0x1], $0x1, s15, s11, $0xb8;
	[tilespmem:$0x2B00] =	vst v63  }
0xde: {  	_ =	swait.ge [sflag:s13], $0x80  }
0xdf: {  	[sflag:s13] =	ssyncset.done $0x0  }
0xe0: {  	[sflag:s13] =	ssyncadd.s32 $0xFFFFFF80  }
0xe1: {  	_ =	swait.ge [sflag:s13], $0x80  }
0xe2: {  	[sflag:s13] =	ssyncset.done $0x0  }
0xe3: {  	[sflag:s13] =	ssyncadd.s32 $0xFFFFFF80  }
0xe4: {  	_ =	swait.ge [sflag:s13], $0x80  }
0xe5: {  	[sflag:s13] =	ssyncset.done $0x0  }
0xe6: {  	[sflag:s13] =	ssyncadd.s32 $0xFFFFFF80  }
0xe7: {  	_ =	swait.ge [sflag:s13], $0x80  }
0xe8: {  	[sflag:s13] =	ssyncset.done $0x0  }
0xe9: {  	[sflag:s13] =	ssyncadd.s32 $0xFFFFFF80  }
0xea: {  	_ =	swait.ge [sflag:s13], $0x80  }
0xeb: {  	[sflag:s13] =	ssyncset.done $0x0  }
0xec: {  	[sflag:s13] =	ssyncadd.s32 $0xFFFFFF80  }
0xed: {  	_ =	swait.ge [sflag:s13], $0x80  }
0xee: {  	[sflag:s13] =	ssyncset.done $0x0  }
0xef: {  	[sflag:s13] =	ssyncadd.s32 $0xFFFFFF80  }
0xf0: {  	_ =	swait.ge [sflag:s13], $0x80  }
0xf1: {  	[sflag:s13] =	ssyncset.done $0x0  }
0xf2: {  	[sflag:s13] =	ssyncadd.s32 $0xFFFFFF80  }
0xf3: {  	_ =	swait.ge [sflag:s13], $0x80  }
0xf4: {  	[sflag:s13] =	ssyncset.done $0x0  }
0xf5: {  	[sflag:s13] =	ssyncadd.s32 $0xFFFFFF80  }
0xf6: {  	_ =	swait.ge [sflag:s13], $0x80  }
0xf7: {  	[sflag:s13] =	ssyncset.done $0x0  }
0xf8: {  	[sflag:s13] =	ssyncadd.s32 $0xFFFFFF80  }
0xf9: {  	_ =	swait.ge [sflag:s13], $0x80  }
0xfa: {  	[sflag:s13] =	ssyncset.done $0x0  }
0xfb: {  	[sflag:s13] =	ssyncadd.s32 $0xFFFFFF80  }
0xfc: {  	_ =	swait.ge [sflag:s13], $0x80  }
0xfd: {  	[sflag:s13] =	ssyncset.done $0x0  }
0xfe: {  	[sflag:s13] =	ssyncadd.s32 $0xFFFFFF80  }
0xff: {  	_ =	swait.ge [sflag:s13], $0x80  }
0x100: {  	[sflag:s13] =	ssyncset.done $0x0  }
0x101: {  	[sflag:s13] =	ssyncadd.s32 $0xFFFFFF80  }
0x102: {  	_ =	swait.ge [sflag:s13], $0x80  }
0x103: {  	[sflag:s13] =	ssyncset.done $0x0  }
0x104: {  	[sflag:s13] =	ssyncadd.s32 $0xFFFFFF80  }
0x105: {  	_ =	swait.ge [sflag:s13], $0x80  }
0x106: {  	[sflag:s13] =	ssyncset.done $0x0  }
0x107: {  	[sflag:s13] =	ssyncadd.s32 $0xFFFFFF80  }
0x108: {  	_ =	swait.ge [sflag:s13], $0x80  }
0x109: {  	[sflag:s13] =	ssyncset.done $0x0  }
0x10a: {  	[sflag:s13] =	ssyncadd.s32 $0xFFFFFF80  }
0x10b: {  	_ =	swait.ge [sflag:s13], $0x80  }
0x10c: {  	s14 =	sadd.s32 $0x1, s14;
	[sflag:s13] =	ssyncset.done $0x0  }
0x10d: {  	p0 =	sne.s32 s14, s7;
	[sflag:s13] =	ssyncadd.s32 $0xFFFFFF80  }
.Ltmp1:
0x10e: {  	[bflag:$0x0] =	sbarrier.arrive $0xFFFF;
	(pc) =	sbr.rel @p0 .LBB2_1-.Ltmp1, $4  }
0x10f: {  	[hbm:s6], [sflag:s9] =	dma.local [spmem:s10], $0x50  }
0x110: {  	_ =	swait.ge [sflag:s8], $0x50  }
0x111: {  	[sflag:s8] =	ssyncset.done $0x0  }
0x112: {  	[sflag:s8] =	ssyncadd.s32 $0xFFFFFFB0  }
0x113: {  	_ =	sfence.sel $0x180000  }
0x114: {  	[bflag:$0x0] =	sbarrier.arrive $0xFFFF  }
0x115: {  	p0 =	sne.s32 s0, $0x0;
	_ =	strace $0x90000047  }
0x116: {  	s0 =	sadd.s32 @!p0 $0x100000, s1;
	[bflag:$0x2] =	sbarrier.arrive $0xFFFF  }
0x117: {  	[sflag:s0] =	ssyncadd.tile.s32 @!p0 $0x1;
	_ =	shalt  }
.Lfunc_end2:
_tile_overlayer_lowered:
.L_overlay_start_2:
0x118: {  	(tag) =	ssettag $0x2  }
0x119: {  	s0 =	rddreg [dreg:$0x0];
	s2 =	stileid.u32  }
0x11a: {  	s1 =	rddreg [dreg:$0x1];
	p0 =	sne.s32 s2, $0x0  }
0x11b: {  	s3 =	rddreg [dreg:$0x2];
	[bflag:$0x3] =	sbarrier.arrive $0xFFFF;
	s2 =	simm.s32 @!p0 $0x1C02  }
0x11c: {  	[timem:s3], [sflag:s2] =	dma.local @!p0 [hbm:s0], s1  }
0x11d: {  	s0 =	simm.s32 @!p0 $0x2  }
0x11e: {  	_ =	swait.ge @!p0 [sflag:s0], s1  }
0x11f: {  	s1 =	ssub.s32 @!p0 $0x0, s1;
	[sflag:s0] =	ssyncset.done @!p0 $0x0  }
0x120: {  	[sflag:s0] =	ssyncadd.s32 @!p0 s1  }
0x121: {  	[bflag:$0x3] =	sbarrier.arrive $0xFFFF  }
0x122: {  	_ =	shalt  }

</sc_bundles>
